<compile_context>
chip_gen: v7x
topology: tpu7x:2x2x1
jax: 0.10.2.dev20260603
libtpu: 0.0.44.dev20260713+nightly
codegen_flags: <defaults>
</compile_context>

<pallas_src>
import functools

import jax
import jax.numpy as jnp
from jax import lax
from jax.experimental import pallas as pl
from jax.experimental.pallas import tpu as pltpu
from jax.experimental.pallas import tpu_sc as plsc

_B = 8
_N_GT = 100
_N = 20100
_ROWS = 160
_LANES = 128
_NP = _ROWS * _LANES
_GTL = 104
_K_POS = 64
_K_NEG = 192
_NS = 256


def _tc_body(rois_ref, gt_ref, noise_ref, planes_ref, slots_ref,
             ps_ref, ns_ref):
    f32 = jnp.float32

    def spl(k):
        gcol = gt_ref[0, k]
        return jnp.broadcast_to(gcol[:, :, None], (_GTL, 8, _LANES))

    gy0 = spl(0); gx0 = spl(1); gy1 = spl(2); gx1 = spl(3); gcls = spl(4)
    ga = (gy1 - gy0) * (gx1 - gx0)
    gm2 = (jnp.maximum(jnp.maximum(gy0, gx0), jnp.maximum(gy1, gx1))
           < 0.0).astype(f32)

    iotag = jnp.broadcast_to(
        lax.broadcasted_iota(jnp.int32, (_GTL, 1, 1), 0), (_GTL, 8, _LANES))

    def chunk(c, _):
        s = pl.multiple_of(c * 8, 8)
        ry0 = rois_ref[0, 0, pl.ds(s, 8), :]
        rx0 = rois_ref[0, 1, pl.ds(s, 8), :]
        ry1 = rois_ref[0, 2, pl.ds(s, 8), :]
        rx1 = rois_ref[0, 3, pl.ds(s, 8), :]
        pn = noise_ref[0, 0, pl.ds(s, 8), :]
        nn = noise_ref[0, 1, pl.ds(s, 8), :]

        def A(x):
            return x[None, :, :]

        ih = jnp.maximum(jnp.minimum(A(ry1), gy1) - jnp.maximum(A(ry0), gy0), 0.0)
        iw = jnp.maximum(jnp.minimum(A(rx1), gx1) - jnp.maximum(A(rx0), gx0), 0.0)
        inter = ih * iw
        ra = (ry1 - ry0) * (rx1 - rx0)
        union = A(ra) + ga - inter
        iou = jnp.where(union > 0.0, inter / jnp.maximum(union, 1e-8), 0.0)
        rm = (jnp.maximum(jnp.maximum(ry0, rx0), jnp.maximum(ry1, rx1))
              < 0.0).astype(f32)
        sim = jnp.where(A(rm) + gm2 > 0.0, -1.0, iou)
        best = jnp.max(sim, axis=0)
        colcand = jnp.where(sim == A(best), iotag, jnp.int32(1 << 30))
        col = jnp.min(colcand, axis=0)
        onehot = iotag == A(col)

        def pick(v):
            return jnp.sum(jnp.where(onehot, v, 0.0), axis=0)

        my0 = pick(gy0); mx0 = pick(gx0); my1 = pick(gy1); mx1 = pick(gx1)
        mcls = pick(gcls)

        positive = best >= 0.5
        negative = jnp.logical_and(best >= 0.0, best < 0.5)

        ah = ry1 - ry0
        aw = rx1 - rx0
        acy = ry0 + 0.5 * ah
        acx = rx0 + 0.5 * aw
        bh = my1 - my0
        bw = mx1 - mx0
        bcy = my0 + 0.5 * bh
        bcx = mx0 + 0.5 * bw
        dy = ((bcy - acy) / jnp.maximum(ah, 1e-8)) / 0.1
        dx = ((bcx - acx) / jnp.maximum(aw, 1e-8)) / 0.1
        dh = jnp.log(jnp.maximum(bh, 1e-8) / jnp.maximum(ah, 1e-8)) / 0.2
        dw = jnp.log(jnp.maximum(bw, 1e-8) / jnp.maximum(aw, 1e-8)) / 0.2

        z = jnp.zeros_like(dy)
        planes_ref[0, 0, pl.ds(s, 8), :] = ry0
        planes_ref[0, 1, pl.ds(s, 8), :] = rx0
        planes_ref[0, 2, pl.ds(s, 8), :] = ry1
        planes_ref[0, 3, pl.ds(s, 8), :] = rx1
        planes_ref[0, 4, pl.ds(s, 8), :] = jnp.where(positive, dy, z)
        planes_ref[0, 5, pl.ds(s, 8), :] = jnp.where(positive, dx, z)
        planes_ref[0, 6, pl.ds(s, 8), :] = jnp.where(positive, dh, z)
        planes_ref[0, 7, pl.ds(s, 8), :] = jnp.where(positive, dw, z)
        planes_ref[0, 8, pl.ds(s, 8), :] = jnp.where(positive, mcls, z)
        planes_ref[0, 9, pl.ds(s, 8), :] = positive.astype(f32)
        ps_ref[pl.ds(s, 8), :] = jnp.where(positive, pn, -1.0)
        ns_ref[pl.ds(s, 8), :] = jnp.where(negative, nn, -1.0)
        return 0

    lax.fori_loop(0, _ROWS // 8, chunk, 0, unroll=2)
    PS = ps_ref[:, :]
    NSc = ns_ref[:, :]

    ip = (lax.broadcasted_iota(jnp.int32, (_ROWS, _LANES), 0) * _LANES
          + lax.broadcasted_iota(jnp.int32, (_ROWS, _LANES), 1))

    def topk_select(bits, k):
        T = jnp.int32(0)
        for bit in range(30, -1, -1):
            T2 = jnp.bitwise_or(T, jnp.int32(1 << bit))
            cnt = jnp.sum((bits >= T2).astype(jnp.int32))
            T = jnp.where(cnt >= k, T2, T)
        cgt = jnp.sum((bits > T).astype(jnp.int32))
        m = k - cgt
        E = bits == T
        r = jnp.int32(0)
        for bit in range(14, -1, -1):
            r2 = jnp.bitwise_or(r, jnp.int32(1 << bit))
            cr = jnp.sum(jnp.logical_and(E, ip < r2).astype(jnp.int32))
            r = jnp.where(cr < m, r2, r)
        tie = jnp.logical_and(jnp.logical_and(E, ip <= r), m > 0)
        return jnp.logical_or(bits > T, tie)

    pb = lax.bitcast_convert_type(PS, jnp.int32)
    nb = lax.bitcast_convert_type(NSc, jnp.int32)
    psel = topk_select(pb, _K_POS)
    nsel = topk_select(nb, _K_NEG)
    ind = jnp.logical_or(psel, nsel)
    indf = ind.astype(f32)

    U = (lax.broadcasted_iota(jnp.int32, (_LANES, _LANES), 0)
         <= lax.broadcasted_iota(jnp.int32, (_LANES, _LANES), 1)).astype(f32)
    rowcum = jnp.dot(indf, U, preferred_element_type=f32)
    rowtot = rowcum[:, _LANES - 1:_LANES]
    Lm = (lax.broadcasted_iota(jnp.int32, (_ROWS, _ROWS), 0)
          > lax.broadcasted_iota(jnp.int32, (_ROWS, _ROWS), 1)).astype(f32)
    carry = jnp.dot(Lm, rowtot, preferred_element_type=f32)
    rank_excl = carry + rowcum - indf
    selcnt = jnp.sum(indf)
    ipf = ip.astype(f32)
    slot = jnp.where(ind, rank_excl, selcnt + ipf - rank_excl)

    planes_ref[0, 10] = indf
    slots_ref[0, 0] = slot.astype(jnp.int32)


def _run_tc(rois4, gt5, noise, interpret=False):
    return pl.pallas_call(
        _tc_body,
        grid=(_B,),
        in_specs=[
            pl.BlockSpec((1, 4, _ROWS, _LANES), lambda b: (b, 0, 0, 0)),
            pl.BlockSpec((1, 5, _GTL, 1), lambda b: (b, 0, 0, 0)),
            pl.BlockSpec((1, 2, _ROWS, _LANES), lambda b: (b, 0, 0, 0)),
        ],
        out_specs=[
            pl.BlockSpec((1, 11, _ROWS, _LANES), lambda b: (b, 0, 0, 0)),
            pl.BlockSpec((1, 1, _ROWS, _LANES), lambda b: (b, 0, 0, 0)),
        ],
        out_shape=[
            jax.ShapeDtypeStruct((_B, 11, _ROWS, _LANES), jnp.float32),
            jax.ShapeDtypeStruct((_B, 1, _ROWS, _LANES), jnp.int32),
        ],
        scratch_shapes=[
            pltpu.VMEM((_ROWS, _LANES), jnp.float32),
            pltpu.VMEM((_ROWS, _LANES), jnp.float32),
        ],
        compiler_params=pltpu.CompilerParams(
            dimension_semantics=("arbitrary",)),
        interpret=interpret,
    )(rois4, gt5, noise)


_NPL = 11
_SHARD = _NP // 16
_TASKS = 4 * _NPL * 2


def _sc_tail(slots2, planes4):
    mesh = plsc.VectorSubcoreMesh(core_axis_name="c", subcore_axis_name="s")

    @functools.partial(
        pl.kernel, mesh=mesh,
        out_type=jax.ShapeDtypeStruct((88, 256), jnp.float32),
        scratch_types=[
            pltpu.VMEM((4, _SHARD), jnp.int32),
            pltpu.VMEM((1024,), jnp.int32),
            pltpu.VMEM((256,), jnp.int32),
            pltpu.VMEM((256,), jnp.int32),
            pltpu.VMEM((256,), jnp.int32),
            pltpu.VMEM((_NP,), jnp.float32),
            pltpu.VMEM((256,), jnp.float32),
            pltpu.VMEM_SHARED((16, 1024), jnp.int32),
            pltpu.VMEM_SHARED((4, 256), jnp.int32),
        ],
        compiler_params=pltpu.CompilerParams(needs_layout_passes=False),
    )
    def sck(slots_hbm, planes_hbm, out_hbm,
            slots_v, local_v, acc_v, tmp_v, idxf_v, plane_v, out_v,
            sh_all, sh_idx):
        c = lax.axis_index("c")
        s = lax.axis_index("s")
        i16 = lax.iota(jnp.int32, 16)
        z16 = jnp.zeros((16,), jnp.int32)

        def zloc(i, _):
            local_v[pl.ds(i * 16, 16)] = z16
            return 0
        lax.fori_loop(0, 64, zloc, 0)

        base = s * _SHARD
        for k in range(4):
            pltpu.sync_copy(slots_hbm.at[2 * k + c, pl.ds(base, _SHARD)],
                            slots_v.at[k])

        def scan(i, _):
            off = i * 16
            for k in range(4):
                sv = slots_v[k, pl.ds(off, 16)]
                iglob = i16 + (base + off)
                plsc.store_scatter(local_v, [sv + (k * 256)], iglob,
                                   mask=sv < 256)
            return 0
        lax.fori_loop(0, _SHARD // 16, scan, 0)

        pltpu.sync_copy(local_v, sh_all.at[s])
        plsc.subcore_barrier()

        @pl.when(s < 4)
        def _():
            def zacc(i, _):
                acc_v[pl.ds(i * 16, 16)] = z16
                return 0
            lax.fori_loop(0, 16, zacc, 0)
            for src in range(16):
                pltpu.sync_copy(sh_all.at[src, pl.ds(s * 256, 256)], tmp_v)

                def add(i, _):
                    acc_v[pl.ds(i * 16, 16)] = (
                        acc_v[pl.ds(i * 16, 16)] + tmp_v[pl.ds(i * 16, 16)])
                    return 0
                lax.fori_loop(0, 16, add, 0)
            pltpu.sync_copy(acc_v, sh_idx.at[s])
        plsc.subcore_barrier()

        for j in range(3):
            t = s + 16 * j

            @pl.when(t < 4 * _NPL)
            def _():
                k = t // _NPL
                p = t % _NPL
                tid = (2 * k + c) * _NPL + p
                pltpu.sync_copy(planes_hbm.at[tid], plane_v)
                pltpu.sync_copy(sh_idx.at[k], idxf_v)

                def gat(q, _):
                    ii = idxf_v[pl.ds(q * 16, 16)]
                    out_v[pl.ds(q * 16, 16)] = plsc.load_gather(
                        plane_v, [ii])
                    return 0
                lax.fori_loop(0, 16, gat, 0)
                pltpu.sync_copy(out_v, out_hbm.at[tid])

    return sck(slots2, planes4)


def kernel(rois, gt_boxes, gt_classes):
    f32 = jnp.float32
    rois_all = jnp.concatenate([rois, gt_boxes], axis=1)
    pad = jnp.full((_B, _NP - _N, 4), -1.0, f32)
    rois_p = jnp.concatenate([rois_all, pad], axis=1)
    rois4 = rois_p.transpose(0, 2, 1).reshape(_B, 4, _ROWS, _LANES)

    gt5 = jnp.concatenate(
        [gt_boxes.transpose(0, 2, 1), gt_classes.transpose(0, 2, 1)], axis=1)
    gt5 = jnp.pad(gt5, ((0, 0), (0, 0), (0, _GTL - _N_GT)),
                  constant_values=-1.0)[..., None]

    kp, kn = jax.random.split(jax.random.key(42))
    pn = jax.random.uniform(kp, (_B, _N), minval=1e-3, maxval=0.999)
    nn = jax.random.uniform(kn, (_B, _N), minval=1e-3, maxval=0.999)
    noise = jnp.stack([pn, nn], axis=1)
    noise = jnp.pad(noise, ((0, 0), (0, 0), (0, _NP - _N)))
    noise = noise.reshape(_B, 2, _ROWS, _LANES)

    planes, slots = _run_tc(rois4, gt5, noise)

    slots2 = slots.reshape(_B, _NP)
    planes4 = planes.reshape(_B * _NPL, _NP)
    gth = _sc_tail(slots2, planes4).reshape(_B, _NPL, _NS)
    sampled_rois = gth[:, 0:4].transpose(0, 2, 1)
    sampled_gt_boxes = gth[:, 4:8].transpose(0, 2, 1)
    sampled_box_weights = gth[:, 9:10].transpose(0, 2, 1)
    sampled_gt_classes = gth[:, 8:9].transpose(0, 2, 1)
    sampled_class_weights = gth[:, 10:11].transpose(0, 2, 1)
    return (sampled_rois, sampled_gt_boxes, sampled_box_weights,
            sampled_gt_classes, sampled_class_weights)

# --- scband reference (transcript-rebuilt; emitter-appended) ---
"""Pipeline reference for scband-roisampler-6743098655767 (READ-ONLY COPY).

The authoritative reference and input builder live on the scoring server;
editing this copy changes nothing except your own understanding.
"""

import jax, jax.numpy as jnp
import numpy as np

B = 8
NUM_ROIS = 20000
NUM_GT = 100
NUM_PAD = 20
NUM_SAMPLED = 256
POS_FRAC = 0.25
BACKGROUND = 0.0
VARIANCE = jnp.array([0.1, 0.1, 0.2, 0.2], dtype=jnp.float32)

def _make_boxes(key, prefix, img=512.0):
    k1, k2 = jax.random.split(key)
    yx = jax.random.uniform(k1, prefix + (2,), minval=0.0, maxval=img - 32.0)
    hw = jax.random.uniform(k2, prefix + (2,), minval=8.0, maxval=128.0)
    ymin = yx[..., 0]
    xmin = yx[..., 1]
    ymax = jnp.minimum(ymin + hw[..., 0], img)
    xmax = jnp.minimum(xmin + hw[..., 1], img)
    return jnp.stack([ymin, xmin, ymax, xmax], axis=-1)

def setup_inputs(seed: int = 0):
    key = jax.random.key(seed)
    k1, k2, k3 = jax.random.split(key, 3)
    rois = _make_boxes(k1, (B, NUM_ROIS))
    gt_boxes = _make_boxes(k2, (B, NUM_GT))
    pad = jnp.arange(NUM_GT) >= (NUM_GT - NUM_PAD)
    gt_boxes = jnp.where(pad[None, :, None], -jnp.ones_like(gt_boxes), gt_boxes)
    gt_classes = jnp.floor(jax.random.uniform(k3, (B, NUM_GT, 1), minval=1.0, maxval=81.0)).astype(jnp.float32)
    gt_classes = jnp.where(pad[None, :, None], -jnp.ones_like(gt_classes), gt_classes)
    return {"rois": rois, "gt_boxes": gt_boxes, "gt_classes": gt_classes}

def _compute_iou_masked(b1, b2):
    a = b1[:, :, None, :]
    b = b2[:, None, :, :]
    ih = jnp.clip(jnp.minimum(a[..., 2], b[..., 2]) - jnp.maximum(a[..., 0], b[..., 0]), 0.0)
    iw = jnp.clip(jnp.minimum(a[..., 3], b[..., 3]) - jnp.maximum(a[..., 1], b[..., 1]), 0.0)
    inter = ih * iw
    a1 = (b1[..., 2] - b1[..., 0]) * (b1[..., 3] - b1[..., 1])
    a2 = (b2[..., 2] - b2[..., 0]) * (b2[..., 3] - b2[..., 1])
    union = a1[:, :, None] + a2[:, None, :] - inter
    iou = jnp.where(union > 0.0, inter / jnp.maximum(union, 1e-8), 0.0)
    m1 = jnp.max(b1, axis=-1) < 0.0
    m2 = jnp.max(b2, axis=-1) < 0.0
    bg = jnp.logical_or(m1[:, :, None], m2[:, None, :])
    return jnp.where(bg, -jnp.ones_like(iou), iou)

def _encode_deltas(anchors, boxes):
    ah = anchors[..., 2] - anchors[..., 0]
    aw = anchors[..., 3] - anchors[..., 1]
    acy = anchors[..., 0] + 0.5 * ah
    acx = anchors[..., 1] + 0.5 * aw
    bh = boxes[..., 2] - boxes[..., 0]
    bw = boxes[..., 3] - boxes[..., 1]
    bcy = boxes[..., 0] + 0.5 * bh
    bcx = boxes[..., 1] + 0.5 * bw
    dy = (bcy - acy) / jnp.maximum(ah, 1e-8)
    dx = (bcx - acx) / jnp.maximum(aw, 1e-8)
    dh = jnp.log(jnp.maximum(bh, 1e-8) / jnp.maximum(ah, 1e-8))
    dw = jnp.log(jnp.maximum(bw, 1e-8) / jnp.maximum(aw, 1e-8))
    return jnp.stack([dy, dx, dh, dw], axis=-1) / VARIANCE

def _forward(rois, gt_boxes, gt_classes):
    rois = jnp.concatenate([rois, gt_boxes], axis=1)
    bsz, n = rois.shape[0], rois.shape[1]
    bidx = jnp.arange(bsz)[:, None]
    sim = _compute_iou_masked(rois, gt_boxes)
    matched_gt_cols = jnp.argmax(sim, axis=-1)
    best = jnp.max(sim, axis=-1)
    matched_vals = jnp.where(best < 0.0, -2, jnp.where(best < 0.5, -1, 1))
    positive = matched_vals == 1
    negative = matched_vals == -1
    background_mask = jnp.logical_not(positive)[..., None]
    matched_gt_classes = gt_classes[bidx, matched_gt_cols]
    matched_gt_classes = jnp.where(background_mask, BACKGROUND * jnp.ones_like(matched_gt_classes), matched_gt_classes)
    matched_gt_boxes = gt_boxes[bidx, matched_gt_cols]
    enc = _encode_deltas(rois, matched_gt_boxes)
    enc = jnp.where(background_mask, jnp.zeros_like(enc), enc)
    num_pos = int(NUM_SAMPLED * POS_FRAC)
    num_neg = NUM_SAMPLED - num_pos
    kp, kn = jax.random.split(jax.random.key(42))
    pos_noise = jax.random.uniform(kp, (bsz, n), minval=1e-3, maxval=0.999)
    neg_noise = jax.random.uniform(kn, (bsz, n), minval=1e-3, maxval=0.999)
    pos_scores = jnp.where(positive, pos_noise, -1.0)
    neg_scores = jnp.where(negative, neg_noise, -1.0)
    pv, pi = jax.lax.top_k(pos_scores, num_pos)
    nv, ni = jax.lax.top_k(neg_scores, num_neg)
    indicator = jnp.zeros((bsz, n), dtype=jnp.float32)
    indicator = indicator.at[bidx, pi].max(jnp.where(pv > 0.0, 1.0, 0.0))
    indicator = indicator.at[bidx, ni].max(jnp.where(nv > 0.0, 1.0, 0.0))
    sampled_ind, sampled_idx = jax.lax.top_k(indicator, NUM_SAMPLED)
    sampled_rois = rois[bidx, sampled_idx]
    sampled_gt_boxes = enc[bidx, sampled_idx]
    sampled_gt_classes = matched_gt_classes[bidx, sampled_idx]
    pos_f = positive.astype(rois.dtype)[..., None]
    sampled_box_weights = pos_f[bidx, sampled_idx]
    sampled_class_weights = sampled_ind[..., None]
    return (sampled_rois, sampled_gt_boxes, sampled_box_weights, sampled_gt_classes, sampled_class_weights)

def reference(rois, gt_boxes, gt_classes):
    return _forward(rois, gt_boxes, gt_classes)

if __name__ == "__main__":
    import jax
    _d = setup_inputs()
    print(jax.jit(kernel)(*tuple(_d.values())))

</pallas_src>

<mosaic_0001>
#map = affine_map<(d0, d1) -> (0, 0)>
module attributes {stable_mosaic.version = 14 : i64} {
  func.func @sck(%arg0: i32, %arg1: i32, %arg2: memref<8x20480xi32, #tpu.memory_space<hbm>>, %arg3: memref<88x20480xf32, #tpu.memory_space<hbm>>, %arg4: memref<88x256xf32, #tpu.memory_space<hbm>>, %arg5: memref<4x1280xi32, #tpu.memory_space<vmem>>, %arg6: memref<1024xi32, #tpu.memory_space<vmem>>, %arg7: memref<256xi32, #tpu.memory_space<vmem>>, %arg8: memref<256xi32, #tpu.memory_space<vmem>>, %arg9: memref<256xi32, #tpu.memory_space<vmem>>, %arg10: memref<20480xf32, #tpu.memory_space<vmem>>, %arg11: memref<256xf32, #tpu.memory_space<vmem>>, %arg12: memref<16x1024xi32, #tpu.memory_space<vmem_shared>>, %arg13: memref<4x256xi32, #tpu.memory_space<vmem_shared>>) attributes {dimension_semantics = [#tpu.dimension_semantics<core_parallel>, #tpu.dimension_semantics<subcore_parallel>], iteration_bounds = array<i64: 2, 16>, scalar_prefetch = 0 : i64, scratch_operands = 9 : i64, tpu.core_type = #tpu.core_type<sc_vector_subcore>, window_params = [{transform_indices = #map}, {transform_indices = #map}, {transform_indices = #map}]} {
    %iota3A = tpu.iota {dimensions = array<i32: 0>} : vector<16xi32>
    %broadcast_in_dim3A = arith.constant 0 : i32
    %broadcast_in_dim3A_0 = vector.broadcast %broadcast_in_dim3A : i32 to vector<16xi32>
    %scan3A = arith.constant 0 : i32
    %scan3A_1 = arith.constant 0 : i32
    %scan3A_2 = arith.constant 64 : i32
    %scan3A_3 = arith.addi %scan3A_1, %scan3A_2 : i32
    %scan3A_4 = arith.constant 1 : i32
    %scan3A_5 = scf.for %scan3A_49 = %scan3A_1 to %scan3A_3 step %scan3A_4 iter_args(%scan3A_50 = %scan3A) -> (i32)  : i32 {
      %mul3A_51 = arith.constant 16 : i32
      %mul3A_52 = arith.muli %scan3A_49, %mul3A_51 : i32
      %swap3A = arith.index_cast %mul3A_52 : i32 to index
      %swap3A_53 = tpu.vector_load %arg6[%swap3A] {strides = array<i32>} : memref<1024xi32, #tpu.memory_space<vmem>>, vector<16xi32>,
      tpu.vector_store %arg6[%swap3A], %broadcast_in_dim3A_0 {strides = array<i32>} : memref<1024xi32, #tpu.memory_space<vmem>>, vector<16xi32>,
      %scan3A_54 = arith.constant 0 : i32
      scf.yield %scan3A_54 : i32
    }
    %scan3A_6 = arith.constant 64 : i32
    %mul3A = arith.constant 1280 : i32
    %mul3A_7 = arith.muli %arg1, %mul3A : i32
    %add3A = arith.constant 0 : i32
    %add3A_8 = arith.addi %add3A, %arg0 : i32
    %run_scoped3A = arith.constant 0 : i32
    "tpu.region"() ({
      %run_scoped3A_49 = tpu.sem_alloc : memref<!tpu.dma_semaphore, #tpu.memory_space<semaphore_mem>>
      %dma_start3A = arith.constant 0 : i32
      %dma_start3A_50 = tpu.memref_slice %arg5[%run_scoped3A, %dma_start3A] : memref<4x1280xi32, #tpu.memory_space<vmem>> -> memref<1x1280xi32, #tpu.memory_space<vmem>>
      %dma_start3A_51 = tpu.memref_squeeze %dma_start3A_50 : memref<1x1280xi32, #tpu.memory_space<vmem>> -> memref<1280xi32, #tpu.memory_space<vmem>>
      %dma_start3A_52 = tpu.memref_slice %arg2[%add3A_8, %mul3A_7] : memref<8x20480xi32, #tpu.memory_space<hbm>> -> memref<1x1280xi32, #tpu.memory_space<hbm>>
      %dma_start3A_53 = tpu.memref_squeeze %dma_start3A_52 : memref<1x1280xi32, #tpu.memory_space<hbm>> -> memref<1280xi32, #tpu.memory_space<hbm>>
      %dma_start3A_54 = arith.constant 0 : i32
      %dma_start3A_55 = tpu.memref_slice %arg5[%run_scoped3A, %dma_start3A_54] : memref<4x1280xi32, #tpu.memory_space<vmem>> -> memref<1x1280xi32, #tpu.memory_space<vmem>>
      %dma_start3A_56 = tpu.memref_squeeze %dma_start3A_55 : memref<1x1280xi32, #tpu.memory_space<vmem>> -> memref<1280xi32, #tpu.memory_space<vmem>>
      %dma_start3A_57 = tpu.memref_slice %arg2[%add3A_8, %mul3A_7] : memref<8x20480xi32, #tpu.memory_space<hbm>> -> memref<1x1280xi32, #tpu.memory_space<hbm>>
      %dma_start3A_58 = tpu.memref_squeeze %dma_start3A_57 : memref<1x1280xi32, #tpu.memory_space<hbm>> -> memref<1280xi32, #tpu.memory_space<hbm>>
      tpu.enqueue_dma source(%dma_start3A_58 : memref<1280xi32, #tpu.memory_space<hbm>>) target(%dma_start3A_56 : memref<1280xi32, #tpu.memory_space<vmem>>) target_semaphore(%run_scoped3A_49 : memref<!tpu.dma_semaphore, #tpu.memory_space<semaphore_mem>>)
      %dma_wait3A = arith.constant 0 : i32
      %dma_wait3A_59 = tpu.memref_slice %arg5[%run_scoped3A, %dma_wait3A] : memref<4x1280xi32, #tpu.memory_space<vmem>> -> memref<1x1280xi32, #tpu.memory_space<vmem>>
      %dma_wait3A_60 = tpu.memref_squeeze %dma_wait3A_59 : memref<1x1280xi32, #tpu.memory_space<vmem>> -> memref<1280xi32, #tpu.memory_space<vmem>>
      %dma_wait3A_61 = tpu.memref_slice %arg2[%add3A_8, %mul3A_7] : memref<8x20480xi32, #tpu.memory_space<hbm>> -> memref<1x1280xi32, #tpu.memory_space<hbm>>
      %dma_wait3A_62 = tpu.memref_squeeze %dma_wait3A_61 : memref<1x1280xi32, #tpu.memory_space<hbm>> -> memref<1280xi32, #tpu.memory_space<hbm>>
      %dma_wait3A_63 = arith.constant 0 : i32
      %dma_wait3A_64 = tpu.memref_slice %arg5[%run_scoped3A, %dma_wait3A_63] : memref<4x1280xi32, #tpu.memory_space<vmem>> -> memref<1x1280xi32, #tpu.memory_space<vmem>>
      %dma_wait3A_65 = tpu.memref_squeeze %dma_wait3A_64 : memref<1x1280xi32, #tpu.memory_space<vmem>> -> memref<1280xi32, #tpu.memory_space<vmem>>
      %dma_wait3A_66 = tpu.memref_slice %arg2[%add3A_8, %mul3A_7] : memref<8x20480xi32, #tpu.memory_space<hbm>> -> memref<1x1280xi32, #tpu.memory_space<hbm>>
      %dma_wait3A_67 = tpu.memref_squeeze %dma_wait3A_66 : memref<1x1280xi32, #tpu.memory_space<hbm>> -> memref<1280xi32, #tpu.memory_space<hbm>>
      tpu.wait_dma2 semaphore(%run_scoped3A_49 : memref<!tpu.dma_semaphore, #tpu.memory_space<semaphore_mem>>) src(%dma_wait3A_67 : memref<1280xi32, #tpu.memory_space<hbm>>) dst(%dma_wait3A_65 : memref<1280xi32, #tpu.memory_space<vmem>>)
      tpu.yield
    }) : () -> ()
    %add3A_9 = arith.constant 2 : i32
    %add3A_10 = arith.addi %add3A_9, %arg0 : i32
    %run_scoped3A_11 = arith.constant 1 : i32
    "tpu.region"() ({
      %run_scoped3A_49 = tpu.sem_alloc : memref<!tpu.dma_semaphore, #tpu.memory_space<semaphore_mem>>
      %dma_start3A = arith.constant 0 : i32
      %dma_start3A_50 = tpu.memref_slice %arg5[%run_scoped3A_11, %dma_start3A] : memref<4x1280xi32, #tpu.memory_space<vmem>> -> memref<1x1280xi32, #tpu.memory_space<vmem>>
      %dma_start3A_51 = tpu.memref_squeeze %dma_start3A_50 : memref<1x1280xi32, #tpu.memory_space<vmem>> -> memref<1280xi32, #tpu.memory_space<vmem>>
      %dma_start3A_52 = tpu.memref_slice %arg2[%add3A_10, %mul3A_7] : memref<8x20480xi32, #tpu.memory_space<hbm>> -> memref<1x1280xi32, #tpu.memory_space<hbm>>
      %dma_start3A_53 = tpu.memref_squeeze %dma_start3A_52 : memref<1x1280xi32, #tpu.memory_space<hbm>> -> memref<1280xi32, #tpu.memory_space<hbm>>
      %dma_start3A_54 = arith.constant 0 : i32
      %dma_start3A_55 = tpu.memref_slice %arg5[%run_scoped3A_11, %dma_start3A_54] : memref<4x1280xi32, #tpu.memory_space<vmem>> -> memref<1x1280xi32, #tpu.memory_space<vmem>>
      %dma_start3A_56 = tpu.memref_squeeze %dma_start3A_55 : memref<1x1280xi32, #tpu.memory_space<vmem>> -> memref<1280xi32, #tpu.memory_space<vmem>>
      %dma_start3A_57 = tpu.memref_slice %arg2[%add3A_10, %mul3A_7] : memref<8x20480xi32, #tpu.memory_space<hbm>> -> memref<1x1280xi32, #tpu.memory_space<hbm>>
      %dma_start3A_58 = tpu.memref_squeeze %dma_start3A_57 : memref<1x1280xi32, #tpu.memory_space<hbm>> -> memref<1280xi32, #tpu.memory_space<hbm>>
      tpu.enqueue_dma source(%dma_start3A_58 : memref<1280xi32, #tpu.memory_space<hbm>>) target(%dma_start3A_56 : memref<1280xi32, #tpu.memory_space<vmem>>) target_semaphore(%run_scoped3A_49 : memref<!tpu.dma_semaphore, #tpu.memory_space<semaphore_mem>>)
      %dma_wait3A = arith.constant 0 : i32
      %dma_wait3A_59 = tpu.memref_slice %arg5[%run_scoped3A_11, %dma_wait3A] : memref<4x1280xi32, #tpu.memory_space<vmem>> -> memref<1x1280xi32, #tpu.memory_space<vmem>>
      %dma_wait3A_60 = tpu.memref_squeeze %dma_wait3A_59 : memref<1x1280xi32, #tpu.memory_space<vmem>> -> memref<1280xi32, #tpu.memory_space<vmem>>
      %dma_wait3A_61 = tpu.memref_slice %arg2[%add3A_10, %mul3A_7] : memref<8x20480xi32, #tpu.memory_space<hbm>> -> memref<1x1280xi32, #tpu.memory_space<hbm>>
      %dma_wait3A_62 = tpu.memref_squeeze %dma_wait3A_61 : memref<1x1280xi32, #tpu.memory_space<hbm>> -> memref<1280xi32, #tpu.memory_space<hbm>>
      %dma_wait3A_63 = arith.constant 0 : i32
      %dma_wait3A_64 = tpu.memref_slice %arg5[%run_scoped3A_11, %dma_wait3A_63] : memref<4x1280xi32, #tpu.memory_space<vmem>> -> memref<1x1280xi32, #tpu.memory_space<vmem>>
      %dma_wait3A_65 = tpu.memref_squeeze %dma_wait3A_64 : memref<1x1280xi32, #tpu.memory_space<vmem>> -> memref<1280xi32, #tpu.memory_space<vmem>>
      %dma_wait3A_66 = tpu.memref_slice %arg2[%add3A_10, %mul3A_7] : memref<8x20480xi32, #tpu.memory_space<hbm>> -> memref<1x1280xi32, #tpu.memory_space<hbm>>
      %dma_wait3A_67 = tpu.memref_squeeze %dma_wait3A_66 : memref<1x1280xi32, #tpu.memory_space<hbm>> -> memref<1280xi32, #tpu.memory_space<hbm>>
      tpu.wait_dma2 semaphore(%run_scoped3A_49 : memref<!tpu.dma_semaphore, #tpu.memory_space<semaphore_mem>>) src(%dma_wait3A_67 : memref<1280xi32, #tpu.memory_space<hbm>>) dst(%dma_wait3A_65 : memref<1280xi32, #tpu.memory_space<vmem>>)
      tpu.yield
    }) : () -> ()
    %add3A_12 = arith.constant 4 : i32
    %add3A_13 = arith.addi %add3A_12, %arg0 : i32
    %run_scoped3A_14 = arith.constant 2 : i32
    "tpu.region"() ({
      %run_scoped3A_49 = tpu.sem_alloc : memref<!tpu.dma_semaphore, #tpu.memory_space<semaphore_mem>>
      %dma_start3A = arith.constant 0 : i32
      %dma_start3A_50 = tpu.memref_slice %arg5[%run_scoped3A_14, %dma_start3A] : memref<4x1280xi32, #tpu.memory_space<vmem>> -> memref<1x1280xi32, #tpu.memory_space<vmem>>
      %dma_start3A_51 = tpu.memref_squeeze %dma_start3A_50 : memref<1x1280xi32, #tpu.memory_space<vmem>> -> memref<1280xi32, #tpu.memory_space<vmem>>
      %dma_start3A_52 = tpu.memref_slice %arg2[%add3A_13, %mul3A_7] : memref<8x20480xi32, #tpu.memory_space<hbm>> -> memref<1x1280xi32, #tpu.memory_space<hbm>>
      %dma_start3A_53 = tpu.memref_squeeze %dma_start3A_52 : memref<1x1280xi32, #tpu.memory_space<hbm>> -> memref<1280xi32, #tpu.memory_space<hbm>>
      %dma_start3A_54 = arith.constant 0 : i32
      %dma_start3A_55 = tpu.memref_slice %arg5[%run_scoped3A_14, %dma_start3A_54] : memref<4x1280xi32, #tpu.memory_space<vmem>> -> memref<1x1280xi32, #tpu.memory_space<vmem>>
      %dma_start3A_56 = tpu.memref_squeeze %dma_start3A_55 : memref<1x1280xi32, #tpu.memory_space<vmem>> -> memref<1280xi32, #tpu.memory_space<vmem>>
      %dma_start3A_57 = tpu.memref_slice %arg2[%add3A_13, %mul3A_7] : memref<8x20480xi32, #tpu.memory_space<hbm>> -> memref<1x1280xi32, #tpu.memory_space<hbm>>
      %dma_start3A_58 = tpu.memref_squeeze %dma_start3A_57 : memref<1x1280xi32, #tpu.memory_space<hbm>> -> memref<1280xi32, #tpu.memory_space<hbm>>
      tpu.enqueue_dma source(%dma_start3A_58 : memref<1280xi32, #tpu.memory_space<hbm>>) target(%dma_start3A_56 : memref<1280xi32, #tpu.memory_space<vmem>>) target_semaphore(%run_scoped3A_49 : memref<!tpu.dma_semaphore, #tpu.memory_space<semaphore_mem>>)
      %dma_wait3A = arith.constant 0 : i32
      %dma_wait3A_59 = tpu.memref_slice %arg5[%run_scoped3A_14, %dma_wait3A] : memref<4x1280xi32, #tpu.memory_space<vmem>> -> memref<1x1280xi32, #tpu.memory_space<vmem>>
      %dma_wait3A_60 = tpu.memref_squeeze %dma_wait3A_59 : memref<1x1280xi32, #tpu.memory_space<vmem>> -> memref<1280xi32, #tpu.memory_space<vmem>>
      %dma_wait3A_61 = tpu.memref_slice %arg2[%add3A_13, %mul3A_7] : memref<8x20480xi32, #tpu.memory_space<hbm>> -> memref<1x1280xi32, #tpu.memory_space<hbm>>
      %dma_wait3A_62 = tpu.memref_squeeze %dma_wait3A_61 : memref<1x1280xi32, #tpu.memory_space<hbm>> -> memref<1280xi32, #tpu.memory_space<hbm>>
      %dma_wait3A_63 = arith.constant 0 : i32
      %dma_wait3A_64 = tpu.memref_slice %arg5[%run_scoped3A_14, %dma_wait3A_63] : memref<4x1280xi32, #tpu.memory_space<vmem>> -> memref<1x1280xi32, #tpu.memory_space<vmem>>
      %dma_wait3A_65 = tpu.memref_squeeze %dma_wait3A_64 : memref<1x1280xi32, #tpu.memory_space<vmem>> -> memref<1280xi32, #tpu.memory_space<vmem>>
      %dma_wait3A_66 = tpu.memref_slice %arg2[%add3A_13, %mul3A_7] : memref<8x20480xi32, #tpu.memory_space<hbm>> -> memref<1x1280xi32, #tpu.memory_space<hbm>>
      %dma_wait3A_67 = tpu.memref_squeeze %dma_wait3A_66 : memref<1x1280xi32, #tpu.memory_space<hbm>> -> memref<1280xi32, #tpu.memory_space<hbm>>
      tpu.wait_dma2 semaphore(%run_scoped3A_49 : memref<!tpu.dma_semaphore, #tpu.memory_space<semaphore_mem>>) src(%dma_wait3A_67 : memref<1280xi32, #tpu.memory_space<hbm>>) dst(%dma_wait3A_65 : memref<1280xi32, #tpu.memory_space<vmem>>)
      tpu.yield
    }) : () -> ()
    %add3A_15 = arith.constant 6 : i32
    %add3A_16 = arith.addi %add3A_15, %arg0 : i32
    %run_scoped3A_17 = arith.constant 3 : i32
    "tpu.region"() ({
      %run_scoped3A_49 = tpu.sem_alloc : memref<!tpu.dma_semaphore, #tpu.memory_space<semaphore_mem>>
      %dma_start3A = arith.constant 0 : i32
      %dma_start3A_50 = tpu.memref_slice %arg5[%run_scoped3A_17, %dma_start3A] : memref<4x1280xi32, #tpu.memory_space<vmem>> -> memref<1x1280xi32, #tpu.memory_space<vmem>>
      %dma_start3A_51 = tpu.memref_squeeze %dma_start3A_50 : memref<1x1280xi32, #tpu.memory_space<vmem>> -> memref<1280xi32, #tpu.memory_space<vmem>>
      %dma_start3A_52 = tpu.memref_slice %arg2[%add3A_16, %mul3A_7] : memref<8x20480xi32, #tpu.memory_space<hbm>> -> memref<1x1280xi32, #tpu.memory_space<hbm>>
      %dma_start3A_53 = tpu.memref_squeeze %dma_start3A_52 : memref<1x1280xi32, #tpu.memory_space<hbm>> -> memref<1280xi32, #tpu.memory_space<hbm>>
      %dma_start3A_54 = arith.constant 0 : i32
      %dma_start3A_55 = tpu.memref_slice %arg5[%run_scoped3A_17, %dma_start3A_54] : memref<4x1280xi32, #tpu.memory_space<vmem>> -> memref<1x1280xi32, #tpu.memory_space<vmem>>
      %dma_start3A_56 = tpu.memref_squeeze %dma_start3A_55 : memref<1x1280xi32, #tpu.memory_space<vmem>> -> memref<1280xi32, #tpu.memory_space<vmem>>
      %dma_start3A_57 = tpu.memref_slice %arg2[%add3A_16, %mul3A_7] : memref<8x20480xi32, #tpu.memory_space<hbm>> -> memref<1x1280xi32, #tpu.memory_space<hbm>>
      %dma_start3A_58 = tpu.memref_squeeze %dma_start3A_57 : memref<1x1280xi32, #tpu.memory_space<hbm>> -> memref<1280xi32, #tpu.memory_space<hbm>>
      tpu.enqueue_dma source(%dma_start3A_58 : memref<1280xi32, #tpu.memory_space<hbm>>) target(%dma_start3A_56 : memref<1280xi32, #tpu.memory_space<vmem>>) target_semaphore(%run_scoped3A_49 : memref<!tpu.dma_semaphore, #tpu.memory_space<semaphore_mem>>)
      %dma_wait3A = arith.constant 0 : i32
      %dma_wait3A_59 = tpu.memref_slice %arg5[%run_scoped3A_17, %dma_wait3A] : memref<4x1280xi32, #tpu.memory_space<vmem>> -> memref<1x1280xi32, #tpu.memory_space<vmem>>
      %dma_wait3A_60 = tpu.memref_squeeze %dma_wait3A_59 : memref<1x1280xi32, #tpu.memory_space<vmem>> -> memref<1280xi32, #tpu.memory_space<vmem>>
      %dma_wait3A_61 = tpu.memref_slice %arg2[%add3A_16, %mul3A_7] : memref<8x20480xi32, #tpu.memory_space<hbm>> -> memref<1x1280xi32, #tpu.memory_space<hbm>>
      %dma_wait3A_62 = tpu.memref_squeeze %dma_wait3A_61 : memref<1x1280xi32, #tpu.memory_space<hbm>> -> memref<1280xi32, #tpu.memory_space<hbm>>
      %dma_wait3A_63 = arith.constant 0 : i32
      %dma_wait3A_64 = tpu.memref_slice %arg5[%run_scoped3A_17, %dma_wait3A_63] : memref<4x1280xi32, #tpu.memory_space<vmem>> -> memref<1x1280xi32, #tpu.memory_space<vmem>>
      %dma_wait3A_65 = tpu.memref_squeeze %dma_wait3A_64 : memref<1x1280xi32, #tpu.memory_space<vmem>> -> memref<1280xi32, #tpu.memory_space<vmem>>
      %dma_wait3A_66 = tpu.memref_slice %arg2[%add3A_16, %mul3A_7] : memref<8x20480xi32, #tpu.memory_space<hbm>> -> memref<1x1280xi32, #tpu.memory_space<hbm>>
      %dma_wait3A_67 = tpu.memref_squeeze %dma_wait3A_66 : memref<1x1280xi32, #tpu.memory_space<hbm>> -> memref<1280xi32, #tpu.memory_space<hbm>>
      tpu.wait_dma2 semaphore(%run_scoped3A_49 : memref<!tpu.dma_semaphore, #tpu.memory_space<semaphore_mem>>) src(%dma_wait3A_67 : memref<1280xi32, #tpu.memory_space<hbm>>) dst(%dma_wait3A_65 : memref<1280xi32, #tpu.memory_space<vmem>>)
      tpu.yield
    }) : () -> ()
    %scan3A_18 = arith.constant 0 : i32
    %scan3A_19 = arith.constant 0 : i32
    %scan3A_20 = arith.constant 80 : i32
    %scan3A_21 = arith.addi %scan3A_19, %scan3A_20 : i32
    %scan3A_22 = arith.constant 1 : i32
    %scan3A_23 = scf.for %scan3A_49 = %scan3A_19 to %scan3A_21 step %scan3A_22 iter_args(%scan3A_50 = %scan3A_18) -> (i32)  : i32 {
      %mul3A_51 = arith.constant 16 : i32
      %mul3A_52 = arith.muli %scan3A_49, %mul3A_51 : i32
      %get3A = arith.constant 0 : i32
      %get3A_53 = arith.index_cast %get3A : i32 to index
      %get3A_54 = arith.index_cast %mul3A_52 : i32 to index
      %get3A_55 = tpu.vector_load %arg5[%get3A_53, %get3A_54] {strides = array<i32>} : memref<4x1280xi32, #tpu.memory_space<vmem>>, vector<16xi32>,
      %add3A_56 = arith.addi %mul3A_7, %mul3A_52 : i32
      %add3A_57 = vector.broadcast %add3A_56 : i32 to vector<16xi32>
      %add3A_58 = arith.addi %iota3A, %add3A_57 : vector<16xi32>
      %add3A_59 = arith.constant 0 : i32
      %add3A_60 = vector.broadcast %add3A_59 : i32 to vector<16xi32>
      %add3A_61 = arith.addi %get3A_55, %add3A_60 : vector<16xi32>
      %lt3A_62 = arith.constant 256 : i32
      %lt3A_63 = vector.broadcast %lt3A_62 : i32 to vector<16xi32>
      %lt3A_64 = arith.cmpi slt, %get3A_55, %lt3A_63 : vector<16xi32>
      tpu.vector_store_idx %arg6[%add3A_61], %add3A_58 masked %lt3A_64 : memref<1024xi32, #tpu.memory_space<vmem>>[vector<16xi32>], vector<16xi32>, vector<16xi1>
      %get3A_65 = arith.constant 1 : i32
      %get3A_66 = arith.index_cast %get3A_65 : i32 to index
      %get3A_67 = arith.index_cast %mul3A_52 : i32 to index
      %get3A_68 = tpu.vector_load %arg5[%get3A_66, %get3A_67] {strides = array<i32>} : memref<4x1280xi32, #tpu.memory_space<vmem>>, vector<16xi32>,
      %add3A_69 = arith.addi %mul3A_7, %mul3A_52 : i32
      %add3A_70 = vector.broadcast %add3A_69 : i32 to vector<16xi32>
      %add3A_71 = arith.addi %iota3A, %add3A_70 : vector<16xi32>
      %add3A_72 = arith.constant 256 : i32
      %add3A_73 = vector.broadcast %add3A_72 : i32 to vector<16xi32>
      %add3A_74 = arith.addi %get3A_68, %add3A_73 : vector<16xi32>
      %lt3A_75 = arith.constant 256 : i32
      %lt3A_76 = vector.broadcast %lt3A_75 : i32 to vector<16xi32>
      %lt3A_77 = arith.cmpi slt, %get3A_68, %lt3A_76 : vector<16xi32>
      tpu.vector_store_idx %arg6[%add3A_74], %add3A_71 masked %lt3A_77 : memref<1024xi32, #tpu.memory_space<vmem>>[vector<16xi32>], vector<16xi32>, vector<16xi1>
      %get3A_78 = arith.constant 2 : i32
      %get3A_79 = arith.index_cast %get3A_78 : i32 to index
      %get3A_80 = arith.index_cast %mul3A_52 : i32 to index
      %get3A_81 = tpu.vector_load %arg5[%get3A_79, %get3A_80] {strides = array<i32>} : memref<4x1280xi32, #tpu.memory_space<vmem>>, vector<16xi32>,
      %add3A_82 = arith.addi %mul3A_7, %mul3A_52 : i32
      %add3A_83 = vector.broadcast %add3A_82 : i32 to vector<16xi32>
      %add3A_84 = arith.addi %iota3A, %add3A_83 : vector<16xi32>
      %add3A_85 = arith.constant 512 : i32
      %add3A_86 = vector.broadcast %add3A_85 : i32 to vector<16xi32>
      %add3A_87 = arith.addi %get3A_81, %add3A_86 : vector<16xi32>
      %lt3A_88 = arith.constant 256 : i32
      %lt3A_89 = vector.broadcast %lt3A_88 : i32 to vector<16xi32>
      %lt3A_90 = arith.cmpi slt, %get3A_81, %lt3A_89 : vector<16xi32>
      tpu.vector_store_idx %arg6[%add3A_87], %add3A_84 masked %lt3A_90 : memref<1024xi32, #tpu.memory_space<vmem>>[vector<16xi32>], vector<16xi32>, vector<16xi1>
      %get3A_91 = arith.constant 3 : i32
      %get3A_92 = arith.index_cast %get3A_91 : i32 to index
      %get3A_93 = arith.index_cast %mul3A_52 : i32 to index
      %get3A_94 = tpu.vector_load %arg5[%get3A_92, %get3A_93] {strides = array<i32>} : memref<4x1280xi32, #tpu.memory_space<vmem>>, vector<16xi32>,
      %add3A_95 = arith.addi %mul3A_7, %mul3A_52 : i32
      %add3A_96 = vector.broadcast %add3A_95 : i32 to vector<16xi32>
      %add3A_97 = arith.addi %iota3A, %add3A_96 : vector<16xi32>
      %add3A_98 = arith.constant 768 : i32
      %add3A_99 = vector.broadcast %add3A_98 : i32 to vector<16xi32>
      %add3A_100 = arith.addi %get3A_94, %add3A_99 : vector<16xi32>
      %lt3A_101 = arith.constant 256 : i32
      %lt3A_102 = vector.broadcast %lt3A_101 : i32 to vector<16xi32>
      %lt3A_103 = arith.cmpi slt, %get3A_94, %lt3A_102 : vector<16xi32>
      tpu.vector_store_idx %arg6[%add3A_100], %add3A_97 masked %lt3A_103 : memref<1024xi32, #tpu.memory_space<vmem>>[vector<16xi32>], vector<16xi32>, vector<16xi1>
      %scan3A_104 = arith.constant 0 : i32
      scf.yield %scan3A_104 : i32
    }
    %scan3A_24 = arith.constant 80 : i32
    "tpu.region"() ({
      %run_scoped3A_49 = tpu.sem_alloc : memref<!tpu.dma_semaphore, #tpu.memory_space<semaphore_mem>>
      %dma_start3A = arith.constant 0 : i32
      %dma_start3A_50 = tpu.memref_slice %arg12[%arg1, %dma_start3A] : memref<16x1024xi32, #tpu.memory_space<vmem_shared>> -> memref<1x1024xi32, #tpu.memory_space<vmem_shared>>
      %dma_start3A_51 = tpu.memref_squeeze %dma_start3A_50 : memref<1x1024xi32, #tpu.memory_space<vmem_shared>> -> memref<1024xi32, #tpu.memory_space<vmem_shared>>
      %dma_start3A_52 = arith.constant 0 : i32
      %dma_start3A_53 = tpu.memref_slice %arg12[%arg1, %dma_start3A_52] : memref<16x1024xi32, #tpu.memory_space<vmem_shared>> -> memref<1x1024xi32, #tpu.memory_space<vmem_shared>>
      %dma_start3A_54 = tpu.memref_squeeze %dma_start3A_53 : memref<1x1024xi32, #tpu.memory_space<vmem_shared>> -> memref<1024xi32, #tpu.memory_space<vmem_shared>>
      tpu.enqueue_dma source(%arg6 : memref<1024xi32, #tpu.memory_space<vmem>>) target(%dma_start3A_54 : memref<1024xi32, #tpu.memory_space<vmem_shared>>) target_semaphore(%run_scoped3A_49 : memref<!tpu.dma_semaphore, #tpu.memory_space<semaphore_mem>>)
      %dma_wait3A = arith.constant 0 : i32
      %dma_wait3A_55 = tpu.memref_slice %arg12[%arg1, %dma_wait3A] : memref<16x1024xi32, #tpu.memory_space<vmem_shared>> -> memref<1x1024xi32, #tpu.memory_space<vmem_shared>>
      %dma_wait3A_56 = tpu.memref_squeeze %dma_wait3A_55 : memref<1x1024xi32, #tpu.memory_space<vmem_shared>> -> memref<1024xi32, #tpu.memory_space<vmem_shared>>
      %dma_wait3A_57 = arith.constant 0 : i32
      %dma_wait3A_58 = tpu.memref_slice %arg12[%arg1, %dma_wait3A_57] : memref<16x1024xi32, #tpu.memory_space<vmem_shared>> -> memref<1x1024xi32, #tpu.memory_space<vmem_shared>>
      %dma_wait3A_59 = tpu.memref_squeeze %dma_wait3A_58 : memref<1x1024xi32, #tpu.memory_space<vmem_shared>> -> memref<1024xi32, #tpu.memory_space<vmem_shared>>
      tpu.wait_dma2 semaphore(%run_scoped3A_49 : memref<!tpu.dma_semaphore, #tpu.memory_space<semaphore_mem>>) src(%arg6 : memref<1024xi32, #tpu.memory_space<vmem>>) dst(%dma_wait3A_59 : memref<1024xi32, #tpu.memory_space<vmem_shared>>)
      tpu.yield
    }) : () -> ()
    %barrier3A = arith.constant 0 : index
    tpu.barrier barrier_id(%barrier3A)
    %lt3A = arith.constant 4 : i32
    %lt3A_25 = arith.cmpi slt, %arg1, %lt3A : i32
    %convert_element_type3A = arith.extui %lt3A_25 : i1 to i32
    %cond3A = arith.constant 0 : i32
    %cond3A_26 = arith.cmpi ne, %convert_element_type3A, %cond3A : i32
    scf.if %cond3A_26 {
      %scan3A_49 = arith.constant 0 : i32
      %scan3A_50 = arith.constant 0 : i32
      %scan3A_51 = arith.constant 16 : i32
      %scan3A_52 = arith.addi %scan3A_50, %scan3A_51 : i32
      %scan3A_53 = arith.constant 1 : i32
      %scan3A_54 = scf.for %scan3A_216 = %scan3A_50 to %scan3A_52 step %scan3A_53 iter_args(%scan3A_217 = %scan3A_49) -> (i32)  : i32 {
        %mul3A_218 = arith.constant 16 : i32
        %mul3A_219 = arith.muli %scan3A_216, %mul3A_218 : i32
        %swap3A = arith.index_cast %mul3A_219 : i32 to index
        %swap3A_220 = tpu.vector_load %arg7[%swap3A] {strides = array<i32>} : memref<256xi32, #tpu.memory_space<vmem>>, vector<16xi32>,
        tpu.vector_store %arg7[%swap3A], %broadcast_in_dim3A_0 {strides = array<i32>} : memref<256xi32, #tpu.memory_space<vmem>>, vector<16xi32>,
        %scan3A_221 = arith.constant 0 : i32
        scf.yield %scan3A_221 : i32
      }
      %scan3A_55 = arith.constant 16 : i32
      %mul3A_56 = arith.constant 256 : i32
      %mul3A_57 = arith.muli %arg1, %mul3A_56 : i32
      %run_scoped3A_58 = arith.constant 0 : i32
      "tpu.region"() ({
        %run_scoped3A_216 = tpu.sem_alloc : memref<!tpu.dma_semaphore, #tpu.memory_space<semaphore_mem>>
        %dma_start3A = tpu.memref_slice %arg12[%run_scoped3A_58, %mul3A_57] : memref<16x1024xi32, #tpu.memory_space<vmem_shared>> -> memref<1x256xi32, #tpu.memory_space<vmem_shared>>
        %dma_start3A_217 = tpu.memref_squeeze %dma_start3A : memref<1x256xi32, #tpu.memory_space<vmem_shared>> -> memref<256xi32, #tpu.memory_space<vmem_shared>>
        %dma_start3A_218 = tpu.memref_slice %arg12[%run_scoped3A_58, %mul3A_57] : memref<16x1024xi32, #tpu.memory_space<vmem_shared>> -> memref<1x256xi32, #tpu.memory_space<vmem_shared>>
        %dma_start3A_219 = tpu.memref_squeeze %dma_start3A_218 : memref<1x256xi32, #tpu.memory_space<vmem_shared>> -> memref<256xi32, #tpu.memory_space<vmem_shared>>
        tpu.enqueue_dma source(%dma_start3A_219 : memref<256xi32, #tpu.memory_space<vmem_shared>>) target(%arg8 : memref<256xi32, #tpu.memory_space<vmem>>) target_semaphore(%run_scoped3A_216 : memref<!tpu.dma_semaphore, #tpu.memory_space<semaphore_mem>>)
        %dma_wait3A = tpu.memref_slice %arg12[%run_scoped3A_58, %mul3A_57] : memref<16x1024xi32, #tpu.memory_space<vmem_shared>> -> memref<1x256xi32, #tpu.memory_space<vmem_shared>>
        %dma_wait3A_220 = tpu.memref_squeeze %dma_wait3A : memref<1x256xi32, #tpu.memory_space<vmem_shared>> -> memref<256xi32, #tpu.memory_space<vmem_shared>>
        %dma_wait3A_221 = tpu.memref_slice %arg12[%run_scoped3A_58, %mul3A_57] : memref<16x1024xi32, #tpu.memory_space<vmem_shared>> -> memref<1x256xi32, #tpu.memory_space<vmem_shared>>
        %dma_wait3A_222 = tpu.memref_squeeze %dma_wait3A_221 : memref<1x256xi32, #tpu.memory_space<vmem_shared>> -> memref<256xi32, #tpu.memory_space<vmem_shared>>
        tpu.wait_dma2 semaphore(%run_scoped3A_216 : memref<!tpu.dma_semaphore, #tpu.memory_space<semaphore_mem>>) src(%dma_wait3A_222 : memref<256xi32, #tpu.memory_space<vmem_shared>>) dst(%arg8 : memref<256xi32, #tpu.memory_space<vmem>>)
        tpu.yield
      }) : () -> ()
      %scan3A_59 = arith.constant 0 : i32
      %scan3A_60 = arith.constant 0 : i32
      %scan3A_61 = arith.constant 16 : i32
      %scan3A_62 = arith.addi %scan3A_60, %scan3A_61 : i32
      %scan3A_63 = arith.constant 1 : i32
      %scan3A_64 = scf.for %scan3A_216 = %scan3A_60 to %scan3A_62 step %scan3A_63 iter_args(%scan3A_217 = %scan3A_59) -> (i32)  : i32 {
        %mul3A_218 = arith.constant 16 : i32
        %mul3A_219 = arith.muli %scan3A_216, %mul3A_218 : i32
        %get3A = arith.index_cast %mul3A_219 : i32 to index
        %get3A_220 = tpu.vector_load %arg7[%get3A] {strides = array<i32>} : memref<256xi32, #tpu.memory_space<vmem>>, vector<16xi32>,
        %mul3A_221 = arith.constant 16 : i32
        %mul3A_222 = arith.muli %scan3A_216, %mul3A_221 : i32
        %get3A_223 = arith.index_cast %mul3A_222 : i32 to index
        %get3A_224 = tpu.vector_load %arg8[%get3A_223] {strides = array<i32>} : memref<256xi32, #tpu.memory_space<vmem>>, vector<16xi32>,
        %add3A_225 = arith.addi %get3A_220, %get3A_224 : vector<16xi32>
        %mul3A_226 = arith.constant 16 : i32
        %mul3A_227 = arith.muli %scan3A_216, %mul3A_226 : i32
        %swap3A = arith.index_cast %mul3A_227 : i32 to index
        %swap3A_228 = tpu.vector_load %arg7[%swap3A] {strides = array<i32>} : memref<256xi32, #tpu.memory_space<vmem>>, vector<16xi32>,
        tpu.vector_store %arg7[%swap3A], %add3A_225 {strides = array<i32>} : memref<256xi32, #tpu.memory_space<vmem>>, vector<16xi32>,
        %scan3A_229 = arith.constant 0 : i32
        scf.yield %scan3A_229 : i32
      }
      %scan3A_65 = arith.constant 16 : i32
      %mul3A_66 = arith.constant 256 : i32
      %mul3A_67 = arith.muli %arg1, %mul3A_66 : i32
      %run_scoped3A_68 = arith.constant 1 : i32
      "tpu.region"() ({
        %run_scoped3A_216 = tpu.sem_alloc : memref<!tpu.dma_semaphore, #tpu.memory_space<semaphore_mem>>
        %dma_start3A = tpu.memref_slice %arg12[%run_scoped3A_68, %mul3A_67] : memref<16x1024xi32, #tpu.memory_space<vmem_shared>> -> memref<1x256xi32, #tpu.memory_space<vmem_shared>>
        %dma_start3A_217 = tpu.memref_squeeze %dma_start3A : memref<1x256xi32, #tpu.memory_space<vmem_shared>> -> memref<256xi32, #tpu.memory_space<vmem_shared>>
        %dma_start3A_218 = tpu.memref_slice %arg12[%run_scoped3A_68, %mul3A_67] : memref<16x1024xi32, #tpu.memory_space<vmem_shared>> -> memref<1x256xi32, #tpu.memory_space<vmem_shared>>
        %dma_start3A_219 = tpu.memref_squeeze %dma_start3A_218 : memref<1x256xi32, #tpu.memory_space<vmem_shared>> -> memref<256xi32, #tpu.memory_space<vmem_shared>>
        tpu.enqueue_dma source(%dma_start3A_219 : memref<256xi32, #tpu.memory_space<vmem_shared>>) target(%arg8 : memref<256xi32, #tpu.memory_space<vmem>>) target_semaphore(%run_scoped3A_216 : memref<!tpu.dma_semaphore, #tpu.memory_space<semaphore_mem>>)
        %dma_wait3A = tpu.memref_slice %arg12[%run_scoped3A_68, %mul3A_67] : memref<16x1024xi32, #tpu.memory_space<vmem_shared>> -> memref<1x256xi32, #tpu.memory_space<vmem_shared>>
        %dma_wait3A_220 = tpu.memref_squeeze %dma_wait3A : memref<1x256xi32, #tpu.memory_space<vmem_shared>> -> memref<256xi32, #tpu.memory_space<vmem_shared>>
        %dma_wait3A_221 = tpu.memref_slice %arg12[%run_scoped3A_68, %mul3A_67] : memref<16x1024xi32, #tpu.memory_space<vmem_shared>> -> memref<1x256xi32, #tpu.memory_space<vmem_shared>>
        %dma_wait3A_222 = tpu.memref_squeeze %dma_wait3A_221 : memref<1x256xi32, #tpu.memory_space<vmem_shared>> -> memref<256xi32, #tpu.memory_space<vmem_shared>>
        tpu.wait_dma2 semaphore(%run_scoped3A_216 : memref<!tpu.dma_semaphore, #tpu.memory_space<semaphore_mem>>) src(%dma_wait3A_222 : memref<256xi32, #tpu.memory_space<vmem_shared>>) dst(%arg8 : memref<256xi32, #tpu.memory_space<vmem>>)
        tpu.yield
      }) : () -> ()
      %scan3A_69 = arith.constant 0 : i32
      %scan3A_70 = arith.constant 0 : i32
      %scan3A_71 = arith.constant 16 : i32
      %scan3A_72 = arith.addi %scan3A_70, %scan3A_71 : i32
      %scan3A_73 = arith.constant 1 : i32
      %scan3A_74 = scf.for %scan3A_216 = %scan3A_70 to %scan3A_72 step %scan3A_73 iter_args(%scan3A_217 = %scan3A_69) -> (i32)  : i32 {
        %mul3A_218 = arith.constant 16 : i32
        %mul3A_219 = arith.muli %scan3A_216, %mul3A_218 : i32
        %get3A = arith.index_cast %mul3A_219 : i32 to index
        %get3A_220 = tpu.vector_load %arg7[%get3A] {strides = array<i32>} : memref<256xi32, #tpu.memory_space<vmem>>, vector<16xi32>,
        %mul3A_221 = arith.constant 16 : i32
        %mul3A_222 = arith.muli %scan3A_216, %mul3A_221 : i32
        %get3A_223 = arith.index_cast %mul3A_222 : i32 to index
        %get3A_224 = tpu.vector_load %arg8[%get3A_223] {strides = array<i32>} : memref<256xi32, #tpu.memory_space<vmem>>, vector<16xi32>,
        %add3A_225 = arith.addi %get3A_220, %get3A_224 : vector<16xi32>
        %mul3A_226 = arith.constant 16 : i32
        %mul3A_227 = arith.muli %scan3A_216, %mul3A_226 : i32
        %swap3A = arith.index_cast %mul3A_227 : i32 to index
        %swap3A_228 = tpu.vector_load %arg7[%swap3A] {strides = array<i32>} : memref<256xi32, #tpu.memory_space<vmem>>, vector<16xi32>,
        tpu.vector_store %arg7[%swap3A], %add3A_225 {strides = array<i32>} : memref<256xi32, #tpu.memory_space<vmem>>, vector<16xi32>,
        %scan3A_229 = arith.constant 0 : i32
        scf.yield %scan3A_229 : i32
      }
      %scan3A_75 = arith.constant 16 : i32
      %mul3A_76 = arith.constant 256 : i32
      %mul3A_77 = arith.muli %arg1, %mul3A_76 : i32
      %run_scoped3A_78 = arith.constant 2 : i32
      "tpu.region"() ({
        %run_scoped3A_216 = tpu.sem_alloc : memref<!tpu.dma_semaphore, #tpu.memory_space<semaphore_mem>>
        %dma_start3A = tpu.memref_slice %arg12[%run_scoped3A_78, %mul3A_77] : memref<16x1024xi32, #tpu.memory_space<vmem_shared>> -> memref<1x256xi32, #tpu.memory_space<vmem_shared>>
        %dma_start3A_217 = tpu.memref_squeeze %dma_start3A : memref<1x256xi32, #tpu.memory_space<vmem_shared>> -> memref<256xi32, #tpu.memory_space<vmem_shared>>
        %dma_start3A_218 = tpu.memref_slice %arg12[%run_scoped3A_78, %mul3A_77] : memref<16x1024xi32, #tpu.memory_space<vmem_shared>> -> memref<1x256xi32, #tpu.memory_space<vmem_shared>>
        %dma_start3A_219 = tpu.memref_squeeze %dma_start3A_218 : memref<1x256xi32, #tpu.memory_space<vmem_shared>> -> memref<256xi32, #tpu.memory_space<vmem_shared>>
        tpu.enqueue_dma source(%dma_start3A_219 : memref<256xi32, #tpu.memory_space<vmem_shared>>) target(%arg8 : memref<256xi32, #tpu.memory_space<vmem>>) target_semaphore(%run_scoped3A_216 : memref<!tpu.dma_semaphore, #tpu.memory_space<semaphore_mem>>)
        %dma_wait3A = tpu.memref_slice %arg12[%run_scoped3A_78, %mul3A_77] : memref<16x1024xi32, #tpu.memory_space<vmem_shared>> -> memref<1x256xi32, #tpu.memory_space<vmem_shared>>
        %dma_wait3A_220 = tpu.memref_squeeze %dma_wait3A : memref<1x256xi32, #tpu.memory_space<vmem_shared>> -> memref<256xi32, #tpu.memory_space<vmem_shared>>
        %dma_wait3A_221 = tpu.memref_slice %arg12[%run_scoped3A_78, %mul3A_77] : memref<16x1024xi32, #tpu.memory_space<vmem_shared>> -> memref<1x256xi32, #tpu.memory_space<vmem_shared>>
        %dma_wait3A_222 = tpu.memref_squeeze %dma_wait3A_221 : memref<1x256xi32, #tpu.memory_space<vmem_shared>> -> memref<256xi32, #tpu.memory_space<vmem_shared>>
        tpu.wait_dma2 semaphore(%run_scoped3A_216 : memref<!tpu.dma_semaphore, #tpu.memory_space<semaphore_mem>>) src(%dma_wait3A_222 : memref<256xi32, #tpu.memory_space<vmem_shared>>) dst(%arg8 : memref<256xi32, #tpu.memory_space<vmem>>)
        tpu.yield
      }) : () -> ()
      %scan3A_79 = arith.constant 0 : i32
      %scan3A_80 = arith.constant 0 : i32
      %scan3A_81 = arith.constant 16 : i32
      %scan3A_82 = arith.addi %scan3A_80, %scan3A_81 : i32
      %scan3A_83 = arith.constant 1 : i32
      %scan3A_84 = scf.for %scan3A_216 = %scan3A_80 to %scan3A_82 step %scan3A_83 iter_args(%scan3A_217 = %scan3A_79) -> (i32)  : i32 {
        %mul3A_218 = arith.constant 16 : i32
        %mul3A_219 = arith.muli %scan3A_216, %mul3A_218 : i32
        %get3A = arith.index_cast %mul3A_219 : i32 to index
        %get3A_220 = tpu.vector_load %arg7[%get3A] {strides = array<i32>} : memref<256xi32, #tpu.memory_space<vmem>>, vector<16xi32>,
        %mul3A_221 = arith.constant 16 : i32
        %mul3A_222 = arith.muli %scan3A_216, %mul3A_221 : i32
        %get3A_223 = arith.index_cast %mul3A_222 : i32 to index
        %get3A_224 = tpu.vector_load %arg8[%get3A_223] {strides = array<i32>} : memref<256xi32, #tpu.memory_space<vmem>>, vector<16xi32>,
        %add3A_225 = arith.addi %get3A_220, %get3A_224 : vector<16xi32>
        %mul3A_226 = arith.constant 16 : i32
        %mul3A_227 = arith.muli %scan3A_216, %mul3A_226 : i32
        %swap3A = arith.index_cast %mul3A_227 : i32 to index
        %swap3A_228 = tpu.vector_load %arg7[%swap3A] {strides = array<i32>} : memref<256xi32, #tpu.memory_space<vmem>>, vector<16xi32>,
        tpu.vector_store %arg7[%swap3A], %add3A_225 {strides = array<i32>} : memref<256xi32, #tpu.memory_space<vmem>>, vector<16xi32>,
        %scan3A_229 = arith.constant 0 : i32
        scf.yield %scan3A_229 : i32
      }
      %scan3A_85 = arith.constant 16 : i32
      %mul3A_86 = arith.constant 256 : i32
      %mul3A_87 = arith.muli %arg1, %mul3A_86 : i32
      %run_scoped3A_88 = arith.constant 3 : i32
      "tpu.region"() ({
        %run_scoped3A_216 = tpu.sem_alloc : memref<!tpu.dma_semaphore, #tpu.memory_space<semaphore_mem>>
        %dma_start3A = tpu.memref_slice %arg12[%run_scoped3A_88, %mul3A_87] : memref<16x1024xi32, #tpu.memory_space<vmem_shared>> -> memref<1x256xi32, #tpu.memory_space<vmem_shared>>
        %dma_start3A_217 = tpu.memref_squeeze %dma_start3A : memref<1x256xi32, #tpu.memory_space<vmem_shared>> -> memref<256xi32, #tpu.memory_space<vmem_shared>>
        %dma_start3A_218 = tpu.memref_slice %arg12[%run_scoped3A_88, %mul3A_87] : memref<16x1024xi32, #tpu.memory_space<vmem_shared>> -> memref<1x256xi32, #tpu.memory_space<vmem_shared>>
        %dma_start3A_219 = tpu.memref_squeeze %dma_start3A_218 : memref<1x256xi32, #tpu.memory_space<vmem_shared>> -> memref<256xi32, #tpu.memory_space<vmem_shared>>
        tpu.enqueue_dma source(%dma_start3A_219 : memref<256xi32, #tpu.memory_space<vmem_shared>>) target(%arg8 : memref<256xi32, #tpu.memory_space<vmem>>) target_semaphore(%run_scoped3A_216 : memref<!tpu.dma_semaphore, #tpu.memory_space<semaphore_mem>>)
        %dma_wait3A = tpu.memref_slice %arg12[%run_scoped3A_88, %mul3A_87] : memref<16x1024xi32, #tpu.memory_space<vmem_shared>> -> memref<1x256xi32, #tpu.memory_space<vmem_shared>>
        %dma_wait3A_220 = tpu.memref_squeeze %dma_wait3A : memref<1x256xi32, #tpu.memory_space<vmem_shared>> -> memref<256xi32, #tpu.memory_space<vmem_shared>>
        %dma_wait3A_221 = tpu.memref_slice %arg12[%run_scoped3A_88, %mul3A_87] : memref<16x1024xi32, #tpu.memory_space<vmem_shared>> -> memref<1x256xi32, #tpu.memory_space<vmem_shared>>
        %dma_wait3A_222 = tpu.memref_squeeze %dma_wait3A_221 : memref<1x256xi32, #tpu.memory_space<vmem_shared>> -> memref<256xi32, #tpu.memory_space<vmem_shared>>
        tpu.wait_dma2 semaphore(%run_scoped3A_216 : memref<!tpu.dma_semaphore, #tpu.memory_space<semaphore_mem>>) src(%dma_wait3A_222 : memref<256xi32, #tpu.memory_space<vmem_shared>>) dst(%arg8 : memref<256xi32, #tpu.memory_space<vmem>>)
        tpu.yield
      }) : () -> ()
      %scan3A_89 = arith.constant 0 : i32
      %scan3A_90 = arith.constant 0 : i32
      %scan3A_91 = arith.constant 16 : i32
      %scan3A_92 = arith.addi %scan3A_90, %scan3A_91 : i32
      %scan3A_93 = arith.constant 1 : i32
      %scan3A_94 = scf.for %scan3A_216 = %scan3A_90 to %scan3A_92 step %scan3A_93 iter_args(%scan3A_217 = %scan3A_89) -> (i32)  : i32 {
        %mul3A_218 = arith.constant 16 : i32
        %mul3A_219 = arith.muli %scan3A_216, %mul3A_218 : i32
        %get3A = arith.index_cast %mul3A_219 : i32 to index
        %get3A_220 = tpu.vector_load %arg7[%get3A] {strides = array<i32>} : memref<256xi32, #tpu.memory_space<vmem>>, vector<16xi32>,
        %mul3A_221 = arith.constant 16 : i32
        %mul3A_222 = arith.muli %scan3A_216, %mul3A_221 : i32
        %get3A_223 = arith.index_cast %mul3A_222 : i32 to index
        %get3A_224 = tpu.vector_load %arg8[%get3A_223] {strides = array<i32>} : memref<256xi32, #tpu.memory_space<vmem>>, vector<16xi32>,
        %add3A_225 = arith.addi %get3A_220, %get3A_224 : vector<16xi32>
        %mul3A_226 = arith.constant 16 : i32
        %mul3A_227 = arith.muli %scan3A_216, %mul3A_226 : i32
        %swap3A = arith.index_cast %mul3A_227 : i32 to index
        %swap3A_228 = tpu.vector_load %arg7[%swap3A] {strides = array<i32>} : memref<256xi32, #tpu.memory_space<vmem>>, vector<16xi32>,
        tpu.vector_store %arg7[%swap3A], %add3A_225 {strides = array<i32>} : memref<256xi32, #tpu.memory_space<vmem>>, vector<16xi32>,
        %scan3A_229 = arith.constant 0 : i32
        scf.yield %scan3A_229 : i32
      }
      %scan3A_95 = arith.constant 16 : i32
      %mul3A_96 = arith.constant 256 : i32
      %mul3A_97 = arith.muli %arg1, %mul3A_96 : i32
      %run_scoped3A_98 = arith.constant 4 : i32
      "tpu.region"() ({
        %run_scoped3A_216 = tpu.sem_alloc : memref<!tpu.dma_semaphore, #tpu.memory_space<semaphore_mem>>
        %dma_start3A = tpu.memref_slice %arg12[%run_scoped3A_98, %mul3A_97] : memref<16x1024xi32, #tpu.memory_space<vmem_shared>> -> memref<1x256xi32, #tpu.memory_space<vmem_shared>>
        %dma_start3A_217 = tpu.memref_squeeze %dma_start3A : memref<1x256xi32, #tpu.memory_space<vmem_shared>> -> memref<256xi32, #tpu.memory_space<vmem_shared>>
        %dma_start3A_218 = tpu.memref_slice %arg12[%run_scoped3A_98, %mul3A_97] : memref<16x1024xi32, #tpu.memory_space<vmem_shared>> -> memref<1x256xi32, #tpu.memory_space<vmem_shared>>
        %dma_start3A_219 = tpu.memref_squeeze %dma_start3A_218 : memref<1x256xi32, #tpu.memory_space<vmem_shared>> -> memref<256xi32, #tpu.memory_space<vmem_shared>>
        tpu.enqueue_dma source(%dma_start3A_219 : memref<256xi32, #tpu.memory_space<vmem_shared>>) target(%arg8 : memref<256xi32, #tpu.memory_space<vmem>>) target_semaphore(%run_scoped3A_216 : memref<!tpu.dma_semaphore, #tpu.memory_space<semaphore_mem>>)
        %dma_wait3A = tpu.memref_slice %arg12[%run_scoped3A_98, %mul3A_97] : memref<16x1024xi32, #tpu.memory_space<vmem_shared>> -> memref<1x256xi32, #tpu.memory_space<vmem_shared>>
        %dma_wait3A_220 = tpu.memref_squeeze %dma_wait3A : memref<1x256xi32, #tpu.memory_space<vmem_shared>> -> memref<256xi32, #tpu.memory_space<vmem_shared>>
        %dma_wait3A_221 = tpu.memref_slice %arg12[%run_scoped3A_98, %mul3A_97] : memref<16x1024xi32, #tpu.memory_space<vmem_shared>> -> memref<1x256xi32, #tpu.memory_space<vmem_shared>>
        %dma_wait3A_222 = tpu.memref_squeeze %dma_wait3A_221 : memref<1x256xi32, #tpu.memory_space<vmem_shared>> -> memref<256xi32, #tpu.memory_space<vmem_shared>>
        tpu.wait_dma2 semaphore(%run_scoped3A_216 : memref<!tpu.dma_semaphore, #tpu.memory_space<semaphore_mem>>) src(%dma_wait3A_222 : memref<256xi32, #tpu.memory_space<vmem_shared>>) dst(%arg8 : memref<256xi32, #tpu.memory_space<vmem>>)
        tpu.yield
      }) : () -> ()
      %scan3A_99 = arith.constant 0 : i32
      %scan3A_100 = arith.constant 0 : i32
      %scan3A_101 = arith.constant 16 : i32
      %scan3A_102 = arith.addi %scan3A_100, %scan3A_101 : i32
      %scan3A_103 = arith.constant 1 : i32
      %scan3A_104 = scf.for %scan3A_216 = %scan3A_100 to %scan3A_102 step %scan3A_103 iter_args(%scan3A_217 = %scan3A_99) -> (i32)  : i32 {
        %mul3A_218 = arith.constant 16 : i32
        %mul3A_219 = arith.muli %scan3A_216, %mul3A_218 : i32
        %get3A = arith.index_cast %mul3A_219 : i32 to index
        %get3A_220 = tpu.vector_load %arg7[%get3A] {strides = array<i32>} : memref<256xi32, #tpu.memory_space<vmem>>, vector<16xi32>,
        %mul3A_221 = arith.constant 16 : i32
        %mul3A_222 = arith.muli %scan3A_216, %mul3A_221 : i32
        %get3A_223 = arith.index_cast %mul3A_222 : i32 to index
        %get3A_224 = tpu.vector_load %arg8[%get3A_223] {strides = array<i32>} : memref<256xi32, #tpu.memory_space<vmem>>, vector<16xi32>,
        %add3A_225 = arith.addi %get3A_220, %get3A_224 : vector<16xi32>
        %mul3A_226 = arith.constant 16 : i32
        %mul3A_227 = arith.muli %scan3A_216, %mul3A_226 : i32
        %swap3A = arith.index_cast %mul3A_227 : i32 to index
        %swap3A_228 = tpu.vector_load %arg7[%swap3A] {strides = array<i32>} : memref<256xi32, #tpu.memory_space<vmem>>, vector<16xi32>,
        tpu.vector_store %arg7[%swap3A], %add3A_225 {strides = array<i32>} : memref<256xi32, #tpu.memory_space<vmem>>, vector<16xi32>,
        %scan3A_229 = arith.constant 0 : i32
        scf.yield %scan3A_229 : i32
      }
      %scan3A_105 = arith.constant 16 : i32
      %mul3A_106 = arith.constant 256 : i32
      %mul3A_107 = arith.muli %arg1, %mul3A_106 : i32
      %run_scoped3A_108 = arith.constant 5 : i32
      "tpu.region"() ({
        %run_scoped3A_216 = tpu.sem_alloc : memref<!tpu.dma_semaphore, #tpu.memory_space<semaphore_mem>>
        %dma_start3A = tpu.memref_slice %arg12[%run_scoped3A_108, %mul3A_107] : memref<16x1024xi32, #tpu.memory_space<vmem_shared>> -> memref<1x256xi32, #tpu.memory_space<vmem_shared>>
        %dma_start3A_217 = tpu.memref_squeeze %dma_start3A : memref<1x256xi32, #tpu.memory_space<vmem_shared>> -> memref<256xi32, #tpu.memory_space<vmem_shared>>
        %dma_start3A_218 = tpu.memref_slice %arg12[%run_scoped3A_108, %mul3A_107] : memref<16x1024xi32, #tpu.memory_space<vmem_shared>> -> memref<1x256xi32, #tpu.memory_space<vmem_shared>>
        %dma_start3A_219 = tpu.memref_squeeze %dma_start3A_218 : memref<1x256xi32, #tpu.memory_space<vmem_shared>> -> memref<256xi32, #tpu.memory_space<vmem_shared>>
        tpu.enqueue_dma source(%dma_start3A_219 : memref<256xi32, #tpu.memory_space<vmem_shared>>) target(%arg8 : memref<256xi32, #tpu.memory_space<vmem>>) target_semaphore(%run_scoped3A_216 : memref<!tpu.dma_semaphore, #tpu.memory_space<semaphore_mem>>)
        %dma_wait3A = tpu.memref_slice %arg12[%run_scoped3A_108, %mul3A_107] : memref<16x1024xi32, #tpu.memory_space<vmem_shared>> -> memref<1x256xi32, #tpu.memory_space<vmem_shared>>
        %dma_wait3A_220 = tpu.memref_squeeze %dma_wait3A : memref<1x256xi32, #tpu.memory_space<vmem_shared>> -> memref<256xi32, #tpu.memory_space<vmem_shared>>
        %dma_wait3A_221 = tpu.memref_slice %arg12[%run_scoped3A_108, %mul3A_107] : memref<16x1024xi32, #tpu.memory_space<vmem_shared>> -> memref<1x256xi32, #tpu.memory_space<vmem_shared>>
        %dma_wait3A_222 = tpu.memref_squeeze %dma_wait3A_221 : memref<1x256xi32, #tpu.memory_space<vmem_shared>> -> memref<256xi32, #tpu.memory_space<vmem_shared>>
        tpu.wait_dma2 semaphore(%run_scoped3A_216 : memref<!tpu.dma_semaphore, #tpu.memory_space<semaphore_mem>>) src(%dma_wait3A_222 : memref<256xi32, #tpu.memory_space<vmem_shared>>) dst(%arg8 : memref<256xi32, #tpu.memory_space<vmem>>)
        tpu.yield
      }) : () -> ()
      %scan3A_109 = arith.constant 0 : i32
      %scan3A_110 = arith.constant 0 : i32
      %scan3A_111 = arith.constant 16 : i32
      %scan3A_112 = arith.addi %scan3A_110, %scan3A_111 : i32
      %scan3A_113 = arith.constant 1 : i32
      %scan3A_114 = scf.for %scan3A_216 = %scan3A_110 to %scan3A_112 step %scan3A_113 iter_args(%scan3A_217 = %scan3A_109) -> (i32)  : i32 {
        %mul3A_218 = arith.constant 16 : i32
        %mul3A_219 = arith.muli %scan3A_216, %mul3A_218 : i32
        %get3A = arith.index_cast %mul3A_219 : i32 to index
        %get3A_220 = tpu.vector_load %arg7[%get3A] {strides = array<i32>} : memref<256xi32, #tpu.memory_space<vmem>>, vector<16xi32>,
        %mul3A_221 = arith.constant 16 : i32
        %mul3A_222 = arith.muli %scan3A_216, %mul3A_221 : i32
        %get3A_223 = arith.index_cast %mul3A_222 : i32 to index
        %get3A_224 = tpu.vector_load %arg8[%get3A_223] {strides = array<i32>} : memref<256xi32, #tpu.memory_space<vmem>>, vector<16xi32>,
        %add3A_225 = arith.addi %get3A_220, %get3A_224 : vector<16xi32>
        %mul3A_226 = arith.constant 16 : i32
        %mul3A_227 = arith.muli %scan3A_216, %mul3A_226 : i32
        %swap3A = arith.index_cast %mul3A_227 : i32 to index
        %swap3A_228 = tpu.vector_load %arg7[%swap3A] {strides = array<i32>} : memref<256xi32, #tpu.memory_space<vmem>>, vector<16xi32>,
        tpu.vector_store %arg7[%swap3A], %add3A_225 {strides = array<i32>} : memref<256xi32, #tpu.memory_space<vmem>>, vector<16xi32>,
        %scan3A_229 = arith.constant 0 : i32
        scf.yield %scan3A_229 : i32
      }
      %scan3A_115 = arith.constant 16 : i32
      %mul3A_116 = arith.constant 256 : i32
      %mul3A_117 = arith.muli %arg1, %mul3A_116 : i32
      %run_scoped3A_118 = arith.constant 6 : i32
      "tpu.region"() ({
        %run_scoped3A_216 = tpu.sem_alloc : memref<!tpu.dma_semaphore, #tpu.memory_space<semaphore_mem>>
        %dma_start3A = tpu.memref_slice %arg12[%run_scoped3A_118, %mul3A_117] : memref<16x1024xi32, #tpu.memory_space<vmem_shared>> -> memref<1x256xi32, #tpu.memory_space<vmem_shared>>
        %dma_start3A_217 = tpu.memref_squeeze %dma_start3A : memref<1x256xi32, #tpu.memory_space<vmem_shared>> -> memref<256xi32, #tpu.memory_space<vmem_shared>>
        %dma_start3A_218 = tpu.memref_slice %arg12[%run_scoped3A_118, %mul3A_117] : memref<16x1024xi32, #tpu.memory_space<vmem_shared>> -> memref<1x256xi32, #tpu.memory_space<vmem_shared>>
        %dma_start3A_219 = tpu.memref_squeeze %dma_start3A_218 : memref<1x256xi32, #tpu.memory_space<vmem_shared>> -> memref<256xi32, #tpu.memory_space<vmem_shared>>
        tpu.enqueue_dma source(%dma_start3A_219 : memref<256xi32, #tpu.memory_space<vmem_shared>>) target(%arg8 : memref<256xi32, #tpu.memory_space<vmem>>) target_semaphore(%run_scoped3A_216 : memref<!tpu.dma_semaphore, #tpu.memory_space<semaphore_mem>>)
        %dma_wait3A = tpu.memref_slice %arg12[%run_scoped3A_118, %mul3A_117] : memref<16x1024xi32, #tpu.memory_space<vmem_shared>> -> memref<1x256xi32, #tpu.memory_space<vmem_shared>>
        %dma_wait3A_220 = tpu.memref_squeeze %dma_wait3A : memref<1x256xi32, #tpu.memory_space<vmem_shared>> -> memref<256xi32, #tpu.memory_space<vmem_shared>>
        %dma_wait3A_221 = tpu.memref_slice %arg12[%run_scoped3A_118, %mul3A_117] : memref<16x1024xi32, #tpu.memory_space<vmem_shared>> -> memref<1x256xi32, #tpu.memory_space<vmem_shared>>
        %dma_wait3A_222 = tpu.memref_squeeze %dma_wait3A_221 : memref<1x256xi32, #tpu.memory_space<vmem_shared>> -> memref<256xi32, #tpu.memory_space<vmem_shared>>
        tpu.wait_dma2 semaphore(%run_scoped3A_216 : memref<!tpu.dma_semaphore, #tpu.memory_space<semaphore_mem>>) src(%dma_wait3A_222 : memref<256xi32, #tpu.memory_space<vmem_shared>>) dst(%arg8 : memref<256xi32, #tpu.memory_space<vmem>>)
        tpu.yield
      }) : () -> ()
      %scan3A_119 = arith.constant 0 : i32
      %scan3A_120 = arith.constant 0 : i32
      %scan3A_121 = arith.constant 16 : i32
      %scan3A_122 = arith.addi %scan3A_120, %scan3A_121 : i32
      %scan3A_123 = arith.constant 1 : i32
      %scan3A_124 = scf.for %scan3A_216 = %scan3A_120 to %scan3A_122 step %scan3A_123 iter_args(%scan3A_217 = %scan3A_119) -> (i32)  : i32 {
        %mul3A_218 = arith.constant 16 : i32
        %mul3A_219 = arith.muli %scan3A_216, %mul3A_218 : i32
        %get3A = arith.index_cast %mul3A_219 : i32 to index
        %get3A_220 = tpu.vector_load %arg7[%get3A] {strides = array<i32>} : memref<256xi32, #tpu.memory_space<vmem>>, vector<16xi32>,
        %mul3A_221 = arith.constant 16 : i32
        %mul3A_222 = arith.muli %scan3A_216, %mul3A_221 : i32
        %get3A_223 = arith.index_cast %mul3A_222 : i32 to index
        %get3A_224 = tpu.vector_load %arg8[%get3A_223] {strides = array<i32>} : memref<256xi32, #tpu.memory_space<vmem>>, vector<16xi32>,
        %add3A_225 = arith.addi %get3A_220, %get3A_224 : vector<16xi32>
        %mul3A_226 = arith.constant 16 : i32
        %mul3A_227 = arith.muli %scan3A_216, %mul3A_226 : i32
        %swap3A = arith.index_cast %mul3A_227 : i32 to index
        %swap3A_228 = tpu.vector_load %arg7[%swap3A] {strides = array<i32>} : memref<256xi32, #tpu.memory_space<vmem>>, vector<16xi32>,
        tpu.vector_store %arg7[%swap3A], %add3A_225 {strides = array<i32>} : memref<256xi32, #tpu.memory_space<vmem>>, vector<16xi32>,
        %scan3A_229 = arith.constant 0 : i32
        scf.yield %scan3A_229 : i32
      }
      %scan3A_125 = arith.constant 16 : i32
      %mul3A_126 = arith.constant 256 : i32
      %mul3A_127 = arith.muli %arg1, %mul3A_126 : i32
      %run_scoped3A_128 = arith.constant 7 : i32
      "tpu.region"() ({
        %run_scoped3A_216 = tpu.sem_alloc : memref<!tpu.dma_semaphore, #tpu.memory_space<semaphore_mem>>
        %dma_start3A = tpu.memref_slice %arg12[%run_scoped3A_128, %mul3A_127] : memref<16x1024xi32, #tpu.memory_space<vmem_shared>> -> memref<1x256xi32, #tpu.memory_space<vmem_shared>>
        %dma_start3A_217 = tpu.memref_squeeze %dma_start3A : memref<1x256xi32, #tpu.memory_space<vmem_shared>> -> memref<256xi32, #tpu.memory_space<vmem_shared>>
        %dma_start3A_218 = tpu.memref_slice %arg12[%run_scoped3A_128, %mul3A_127] : memref<16x1024xi32, #tpu.memory_space<vmem_shared>> -> memref<1x256xi32, #tpu.memory_space<vmem_shared>>
        %dma_start3A_219 = tpu.memref_squeeze %dma_start3A_218 : memref<1x256xi32, #tpu.memory_space<vmem_shared>> -> memref<256xi32, #tpu.memory_space<vmem_shared>>
        tpu.enqueue_dma source(%dma_start3A_219 : memref<256xi32, #tpu.memory_space<vmem_shared>>) target(%arg8 : memref<256xi32, #tpu.memory_space<vmem>>) target_semaphore(%run_scoped3A_216 : memref<!tpu.dma_semaphore, #tpu.memory_space<semaphore_mem>>)
        %dma_wait3A = tpu.memref_slice %arg12[%run_scoped3A_128, %mul3A_127] : memref<16x1024xi32, #tpu.memory_space<vmem_shared>> -> memref<1x256xi32, #tpu.memory_space<vmem_shared>>
        %dma_wait3A_220 = tpu.memref_squeeze %dma_wait3A : memref<1x256xi32, #tpu.memory_space<vmem_shared>> -> memref<256xi32, #tpu.memory_space<vmem_shared>>
        %dma_wait3A_221 = tpu.memref_slice %arg12[%run_scoped3A_128, %mul3A_127] : memref<16x1024xi32, #tpu.memory_space<vmem_shared>> -> memref<1x256xi32, #tpu.memory_space<vmem_shared>>
        %dma_wait3A_222 = tpu.memref_squeeze %dma_wait3A_221 : memref<1x256xi32, #tpu.memory_space<vmem_shared>> -> memref<256xi32, #tpu.memory_space<vmem_shared>>
        tpu.wait_dma2 semaphore(%run_scoped3A_216 : memref<!tpu.dma_semaphore, #tpu.memory_space<semaphore_mem>>) src(%dma_wait3A_222 : memref<256xi32, #tpu.memory_space<vmem_shared>>) dst(%arg8 : memref<256xi32, #tpu.memory_space<vmem>>)
        tpu.yield
      }) : () -> ()
      %scan3A_129 = arith.constant 0 : i32
      %scan3A_130 = arith.constant 0 : i32
      %scan3A_131 = arith.constant 16 : i32
      %scan3A_132 = arith.addi %scan3A_130, %scan3A_131 : i32
      %scan3A_133 = arith.constant 1 : i32
      %scan3A_134 = scf.for %scan3A_216 = %scan3A_130 to %scan3A_132 step %scan3A_133 iter_args(%scan3A_217 = %scan3A_129) -> (i32)  : i32 {
        %mul3A_218 = arith.constant 16 : i32
        %mul3A_219 = arith.muli %scan3A_216, %mul3A_218 : i32
        %get3A = arith.index_cast %mul3A_219 : i32 to index
        %get3A_220 = tpu.vector_load %arg7[%get3A] {strides = array<i32>} : memref<256xi32, #tpu.memory_space<vmem>>, vector<16xi32>,
        %mul3A_221 = arith.constant 16 : i32
        %mul3A_222 = arith.muli %scan3A_216, %mul3A_221 : i32
        %get3A_223 = arith.index_cast %mul3A_222 : i32 to index
        %get3A_224 = tpu.vector_load %arg8[%get3A_223] {strides = array<i32>} : memref<256xi32, #tpu.memory_space<vmem>>, vector<16xi32>,
        %add3A_225 = arith.addi %get3A_220, %get3A_224 : vector<16xi32>
        %mul3A_226 = arith.constant 16 : i32
        %mul3A_227 = arith.muli %scan3A_216, %mul3A_226 : i32
        %swap3A = arith.index_cast %mul3A_227 : i32 to index
        %swap3A_228 = tpu.vector_load %arg7[%swap3A] {strides = array<i32>} : memref<256xi32, #tpu.memory_space<vmem>>, vector<16xi32>,
        tpu.vector_store %arg7[%swap3A], %add3A_225 {strides = array<i32>} : memref<256xi32, #tpu.memory_space<vmem>>, vector<16xi32>,
        %scan3A_229 = arith.constant 0 : i32
        scf.yield %scan3A_229 : i32
      }
      %scan3A_135 = arith.constant 16 : i32
      %mul3A_136 = arith.constant 256 : i32
      %mul3A_137 = arith.muli %arg1, %mul3A_136 : i32
      %run_scoped3A_138 = arith.constant 8 : i32
      "tpu.region"() ({
        %run_scoped3A_216 = tpu.sem_alloc : memref<!tpu.dma_semaphore, #tpu.memory_space<semaphore_mem>>
        %dma_start3A = tpu.memref_slice %arg12[%run_scoped3A_138, %mul3A_137] : memref<16x1024xi32, #tpu.memory_space<vmem_shared>> -> memref<1x256xi32, #tpu.memory_space<vmem_shared>>
        %dma_start3A_217 = tpu.memref_squeeze %dma_start3A : memref<1x256xi32, #tpu.memory_space<vmem_shared>> -> memref<256xi32, #tpu.memory_space<vmem_shared>>
        %dma_start3A_218 = tpu.memref_slice %arg12[%run_scoped3A_138, %mul3A_137] : memref<16x1024xi32, #tpu.memory_space<vmem_shared>> -> memref<1x256xi32, #tpu.memory_space<vmem_shared>>
        %dma_start3A_219 = tpu.memref_squeeze %dma_start3A_218 : memref<1x256xi32, #tpu.memory_space<vmem_shared>> -> memref<256xi32, #tpu.memory_space<vmem_shared>>
        tpu.enqueue_dma source(%dma_start3A_219 : memref<256xi32, #tpu.memory_space<vmem_shared>>) target(%arg8 : memref<256xi32, #tpu.memory_space<vmem>>) target_semaphore(%run_scoped3A_216 : memref<!tpu.dma_semaphore, #tpu.memory_space<semaphore_mem>>)
        %dma_wait3A = tpu.memref_slice %arg12[%run_scoped3A_138, %mul3A_137] : memref<16x1024xi32, #tpu.memory_space<vmem_shared>> -> memref<1x256xi32, #tpu.memory_space<vmem_shared>>
        %dma_wait3A_220 = tpu.memref_squeeze %dma_wait3A : memref<1x256xi32, #tpu.memory_space<vmem_shared>> -> memref<256xi32, #tpu.memory_space<vmem_shared>>
        %dma_wait3A_221 = tpu.memref_slice %arg12[%run_scoped3A_138, %mul3A_137] : memref<16x1024xi32, #tpu.memory_space<vmem_shared>> -> memref<1x256xi32, #tpu.memory_space<vmem_shared>>
        %dma_wait3A_222 = tpu.memref_squeeze %dma_wait3A_221 : memref<1x256xi32, #tpu.memory_space<vmem_shared>> -> memref<256xi32, #tpu.memory_space<vmem_shared>>
        tpu.wait_dma2 semaphore(%run_scoped3A_216 : memref<!tpu.dma_semaphore, #tpu.memory_space<semaphore_mem>>) src(%dma_wait3A_222 : memref<256xi32, #tpu.memory_space<vmem_shared>>) dst(%arg8 : memref<256xi32, #tpu.memory_space<vmem>>)
        tpu.yield
      }) : () -> ()
      %scan3A_139 = arith.constant 0 : i32
      %scan3A_140 = arith.constant 0 : i32
      %scan3A_141 = arith.constant 16 : i32
      %scan3A_142 = arith.addi %scan3A_140, %scan3A_141 : i32
      %scan3A_143 = arith.constant 1 : i32
      %scan3A_144 = scf.for %scan3A_216 = %scan3A_140 to %scan3A_142 step %scan3A_143 iter_args(%scan3A_217 = %scan3A_139) -> (i32)  : i32 {
        %mul3A_218 = arith.constant 16 : i32
        %mul3A_219 = arith.muli %scan3A_216, %mul3A_218 : i32
        %get3A = arith.index_cast %mul3A_219 : i32 to index
        %get3A_220 = tpu.vector_load %arg7[%get3A] {strides = array<i32>} : memref<256xi32, #tpu.memory_space<vmem>>, vector<16xi32>,
        %mul3A_221 = arith.constant 16 : i32
        %mul3A_222 = arith.muli %scan3A_216, %mul3A_221 : i32
        %get3A_223 = arith.index_cast %mul3A_222 : i32 to index
        %get3A_224 = tpu.vector_load %arg8[%get3A_223] {strides = array<i32>} : memref<256xi32, #tpu.memory_space<vmem>>, vector<16xi32>,
        %add3A_225 = arith.addi %get3A_220, %get3A_224 : vector<16xi32>
        %mul3A_226 = arith.constant 16 : i32
        %mul3A_227 = arith.muli %scan3A_216, %mul3A_226 : i32
        %swap3A = arith.index_cast %mul3A_227 : i32 to index
        %swap3A_228 = tpu.vector_load %arg7[%swap3A] {strides = array<i32>} : memref<256xi32, #tpu.memory_space<vmem>>, vector<16xi32>,
        tpu.vector_store %arg7[%swap3A], %add3A_225 {strides = array<i32>} : memref<256xi32, #tpu.memory_space<vmem>>, vector<16xi32>,
        %scan3A_229 = arith.constant 0 : i32
        scf.yield %scan3A_229 : i32
      }
      %scan3A_145 = arith.constant 16 : i32
      %mul3A_146 = arith.constant 256 : i32
      %mul3A_147 = arith.muli %arg1, %mul3A_146 : i32
      %run_scoped3A_148 = arith.constant 9 : i32
      "tpu.region"() ({
        %run_scoped3A_216 = tpu.sem_alloc : memref<!tpu.dma_semaphore, #tpu.memory_space<semaphore_mem>>
        %dma_start3A = tpu.memref_slice %arg12[%run_scoped3A_148, %mul3A_147] : memref<16x1024xi32, #tpu.memory_space<vmem_shared>> -> memref<1x256xi32, #tpu.memory_space<vmem_shared>>
        %dma_start3A_217 = tpu.memref_squeeze %dma_start3A : memref<1x256xi32, #tpu.memory_space<vmem_shared>> -> memref<256xi32, #tpu.memory_space<vmem_shared>>
        %dma_start3A_218 = tpu.memref_slice %arg12[%run_scoped3A_148, %mul3A_147] : memref<16x1024xi32, #tpu.memory_space<vmem_shared>> -> memref<1x256xi32, #tpu.memory_space<vmem_shared>>
        %dma_start3A_219 = tpu.memref_squeeze %dma_start3A_218 : memref<1x256xi32, #tpu.memory_space<vmem_shared>> -> memref<256xi32, #tpu.memory_space<vmem_shared>>
        tpu.enqueue_dma source(%dma_start3A_219 : memref<256xi32, #tpu.memory_space<vmem_shared>>) target(%arg8 : memref<256xi32, #tpu.memory_space<vmem>>) target_semaphore(%run_scoped3A_216 : memref<!tpu.dma_semaphore, #tpu.memory_space<semaphore_mem>>)
        %dma_wait3A = tpu.memref_slice %arg12[%run_scoped3A_148, %mul3A_147] : memref<16x1024xi32, #tpu.memory_space<vmem_shared>> -> memref<1x256xi32, #tpu.memory_space<vmem_shared>>
        %dma_wait3A_220 = tpu.memref_squeeze %dma_wait3A : memref<1x256xi32, #tpu.memory_space<vmem_shared>> -> memref<256xi32, #tpu.memory_space<vmem_shared>>
        %dma_wait3A_221 = tpu.memref_slice %arg12[%run_scoped3A_148, %mul3A_147] : memref<16x1024xi32, #tpu.memory_space<vmem_shared>> -> memref<1x256xi32, #tpu.memory_space<vmem_shared>>
        %dma_wait3A_222 = tpu.memref_squeeze %dma_wait3A_221 : memref<1x256xi32, #tpu.memory_space<vmem_shared>> -> memref<256xi32, #tpu.memory_space<vmem_shared>>
        tpu.wait_dma2 semaphore(%run_scoped3A_216 : memref<!tpu.dma_semaphore, #tpu.memory_space<semaphore_mem>>) src(%dma_wait3A_222 : memref<256xi32, #tpu.memory_space<vmem_shared>>) dst(%arg8 : memref<256xi32, #tpu.memory_space<vmem>>)
        tpu.yield
      }) : () -> ()
      %scan3A_149 = arith.constant 0 : i32
      %scan3A_150 = arith.constant 0 : i32
      %scan3A_151 = arith.constant 16 : i32
      %scan3A_152 = arith.addi %scan3A_150, %scan3A_151 : i32
      %scan3A_153 = arith.constant 1 : i32
      %scan3A_154 = scf.for %scan3A_216 = %scan3A_150 to %scan3A_152 step %scan3A_153 iter_args(%scan3A_217 = %scan3A_149) -> (i32)  : i32 {
        %mul3A_218 = arith.constant 16 : i32
        %mul3A_219 = arith.muli %scan3A_216, %mul3A_218 : i32
        %get3A = arith.index_cast %mul3A_219 : i32 to index
        %get3A_220 = tpu.vector_load %arg7[%get3A] {strides = array<i32>} : memref<256xi32, #tpu.memory_space<vmem>>, vector<16xi32>,
        %mul3A_221 = arith.constant 16 : i32
        %mul3A_222 = arith.muli %scan3A_216, %mul3A_221 : i32
        %get3A_223 = arith.index_cast %mul3A_222 : i32 to index
        %get3A_224 = tpu.vector_load %arg8[%get3A_223] {strides = array<i32>} : memref<256xi32, #tpu.memory_space<vmem>>, vector<16xi32>,
        %add3A_225 = arith.addi %get3A_220, %get3A_224 : vector<16xi32>
        %mul3A_226 = arith.constant 16 : i32
        %mul3A_227 = arith.muli %scan3A_216, %mul3A_226 : i32
        %swap3A = arith.index_cast %mul3A_227 : i32 to index
        %swap3A_228 = tpu.vector_load %arg7[%swap3A] {strides = array<i32>} : memref<256xi32, #tpu.memory_space<vmem>>, vector<16xi32>,
        tpu.vector_store %arg7[%swap3A], %add3A_225 {strides = array<i32>} : memref<256xi32, #tpu.memory_space<vmem>>, vector<16xi32>,
        %scan3A_229 = arith.constant 0 : i32
        scf.yield %scan3A_229 : i32
      }
      %scan3A_155 = arith.constant 16 : i32
      %mul3A_156 = arith.constant 256 : i32
      %mul3A_157 = arith.muli %arg1, %mul3A_156 : i32
      %run_scoped3A_158 = arith.constant 10 : i32
      "tpu.region"() ({
        %run_scoped3A_216 = tpu.sem_alloc : memref<!tpu.dma_semaphore, #tpu.memory_space<semaphore_mem>>
        %dma_start3A = tpu.memref_slice %arg12[%run_scoped3A_158, %mul3A_157] : memref<16x1024xi32, #tpu.memory_space<vmem_shared>> -> memref<1x256xi32, #tpu.memory_space<vmem_shared>>
        %dma_start3A_217 = tpu.memref_squeeze %dma_start3A : memref<1x256xi32, #tpu.memory_space<vmem_shared>> -> memref<256xi32, #tpu.memory_space<vmem_shared>>
        %dma_start3A_218 = tpu.memref_slice %arg12[%run_scoped3A_158, %mul3A_157] : memref<16x1024xi32, #tpu.memory_space<vmem_shared>> -> memref<1x256xi32, #tpu.memory_space<vmem_shared>>
        %dma_start3A_219 = tpu.memref_squeeze %dma_start3A_218 : memref<1x256xi32, #tpu.memory_space<vmem_shared>> -> memref<256xi32, #tpu.memory_space<vmem_shared>>
        tpu.enqueue_dma source(%dma_start3A_219 : memref<256xi32, #tpu.memory_space<vmem_shared>>) target(%arg8 : memref<256xi32, #tpu.memory_space<vmem>>) target_semaphore(%run_scoped3A_216 : memref<!tpu.dma_semaphore, #tpu.memory_space<semaphore_mem>>)
        %dma_wait3A = tpu.memref_slice %arg12[%run_scoped3A_158, %mul3A_157] : memref<16x1024xi32, #tpu.memory_space<vmem_shared>> -> memref<1x256xi32, #tpu.memory_space<vmem_shared>>
        %dma_wait3A_220 = tpu.memref_squeeze %dma_wait3A : memref<1x256xi32, #tpu.memory_space<vmem_shared>> -> memref<256xi32, #tpu.memory_space<vmem_shared>>
        %dma_wait3A_221 = tpu.memref_slice %arg12[%run_scoped3A_158, %mul3A_157] : memref<16x1024xi32, #tpu.memory_space<vmem_shared>> -> memref<1x256xi32, #tpu.memory_space<vmem_shared>>
        %dma_wait3A_222 = tpu.memref_squeeze %dma_wait3A_221 : memref<1x256xi32, #tpu.memory_space<vmem_shared>> -> memref<256xi32, #tpu.memory_space<vmem_shared>>
        tpu.wait_dma2 semaphore(%run_scoped3A_216 : memref<!tpu.dma_semaphore, #tpu.memory_space<semaphore_mem>>) src(%dma_wait3A_222 : memref<256xi32, #tpu.memory_space<vmem_shared>>) dst(%arg8 : memref<256xi32, #tpu.memory_space<vmem>>)
        tpu.yield
      }) : () -> ()
      %scan3A_159 = arith.constant 0 : i32
      %scan3A_160 = arith.constant 0 : i32
      %scan3A_161 = arith.constant 16 : i32
      %scan3A_162 = arith.addi %scan3A_160, %scan3A_161 : i32
      %scan3A_163 = arith.constant 1 : i32
      %scan3A_164 = scf.for %scan3A_216 = %scan3A_160 to %scan3A_162 step %scan3A_163 iter_args(%scan3A_217 = %scan3A_159) -> (i32)  : i32 {
        %mul3A_218 = arith.constant 16 : i32
        %mul3A_219 = arith.muli %scan3A_216, %mul3A_218 : i32
        %get3A = arith.index_cast %mul3A_219 : i32 to index
        %get3A_220 = tpu.vector_load %arg7[%get3A] {strides = array<i32>} : memref<256xi32, #tpu.memory_space<vmem>>, vector<16xi32>,
        %mul3A_221 = arith.constant 16 : i32
        %mul3A_222 = arith.muli %scan3A_216, %mul3A_221 : i32
        %get3A_223 = arith.index_cast %mul3A_222 : i32 to index
        %get3A_224 = tpu.vector_load %arg8[%get3A_223] {strides = array<i32>} : memref<256xi32, #tpu.memory_space<vmem>>, vector<16xi32>,
        %add3A_225 = arith.addi %get3A_220, %get3A_224 : vector<16xi32>
        %mul3A_226 = arith.constant 16 : i32
        %mul3A_227 = arith.muli %scan3A_216, %mul3A_226 : i32
        %swap3A = arith.index_cast %mul3A_227 : i32 to index
        %swap3A_228 = tpu.vector_load %arg7[%swap3A] {strides = array<i32>} : memref<256xi32, #tpu.memory_space<vmem>>, vector<16xi32>,
        tpu.vector_store %arg7[%swap3A], %add3A_225 {strides = array<i32>} : memref<256xi32, #tpu.memory_space<vmem>>, vector<16xi32>,
        %scan3A_229 = arith.constant 0 : i32
        scf.yield %scan3A_229 : i32
      }
      %scan3A_165 = arith.constant 16 : i32
      %mul3A_166 = arith.constant 256 : i32
      %mul3A_167 = arith.muli %arg1, %mul3A_166 : i32
      %run_scoped3A_168 = arith.constant 11 : i32
      "tpu.region"() ({
        %run_scoped3A_216 = tpu.sem_alloc : memref<!tpu.dma_semaphore, #tpu.memory_space<semaphore_mem>>
        %dma_start3A = tpu.memref_slice %arg12[%run_scoped3A_168, %mul3A_167] : memref<16x1024xi32, #tpu.memory_space<vmem_shared>> -> memref<1x256xi32, #tpu.memory_space<vmem_shared>>
        %dma_start3A_217 = tpu.memref_squeeze %dma_start3A : memref<1x256xi32, #tpu.memory_space<vmem_shared>> -> memref<256xi32, #tpu.memory_space<vmem_shared>>
        %dma_start3A_218 = tpu.memref_slice %arg12[%run_scoped3A_168, %mul3A_167] : memref<16x1024xi32, #tpu.memory_space<vmem_shared>> -> memref<1x256xi32, #tpu.memory_space<vmem_shared>>
        %dma_start3A_219 = tpu.memref_squeeze %dma_start3A_218 : memref<1x256xi32, #tpu.memory_space<vmem_shared>> -> memref<256xi32, #tpu.memory_space<vmem_shared>>
        tpu.enqueue_dma source(%dma_start3A_219 : memref<256xi32, #tpu.memory_space<vmem_shared>>) target(%arg8 : memref<256xi32, #tpu.memory_space<vmem>>) target_semaphore(%run_scoped3A_216 : memref<!tpu.dma_semaphore, #tpu.memory_space<semaphore_mem>>)
        %dma_wait3A = tpu.memref_slice %arg12[%run_scoped3A_168, %mul3A_167] : memref<16x1024xi32, #tpu.memory_space<vmem_shared>> -> memref<1x256xi32, #tpu.memory_space<vmem_shared>>
        %dma_wait3A_220 = tpu.memref_squeeze %dma_wait3A : memref<1x256xi32, #tpu.memory_space<vmem_shared>> -> memref<256xi32, #tpu.memory_space<vmem_shared>>
        %dma_wait3A_221 = tpu.memref_slice %arg12[%run_scoped3A_168, %mul3A_167] : memref<16x1024xi32, #tpu.memory_space<vmem_shared>> -> memref<1x256xi32, #tpu.memory_space<vmem_shared>>
        %dma_wait3A_222 = tpu.memref_squeeze %dma_wait3A_221 : memref<1x256xi32, #tpu.memory_space<vmem_shared>> -> memref<256xi32, #tpu.memory_space<vmem_shared>>
        tpu.wait_dma2 semaphore(%run_scoped3A_216 : memref<!tpu.dma_semaphore, #tpu.memory_space<semaphore_mem>>) src(%dma_wait3A_222 : memref<256xi32, #tpu.memory_space<vmem_shared>>) dst(%arg8 : memref<256xi32, #tpu.memory_space<vmem>>)
        tpu.yield
      }) : () -> ()
      %scan3A_169 = arith.constant 0 : i32
      %scan3A_170 = arith.constant 0 : i32
      %scan3A_171 = arith.constant 16 : i32
      %scan3A_172 = arith.addi %scan3A_170, %scan3A_171 : i32
      %scan3A_173 = arith.constant 1 : i32
      %scan3A_174 = scf.for %scan3A_216 = %scan3A_170 to %scan3A_172 step %scan3A_173 iter_args(%scan3A_217 = %scan3A_169) -> (i32)  : i32 {
        %mul3A_218 = arith.constant 16 : i32
        %mul3A_219 = arith.muli %scan3A_216, %mul3A_218 : i32
        %get3A = arith.index_cast %mul3A_219 : i32 to index
        %get3A_220 = tpu.vector_load %arg7[%get3A] {strides = array<i32>} : memref<256xi32, #tpu.memory_space<vmem>>, vector<16xi32>,
        %mul3A_221 = arith.constant 16 : i32
        %mul3A_222 = arith.muli %scan3A_216, %mul3A_221 : i32
        %get3A_223 = arith.index_cast %mul3A_222 : i32 to index
        %get3A_224 = tpu.vector_load %arg8[%get3A_223] {strides = array<i32>} : memref<256xi32, #tpu.memory_space<vmem>>, vector<16xi32>,
        %add3A_225 = arith.addi %get3A_220, %get3A_224 : vector<16xi32>
        %mul3A_226 = arith.constant 16 : i32
        %mul3A_227 = arith.muli %scan3A_216, %mul3A_226 : i32
        %swap3A = arith.index_cast %mul3A_227 : i32 to index
        %swap3A_228 = tpu.vector_load %arg7[%swap3A] {strides = array<i32>} : memref<256xi32, #tpu.memory_space<vmem>>, vector<16xi32>,
        tpu.vector_store %arg7[%swap3A], %add3A_225 {strides = array<i32>} : memref<256xi32, #tpu.memory_space<vmem>>, vector<16xi32>,
        %scan3A_229 = arith.constant 0 : i32
        scf.yield %scan3A_229 : i32
      }
      %scan3A_175 = arith.constant 16 : i32
      %mul3A_176 = arith.constant 256 : i32
      %mul3A_177 = arith.muli %arg1, %mul3A_176 : i32
      %run_scoped3A_178 = arith.constant 12 : i32
      "tpu.region"() ({
        %run_scoped3A_216 = tpu.sem_alloc : memref<!tpu.dma_semaphore, #tpu.memory_space<semaphore_mem>>
        %dma_start3A = tpu.memref_slice %arg12[%run_scoped3A_178, %mul3A_177] : memref<16x1024xi32, #tpu.memory_space<vmem_shared>> -> memref<1x256xi32, #tpu.memory_space<vmem_shared>>
        %dma_start3A_217 = tpu.memref_squeeze %dma_start3A : memref<1x256xi32, #tpu.memory_space<vmem_shared>> -> memref<256xi32, #tpu.memory_space<vmem_shared>>
        %dma_start3A_218 = tpu.memref_slice %arg12[%run_scoped3A_178, %mul3A_177] : memref<16x1024xi32, #tpu.memory_space<vmem_shared>> -> memref<1x256xi32, #tpu.memory_space<vmem_shared>>
        %dma_start3A_219 = tpu.memref_squeeze %dma_start3A_218 : memref<1x256xi32, #tpu.memory_space<vmem_shared>> -> memref<256xi32, #tpu.memory_space<vmem_shared>>
        tpu.enqueue_dma source(%dma_start3A_219 : memref<256xi32, #tpu.memory_space<vmem_shared>>) target(%arg8 : memref<256xi32, #tpu.memory_space<vmem>>) target_semaphore(%run_scoped3A_216 : memref<!tpu.dma_semaphore, #tpu.memory_space<semaphore_mem>>)
        %dma_wait3A = tpu.memref_slice %arg12[%run_scoped3A_178, %mul3A_177] : memref<16x1024xi32, #tpu.memory_space<vmem_shared>> -> memref<1x256xi32, #tpu.memory_space<vmem_shared>>
        %dma_wait3A_220 = tpu.memref_squeeze %dma_wait3A : memref<1x256xi32, #tpu.memory_space<vmem_shared>> -> memref<256xi32, #tpu.memory_space<vmem_shared>>
        %dma_wait3A_221 = tpu.memref_slice %arg12[%run_scoped3A_178, %mul3A_177] : memref<16x1024xi32, #tpu.memory_space<vmem_shared>> -> memref<1x256xi32, #tpu.memory_space<vmem_shared>>
        %dma_wait3A_222 = tpu.memref_squeeze %dma_wait3A_221 : memref<1x256xi32, #tpu.memory_space<vmem_shared>> -> memref<256xi32, #tpu.memory_space<vmem_shared>>
        tpu.wait_dma2 semaphore(%run_scoped3A_216 : memref<!tpu.dma_semaphore, #tpu.memory_space<semaphore_mem>>) src(%dma_wait3A_222 : memref<256xi32, #tpu.memory_space<vmem_shared>>) dst(%arg8 : memref<256xi32, #tpu.memory_space<vmem>>)
        tpu.yield
      }) : () -> ()
      %scan3A_179 = arith.constant 0 : i32
      %scan3A_180 = arith.constant 0 : i32
      %scan3A_181 = arith.constant 16 : i32
      %scan3A_182 = arith.addi %scan3A_180, %scan3A_181 : i32
      %scan3A_183 = arith.constant 1 : i32
      %scan3A_184 = scf.for %scan3A_216 = %scan3A_180 to %scan3A_182 step %scan3A_183 iter_args(%scan3A_217 = %scan3A_179) -> (i32)  : i32 {
        %mul3A_218 = arith.constant 16 : i32
        %mul3A_219 = arith.muli %scan3A_216, %mul3A_218 : i32
        %get3A = arith.index_cast %mul3A_219 : i32 to index
        %get3A_220 = tpu.vector_load %arg7[%get3A] {strides = array<i32>} : memref<256xi32, #tpu.memory_space<vmem>>, vector<16xi32>,
        %mul3A_221 = arith.constant 16 : i32
        %mul3A_222 = arith.muli %scan3A_216, %mul3A_221 : i32
        %get3A_223 = arith.index_cast %mul3A_222 : i32 to index
        %get3A_224 = tpu.vector_load %arg8[%get3A_223] {strides = array<i32>} : memref<256xi32, #tpu.memory_space<vmem>>, vector<16xi32>,
        %add3A_225 = arith.addi %get3A_220, %get3A_224 : vector<16xi32>
        %mul3A_226 = arith.constant 16 : i32
        %mul3A_227 = arith.muli %scan3A_216, %mul3A_226 : i32
        %swap3A = arith.index_cast %mul3A_227 : i32 to index
        %swap3A_228 = tpu.vector_load %arg7[%swap3A] {strides = array<i32>} : memref<256xi32, #tpu.memory_space<vmem>>, vector<16xi32>,
        tpu.vector_store %arg7[%swap3A], %add3A_225 {strides = array<i32>} : memref<256xi32, #tpu.memory_space<vmem>>, vector<16xi32>,
        %scan3A_229 = arith.constant 0 : i32
        scf.yield %scan3A_229 : i32
      }
      %scan3A_185 = arith.constant 16 : i32
      %mul3A_186 = arith.constant 256 : i32
      %mul3A_187 = arith.muli %arg1, %mul3A_186 : i32
      %run_scoped3A_188 = arith.constant 13 : i32
      "tpu.region"() ({
        %run_scoped3A_216 = tpu.sem_alloc : memref<!tpu.dma_semaphore, #tpu.memory_space<semaphore_mem>>
        %dma_start3A = tpu.memref_slice %arg12[%run_scoped3A_188, %mul3A_187] : memref<16x1024xi32, #tpu.memory_space<vmem_shared>> -> memref<1x256xi32, #tpu.memory_space<vmem_shared>>
        %dma_start3A_217 = tpu.memref_squeeze %dma_start3A : memref<1x256xi32, #tpu.memory_space<vmem_shared>> -> memref<256xi32, #tpu.memory_space<vmem_shared>>
        %dma_start3A_218 = tpu.memref_slice %arg12[%run_scoped3A_188, %mul3A_187] : memref<16x1024xi32, #tpu.memory_space<vmem_shared>> -> memref<1x256xi32, #tpu.memory_space<vmem_shared>>
        %dma_start3A_219 = tpu.memref_squeeze %dma_start3A_218 : memref<1x256xi32, #tpu.memory_space<vmem_shared>> -> memref<256xi32, #tpu.memory_space<vmem_shared>>
        tpu.enqueue_dma source(%dma_start3A_219 : memref<256xi32, #tpu.memory_space<vmem_shared>>) target(%arg8 : memref<256xi32, #tpu.memory_space<vmem>>) target_semaphore(%run_scoped3A_216 : memref<!tpu.dma_semaphore, #tpu.memory_space<semaphore_mem>>)
        %dma_wait3A = tpu.memref_slice %arg12[%run_scoped3A_188, %mul3A_187] : memref<16x1024xi32, #tpu.memory_space<vmem_shared>> -> memref<1x256xi32, #tpu.memory_space<vmem_shared>>
        %dma_wait3A_220 = tpu.memref_squeeze %dma_wait3A : memref<1x256xi32, #tpu.memory_space<vmem_shared>> -> memref<256xi32, #tpu.memory_space<vmem_shared>>
        %dma_wait3A_221 = tpu.memref_slice %arg12[%run_scoped3A_188, %mul3A_187] : memref<16x1024xi32, #tpu.memory_space<vmem_shared>> -> memref<1x256xi32, #tpu.memory_space<vmem_shared>>
        %dma_wait3A_222 = tpu.memref_squeeze %dma_wait3A_221 : memref<1x256xi32, #tpu.memory_space<vmem_shared>> -> memref<256xi32, #tpu.memory_space<vmem_shared>>
        tpu.wait_dma2 semaphore(%run_scoped3A_216 : memref<!tpu.dma_semaphore, #tpu.memory_space<semaphore_mem>>) src(%dma_wait3A_222 : memref<256xi32, #tpu.memory_space<vmem_shared>>) dst(%arg8 : memref<256xi32, #tpu.memory_space<vmem>>)
        tpu.yield
      }) : () -> ()
      %scan3A_189 = arith.constant 0 : i32
      %scan3A_190 = arith.constant 0 : i32
      %scan3A_191 = arith.constant 16 : i32
      %scan3A_192 = arith.addi %scan3A_190, %scan3A_191 : i32
      %scan3A_193 = arith.constant 1 : i32
      %scan3A_194 = scf.for %scan3A_216 = %scan3A_190 to %scan3A_192 step %scan3A_193 iter_args(%scan3A_217 = %scan3A_189) -> (i32)  : i32 {
        %mul3A_218 = arith.constant 16 : i32
        %mul3A_219 = arith.muli %scan3A_216, %mul3A_218 : i32
        %get3A = arith.index_cast %mul3A_219 : i32 to index
        %get3A_220 = tpu.vector_load %arg7[%get3A] {strides = array<i32>} : memref<256xi32, #tpu.memory_space<vmem>>, vector<16xi32>,
        %mul3A_221 = arith.constant 16 : i32
        %mul3A_222 = arith.muli %scan3A_216, %mul3A_221 : i32
        %get3A_223 = arith.index_cast %mul3A_222 : i32 to index
        %get3A_224 = tpu.vector_load %arg8[%get3A_223] {strides = array<i32>} : memref<256xi32, #tpu.memory_space<vmem>>, vector<16xi32>,
        %add3A_225 = arith.addi %get3A_220, %get3A_224 : vector<16xi32>
        %mul3A_226 = arith.constant 16 : i32
        %mul3A_227 = arith.muli %scan3A_216, %mul3A_226 : i32
        %swap3A = arith.index_cast %mul3A_227 : i32 to index
        %swap3A_228 = tpu.vector_load %arg7[%swap3A] {strides = array<i32>} : memref<256xi32, #tpu.memory_space<vmem>>, vector<16xi32>,
        tpu.vector_store %arg7[%swap3A], %add3A_225 {strides = array<i32>} : memref<256xi32, #tpu.memory_space<vmem>>, vector<16xi32>,
        %scan3A_229 = arith.constant 0 : i32
        scf.yield %scan3A_229 : i32
      }
      %scan3A_195 = arith.constant 16 : i32
      %mul3A_196 = arith.constant 256 : i32
      %mul3A_197 = arith.muli %arg1, %mul3A_196 : i32
      %run_scoped3A_198 = arith.constant 14 : i32
      "tpu.region"() ({
        %run_scoped3A_216 = tpu.sem_alloc : memref<!tpu.dma_semaphore, #tpu.memory_space<semaphore_mem>>
        %dma_start3A = tpu.memref_slice %arg12[%run_scoped3A_198, %mul3A_197] : memref<16x1024xi32, #tpu.memory_space<vmem_shared>> -> memref<1x256xi32, #tpu.memory_space<vmem_shared>>
        %dma_start3A_217 = tpu.memref_squeeze %dma_start3A : memref<1x256xi32, #tpu.memory_space<vmem_shared>> -> memref<256xi32, #tpu.memory_space<vmem_shared>>
        %dma_start3A_218 = tpu.memref_slice %arg12[%run_scoped3A_198, %mul3A_197] : memref<16x1024xi32, #tpu.memory_space<vmem_shared>> -> memref<1x256xi32, #tpu.memory_space<vmem_shared>>
        %dma_start3A_219 = tpu.memref_squeeze %dma_start3A_218 : memref<1x256xi32, #tpu.memory_space<vmem_shared>> -> memref<256xi32, #tpu.memory_space<vmem_shared>>
        tpu.enqueue_dma source(%dma_start3A_219 : memref<256xi32, #tpu.memory_space<vmem_shared>>) target(%arg8 : memref<256xi32, #tpu.memory_space<vmem>>) target_semaphore(%run_scoped3A_216 : memref<!tpu.dma_semaphore, #tpu.memory_space<semaphore_mem>>)
        %dma_wait3A = tpu.memref_slice %arg12[%run_scoped3A_198, %mul3A_197] : memref<16x1024xi32, #tpu.memory_space<vmem_shared>> -> memref<1x256xi32, #tpu.memory_space<vmem_shared>>
        %dma_wait3A_220 = tpu.memref_squeeze %dma_wait3A : memref<1x256xi32, #tpu.memory_space<vmem_shared>> -> memref<256xi32, #tpu.memory_space<vmem_shared>>
        %dma_wait3A_221 = tpu.memref_slice %arg12[%run_scoped3A_198, %mul3A_197] : memref<16x1024xi32, #tpu.memory_space<vmem_shared>> -> memref<1x256xi32, #tpu.memory_space<vmem_shared>>
        %dma_wait3A_222 = tpu.memref_squeeze %dma_wait3A_221 : memref<1x256xi32, #tpu.memory_space<vmem_shared>> -> memref<256xi32, #tpu.memory_space<vmem_shared>>
        tpu.wait_dma2 semaphore(%run_scoped3A_216 : memref<!tpu.dma_semaphore, #tpu.memory_space<semaphore_mem>>) src(%dma_wait3A_222 : memref<256xi32, #tpu.memory_space<vmem_shared>>) dst(%arg8 : memref<256xi32, #tpu.memory_space<vmem>>)
        tpu.yield
      }) : () -> ()
      %scan3A_199 = arith.constant 0 : i32
      %scan3A_200 = arith.constant 0 : i32
      %scan3A_201 = arith.constant 16 : i32
      %scan3A_202 = arith.addi %scan3A_200, %scan3A_201 : i32
      %scan3A_203 = arith.constant 1 : i32
      %scan3A_204 = scf.for %scan3A_216 = %scan3A_200 to %scan3A_202 step %scan3A_203 iter_args(%scan3A_217 = %scan3A_199) -> (i32)  : i32 {
        %mul3A_218 = arith.constant 16 : i32
        %mul3A_219 = arith.muli %scan3A_216, %mul3A_218 : i32
        %get3A = arith.index_cast %mul3A_219 : i32 to index
        %get3A_220 = tpu.vector_load %arg7[%get3A] {strides = array<i32>} : memref<256xi32, #tpu.memory_space<vmem>>, vector<16xi32>,
        %mul3A_221 = arith.constant 16 : i32
        %mul3A_222 = arith.muli %scan3A_216, %mul3A_221 : i32
        %get3A_223 = arith.index_cast %mul3A_222 : i32 to index
        %get3A_224 = tpu.vector_load %arg8[%get3A_223] {strides = array<i32>} : memref<256xi32, #tpu.memory_space<vmem>>, vector<16xi32>,
        %add3A_225 = arith.addi %get3A_220, %get3A_224 : vector<16xi32>
        %mul3A_226 = arith.constant 16 : i32
        %mul3A_227 = arith.muli %scan3A_216, %mul3A_226 : i32
        %swap3A = arith.index_cast %mul3A_227 : i32 to index
        %swap3A_228 = tpu.vector_load %arg7[%swap3A] {strides = array<i32>} : memref<256xi32, #tpu.memory_space<vmem>>, vector<16xi32>,
        tpu.vector_store %arg7[%swap3A], %add3A_225 {strides = array<i32>} : memref<256xi32, #tpu.memory_space<vmem>>, vector<16xi32>,
        %scan3A_229 = arith.constant 0 : i32
        scf.yield %scan3A_229 : i32
      }
      %scan3A_205 = arith.constant 16 : i32
      %mul3A_206 = arith.constant 256 : i32
      %mul3A_207 = arith.muli %arg1, %mul3A_206 : i32
      %run_scoped3A_208 = arith.constant 15 : i32
      "tpu.region"() ({
        %run_scoped3A_216 = tpu.sem_alloc : memref<!tpu.dma_semaphore, #tpu.memory_space<semaphore_mem>>
        %dma_start3A = tpu.memref_slice %arg12[%run_scoped3A_208, %mul3A_207] : memref<16x1024xi32, #tpu.memory_space<vmem_shared>> -> memref<1x256xi32, #tpu.memory_space<vmem_shared>>
        %dma_start3A_217 = tpu.memref_squeeze %dma_start3A : memref<1x256xi32, #tpu.memory_space<vmem_shared>> -> memref<256xi32, #tpu.memory_space<vmem_shared>>
        %dma_start3A_218 = tpu.memref_slice %arg12[%run_scoped3A_208, %mul3A_207] : memref<16x1024xi32, #tpu.memory_space<vmem_shared>> -> memref<1x256xi32, #tpu.memory_space<vmem_shared>>
        %dma_start3A_219 = tpu.memref_squeeze %dma_start3A_218 : memref<1x256xi32, #tpu.memory_space<vmem_shared>> -> memref<256xi32, #tpu.memory_space<vmem_shared>>
        tpu.enqueue_dma source(%dma_start3A_219 : memref<256xi32, #tpu.memory_space<vmem_shared>>) target(%arg8 : memref<256xi32, #tpu.memory_space<vmem>>) target_semaphore(%run_scoped3A_216 : memref<!tpu.dma_semaphore, #tpu.memory_space<semaphore_mem>>)
        %dma_wait3A = tpu.memref_slice %arg12[%run_scoped3A_208, %mul3A_207] : memref<16x1024xi32, #tpu.memory_space<vmem_shared>> -> memref<1x256xi32, #tpu.memory_space<vmem_shared>>
        %dma_wait3A_220 = tpu.memref_squeeze %dma_wait3A : memref<1x256xi32, #tpu.memory_space<vmem_shared>> -> memref<256xi32, #tpu.memory_space<vmem_shared>>
        %dma_wait3A_221 = tpu.memref_slice %arg12[%run_scoped3A_208, %mul3A_207] : memref<16x1024xi32, #tpu.memory_space<vmem_shared>> -> memref<1x256xi32, #tpu.memory_space<vmem_shared>>
        %dma_wait3A_222 = tpu.memref_squeeze %dma_wait3A_221 : memref<1x256xi32, #tpu.memory_space<vmem_shared>> -> memref<256xi32, #tpu.memory_space<vmem_shared>>
        tpu.wait_dma2 semaphore(%run_scoped3A_216 : memref<!tpu.dma_semaphore, #tpu.memory_space<semaphore_mem>>) src(%dma_wait3A_222 : memref<256xi32, #tpu.memory_space<vmem_shared>>) dst(%arg8 : memref<256xi32, #tpu.memory_space<vmem>>)
        tpu.yield
      }) : () -> ()
      %scan3A_209 = arith.constant 0 : i32
      %scan3A_210 = arith.constant 0 : i32
      %scan3A_211 = arith.constant 16 : i32
      %scan3A_212 = arith.addi %scan3A_210, %scan3A_211 : i32
      %scan3A_213 = arith.constant 1 : i32
      %scan3A_214 = scf.for %scan3A_216 = %scan3A_210 to %scan3A_212 step %scan3A_213 iter_args(%scan3A_217 = %scan3A_209) -> (i32)  : i32 {
        %mul3A_218 = arith.constant 16 : i32
        %mul3A_219 = arith.muli %scan3A_216, %mul3A_218 : i32
        %get3A = arith.index_cast %mul3A_219 : i32 to index
        %get3A_220 = tpu.vector_load %arg7[%get3A] {strides = array<i32>} : memref<256xi32, #tpu.memory_space<vmem>>, vector<16xi32>,
        %mul3A_221 = arith.constant 16 : i32
        %mul3A_222 = arith.muli %scan3A_216, %mul3A_221 : i32
        %get3A_223 = arith.index_cast %mul3A_222 : i32 to index
        %get3A_224 = tpu.vector_load %arg8[%get3A_223] {strides = array<i32>} : memref<256xi32, #tpu.memory_space<vmem>>, vector<16xi32>,
        %add3A_225 = arith.addi %get3A_220, %get3A_224 : vector<16xi32>
        %mul3A_226 = arith.constant 16 : i32
        %mul3A_227 = arith.muli %scan3A_216, %mul3A_226 : i32
        %swap3A = arith.index_cast %mul3A_227 : i32 to index
        %swap3A_228 = tpu.vector_load %arg7[%swap3A] {strides = array<i32>} : memref<256xi32, #tpu.memory_space<vmem>>, vector<16xi32>,
        tpu.vector_store %arg7[%swap3A], %add3A_225 {strides = array<i32>} : memref<256xi32, #tpu.memory_space<vmem>>, vector<16xi32>,
        %scan3A_229 = arith.constant 0 : i32
        scf.yield %scan3A_229 : i32
      }
      %scan3A_215 = arith.constant 16 : i32
      "tpu.region"() ({
        %run_scoped3A_216 = tpu.sem_alloc : memref<!tpu.dma_semaphore, #tpu.memory_space<semaphore_mem>>
        %dma_start3A = arith.constant 0 : i32
        %dma_start3A_217 = tpu.memref_slice %arg13[%arg1, %dma_start3A] : memref<4x256xi32, #tpu.memory_space<vmem_shared>> -> memref<1x256xi32, #tpu.memory_space<vmem_shared>>
        %dma_start3A_218 = tpu.memref_squeeze %dma_start3A_217 : memref<1x256xi32, #tpu.memory_space<vmem_shared>> -> memref<256xi32, #tpu.memory_space<vmem_shared>>
        %dma_start3A_219 = arith.constant 0 : i32
        %dma_start3A_220 = tpu.memref_slice %arg13[%arg1, %dma_start3A_219] : memref<4x256xi32, #tpu.memory_space<vmem_shared>> -> memref<1x256xi32, #tpu.memory_space<vmem_shared>>
        %dma_start3A_221 = tpu.memref_squeeze %dma_start3A_220 : memref<1x256xi32, #tpu.memory_space<vmem_shared>> -> memref<256xi32, #tpu.memory_space<vmem_shared>>
        tpu.enqueue_dma source(%arg7 : memref<256xi32, #tpu.memory_space<vmem>>) target(%dma_start3A_221 : memref<256xi32, #tpu.memory_space<vmem_shared>>) target_semaphore(%run_scoped3A_216 : memref<!tpu.dma_semaphore, #tpu.memory_space<semaphore_mem>>)
        %dma_wait3A = arith.constant 0 : i32
        %dma_wait3A_222 = tpu.memref_slice %arg13[%arg1, %dma_wait3A] : memref<4x256xi32, #tpu.memory_space<vmem_shared>> -> memref<1x256xi32, #tpu.memory_space<vmem_shared>>
        %dma_wait3A_223 = tpu.memref_squeeze %dma_wait3A_222 : memref<1x256xi32, #tpu.memory_space<vmem_shared>> -> memref<256xi32, #tpu.memory_space<vmem_shared>>
        %dma_wait3A_224 = arith.constant 0 : i32
        %dma_wait3A_225 = tpu.memref_slice %arg13[%arg1, %dma_wait3A_224] : memref<4x256xi32, #tpu.memory_space<vmem_shared>> -> memref<1x256xi32, #tpu.memory_space<vmem_shared>>
        %dma_wait3A_226 = tpu.memref_squeeze %dma_wait3A_225 : memref<1x256xi32, #tpu.memory_space<vmem_shared>> -> memref<256xi32, #tpu.memory_space<vmem_shared>>
        tpu.wait_dma2 semaphore(%run_scoped3A_216 : memref<!tpu.dma_semaphore, #tpu.memory_space<semaphore_mem>>) src(%arg7 : memref<256xi32, #tpu.memory_space<vmem>>) dst(%dma_wait3A_226 : memref<256xi32, #tpu.memory_space<vmem_shared>>)
        tpu.yield
      }) : () -> ()
    } else {
    }
    %barrier3A_27 = arith.constant 0 : index
    tpu.barrier barrier_id(%barrier3A_27)
    %add3A_28 = arith.constant 0 : i32
    %add3A_29 = arith.addi %arg1, %add3A_28 : i32
    %lt3A_30 = arith.constant 44 : i32
    %lt3A_31 = arith.cmpi slt, %add3A_29, %lt3A_30 : i32
    %convert_element_type3A_32 = arith.extui %lt3A_31 : i1 to i32
    %cond3A_33 = arith.constant 0 : i32
    %cond3A_34 = arith.cmpi ne, %convert_element_type3A_32, %cond3A_33 : i32
    scf.if %cond3A_34 {
      %jit3A = arith.constant 11 : i32
      %div3A = arith.divsi %add3A_29, %jit3A : i32
      %sign3A = arith.constant 0 : i32
      %sign3A_49 = arith.cmpi sgt, %add3A_29, %sign3A : i32
      %sign3A_50 = arith.extui %sign3A_49 : i1 to i32
      %sign3A_51 = arith.constant 0 : i32
      %sign3A_52 = arith.cmpi slt, %add3A_29, %sign3A_51 : i32
      %sign3A_53 = arith.extui %sign3A_52 : i1 to i32
      %sign3A_54 = arith.subi %sign3A_50, %sign3A_53 : i32
      %sign3A_55 = arith.constant 0 : i32
      %sign3A_56 = arith.cmpi sgt, %jit3A, %sign3A_55 : i32
      %sign3A_57 = arith.extui %sign3A_56 : i1 to i32
      %sign3A_58 = arith.constant 0 : i32
      %sign3A_59 = arith.cmpi slt, %jit3A, %sign3A_58 : i32
      %sign3A_60 = arith.extui %sign3A_59 : i1 to i32
      %sign3A_61 = arith.subi %sign3A_57, %sign3A_60 : i32
      %ne3A = arith.cmpi ne, %sign3A_54, %sign3A_61 : i32
      %rem3A = arith.remsi %add3A_29, %jit3A : i32
      %ne3A_62 = arith.constant 0 : i32
      %ne3A_63 = arith.cmpi ne, %rem3A, %ne3A_62 : i32
      %and3A = arith.andi %ne3A, %ne3A_63 : i1
      %sub3A = arith.constant 1 : i32
      %sub3A_64 = arith.subi %div3A, %sub3A : i32
      %select_n3A = arith.select %and3A, %sub3A_64, %div3A : i32
      %jit3A_65 = arith.constant 11 : i32
      %eq3A = arith.constant 0 : i32
      %eq3A_66 = arith.cmpi eq, %jit3A_65, %eq3A : i32
      %jit3A_67 = arith.constant 1 : i32
      %select_n3A_68 = arith.select %eq3A_66, %jit3A_67, %jit3A_65 : i32
      %rem3A_69 = arith.remsi %add3A_29, %select_n3A_68 : i32
      %ne3A_70 = arith.constant 0 : i32
      %ne3A_71 = arith.cmpi ne, %rem3A_69, %ne3A_70 : i32
      %lt3A_72 = arith.constant 0 : i32
      %lt3A_73 = arith.cmpi slt, %rem3A_69, %lt3A_72 : i32
      %lt3A_74 = arith.constant 0 : i32
      %lt3A_75 = arith.cmpi slt, %select_n3A_68, %lt3A_74 : i32
      %ne3A_76 = arith.xori %lt3A_73, %lt3A_75 : i1
      %and3A_77 = arith.andi %ne3A_76, %ne3A_71 : i1
      %add3A_78 = arith.addi %rem3A_69, %select_n3A_68 : i32
      %select_n3A_79 = arith.select %and3A_77, %add3A_78, %rem3A_69 : i32
      %mul3A_80 = arith.constant 2 : i32
      %mul3A_81 = arith.muli %mul3A_80, %select_n3A : i32
      %add3A_82 = arith.addi %mul3A_81, %arg0 : i32
      %mul3A_83 = arith.constant 11 : i32
      %mul3A_84 = arith.muli %add3A_82, %mul3A_83 : i32
      %add3A_85 = arith.addi %mul3A_84, %select_n3A_79 : i32
      "tpu.region"() ({
        %run_scoped3A_93 = tpu.sem_alloc : memref<!tpu.dma_semaphore, #tpu.memory_space<semaphore_mem>>
        %dma_start3A = arith.constant 0 : i32
        %dma_start3A_94 = tpu.memref_slice %arg3[%add3A_85, %dma_start3A] : memref<88x20480xf32, #tpu.memory_space<hbm>> -> memref<1x20480xf32, #tpu.memory_space<hbm>>
        %dma_start3A_95 = tpu.memref_squeeze %dma_start3A_94 : memref<1x20480xf32, #tpu.memory_space<hbm>> -> memref<20480xf32, #tpu.memory_space<hbm>>
        %dma_start3A_96 = arith.constant 0 : i32
        %dma_start3A_97 = tpu.memref_slice %arg3[%add3A_85, %dma_start3A_96] : memref<88x20480xf32, #tpu.memory_space<hbm>> -> memref<1x20480xf32, #tpu.memory_space<hbm>>
        %dma_start3A_98 = tpu.memref_squeeze %dma_start3A_97 : memref<1x20480xf32, #tpu.memory_space<hbm>> -> memref<20480xf32, #tpu.memory_space<hbm>>
        tpu.enqueue_dma source(%dma_start3A_98 : memref<20480xf32, #tpu.memory_space<hbm>>) target(%arg10 : memref<20480xf32, #tpu.memory_space<vmem>>) target_semaphore(%run_scoped3A_93 : memref<!tpu.dma_semaphore, #tpu.memory_space<semaphore_mem>>)
        %dma_wait3A = arith.constant 0 : i32
        %dma_wait3A_99 = tpu.memref_slice %arg3[%add3A_85, %dma_wait3A] : memref<88x20480xf32, #tpu.memory_space<hbm>> -> memref<1x20480xf32, #tpu.memory_space<hbm>>
        %dma_wait3A_100 = tpu.memref_squeeze %dma_wait3A_99 : memref<1x20480xf32, #tpu.memory_space<hbm>> -> memref<20480xf32, #tpu.memory_space<hbm>>
        %dma_wait3A_101 = arith.constant 0 : i32
        %dma_wait3A_102 = tpu.memref_slice %arg3[%add3A_85, %dma_wait3A_101] : memref<88x20480xf32, #tpu.memory_space<hbm>> -> memref<1x20480xf32, #tpu.memory_space<hbm>>
        %dma_wait3A_103 = tpu.memref_squeeze %dma_wait3A_102 : memref<1x20480xf32, #tpu.memory_space<hbm>> -> memref<20480xf32, #tpu.memory_space<hbm>>
        tpu.wait_dma2 semaphore(%run_scoped3A_93 : memref<!tpu.dma_semaphore, #tpu.memory_space<semaphore_mem>>) src(%dma_wait3A_103 : memref<20480xf32, #tpu.memory_space<hbm>>) dst(%arg10 : memref<20480xf32, #tpu.memory_space<vmem>>)
        tpu.yield
      }) : () -> ()
      "tpu.region"() ({
        %run_scoped3A_93 = tpu.sem_alloc : memref<!tpu.dma_semaphore, #tpu.memory_space<semaphore_mem>>
        %dma_start3A = arith.constant 0 : i32
        %dma_start3A_94 = tpu.memref_slice %arg13[%select_n3A, %dma_start3A] : memref<4x256xi32, #tpu.memory_space<vmem_shared>> -> memref<1x256xi32, #tpu.memory_space<vmem_shared>>
        %dma_start3A_95 = tpu.memref_squeeze %dma_start3A_94 : memref<1x256xi32, #tpu.memory_space<vmem_shared>> -> memref<256xi32, #tpu.memory_space<vmem_shared>>
        %dma_start3A_96 = arith.constant 0 : i32
        %dma_start3A_97 = tpu.memref_slice %arg13[%select_n3A, %dma_start3A_96] : memref<4x256xi32, #tpu.memory_space<vmem_shared>> -> memref<1x256xi32, #tpu.memory_space<vmem_shared>>
        %dma_start3A_98 = tpu.memref_squeeze %dma_start3A_97 : memref<1x256xi32, #tpu.memory_space<vmem_shared>> -> memref<256xi32, #tpu.memory_space<vmem_shared>>
        tpu.enqueue_dma source(%dma_start3A_98 : memref<256xi32, #tpu.memory_space<vmem_shared>>) target(%arg9 : memref<256xi32, #tpu.memory_space<vmem>>) target_semaphore(%run_scoped3A_93 : memref<!tpu.dma_semaphore, #tpu.memory_space<semaphore_mem>>)
        %dma_wait3A = arith.constant 0 : i32
        %dma_wait3A_99 = tpu.memref_slice %arg13[%select_n3A, %dma_wait3A] : memref<4x256xi32, #tpu.memory_space<vmem_shared>> -> memref<1x256xi32, #tpu.memory_space<vmem_shared>>
        %dma_wait3A_100 = tpu.memref_squeeze %dma_wait3A_99 : memref<1x256xi32, #tpu.memory_space<vmem_shared>> -> memref<256xi32, #tpu.memory_space<vmem_shared>>
        %dma_wait3A_101 = arith.constant 0 : i32
        %dma_wait3A_102 = tpu.memref_slice %arg13[%select_n3A, %dma_wait3A_101] : memref<4x256xi32, #tpu.memory_space<vmem_shared>> -> memref<1x256xi32, #tpu.memory_space<vmem_shared>>
        %dma_wait3A_103 = tpu.memref_squeeze %dma_wait3A_102 : memref<1x256xi32, #tpu.memory_space<vmem_shared>> -> memref<256xi32, #tpu.memory_space<vmem_shared>>
        tpu.wait_dma2 semaphore(%run_scoped3A_93 : memref<!tpu.dma_semaphore, #tpu.memory_space<semaphore_mem>>) src(%dma_wait3A_103 : memref<256xi32, #tpu.memory_space<vmem_shared>>) dst(%arg9 : memref<256xi32, #tpu.memory_space<vmem>>)
        tpu.yield
      }) : () -> ()
      %scan3A_86 = arith.constant 0 : i32
      %scan3A_87 = arith.constant 0 : i32
      %scan3A_88 = arith.constant 16 : i32
      %scan3A_89 = arith.addi %scan3A_87, %scan3A_88 : i32
      %scan3A_90 = arith.constant 1 : i32
      %scan3A_91 = scf.for %scan3A_93 = %scan3A_87 to %scan3A_89 step %scan3A_90 iter_args(%scan3A_94 = %scan3A_86) -> (i32)  : i32 {
        %mul3A_95 = arith.constant 16 : i32
        %mul3A_96 = arith.muli %scan3A_93, %mul3A_95 : i32
        %get3A = arith.index_cast %mul3A_96 : i32 to index
        %get3A_97 = tpu.vector_load %arg9[%get3A] {strides = array<i32>} : memref<256xi32, #tpu.memory_space<vmem>>, vector<16xi32>,
        %gather3A = tpu.vector_load_idx %arg10[%get3A_97] : memref<20480xf32, #tpu.memory_space<vmem>>[vector<16xi32>], vector<16xf32>,
        %mul3A_98 = arith.constant 16 : i32
        %mul3A_99 = arith.muli %scan3A_93, %mul3A_98 : i32
        %swap3A = arith.index_cast %mul3A_99 : i32 to index
        %swap3A_100 = tpu.vector_load %arg11[%swap3A] {strides = array<i32>} : memref<256xf32, #tpu.memory_space<vmem>>, vector<16xf32>,
        tpu.vector_store %arg11[%swap3A], %gather3A {strides = array<i32>} : memref<256xf32, #tpu.memory_space<vmem>>, vector<16xf32>,
        %scan3A_101 = arith.constant 0 : i32
        scf.yield %scan3A_101 : i32
      }
      %scan3A_92 = arith.constant 16 : i32
      "tpu.region"() ({
        %run_scoped3A_93 = tpu.sem_alloc : memref<!tpu.dma_semaphore, #tpu.memory_space<semaphore_mem>>
        %dma_start3A = arith.constant 0 : i32
        %dma_start3A_94 = tpu.memref_slice %arg4[%add3A_85, %dma_start3A] : memref<88x256xf32, #tpu.memory_space<hbm>> -> memref<1x256xf32, #tpu.memory_space<hbm>>
        %dma_start3A_95 = tpu.memref_squeeze %dma_start3A_94 : memref<1x256xf32, #tpu.memory_space<hbm>> -> memref<256xf32, #tpu.memory_space<hbm>>
        %dma_start3A_96 = arith.constant 0 : i32
        %dma_start3A_97 = tpu.memref_slice %arg4[%add3A_85, %dma_start3A_96] : memref<88x256xf32, #tpu.memory_space<hbm>> -> memref<1x256xf32, #tpu.memory_space<hbm>>
        %dma_start3A_98 = tpu.memref_squeeze %dma_start3A_97 : memref<1x256xf32, #tpu.memory_space<hbm>> -> memref<256xf32, #tpu.memory_space<hbm>>
        tpu.enqueue_dma source(%arg11 : memref<256xf32, #tpu.memory_space<vmem>>) target(%dma_start3A_98 : memref<256xf32, #tpu.memory_space<hbm>>) target_semaphore(%run_scoped3A_93 : memref<!tpu.dma_semaphore, #tpu.memory_space<semaphore_mem>>)
        %dma_wait3A = arith.constant 0 : i32
        %dma_wait3A_99 = tpu.memref_slice %arg4[%add3A_85, %dma_wait3A] : memref<88x256xf32, #tpu.memory_space<hbm>> -> memref<1x256xf32, #tpu.memory_space<hbm>>
        %dma_wait3A_100 = tpu.memref_squeeze %dma_wait3A_99 : memref<1x256xf32, #tpu.memory_space<hbm>> -> memref<256xf32, #tpu.memory_space<hbm>>
        %dma_wait3A_101 = arith.constant 0 : i32
        %dma_wait3A_102 = tpu.memref_slice %arg4[%add3A_85, %dma_wait3A_101] : memref<88x256xf32, #tpu.memory_space<hbm>> -> memref<1x256xf32, #tpu.memory_space<hbm>>
        %dma_wait3A_103 = tpu.memref_squeeze %dma_wait3A_102 : memref<1x256xf32, #tpu.memory_space<hbm>> -> memref<256xf32, #tpu.memory_space<hbm>>
        tpu.wait_dma2 semaphore(%run_scoped3A_93 : memref<!tpu.dma_semaphore, #tpu.memory_space<semaphore_mem>>) src(%arg11 : memref<256xf32, #tpu.memory_space<vmem>>) dst(%dma_wait3A_103 : memref<256xf32, #tpu.memory_space<hbm>>)
        tpu.yield
      }) : () -> ()
    } else {
    }
    %add3A_35 = arith.constant 16 : i32
    %add3A_36 = arith.addi %arg1, %add3A_35 : i32
    %lt3A_37 = arith.constant 44 : i32
    %lt3A_38 = arith.cmpi slt, %add3A_36, %lt3A_37 : i32
    %convert_element_type3A_39 = arith.extui %lt3A_38 : i1 to i32
    %cond3A_40 = arith.constant 0 : i32
    %cond3A_41 = arith.cmpi ne, %convert_element_type3A_39, %cond3A_40 : i32
    scf.if %cond3A_41 {
      %jit3A = arith.constant 11 : i32
      %div3A = arith.divsi %add3A_36, %jit3A : i32
      %sign3A = arith.constant 0 : i32
      %sign3A_49 = arith.cmpi sgt, %add3A_36, %sign3A : i32
      %sign3A_50 = arith.extui %sign3A_49 : i1 to i32
      %sign3A_51 = arith.constant 0 : i32
      %sign3A_52 = arith.cmpi slt, %add3A_36, %sign3A_51 : i32
      %sign3A_53 = arith.extui %sign3A_52 : i1 to i32
      %sign3A_54 = arith.subi %sign3A_50, %sign3A_53 : i32
      %sign3A_55 = arith.constant 0 : i32
      %sign3A_56 = arith.cmpi sgt, %jit3A, %sign3A_55 : i32
      %sign3A_57 = arith.extui %sign3A_56 : i1 to i32
      %sign3A_58 = arith.constant 0 : i32
      %sign3A_59 = arith.cmpi slt, %jit3A, %sign3A_58 : i32
      %sign3A_60 = arith.extui %sign3A_59 : i1 to i32
      %sign3A_61 = arith.subi %sign3A_57, %sign3A_60 : i32
      %ne3A = arith.cmpi ne, %sign3A_54, %sign3A_61 : i32
      %rem3A = arith.remsi %add3A_36, %jit3A : i32
      %ne3A_62 = arith.constant 0 : i32
      %ne3A_63 = arith.cmpi ne, %rem3A, %ne3A_62 : i32
      %and3A = arith.andi %ne3A, %ne3A_63 : i1
      %sub3A = arith.constant 1 : i32
      %sub3A_64 = arith.subi %div3A, %sub3A : i32
      %select_n3A = arith.select %and3A, %sub3A_64, %div3A : i32
      %jit3A_65 = arith.constant 11 : i32
      %eq3A = arith.constant 0 : i32
      %eq3A_66 = arith.cmpi eq, %jit3A_65, %eq3A : i32
      %jit3A_67 = arith.constant 1 : i32
      %select_n3A_68 = arith.select %eq3A_66, %jit3A_67, %jit3A_65 : i32
      %rem3A_69 = arith.remsi %add3A_36, %select_n3A_68 : i32
      %ne3A_70 = arith.constant 0 : i32
      %ne3A_71 = arith.cmpi ne, %rem3A_69, %ne3A_70 : i32
      %lt3A_72 = arith.constant 0 : i32
      %lt3A_73 = arith.cmpi slt, %rem3A_69, %lt3A_72 : i32
      %lt3A_74 = arith.constant 0 : i32
      %lt3A_75 = arith.cmpi slt, %select_n3A_68, %lt3A_74 : i32
      %ne3A_76 = arith.xori %lt3A_73, %lt3A_75 : i1
      %and3A_77 = arith.andi %ne3A_76, %ne3A_71 : i1
      %add3A_78 = arith.addi %rem3A_69, %select_n3A_68 : i32
      %select_n3A_79 = arith.select %and3A_77, %add3A_78, %rem3A_69 : i32
      %mul3A_80 = arith.constant 2 : i32
      %mul3A_81 = arith.muli %mul3A_80, %select_n3A : i32
      %add3A_82 = arith.addi %mul3A_81, %arg0 : i32
      %mul3A_83 = arith.constant 11 : i32
      %mul3A_84 = arith.muli %add3A_82, %mul3A_83 : i32
      %add3A_85 = arith.addi %mul3A_84, %select_n3A_79 : i32
      "tpu.region"() ({
        %run_scoped3A_93 = tpu.sem_alloc : memref<!tpu.dma_semaphore, #tpu.memory_space<semaphore_mem>>
        %dma_start3A = arith.constant 0 : i32
        %dma_start3A_94 = tpu.memref_slice %arg3[%add3A_85, %dma_start3A] : memref<88x20480xf32, #tpu.memory_space<hbm>> -> memref<1x20480xf32, #tpu.memory_space<hbm>>
        %dma_start3A_95 = tpu.memref_squeeze %dma_start3A_94 : memref<1x20480xf32, #tpu.memory_space<hbm>> -> memref<20480xf32, #tpu.memory_space<hbm>>
        %dma_start3A_96 = arith.constant 0 : i32
        %dma_start3A_97 = tpu.memref_slice %arg3[%add3A_85, %dma_start3A_96] : memref<88x20480xf32, #tpu.memory_space<hbm>> -> memref<1x20480xf32, #tpu.memory_space<hbm>>
        %dma_start3A_98 = tpu.memref_squeeze %dma_start3A_97 : memref<1x20480xf32, #tpu.memory_space<hbm>> -> memref<20480xf32, #tpu.memory_space<hbm>>
        tpu.enqueue_dma source(%dma_start3A_98 : memref<20480xf32, #tpu.memory_space<hbm>>) target(%arg10 : memref<20480xf32, #tpu.memory_space<vmem>>) target_semaphore(%run_scoped3A_93 : memref<!tpu.dma_semaphore, #tpu.memory_space<semaphore_mem>>)
        %dma_wait3A = arith.constant 0 : i32
        %dma_wait3A_99 = tpu.memref_slice %arg3[%add3A_85, %dma_wait3A] : memref<88x20480xf32, #tpu.memory_space<hbm>> -> memref<1x20480xf32, #tpu.memory_space<hbm>>
        %dma_wait3A_100 = tpu.memref_squeeze %dma_wait3A_99 : memref<1x20480xf32, #tpu.memory_space<hbm>> -> memref<20480xf32, #tpu.memory_space<hbm>>
        %dma_wait3A_101 = arith.constant 0 : i32
        %dma_wait3A_102 = tpu.memref_slice %arg3[%add3A_85, %dma_wait3A_101] : memref<88x20480xf32, #tpu.memory_space<hbm>> -> memref<1x20480xf32, #tpu.memory_space<hbm>>
        %dma_wait3A_103 = tpu.memref_squeeze %dma_wait3A_102 : memref<1x20480xf32, #tpu.memory_space<hbm>> -> memref<20480xf32, #tpu.memory_space<hbm>>
        tpu.wait_dma2 semaphore(%run_scoped3A_93 : memref<!tpu.dma_semaphore, #tpu.memory_space<semaphore_mem>>) src(%dma_wait3A_103 : memref<20480xf32, #tpu.memory_space<hbm>>) dst(%arg10 : memref<20480xf32, #tpu.memory_space<vmem>>)
        tpu.yield
      }) : () -> ()
      "tpu.region"() ({
        %run_scoped3A_93 = tpu.sem_alloc : memref<!tpu.dma_semaphore, #tpu.memory_space<semaphore_mem>>
        %dma_start3A = arith.constant 0 : i32
        %dma_start3A_94 = tpu.memref_slice %arg13[%select_n3A, %dma_start3A] : memref<4x256xi32, #tpu.memory_space<vmem_shared>> -> memref<1x256xi32, #tpu.memory_space<vmem_shared>>
        %dma_start3A_95 = tpu.memref_squeeze %dma_start3A_94 : memref<1x256xi32, #tpu.memory_space<vmem_shared>> -> memref<256xi32, #tpu.memory_space<vmem_shared>>
        %dma_start3A_96 = arith.constant 0 : i32
        %dma_start3A_97 = tpu.memref_slice %arg13[%select_n3A, %dma_start3A_96] : memref<4x256xi32, #tpu.memory_space<vmem_shared>> -> memref<1x256xi32, #tpu.memory_space<vmem_shared>>
        %dma_start3A_98 = tpu.memref_squeeze %dma_start3A_97 : memref<1x256xi32, #tpu.memory_space<vmem_shared>> -> memref<256xi32, #tpu.memory_space<vmem_shared>>
        tpu.enqueue_dma source(%dma_start3A_98 : memref<256xi32, #tpu.memory_space<vmem_shared>>) target(%arg9 : memref<256xi32, #tpu.memory_space<vmem>>) target_semaphore(%run_scoped3A_93 : memref<!tpu.dma_semaphore, #tpu.memory_space<semaphore_mem>>)
        %dma_wait3A = arith.constant 0 : i32
        %dma_wait3A_99 = tpu.memref_slice %arg13[%select_n3A, %dma_wait3A] : memref<4x256xi32, #tpu.memory_space<vmem_shared>> -> memref<1x256xi32, #tpu.memory_space<vmem_shared>>
        %dma_wait3A_100 = tpu.memref_squeeze %dma_wait3A_99 : memref<1x256xi32, #tpu.memory_space<vmem_shared>> -> memref<256xi32, #tpu.memory_space<vmem_shared>>
        %dma_wait3A_101 = arith.constant 0 : i32
        %dma_wait3A_102 = tpu.memref_slice %arg13[%select_n3A, %dma_wait3A_101] : memref<4x256xi32, #tpu.memory_space<vmem_shared>> -> memref<1x256xi32, #tpu.memory_space<vmem_shared>>
        %dma_wait3A_103 = tpu.memref_squeeze %dma_wait3A_102 : memref<1x256xi32, #tpu.memory_space<vmem_shared>> -> memref<256xi32, #tpu.memory_space<vmem_shared>>
        tpu.wait_dma2 semaphore(%run_scoped3A_93 : memref<!tpu.dma_semaphore, #tpu.memory_space<semaphore_mem>>) src(%dma_wait3A_103 : memref<256xi32, #tpu.memory_space<vmem_shared>>) dst(%arg9 : memref<256xi32, #tpu.memory_space<vmem>>)
        tpu.yield
      }) : () -> ()
      %scan3A_86 = arith.constant 0 : i32
      %scan3A_87 = arith.constant 0 : i32
      %scan3A_88 = arith.constant 16 : i32
      %scan3A_89 = arith.addi %scan3A_87, %scan3A_88 : i32
      %scan3A_90 = arith.constant 1 : i32
      %scan3A_91 = scf.for %scan3A_93 = %scan3A_87 to %scan3A_89 step %scan3A_90 iter_args(%scan3A_94 = %scan3A_86) -> (i32)  : i32 {
        %mul3A_95 = arith.constant 16 : i32
        %mul3A_96 = arith.muli %scan3A_93, %mul3A_95 : i32
        %get3A = arith.index_cast %mul3A_96 : i32 to index
        %get3A_97 = tpu.vector_load %arg9[%get3A] {strides = array<i32>} : memref<256xi32, #tpu.memory_space<vmem>>, vector<16xi32>,
        %gather3A = tpu.vector_load_idx %arg10[%get3A_97] : memref<20480xf32, #tpu.memory_space<vmem>>[vector<16xi32>], vector<16xf32>,
        %mul3A_98 = arith.constant 16 : i32
        %mul3A_99 = arith.muli %scan3A_93, %mul3A_98 : i32
        %swap3A = arith.index_cast %mul3A_99 : i32 to index
        %swap3A_100 = tpu.vector_load %arg11[%swap3A] {strides = array<i32>} : memref<256xf32, #tpu.memory_space<vmem>>, vector<16xf32>,
        tpu.vector_store %arg11[%swap3A], %gather3A {strides = array<i32>} : memref<256xf32, #tpu.memory_space<vmem>>, vector<16xf32>,
        %scan3A_101 = arith.constant 0 : i32
        scf.yield %scan3A_101 : i32
      }
      %scan3A_92 = arith.constant 16 : i32
      "tpu.region"() ({
        %run_scoped3A_93 = tpu.sem_alloc : memref<!tpu.dma_semaphore, #tpu.memory_space<semaphore_mem>>
        %dma_start3A = arith.constant 0 : i32
        %dma_start3A_94 = tpu.memref_slice %arg4[%add3A_85, %dma_start3A] : memref<88x256xf32, #tpu.memory_space<hbm>> -> memref<1x256xf32, #tpu.memory_space<hbm>>
        %dma_start3A_95 = tpu.memref_squeeze %dma_start3A_94 : memref<1x256xf32, #tpu.memory_space<hbm>> -> memref<256xf32, #tpu.memory_space<hbm>>
        %dma_start3A_96 = arith.constant 0 : i32
        %dma_start3A_97 = tpu.memref_slice %arg4[%add3A_85, %dma_start3A_96] : memref<88x256xf32, #tpu.memory_space<hbm>> -> memref<1x256xf32, #tpu.memory_space<hbm>>
        %dma_start3A_98 = tpu.memref_squeeze %dma_start3A_97 : memref<1x256xf32, #tpu.memory_space<hbm>> -> memref<256xf32, #tpu.memory_space<hbm>>
        tpu.enqueue_dma source(%arg11 : memref<256xf32, #tpu.memory_space<vmem>>) target(%dma_start3A_98 : memref<256xf32, #tpu.memory_space<hbm>>) target_semaphore(%run_scoped3A_93 : memref<!tpu.dma_semaphore, #tpu.memory_space<semaphore_mem>>)
        %dma_wait3A = arith.constant 0 : i32
        %dma_wait3A_99 = tpu.memref_slice %arg4[%add3A_85, %dma_wait3A] : memref<88x256xf32, #tpu.memory_space<hbm>> -> memref<1x256xf32, #tpu.memory_space<hbm>>
        %dma_wait3A_100 = tpu.memref_squeeze %dma_wait3A_99 : memref<1x256xf32, #tpu.memory_space<hbm>> -> memref<256xf32, #tpu.memory_space<hbm>>
        %dma_wait3A_101 = arith.constant 0 : i32
        %dma_wait3A_102 = tpu.memref_slice %arg4[%add3A_85, %dma_wait3A_101] : memref<88x256xf32, #tpu.memory_space<hbm>> -> memref<1x256xf32, #tpu.memory_space<hbm>>
        %dma_wait3A_103 = tpu.memref_squeeze %dma_wait3A_102 : memref<1x256xf32, #tpu.memory_space<hbm>> -> memref<256xf32, #tpu.memory_space<hbm>>
        tpu.wait_dma2 semaphore(%run_scoped3A_93 : memref<!tpu.dma_semaphore, #tpu.memory_space<semaphore_mem>>) src(%arg11 : memref<256xf32, #tpu.memory_space<vmem>>) dst(%dma_wait3A_103 : memref<256xf32, #tpu.memory_space<hbm>>)
        tpu.yield
      }) : () -> ()
    } else {
    }
    %add3A_42 = arith.constant 32 : i32
    %add3A_43 = arith.addi %arg1, %add3A_42 : i32
    %lt3A_44 = arith.constant 44 : i32
    %lt3A_45 = arith.cmpi slt, %add3A_43, %lt3A_44 : i32
    %convert_element_type3A_46 = arith.extui %lt3A_45 : i1 to i32
    %cond3A_47 = arith.constant 0 : i32
    %cond3A_48 = arith.cmpi ne, %convert_element_type3A_46, %cond3A_47 : i32
    scf.if %cond3A_48 {
      %jit3A = arith.constant 11 : i32
      %div3A = arith.divsi %add3A_43, %jit3A : i32
      %sign3A = arith.constant 0 : i32
      %sign3A_49 = arith.cmpi sgt, %add3A_43, %sign3A : i32
      %sign3A_50 = arith.extui %sign3A_49 : i1 to i32
      %sign3A_51 = arith.constant 0 : i32
      %sign3A_52 = arith.cmpi slt, %add3A_43, %sign3A_51 : i32
      %sign3A_53 = arith.extui %sign3A_52 : i1 to i32
      %sign3A_54 = arith.subi %sign3A_50, %sign3A_53 : i32
      %sign3A_55 = arith.constant 0 : i32
      %sign3A_56 = arith.cmpi sgt, %jit3A, %sign3A_55 : i32
      %sign3A_57 = arith.extui %sign3A_56 : i1 to i32
      %sign3A_58 = arith.constant 0 : i32
      %sign3A_59 = arith.cmpi slt, %jit3A, %sign3A_58 : i32
      %sign3A_60 = arith.extui %sign3A_59 : i1 to i32
      %sign3A_61 = arith.subi %sign3A_57, %sign3A_60 : i32
      %ne3A = arith.cmpi ne, %sign3A_54, %sign3A_61 : i32
      %rem3A = arith.remsi %add3A_43, %jit3A : i32
      %ne3A_62 = arith.constant 0 : i32
      %ne3A_63 = arith.cmpi ne, %rem3A, %ne3A_62 : i32
      %and3A = arith.andi %ne3A, %ne3A_63 : i1
      %sub3A = arith.constant 1 : i32
      %sub3A_64 = arith.subi %div3A, %sub3A : i32
      %select_n3A = arith.select %and3A, %sub3A_64, %div3A : i32
      %jit3A_65 = arith.constant 11 : i32
      %eq3A = arith.constant 0 : i32
      %eq3A_66 = arith.cmpi eq, %jit3A_65, %eq3A : i32
      %jit3A_67 = arith.constant 1 : i32
      %select_n3A_68 = arith.select %eq3A_66, %jit3A_67, %jit3A_65 : i32
      %rem3A_69 = arith.remsi %add3A_43, %select_n3A_68 : i32
      %ne3A_70 = arith.constant 0 : i32
      %ne3A_71 = arith.cmpi ne, %rem3A_69, %ne3A_70 : i32
      %lt3A_72 = arith.constant 0 : i32
      %lt3A_73 = arith.cmpi slt, %rem3A_69, %lt3A_72 : i32
      %lt3A_74 = arith.constant 0 : i32
      %lt3A_75 = arith.cmpi slt, %select_n3A_68, %lt3A_74 : i32
      %ne3A_76 = arith.xori %lt3A_73, %lt3A_75 : i1
      %and3A_77 = arith.andi %ne3A_76, %ne3A_71 : i1
      %add3A_78 = arith.addi %rem3A_69, %select_n3A_68 : i32
      %select_n3A_79 = arith.select %and3A_77, %add3A_78, %rem3A_69 : i32
      %mul3A_80 = arith.constant 2 : i32
      %mul3A_81 = arith.muli %mul3A_80, %select_n3A : i32
      %add3A_82 = arith.addi %mul3A_81, %arg0 : i32
      %mul3A_83 = arith.constant 11 : i32
      %mul3A_84 = arith.muli %add3A_82, %mul3A_83 : i32
      %add3A_85 = arith.addi %mul3A_84, %select_n3A_79 : i32
      "tpu.region"() ({
        %run_scoped3A_93 = tpu.sem_alloc : memref<!tpu.dma_semaphore, #tpu.memory_space<semaphore_mem>>
        %dma_start3A = arith.constant 0 : i32
        %dma_start3A_94 = tpu.memref_slice %arg3[%add3A_85, %dma_start3A] : memref<88x20480xf32, #tpu.memory_space<hbm>> -> memref<1x20480xf32, #tpu.memory_space<hbm>>
        %dma_start3A_95 = tpu.memref_squeeze %dma_start3A_94 : memref<1x20480xf32, #tpu.memory_space<hbm>> -> memref<20480xf32, #tpu.memory_space<hbm>>
        %dma_start3A_96 = arith.constant 0 : i32
        %dma_start3A_97 = tpu.memref_slice %arg3[%add3A_85, %dma_start3A_96] : memref<88x20480xf32, #tpu.memory_space<hbm>> -> memref<1x20480xf32, #tpu.memory_space<hbm>>
        %dma_start3A_98 = tpu.memref_squeeze %dma_start3A_97 : memref<1x20480xf32, #tpu.memory_space<hbm>> -> memref<20480xf32, #tpu.memory_space<hbm>>
        tpu.enqueue_dma source(%dma_start3A_98 : memref<20480xf32, #tpu.memory_space<hbm>>) target(%arg10 : memref<20480xf32, #tpu.memory_space<vmem>>) target_semaphore(%run_scoped3A_93 : memref<!tpu.dma_semaphore, #tpu.memory_space<semaphore_mem>>)
        %dma_wait3A = arith.constant 0 : i32
        %dma_wait3A_99 = tpu.memref_slice %arg3[%add3A_85, %dma_wait3A] : memref<88x20480xf32, #tpu.memory_space<hbm>> -> memref<1x20480xf32, #tpu.memory_space<hbm>>
        %dma_wait3A_100 = tpu.memref_squeeze %dma_wait3A_99 : memref<1x20480xf32, #tpu.memory_space<hbm>> -> memref<20480xf32, #tpu.memory_space<hbm>>
        %dma_wait3A_101 = arith.constant 0 : i32
        %dma_wait3A_102 = tpu.memref_slice %arg3[%add3A_85, %dma_wait3A_101] : memref<88x20480xf32, #tpu.memory_space<hbm>> -> memref<1x20480xf32, #tpu.memory_space<hbm>>
        %dma_wait3A_103 = tpu.memref_squeeze %dma_wait3A_102 : memref<1x20480xf32, #tpu.memory_space<hbm>> -> memref<20480xf32, #tpu.memory_space<hbm>>
        tpu.wait_dma2 semaphore(%run_scoped3A_93 : memref<!tpu.dma_semaphore, #tpu.memory_space<semaphore_mem>>) src(%dma_wait3A_103 : memref<20480xf32, #tpu.memory_space<hbm>>) dst(%arg10 : memref<20480xf32, #tpu.memory_space<vmem>>)
        tpu.yield
      }) : () -> ()
      "tpu.region"() ({
        %run_scoped3A_93 = tpu.sem_alloc : memref<!tpu.dma_semaphore, #tpu.memory_space<semaphore_mem>>
        %dma_start3A = arith.constant 0 : i32
        %dma_start3A_94 = tpu.memref_slice %arg13[%select_n3A, %dma_start3A] : memref<4x256xi32, #tpu.memory_space<vmem_shared>> -> memref<1x256xi32, #tpu.memory_space<vmem_shared>>
        %dma_start3A_95 = tpu.memref_squeeze %dma_start3A_94 : memref<1x256xi32, #tpu.memory_space<vmem_shared>> -> memref<256xi32, #tpu.memory_space<vmem_shared>>
        %dma_start3A_96 = arith.constant 0 : i32
        %dma_start3A_97 = tpu.memref_slice %arg13[%select_n3A, %dma_start3A_96] : memref<4x256xi32, #tpu.memory_space<vmem_shared>> -> memref<1x256xi32, #tpu.memory_space<vmem_shared>>
        %dma_start3A_98 = tpu.memref_squeeze %dma_start3A_97 : memref<1x256xi32, #tpu.memory_space<vmem_shared>> -> memref<256xi32, #tpu.memory_space<vmem_shared>>
        tpu.enqueue_dma source(%dma_start3A_98 : memref<256xi32, #tpu.memory_space<vmem_shared>>) target(%arg9 : memref<256xi32, #tpu.memory_space<vmem>>) target_semaphore(%run_scoped3A_93 : memref<!tpu.dma_semaphore, #tpu.memory_space<semaphore_mem>>)
        %dma_wait3A = arith.constant 0 : i32
        %dma_wait3A_99 = tpu.memref_slice %arg13[%select_n3A, %dma_wait3A] : memref<4x256xi32, #tpu.memory_space<vmem_shared>> -> memref<1x256xi32, #tpu.memory_space<vmem_shared>>
        %dma_wait3A_100 = tpu.memref_squeeze %dma_wait3A_99 : memref<1x256xi32, #tpu.memory_space<vmem_shared>> -> memref<256xi32, #tpu.memory_space<vmem_shared>>
        %dma_wait3A_101 = arith.constant 0 : i32
        %dma_wait3A_102 = tpu.memref_slice %arg13[%select_n3A, %dma_wait3A_101] : memref<4x256xi32, #tpu.memory_space<vmem_shared>> -> memref<1x256xi32, #tpu.memory_space<vmem_shared>>
        %dma_wait3A_103 = tpu.memref_squeeze %dma_wait3A_102 : memref<1x256xi32, #tpu.memory_space<vmem_shared>> -> memref<256xi32, #tpu.memory_space<vmem_shared>>
        tpu.wait_dma2 semaphore(%run_scoped3A_93 : memref<!tpu.dma_semaphore, #tpu.memory_space<semaphore_mem>>) src(%dma_wait3A_103 : memref<256xi32, #tpu.memory_space<vmem_shared>>) dst(%arg9 : memref<256xi32, #tpu.memory_space<vmem>>)
        tpu.yield
      }) : () -> ()
      %scan3A_86 = arith.constant 0 : i32
      %scan3A_87 = arith.constant 0 : i32
      %scan3A_88 = arith.constant 16 : i32
      %scan3A_89 = arith.addi %scan3A_87, %scan3A_88 : i32
      %scan3A_90 = arith.constant 1 : i32
      %scan3A_91 = scf.for %scan3A_93 = %scan3A_87 to %scan3A_89 step %scan3A_90 iter_args(%scan3A_94 = %scan3A_86) -> (i32)  : i32 {
        %mul3A_95 = arith.constant 16 : i32
        %mul3A_96 = arith.muli %scan3A_93, %mul3A_95 : i32
        %get3A = arith.index_cast %mul3A_96 : i32 to index
        %get3A_97 = tpu.vector_load %arg9[%get3A] {strides = array<i32>} : memref<256xi32, #tpu.memory_space<vmem>>, vector<16xi32>,
        %gather3A = tpu.vector_load_idx %arg10[%get3A_97] : memref<20480xf32, #tpu.memory_space<vmem>>[vector<16xi32>], vector<16xf32>,
        %mul3A_98 = arith.constant 16 : i32
        %mul3A_99 = arith.muli %scan3A_93, %mul3A_98 : i32
        %swap3A = arith.index_cast %mul3A_99 : i32 to index
        %swap3A_100 = tpu.vector_load %arg11[%swap3A] {strides = array<i32>} : memref<256xf32, #tpu.memory_space<vmem>>, vector<16xf32>,
        tpu.vector_store %arg11[%swap3A], %gather3A {strides = array<i32>} : memref<256xf32, #tpu.memory_space<vmem>>, vector<16xf32>,
        %scan3A_101 = arith.constant 0 : i32
        scf.yield %scan3A_101 : i32
      }
      %scan3A_92 = arith.constant 16 : i32
      "tpu.region"() ({
        %run_scoped3A_93 = tpu.sem_alloc : memref<!tpu.dma_semaphore, #tpu.memory_space<semaphore_mem>>
        %dma_start3A = arith.constant 0 : i32
        %dma_start3A_94 = tpu.memref_slice %arg4[%add3A_85, %dma_start3A] : memref<88x256xf32, #tpu.memory_space<hbm>> -> memref<1x256xf32, #tpu.memory_space<hbm>>
        %dma_start3A_95 = tpu.memref_squeeze %dma_start3A_94 : memref<1x256xf32, #tpu.memory_space<hbm>> -> memref<256xf32, #tpu.memory_space<hbm>>
        %dma_start3A_96 = arith.constant 0 : i32
        %dma_start3A_97 = tpu.memref_slice %arg4[%add3A_85, %dma_start3A_96] : memref<88x256xf32, #tpu.memory_space<hbm>> -> memref<1x256xf32, #tpu.memory_space<hbm>>
        %dma_start3A_98 = tpu.memref_squeeze %dma_start3A_97 : memref<1x256xf32, #tpu.memory_space<hbm>> -> memref<256xf32, #tpu.memory_space<hbm>>
        tpu.enqueue_dma source(%arg11 : memref<256xf32, #tpu.memory_space<vmem>>) target(%dma_start3A_98 : memref<256xf32, #tpu.memory_space<hbm>>) target_semaphore(%run_scoped3A_93 : memref<!tpu.dma_semaphore, #tpu.memory_space<semaphore_mem>>)
        %dma_wait3A = arith.constant 0 : i32
        %dma_wait3A_99 = tpu.memref_slice %arg4[%add3A_85, %dma_wait3A] : memref<88x256xf32, #tpu.memory_space<hbm>> -> memref<1x256xf32, #tpu.memory_space<hbm>>
        %dma_wait3A_100 = tpu.memref_squeeze %dma_wait3A_99 : memref<1x256xf32, #tpu.memory_space<hbm>> -> memref<256xf32, #tpu.memory_space<hbm>>
        %dma_wait3A_101 = arith.constant 0 : i32
        %dma_wait3A_102 = tpu.memref_slice %arg4[%add3A_85, %dma_wait3A_101] : memref<88x256xf32, #tpu.memory_space<hbm>> -> memref<1x256xf32, #tpu.memory_space<hbm>>
        %dma_wait3A_103 = tpu.memref_squeeze %dma_wait3A_102 : memref<1x256xf32, #tpu.memory_space<hbm>> -> memref<256xf32, #tpu.memory_space<hbm>>
        tpu.wait_dma2 semaphore(%run_scoped3A_93 : memref<!tpu.dma_semaphore, #tpu.memory_space<semaphore_mem>>) src(%arg11 : memref<256xf32, #tpu.memory_space<vmem>>) dst(%dma_wait3A_103 : memref<256xf32, #tpu.memory_space<hbm>>)
        tpu.yield
      }) : () -> ()
    } else {
    }
    return
  }
}

module attributes {stable_mosaic.version = 14 : i64} {
  func.func @_tc_body(%arg0: i32, %arg1: memref<1x4x160x128xf32, #tpu.memory_space<vmem>>, %arg2: memref<1x5x104x1xf32, #tpu.memory_space<vmem>>, %arg3: memref<1x2x160x128xf32, #tpu.memory_space<vmem>>, %arg4: memref<1x11x160x128xf32, #tpu.memory_space<vmem>>, %arg5: memref<1x1x160x128xi32, #tpu.memory_space<vmem>>, %arg6: memref<160x128xf32, #tpu.memory_space<vmem>>, %arg7: memref<160x128xf32, #tpu.memory_space<vmem>>) attributes {dimension_semantics = [#tpu.dimension_semantics<arbitrary>], iteration_bounds = array<i64: 8>, scalar_prefetch = 0 : i64, scratch_operands = 2 : i64, tpu.core_type = #tpu.core_type<tc>, window_params = [{transform_indices = @transform_0, window_bounds = array<i64: 1, 4, 160, 128>}, {transform_indices = @transform_1, window_bounds = array<i64: 1, 5, 104, 1>}, {transform_indices = @transform_2, window_bounds = array<i64: 1, 2, 160, 128>}, {transform_indices = @transform_3, window_bounds = array<i64: 1, 11, 160, 128>}, {transform_indices = @transform_4, window_bounds = array<i64: 1, 1, 160, 128>}]} {
    %get3A = arith.constant 0 : index
    %get3A_0 = arith.constant 0 : index
    %get3A_1 = arith.constant 0 : index
    %get3A_2 = arith.constant 0 : index
    %get3A_3 = vector.load %arg2[%get3A, %get3A_0, %get3A_1, %get3A_2] : memref<1x5x104x1xf32, #tpu.memory_space<vmem>>, vector<1x1x104x1xf32>
    %get3A_4 = vector.shape_cast %get3A_3 : vector<1x1x104x1xf32> to vector<104x1xf32>
    %broadcast_in_dim3A = vector.shape_cast %get3A_4 : vector<104x1xf32> to vector<104x1x1xf32>
    %broadcast_in_dim3A_5 = vector.shape_cast %broadcast_in_dim3A : vector<104x1x1xf32> to vector<104x1x1xf32>
    %broadcast_in_dim3A_6 = vector.broadcast %broadcast_in_dim3A_5 : vector<104x1x1xf32> to vector<104x8x128xf32>
    %get3A_7 = arith.constant 0 : index
    %get3A_8 = arith.constant 1 : index
    %get3A_9 = arith.constant 0 : index
    %get3A_10 = arith.constant 0 : index
    %get3A_11 = vector.load %arg2[%get3A_7, %get3A_8, %get3A_9, %get3A_10] : memref<1x5x104x1xf32, #tpu.memory_space<vmem>>, vector<1x1x104x1xf32>
    %get3A_12 = vector.shape_cast %get3A_11 : vector<1x1x104x1xf32> to vector<104x1xf32>
    %broadcast_in_dim3A_13 = vector.shape_cast %get3A_12 : vector<104x1xf32> to vector<104x1x1xf32>
    %broadcast_in_dim3A_14 = vector.shape_cast %broadcast_in_dim3A_13 : vector<104x1x1xf32> to vector<104x1x1xf32>
    %broadcast_in_dim3A_15 = vector.broadcast %broadcast_in_dim3A_14 : vector<104x1x1xf32> to vector<104x8x128xf32>
    %get3A_16 = arith.constant 0 : index
    %get3A_17 = arith.constant 2 : index
    %get3A_18 = arith.constant 0 : index
    %get3A_19 = arith.constant 0 : index
    %get3A_20 = vector.load %arg2[%get3A_16, %get3A_17, %get3A_18, %get3A_19] : memref<1x5x104x1xf32, #tpu.memory_space<vmem>>, vector<1x1x104x1xf32>
    %get3A_21 = vector.shape_cast %get3A_20 : vector<1x1x104x1xf32> to vector<104x1xf32>
    %broadcast_in_dim3A_22 = vector.shape_cast %get3A_21 : vector<104x1xf32> to vector<104x1x1xf32>
    %broadcast_in_dim3A_23 = vector.shape_cast %broadcast_in_dim3A_22 : vector<104x1x1xf32> to vector<104x1x1xf32>
    %broadcast_in_dim3A_24 = vector.broadcast %broadcast_in_dim3A_23 : vector<104x1x1xf32> to vector<104x8x128xf32>
    %get3A_25 = arith.constant 0 : index
    %get3A_26 = arith.constant 3 : index
    %get3A_27 = arith.constant 0 : index
    %get3A_28 = arith.constant 0 : index
    %get3A_29 = vector.load %arg2[%get3A_25, %get3A_26, %get3A_27, %get3A_28] : memref<1x5x104x1xf32, #tpu.memory_space<vmem>>, vector<1x1x104x1xf32>
    %get3A_30 = vector.shape_cast %get3A_29 : vector<1x1x104x1xf32> to vector<104x1xf32>
    %broadcast_in_dim3A_31 = vector.shape_cast %get3A_30 : vector<104x1xf32> to vector<104x1x1xf32>
    %broadcast_in_dim3A_32 = vector.shape_cast %broadcast_in_dim3A_31 : vector<104x1x1xf32> to vector<104x1x1xf32>
    %broadcast_in_dim3A_33 = vector.broadcast %broadcast_in_dim3A_32 : vector<104x1x1xf32> to vector<104x8x128xf32>
    %get3A_34 = arith.constant 0 : index
    %get3A_35 = arith.constant 4 : index
    %get3A_36 = arith.constant 0 : index
    %get3A_37 = arith.constant 0 : index
    %get3A_38 = vector.load %arg2[%get3A_34, %get3A_35, %get3A_36, %get3A_37] : memref<1x5x104x1xf32, #tpu.memory_space<vmem>>, vector<1x1x104x1xf32>
    %get3A_39 = vector.shape_cast %get3A_38 : vector<1x1x104x1xf32> to vector<104x1xf32>
    %broadcast_in_dim3A_40 = vector.shape_cast %get3A_39 : vector<104x1xf32> to vector<104x1x1xf32>
    %broadcast_in_dim3A_41 = vector.shape_cast %broadcast_in_dim3A_40 : vector<104x1x1xf32> to vector<104x1x1xf32>
    %broadcast_in_dim3A_42 = vector.broadcast %broadcast_in_dim3A_41 : vector<104x1x1xf32> to vector<104x8x128xf32>
    %sub3A = arith.subf %broadcast_in_dim3A_24, %broadcast_in_dim3A_6 : vector<104x8x128xf32>
    %sub3A_43 = arith.subf %broadcast_in_dim3A_33, %broadcast_in_dim3A_15 : vector<104x8x128xf32>
    %mul3A = arith.mulf %sub3A, %sub3A_43 : vector<104x8x128xf32>
    %max3A = arith.maximumf %broadcast_in_dim3A_6, %broadcast_in_dim3A_15 : vector<104x8x128xf32>
    %max3A_44 = arith.maximumf %broadcast_in_dim3A_24, %broadcast_in_dim3A_33 : vector<104x8x128xf32>
    %max3A_45 = arith.maximumf %max3A, %max3A_44 : vector<104x8x128xf32>
    %lt3A = arith.constant 0.000000e+00 : f32
    %lt3A_46 = vector.broadcast %lt3A : f32 to vector<104x8x128xf32>
    %lt3A_47 = arith.cmpf olt, %max3A_45, %lt3A_46 : vector<104x8x128xf32>
    %convert_element_type3A = arith.extui %lt3A_47 : vector<104x8x128xi1> to vector<104x8x128xi32>
    %convert_element_type3A_48 = arith.sitofp %convert_element_type3A : vector<104x8x128xi32> to vector<104x8x128xf32>
    %iota3A = tpu.iota {dimensions = array<i32: 0>} : vector<104x1x1xi32>
    %broadcast_in_dim3A_49 = vector.shape_cast %iota3A : vector<104x1x1xi32> to vector<104x1x1xi32>
    %broadcast_in_dim3A_50 = vector.broadcast %broadcast_in_dim3A_49 : vector<104x1x1xi32> to vector<104x8x128xi32>
    %scan3A = arith.constant 0 : i32
    %scan3A_51 = arith.constant 20 : i32
    %scan3A_52 = arith.addi %scan3A, %scan3A_51 : i32
    %scan3A_53 = arith.constant 2 : i32
    scf.for %scan3A_1349 = %scan3A to %scan3A_52 step %scan3A_53  : i32 {
      %mul3A_1350 = arith.constant 8 : i32
      %mul3A_1351 = arith.muli %scan3A_1349, %mul3A_1350 : i32
      %multiple_of3A = tpu.assume_multiple %mul3A_1351, 8 : i32
      %get3A_1352 = arith.constant 0 : index
      %get3A_1353 = arith.constant 0 : index
      %get3A_1354 = arith.index_cast %multiple_of3A : i32 to index
      %get3A_1355 = arith.constant 0 : index
      %get3A_1356 = vector.load %arg1[%get3A_1352, %get3A_1353, %get3A_1354, %get3A_1355] : memref<1x4x160x128xf32, #tpu.memory_space<vmem>>, vector<1x1x8x128xf32>
      %get3A_1357 = vector.shape_cast %get3A_1356 : vector<1x1x8x128xf32> to vector<8x128xf32>
      %get3A_1358 = arith.constant 0 : index
      %get3A_1359 = arith.constant 1 : index
      %get3A_1360 = arith.index_cast %multiple_of3A : i32 to index
      %get3A_1361 = arith.constant 0 : index
      %get3A_1362 = vector.load %arg1[%get3A_1358, %get3A_1359, %get3A_1360, %get3A_1361] : memref<1x4x160x128xf32, #tpu.memory_space<vmem>>, vector<1x1x8x128xf32>
      %get3A_1363 = vector.shape_cast %get3A_1362 : vector<1x1x8x128xf32> to vector<8x128xf32>
      %get3A_1364 = arith.constant 0 : index
      %get3A_1365 = arith.constant 2 : index
      %get3A_1366 = arith.index_cast %multiple_of3A : i32 to index
      %get3A_1367 = arith.constant 0 : index
      %get3A_1368 = vector.load %arg1[%get3A_1364, %get3A_1365, %get3A_1366, %get3A_1367] : memref<1x4x160x128xf32, #tpu.memory_space<vmem>>, vector<1x1x8x128xf32>
      %get3A_1369 = vector.shape_cast %get3A_1368 : vector<1x1x8x128xf32> to vector<8x128xf32>
      %get3A_1370 = arith.constant 0 : index
      %get3A_1371 = arith.constant 3 : index
      %get3A_1372 = arith.index_cast %multiple_of3A : i32 to index
      %get3A_1373 = arith.constant 0 : index
      %get3A_1374 = vector.load %arg1[%get3A_1370, %get3A_1371, %get3A_1372, %get3A_1373] : memref<1x4x160x128xf32, #tpu.memory_space<vmem>>, vector<1x1x8x128xf32>
      %get3A_1375 = vector.shape_cast %get3A_1374 : vector<1x1x8x128xf32> to vector<8x128xf32>
      %get3A_1376 = arith.constant 0 : index
      %get3A_1377 = arith.constant 0 : index
      %get3A_1378 = arith.index_cast %multiple_of3A : i32 to index
      %get3A_1379 = arith.constant 0 : index
      %get3A_1380 = vector.load %arg3[%get3A_1376, %get3A_1377, %get3A_1378, %get3A_1379] : memref<1x2x160x128xf32, #tpu.memory_space<vmem>>, vector<1x1x8x128xf32>
      %get3A_1381 = vector.shape_cast %get3A_1380 : vector<1x1x8x128xf32> to vector<8x128xf32>
      %get3A_1382 = arith.constant 0 : index
      %get3A_1383 = arith.constant 1 : index
      %get3A_1384 = arith.index_cast %multiple_of3A : i32 to index
      %get3A_1385 = arith.constant 0 : index
      %get3A_1386 = vector.load %arg3[%get3A_1382, %get3A_1383, %get3A_1384, %get3A_1385] : memref<1x2x160x128xf32, #tpu.memory_space<vmem>>, vector<1x1x8x128xf32>
      %get3A_1387 = vector.shape_cast %get3A_1386 : vector<1x1x8x128xf32> to vector<8x128xf32>
      %broadcast_in_dim3A_1388 = vector.shape_cast %get3A_1369 : vector<8x128xf32> to vector<1x8x128xf32>
      %min3A = vector.broadcast %broadcast_in_dim3A_1388 : vector<1x8x128xf32> to vector<104x8x128xf32>
      %min3A_1389 = arith.minimumf %min3A, %broadcast_in_dim3A_24 : vector<104x8x128xf32>
      %broadcast_in_dim3A_1390 = vector.shape_cast %get3A_1357 : vector<8x128xf32> to vector<1x8x128xf32>
      %max3A_1391 = vector.broadcast %broadcast_in_dim3A_1390 : vector<1x8x128xf32> to vector<104x8x128xf32>
      %max3A_1392 = arith.maximumf %max3A_1391, %broadcast_in_dim3A_6 : vector<104x8x128xf32>
      %sub3A_1393 = arith.subf %min3A_1389, %max3A_1392 : vector<104x8x128xf32>
      %max3A_1394 = arith.constant 0.000000e+00 : f32
      %max3A_1395 = vector.broadcast %max3A_1394 : f32 to vector<104x8x128xf32>
      %max3A_1396 = arith.maximumf %sub3A_1393, %max3A_1395 : vector<104x8x128xf32>
      %broadcast_in_dim3A_1397 = vector.shape_cast %get3A_1375 : vector<8x128xf32> to vector<1x8x128xf32>
      %min3A_1398 = vector.broadcast %broadcast_in_dim3A_1397 : vector<1x8x128xf32> to vector<104x8x128xf32>
      %min3A_1399 = arith.minimumf %min3A_1398, %broadcast_in_dim3A_33 : vector<104x8x128xf32>
      %broadcast_in_dim3A_1400 = vector.shape_cast %get3A_1363 : vector<8x128xf32> to vector<1x8x128xf32>
      %max3A_1401 = vector.broadcast %broadcast_in_dim3A_1400 : vector<1x8x128xf32> to vector<104x8x128xf32>
      %max3A_1402 = arith.maximumf %max3A_1401, %broadcast_in_dim3A_15 : vector<104x8x128xf32>
      %sub3A_1403 = arith.subf %min3A_1399, %max3A_1402 : vector<104x8x128xf32>
      %max3A_1404 = arith.constant 0.000000e+00 : f32
      %max3A_1405 = vector.broadcast %max3A_1404 : f32 to vector<104x8x128xf32>
      %max3A_1406 = arith.maximumf %sub3A_1403, %max3A_1405 : vector<104x8x128xf32>
      %mul3A_1407 = arith.mulf %max3A_1396, %max3A_1406 : vector<104x8x128xf32>
      %sub3A_1408 = arith.subf %get3A_1369, %get3A_1357 : vector<8x128xf32>
      %sub3A_1409 = arith.subf %get3A_1375, %get3A_1363 : vector<8x128xf32>
      %mul3A_1410 = arith.mulf %sub3A_1408, %sub3A_1409 : vector<8x128xf32>
      %broadcast_in_dim3A_1411 = vector.shape_cast %mul3A_1410 : vector<8x128xf32> to vector<1x8x128xf32>
      %add3A_1412 = vector.broadcast %broadcast_in_dim3A_1411 : vector<1x8x128xf32> to vector<104x8x128xf32>
      %add3A_1413 = arith.addf %add3A_1412, %mul3A : vector<104x8x128xf32>
      %sub3A_1414 = arith.subf %add3A_1413, %mul3A_1407 : vector<104x8x128xf32>
      %gt3A_1415 = arith.constant 0.000000e+00 : f32
      %gt3A_1416 = vector.broadcast %gt3A_1415 : f32 to vector<104x8x128xf32>
      %gt3A_1417 = arith.cmpf ogt, %sub3A_1414, %gt3A_1416 : vector<104x8x128xf32>
      %max3A_1418 = arith.constant 9.99999993E-9 : f32
      %max3A_1419 = vector.broadcast %max3A_1418 : f32 to vector<104x8x128xf32>
      %max3A_1420 = arith.maximumf %sub3A_1414, %max3A_1419 : vector<104x8x128xf32>
      %div3A = arith.divf %mul3A_1407, %max3A_1420 : vector<104x8x128xf32>
      %jit3A_1421 = arith.constant 0.000000e+00 : f32
      %broadcast_in_dim3A_1422 = vector.broadcast %jit3A_1421 : f32 to vector<104x8x128xf32>
      %select_n3A_1423 = arith.select %gt3A_1417, %div3A, %broadcast_in_dim3A_1422 : vector<104x8x128xi1>, vector<104x8x128xf32>
      %max3A_1424 = arith.maximumf %get3A_1357, %get3A_1363 : vector<8x128xf32>
      %max3A_1425 = arith.maximumf %get3A_1369, %get3A_1375 : vector<8x128xf32>
      %max3A_1426 = arith.maximumf %max3A_1424, %max3A_1425 : vector<8x128xf32>
      %lt3A_1427 = arith.constant 0.000000e+00 : f32
      %lt3A_1428 = vector.broadcast %lt3A_1427 : f32 to vector<8x128xf32>
      %lt3A_1429 = arith.cmpf olt, %max3A_1426, %lt3A_1428 : vector<8x128xf32>
      %convert_element_type3A_1430 = arith.extui %lt3A_1429 : vector<8x128xi1> to vector<8x128xi32>
      %convert_element_type3A_1431 = arith.sitofp %convert_element_type3A_1430 : vector<8x128xi32> to vector<8x128xf32>
      %broadcast_in_dim3A_1432 = vector.shape_cast %convert_element_type3A_1431 : vector<8x128xf32> to vector<1x8x128xf32>
      %add3A_1433 = vector.broadcast %broadcast_in_dim3A_1432 : vector<1x8x128xf32> to vector<104x8x128xf32>
      %add3A_1434 = arith.addf %add3A_1433, %convert_element_type3A_48 : vector<104x8x128xf32>
      %gt3A_1435 = arith.constant 0.000000e+00 : f32
      %gt3A_1436 = vector.broadcast %gt3A_1435 : f32 to vector<104x8x128xf32>
      %gt3A_1437 = arith.cmpf ogt, %add3A_1434, %gt3A_1436 : vector<104x8x128xf32>
      %jit3A_1438 = arith.constant -1.000000e+00 : f32
      %broadcast_in_dim3A_1439 = vector.broadcast %jit3A_1438 : f32 to vector<104x8x128xf32>
      %select_n3A_1440 = arith.select %gt3A_1437, %broadcast_in_dim3A_1439, %select_n3A_1423 : vector<104x8x128xi1>, vector<104x8x128xf32>
      %reduce_max3A = arith.constant dense<0xFF800000> : vector<8x128xf32>
      %reduce_max3A_1441 = vector.multi_reduction <maximumf>, %select_n3A_1440, %reduce_max3A [0] : vector<104x8x128xf32> to vector<8x128xf32>
      %broadcast_in_dim3A_1442 = vector.shape_cast %reduce_max3A_1441 : vector<8x128xf32> to vector<1x8x128xf32>
      %eq3A_1443 = vector.broadcast %broadcast_in_dim3A_1442 : vector<1x8x128xf32> to vector<104x8x128xf32>
      %eq3A_1444 = arith.cmpf oeq, %select_n3A_1440, %eq3A_1443 : vector<104x8x128xf32>
      %jit3A_1445 = arith.constant 1073741824 : i32
      %broadcast_in_dim3A_1446 = vector.broadcast %jit3A_1445 : i32 to vector<104x8x128xi32>
      %select_n3A_1447 = arith.select %eq3A_1444, %broadcast_in_dim3A_50, %broadcast_in_dim3A_1446 : vector<104x8x128xi1>, vector<104x8x128xi32>
      %reduce_min3A = arith.constant dense<2147483647> : vector<8x128xi32>
      %reduce_min3A_1448 = vector.multi_reduction <minsi>, %select_n3A_1447, %reduce_min3A [0] : vector<104x8x128xi32> to vector<8x128xi32>
      %broadcast_in_dim3A_1449 = vector.shape_cast %reduce_min3A_1448 : vector<8x128xi32> to vector<1x8x128xi32>
      %eq3A_1450 = vector.broadcast %broadcast_in_dim3A_1449 : vector<1x8x128xi32> to vector<104x8x128xi32>
      %eq3A_1451 = arith.cmpi eq, %broadcast_in_dim3A_50, %eq3A_1450 : vector<104x8x128xi32>
      %jit3A_1452 = arith.constant 0.000000e+00 : f32
      %broadcast_in_dim3A_1453 = vector.broadcast %jit3A_1452 : f32 to vector<104x8x128xf32>
      %select_n3A_1454 = arith.select %eq3A_1451, %broadcast_in_dim3A_6, %broadcast_in_dim3A_1453 : vector<104x8x128xi1>, vector<104x8x128xf32>
      %reduce_sum3A_1455 = arith.constant dense<0.000000e+00> : vector<8x128xf32>
      %reduce_sum3A_1456 = vector.multi_reduction <add>, %select_n3A_1454, %reduce_sum3A_1455 [0] : vector<104x8x128xf32> to vector<8x128xf32>
      %jit3A_1457 = arith.constant 0.000000e+00 : f32
      %broadcast_in_dim3A_1458 = vector.broadcast %jit3A_1457 : f32 to vector<104x8x128xf32>
      %select_n3A_1459 = arith.select %eq3A_1451, %broadcast_in_dim3A_15, %broadcast_in_dim3A_1458 : vector<104x8x128xi1>, vector<104x8x128xf32>
      %reduce_sum3A_1460 = arith.constant dense<0.000000e+00> : vector<8x128xf32>
      %reduce_sum3A_1461 = vector.multi_reduction <add>, %select_n3A_1459, %reduce_sum3A_1460 [0] : vector<104x8x128xf32> to vector<8x128xf32>
      %jit3A_1462 = arith.constant 0.000000e+00 : f32
      %broadcast_in_dim3A_1463 = vector.broadcast %jit3A_1462 : f32 to vector<104x8x128xf32>
      %select_n3A_1464 = arith.select %eq3A_1451, %broadcast_in_dim3A_24, %broadcast_in_dim3A_1463 : vector<104x8x128xi1>, vector<104x8x128xf32>
      %reduce_sum3A_1465 = arith.constant dense<0.000000e+00> : vector<8x128xf32>
      %reduce_sum3A_1466 = vector.multi_reduction <add>, %select_n3A_1464, %reduce_sum3A_1465 [0] : vector<104x8x128xf32> to vector<8x128xf32>
      %jit3A_1467 = arith.constant 0.000000e+00 : f32
      %broadcast_in_dim3A_1468 = vector.broadcast %jit3A_1467 : f32 to vector<104x8x128xf32>
      %select_n3A_1469 = arith.select %eq3A_1451, %broadcast_in_dim3A_33, %broadcast_in_dim3A_1468 : vector<104x8x128xi1>, vector<104x8x128xf32>
      %reduce_sum3A_1470 = arith.constant dense<0.000000e+00> : vector<8x128xf32>
      %reduce_sum3A_1471 = vector.multi_reduction <add>, %select_n3A_1469, %reduce_sum3A_1470 [0] : vector<104x8x128xf32> to vector<8x128xf32>
      %jit3A_1472 = arith.constant 0.000000e+00 : f32
      %broadcast_in_dim3A_1473 = vector.broadcast %jit3A_1472 : f32 to vector<104x8x128xf32>
      %select_n3A_1474 = arith.select %eq3A_1451, %broadcast_in_dim3A_42, %broadcast_in_dim3A_1473 : vector<104x8x128xi1>, vector<104x8x128xf32>
      %reduce_sum3A_1475 = arith.constant dense<0.000000e+00> : vector<8x128xf32>
      %reduce_sum3A_1476 = vector.multi_reduction <add>, %select_n3A_1474, %reduce_sum3A_1475 [0] : vector<104x8x128xf32> to vector<8x128xf32>
      %ge3A_1477 = arith.constant 5.000000e-01 : f32
      %ge3A_1478 = vector.broadcast %ge3A_1477 : f32 to vector<8x128xf32>
      %ge3A_1479 = arith.cmpf oge, %reduce_max3A_1441, %ge3A_1478 : vector<8x128xf32>
      %ge3A_1480 = arith.constant 0.000000e+00 : f32
      %ge3A_1481 = vector.broadcast %ge3A_1480 : f32 to vector<8x128xf32>
      %ge3A_1482 = arith.cmpf oge, %reduce_max3A_1441, %ge3A_1481 : vector<8x128xf32>
      %lt3A_1483 = arith.constant 5.000000e-01 : f32
      %lt3A_1484 = vector.broadcast %lt3A_1483 : f32 to vector<8x128xf32>
      %lt3A_1485 = arith.cmpf olt, %reduce_max3A_1441, %lt3A_1484 : vector<8x128xf32>
      %and3A_1486 = arith.andi %ge3A_1482, %lt3A_1485 : vector<8x128xi1>
      %sub3A_1487 = arith.subf %get3A_1369, %get3A_1357 : vector<8x128xf32>
      %sub3A_1488 = arith.subf %get3A_1375, %get3A_1363 : vector<8x128xf32>
      %mul3A_1489 = arith.constant 5.000000e-01 : f32
      %mul3A_1490 = vector.broadcast %mul3A_1489 : f32 to vector<8x128xf32>
      %mul3A_1491 = arith.mulf %mul3A_1490, %sub3A_1487 : vector<8x128xf32>
      %add3A_1492 = arith.addf %get3A_1357, %mul3A_1491 : vector<8x128xf32>
      %mul3A_1493 = arith.constant 5.000000e-01 : f32
      %mul3A_1494 = vector.broadcast %mul3A_1493 : f32 to vector<8x128xf32>
      %mul3A_1495 = arith.mulf %mul3A_1494, %sub3A_1488 : vector<8x128xf32>
      %add3A_1496 = arith.addf %get3A_1363, %mul3A_1495 : vector<8x128xf32>
      %sub3A_1497 = arith.subf %reduce_sum3A_1466, %reduce_sum3A_1456 : vector<8x128xf32>
      %sub3A_1498 = arith.subf %reduce_sum3A_1471, %reduce_sum3A_1461 : vector<8x128xf32>
      %mul3A_1499 = arith.constant 5.000000e-01 : f32
      %mul3A_1500 = vector.broadcast %mul3A_1499 : f32 to vector<8x128xf32>
      %mul3A_1501 = arith.mulf %mul3A_1500, %sub3A_1497 : vector<8x128xf32>
      %add3A_1502 = arith.addf %reduce_sum3A_1456, %mul3A_1501 : vector<8x128xf32>
      %mul3A_1503 = arith.constant 5.000000e-01 : f32
      %mul3A_1504 = vector.broadcast %mul3A_1503 : f32 to vector<8x128xf32>
      %mul3A_1505 = arith.mulf %mul3A_1504, %sub3A_1498 : vector<8x128xf32>
      %add3A_1506 = arith.addf %reduce_sum3A_1461, %mul3A_1505 : vector<8x128xf32>
      %sub3A_1507 = arith.subf %add3A_1502, %add3A_1492 : vector<8x128xf32>
      %max3A_1508 = arith.constant 9.99999993E-9 : f32
      %max3A_1509 = vector.broadcast %max3A_1508 : f32 to vector<8x128xf32>
      %max3A_1510 = arith.maximumf %sub3A_1487, %max3A_1509 : vector<8x128xf32>
      %div3A_1511 = arith.divf %sub3A_1507, %max3A_1510 : vector<8x128xf32>
      %div3A_1512 = arith.constant 1.000000e-01 : f32
      %div3A_1513 = vector.broadcast %div3A_1512 : f32 to vector<8x128xf32>
      %div3A_1514 = arith.divf %div3A_1511, %div3A_1513 : vector<8x128xf32>
      %sub3A_1515 = arith.subf %add3A_1506, %add3A_1496 : vector<8x128xf32>
      %max3A_1516 = arith.constant 9.99999993E-9 : f32
      %max3A_1517 = vector.broadcast %max3A_1516 : f32 to vector<8x128xf32>
      %max3A_1518 = arith.maximumf %sub3A_1488, %max3A_1517 : vector<8x128xf32>
      %div3A_1519 = arith.divf %sub3A_1515, %max3A_1518 : vector<8x128xf32>
      %div3A_1520 = arith.constant 1.000000e-01 : f32
      %div3A_1521 = vector.broadcast %div3A_1520 : f32 to vector<8x128xf32>
      %div3A_1522 = arith.divf %div3A_1519, %div3A_1521 : vector<8x128xf32>
      %max3A_1523 = arith.constant 9.99999993E-9 : f32
      %max3A_1524 = vector.broadcast %max3A_1523 : f32 to vector<8x128xf32>
      %max3A_1525 = arith.maximumf %sub3A_1497, %max3A_1524 : vector<8x128xf32>
      %max3A_1526 = arith.constant 9.99999993E-9 : f32
      %max3A_1527 = vector.broadcast %max3A_1526 : f32 to vector<8x128xf32>
      %max3A_1528 = arith.maximumf %sub3A_1487, %max3A_1527 : vector<8x128xf32>
      %div3A_1529 = arith.divf %max3A_1525, %max3A_1528 : vector<8x128xf32>
      %log3A = math.log %div3A_1529 : vector<8x128xf32>
      %div3A_1530 = arith.constant 2.000000e-01 : f32
      %div3A_1531 = vector.broadcast %div3A_1530 : f32 to vector<8x128xf32>
      %div3A_1532 = arith.divf %log3A, %div3A_1531 : vector<8x128xf32>
      %max3A_1533 = arith.constant 9.99999993E-9 : f32
      %max3A_1534 = vector.broadcast %max3A_1533 : f32 to vector<8x128xf32>
      %max3A_1535 = arith.maximumf %sub3A_1498, %max3A_1534 : vector<8x128xf32>
      %max3A_1536 = arith.constant 9.99999993E-9 : f32
      %max3A_1537 = vector.broadcast %max3A_1536 : f32 to vector<8x128xf32>
      %max3A_1538 = arith.maximumf %sub3A_1488, %max3A_1537 : vector<8x128xf32>
      %div3A_1539 = arith.divf %max3A_1535, %max3A_1538 : vector<8x128xf32>
      %log3A_1540 = math.log %div3A_1539 : vector<8x128xf32>
      %div3A_1541 = arith.constant 2.000000e-01 : f32
      %div3A_1542 = vector.broadcast %div3A_1541 : f32 to vector<8x128xf32>
      %div3A_1543 = arith.divf %log3A_1540, %div3A_1542 : vector<8x128xf32>
      %broadcast_in_dim3A_1544 = arith.constant 0.000000e+00 : f32
      %broadcast_in_dim3A_1545 = vector.broadcast %broadcast_in_dim3A_1544 : f32 to vector<8x128xf32>
      %swap3A_1546 = arith.constant 0 : index
      %swap3A_1547 = arith.constant 0 : index
      %swap3A_1548 = arith.index_cast %multiple_of3A : i32 to index
      %swap3A_1549 = arith.constant 0 : index
      %swap3A_1550 = vector.load %arg4[%swap3A_1546, %swap3A_1547, %swap3A_1548, %swap3A_1549] : memref<1x11x160x128xf32, #tpu.memory_space<vmem>>, vector<1x1x8x128xf32>
      %swap3A_1551 = vector.shape_cast %swap3A_1550 : vector<1x1x8x128xf32> to vector<8x128xf32>
      %swap3A_1552 = vector.shape_cast %get3A_1357 : vector<8x128xf32> to vector<1x1x8x128xf32>
      tpu.vector_store %arg4[%swap3A_1546, %swap3A_1547, %swap3A_1548, %swap3A_1549], %swap3A_1552 {strides = array<i32>} : memref<1x11x160x128xf32, #tpu.memory_space<vmem>>, vector<1x1x8x128xf32>,
      %swap3A_1553 = arith.constant 0 : index
      %swap3A_1554 = arith.constant 1 : index
      %swap3A_1555 = arith.index_cast %multiple_of3A : i32 to index
      %swap3A_1556 = arith.constant 0 : index
      %swap3A_1557 = vector.load %arg4[%swap3A_1553, %swap3A_1554, %swap3A_1555, %swap3A_1556] : memref<1x11x160x128xf32, #tpu.memory_space<vmem>>, vector<1x1x8x128xf32>
      %swap3A_1558 = vector.shape_cast %swap3A_1557 : vector<1x1x8x128xf32> to vector<8x128xf32>
      %swap3A_1559 = vector.shape_cast %get3A_1363 : vector<8x128xf32> to vector<1x1x8x128xf32>
      tpu.vector_store %arg4[%swap3A_1553, %swap3A_1554, %swap3A_1555, %swap3A_1556], %swap3A_1559 {strides = array<i32>} : memref<1x11x160x128xf32, #tpu.memory_space<vmem>>, vector<1x1x8x128xf32>,
      %swap3A_1560 = arith.constant 0 : index
      %swap3A_1561 = arith.constant 2 : index
      %swap3A_1562 = arith.index_cast %multiple_of3A : i32 to index
      %swap3A_1563 = arith.constant 0 : index
      %swap3A_1564 = vector.load %arg4[%swap3A_1560, %swap3A_1561, %swap3A_1562, %swap3A_1563] : memref<1x11x160x128xf32, #tpu.memory_space<vmem>>, vector<1x1x8x128xf32>
      %swap3A_1565 = vector.shape_cast %swap3A_1564 : vector<1x1x8x128xf32> to vector<8x128xf32>
      %swap3A_1566 = vector.shape_cast %get3A_1369 : vector<8x128xf32> to vector<1x1x8x128xf32>
      tpu.vector_store %arg4[%swap3A_1560, %swap3A_1561, %swap3A_1562, %swap3A_1563], %swap3A_1566 {strides = array<i32>} : memref<1x11x160x128xf32, #tpu.memory_space<vmem>>, vector<1x1x8x128xf32>,
      %swap3A_1567 = arith.constant 0 : index
      %swap3A_1568 = arith.constant 3 : index
      %swap3A_1569 = arith.index_cast %multiple_of3A : i32 to index
      %swap3A_1570 = arith.constant 0 : index
      %swap3A_1571 = vector.load %arg4[%swap3A_1567, %swap3A_1568, %swap3A_1569, %swap3A_1570] : memref<1x11x160x128xf32, #tpu.memory_space<vmem>>, vector<1x1x8x128xf32>
      %swap3A_1572 = vector.shape_cast %swap3A_1571 : vector<1x1x8x128xf32> to vector<8x128xf32>
      %swap3A_1573 = vector.shape_cast %get3A_1375 : vector<8x128xf32> to vector<1x1x8x128xf32>
      tpu.vector_store %arg4[%swap3A_1567, %swap3A_1568, %swap3A_1569, %swap3A_1570], %swap3A_1573 {strides = array<i32>} : memref<1x11x160x128xf32, #tpu.memory_space<vmem>>, vector<1x1x8x128xf32>,
      %select_n3A_1574 = arith.select %ge3A_1479, %div3A_1514, %broadcast_in_dim3A_1545 : vector<8x128xi1>, vector<8x128xf32>
      %swap3A_1575 = arith.constant 0 : index
      %swap3A_1576 = arith.constant 4 : index
      %swap3A_1577 = arith.index_cast %multiple_of3A : i32 to index
      %swap3A_1578 = arith.constant 0 : index
      %swap3A_1579 = vector.load %arg4[%swap3A_1575, %swap3A_1576, %swap3A_1577, %swap3A_1578] : memref<1x11x160x128xf32, #tpu.memory_space<vmem>>, vector<1x1x8x128xf32>
      %swap3A_1580 = vector.shape_cast %swap3A_1579 : vector<1x1x8x128xf32> to vector<8x128xf32>
      %swap3A_1581 = vector.shape_cast %select_n3A_1574 : vector<8x128xf32> to vector<1x1x8x128xf32>
      tpu.vector_store %arg4[%swap3A_1575, %swap3A_1576, %swap3A_1577, %swap3A_1578], %swap3A_1581 {strides = array<i32>} : memref<1x11x160x128xf32, #tpu.memory_space<vmem>>, vector<1x1x8x128xf32>,
      %select_n3A_1582 = arith.select %ge3A_1479, %div3A_1522, %broadcast_in_dim3A_1545 : vector<8x128xi1>, vector<8x128xf32>
      %swap3A_1583 = arith.constant 0 : index
      %swap3A_1584 = arith.constant 5 : index
      %swap3A_1585 = arith.index_cast %multiple_of3A : i32 to index
      %swap3A_1586 = arith.constant 0 : index
      %swap3A_1587 = vector.load %arg4[%swap3A_1583, %swap3A_1584, %swap3A_1585, %swap3A_1586] : memref<1x11x160x128xf32, #tpu.memory_space<vmem>>, vector<1x1x8x128xf32>
      %swap3A_1588 = vector.shape_cast %swap3A_1587 : vector<1x1x8x128xf32> to vector<8x128xf32>
      %swap3A_1589 = vector.shape_cast %select_n3A_1582 : vector<8x128xf32> to vector<1x1x8x128xf32>
      tpu.vector_store %arg4[%swap3A_1583, %swap3A_1584, %swap3A_1585, %swap3A_1586], %swap3A_1589 {strides = array<i32>} : memref<1x11x160x128xf32, #tpu.memory_space<vmem>>, vector<1x1x8x128xf32>,
      %select_n3A_1590 = arith.select %ge3A_1479, %div3A_1532, %broadcast_in_dim3A_1545 : vector<8x128xi1>, vector<8x128xf32>
      %swap3A_1591 = arith.constant 0 : index
      %swap3A_1592 = arith.constant 6 : index
      %swap3A_1593 = arith.index_cast %multiple_of3A : i32 to index
      %swap3A_1594 = arith.constant 0 : index
      %swap3A_1595 = vector.load %arg4[%swap3A_1591, %swap3A_1592, %swap3A_1593, %swap3A_1594] : memref<1x11x160x128xf32, #tpu.memory_space<vmem>>, vector<1x1x8x128xf32>
      %swap3A_1596 = vector.shape_cast %swap3A_1595 : vector<1x1x8x128xf32> to vector<8x128xf32>
      %swap3A_1597 = vector.shape_cast %select_n3A_1590 : vector<8x128xf32> to vector<1x1x8x128xf32>
      tpu.vector_store %arg4[%swap3A_1591, %swap3A_1592, %swap3A_1593, %swap3A_1594], %swap3A_1597 {strides = array<i32>} : memref<1x11x160x128xf32, #tpu.memory_space<vmem>>, vector<1x1x8x128xf32>,
      %select_n3A_1598 = arith.select %ge3A_1479, %div3A_1543, %broadcast_in_dim3A_1545 : vector<8x128xi1>, vector<8x128xf32>
      %swap3A_1599 = arith.constant 0 : index
      %swap3A_1600 = arith.constant 7 : index
      %swap3A_1601 = arith.index_cast %multiple_of3A : i32 to index
      %swap3A_1602 = arith.constant 0 : index
      %swap3A_1603 = vector.load %arg4[%swap3A_1599, %swap3A_1600, %swap3A_1601, %swap3A_1602] : memref<1x11x160x128xf32, #tpu.memory_space<vmem>>, vector<1x1x8x128xf32>
      %swap3A_1604 = vector.shape_cast %swap3A_1603 : vector<1x1x8x128xf32> to vector<8x128xf32>
      %swap3A_1605 = vector.shape_cast %select_n3A_1598 : vector<8x128xf32> to vector<1x1x8x128xf32>
      tpu.vector_store %arg4[%swap3A_1599, %swap3A_1600, %swap3A_1601, %swap3A_1602], %swap3A_1605 {strides = array<i32>} : memref<1x11x160x128xf32, #tpu.memory_space<vmem>>, vector<1x1x8x128xf32>,
      %select_n3A_1606 = arith.select %ge3A_1479, %reduce_sum3A_1476, %broadcast_in_dim3A_1545 : vector<8x128xi1>, vector<8x128xf32>
      %swap3A_1607 = arith.constant 0 : index
      %swap3A_1608 = arith.constant 8 : index
      %swap3A_1609 = arith.index_cast %multiple_of3A : i32 to index
      %swap3A_1610 = arith.constant 0 : index
      %swap3A_1611 = vector.load %arg4[%swap3A_1607, %swap3A_1608, %swap3A_1609, %swap3A_1610] : memref<1x11x160x128xf32, #tpu.memory_space<vmem>>, vector<1x1x8x128xf32>
      %swap3A_1612 = vector.shape_cast %swap3A_1611 : vector<1x1x8x128xf32> to vector<8x128xf32>
      %swap3A_1613 = vector.shape_cast %select_n3A_1606 : vector<8x128xf32> to vector<1x1x8x128xf32>
      tpu.vector_store %arg4[%swap3A_1607, %swap3A_1608, %swap3A_1609, %swap3A_1610], %swap3A_1613 {strides = array<i32>} : memref<1x11x160x128xf32, #tpu.memory_space<vmem>>, vector<1x1x8x128xf32>,
      %convert_element_type3A_1614 = arith.extui %ge3A_1479 : vector<8x128xi1> to vector<8x128xi32>
      %convert_element_type3A_1615 = arith.sitofp %convert_element_type3A_1614 : vector<8x128xi32> to vector<8x128xf32>
      %swap3A_1616 = arith.constant 0 : index
      %swap3A_1617 = arith.constant 9 : index
      %swap3A_1618 = arith.index_cast %multiple_of3A : i32 to index
      %swap3A_1619 = arith.constant 0 : index
      %swap3A_1620 = vector.load %arg4[%swap3A_1616, %swap3A_1617, %swap3A_1618, %swap3A_1619] : memref<1x11x160x128xf32, #tpu.memory_space<vmem>>, vector<1x1x8x128xf32>
      %swap3A_1621 = vector.shape_cast %swap3A_1620 : vector<1x1x8x128xf32> to vector<8x128xf32>
      %swap3A_1622 = vector.shape_cast %convert_element_type3A_1615 : vector<8x128xf32> to vector<1x1x8x128xf32>
      tpu.vector_store %arg4[%swap3A_1616, %swap3A_1617, %swap3A_1618, %swap3A_1619], %swap3A_1622 {strides = array<i32>} : memref<1x11x160x128xf32, #tpu.memory_space<vmem>>, vector<1x1x8x128xf32>,
      %jit3A_1623 = arith.constant -1.000000e+00 : f32
      %broadcast_in_dim3A_1624 = vector.broadcast %jit3A_1623 : f32 to vector<8x128xf32>
      %select_n3A_1625 = arith.select %ge3A_1479, %get3A_1381, %broadcast_in_dim3A_1624 : vector<8x128xi1>, vector<8x128xf32>
      %swap3A_1626 = arith.index_cast %multiple_of3A : i32 to index
      %swap3A_1627 = arith.constant 0 : index
      %swap3A_1628 = vector.load %arg6[%swap3A_1626, %swap3A_1627] : memref<160x128xf32, #tpu.memory_space<vmem>>, vector<8x128xf32>
      tpu.vector_store %arg6[%swap3A_1626, %swap3A_1627], %select_n3A_1625 {strides = array<i32>} : memref<160x128xf32, #tpu.memory_space<vmem>>, vector<8x128xf32>,
      %jit3A_1629 = arith.constant -1.000000e+00 : f32
      %broadcast_in_dim3A_1630 = vector.broadcast %jit3A_1629 : f32 to vector<8x128xf32>
      %select_n3A_1631 = arith.select %and3A_1486, %get3A_1387, %broadcast_in_dim3A_1630 : vector<8x128xi1>, vector<8x128xf32>
      %swap3A_1632 = arith.index_cast %multiple_of3A : i32 to index
      %swap3A_1633 = arith.constant 0 : index
      %swap3A_1634 = vector.load %arg7[%swap3A_1632, %swap3A_1633] : memref<160x128xf32, #tpu.memory_space<vmem>>, vector<8x128xf32>
      tpu.vector_store %arg7[%swap3A_1632, %swap3A_1633], %select_n3A_1631 {strides = array<i32>} : memref<160x128xf32, #tpu.memory_space<vmem>>, vector<8x128xf32>,
      %scan3A_1635 = arith.constant 1 : i32
      %scan3A_1636 = arith.addi %scan3A_1349, %scan3A_1635 : i32
      %mul3A_1637 = arith.constant 8 : i32
      %mul3A_1638 = arith.muli %scan3A_1636, %mul3A_1637 : i32
      %multiple_of3A_1639 = tpu.assume_multiple %mul3A_1638, 8 : i32
      %get3A_1640 = arith.constant 0 : index
      %get3A_1641 = arith.constant 0 : index
      %get3A_1642 = arith.index_cast %multiple_of3A_1639 : i32 to index
      %get3A_1643 = arith.constant 0 : index
      %get3A_1644 = vector.load %arg1[%get3A_1640, %get3A_1641, %get3A_1642, %get3A_1643] : memref<1x4x160x128xf32, #tpu.memory_space<vmem>>, vector<1x1x8x128xf32>
      %get3A_1645 = vector.shape_cast %get3A_1644 : vector<1x1x8x128xf32> to vector<8x128xf32>
      %get3A_1646 = arith.constant 0 : index
      %get3A_1647 = arith.constant 1 : index
      %get3A_1648 = arith.index_cast %multiple_of3A_1639 : i32 to index
      %get3A_1649 = arith.constant 0 : index
      %get3A_1650 = vector.load %arg1[%get3A_1646, %get3A_1647, %get3A_1648, %get3A_1649] : memref<1x4x160x128xf32, #tpu.memory_space<vmem>>, vector<1x1x8x128xf32>
      %get3A_1651 = vector.shape_cast %get3A_1650 : vector<1x1x8x128xf32> to vector<8x128xf32>
      %get3A_1652 = arith.constant 0 : index
      %get3A_1653 = arith.constant 2 : index
      %get3A_1654 = arith.index_cast %multiple_of3A_1639 : i32 to index
      %get3A_1655 = arith.constant 0 : index
      %get3A_1656 = vector.load %arg1[%get3A_1652, %get3A_1653, %get3A_1654, %get3A_1655] : memref<1x4x160x128xf32, #tpu.memory_space<vmem>>, vector<1x1x8x128xf32>
      %get3A_1657 = vector.shape_cast %get3A_1656 : vector<1x1x8x128xf32> to vector<8x128xf32>
      %get3A_1658 = arith.constant 0 : index
      %get3A_1659 = arith.constant 3 : index
      %get3A_1660 = arith.index_cast %multiple_of3A_1639 : i32 to index
      %get3A_1661 = arith.constant 0 : index
      %get3A_1662 = vector.load %arg1[%get3A_1658, %get3A_1659, %get3A_1660, %get3A_1661] : memref<1x4x160x128xf32, #tpu.memory_space<vmem>>, vector<1x1x8x128xf32>
      %get3A_1663 = vector.shape_cast %get3A_1662 : vector<1x1x8x128xf32> to vector<8x128xf32>
      %get3A_1664 = arith.constant 0 : index
      %get3A_1665 = arith.constant 0 : index
      %get3A_1666 = arith.index_cast %multiple_of3A_1639 : i32 to index
      %get3A_1667 = arith.constant 0 : index
      %get3A_1668 = vector.load %arg3[%get3A_1664, %get3A_1665, %get3A_1666, %get3A_1667] : memref<1x2x160x128xf32, #tpu.memory_space<vmem>>, vector<1x1x8x128xf32>
      %get3A_1669 = vector.shape_cast %get3A_1668 : vector<1x1x8x128xf32> to vector<8x128xf32>
      %get3A_1670 = arith.constant 0 : index
      %get3A_1671 = arith.constant 1 : index
      %get3A_1672 = arith.index_cast %multiple_of3A_1639 : i32 to index
      %get3A_1673 = arith.constant 0 : index
      %get3A_1674 = vector.load %arg3[%get3A_1670, %get3A_1671, %get3A_1672, %get3A_1673] : memref<1x2x160x128xf32, #tpu.memory_space<vmem>>, vector<1x1x8x128xf32>
      %get3A_1675 = vector.shape_cast %get3A_1674 : vector<1x1x8x128xf32> to vector<8x128xf32>
      %broadcast_in_dim3A_1676 = vector.shape_cast %get3A_1657 : vector<8x128xf32> to vector<1x8x128xf32>
      %min3A_1677 = vector.broadcast %broadcast_in_dim3A_1676 : vector<1x8x128xf32> to vector<104x8x128xf32>
      %min3A_1678 = arith.minimumf %min3A_1677, %broadcast_in_dim3A_24 : vector<104x8x128xf32>
      %broadcast_in_dim3A_1679 = vector.shape_cast %get3A_1645 : vector<8x128xf32> to vector<1x8x128xf32>
      %max3A_1680 = vector.broadcast %broadcast_in_dim3A_1679 : vector<1x8x128xf32> to vector<104x8x128xf32>
      %max3A_1681 = arith.maximumf %max3A_1680, %broadcast_in_dim3A_6 : vector<104x8x128xf32>
      %sub3A_1682 = arith.subf %min3A_1678, %max3A_1681 : vector<104x8x128xf32>
      %max3A_1683 = arith.constant 0.000000e+00 : f32
      %max3A_1684 = vector.broadcast %max3A_1683 : f32 to vector<104x8x128xf32>
      %max3A_1685 = arith.maximumf %sub3A_1682, %max3A_1684 : vector<104x8x128xf32>
      %broadcast_in_dim3A_1686 = vector.shape_cast %get3A_1663 : vector<8x128xf32> to vector<1x8x128xf32>
      %min3A_1687 = vector.broadcast %broadcast_in_dim3A_1686 : vector<1x8x128xf32> to vector<104x8x128xf32>
      %min3A_1688 = arith.minimumf %min3A_1687, %broadcast_in_dim3A_33 : vector<104x8x128xf32>
      %broadcast_in_dim3A_1689 = vector.shape_cast %get3A_1651 : vector<8x128xf32> to vector<1x8x128xf32>
      %max3A_1690 = vector.broadcast %broadcast_in_dim3A_1689 : vector<1x8x128xf32> to vector<104x8x128xf32>
      %max3A_1691 = arith.maximumf %max3A_1690, %broadcast_in_dim3A_15 : vector<104x8x128xf32>
      %sub3A_1692 = arith.subf %min3A_1688, %max3A_1691 : vector<104x8x128xf32>
      %max3A_1693 = arith.constant 0.000000e+00 : f32
      %max3A_1694 = vector.broadcast %max3A_1693 : f32 to vector<104x8x128xf32>
      %max3A_1695 = arith.maximumf %sub3A_1692, %max3A_1694 : vector<104x8x128xf32>
      %mul3A_1696 = arith.mulf %max3A_1685, %max3A_1695 : vector<104x8x128xf32>
      %sub3A_1697 = arith.subf %get3A_1657, %get3A_1645 : vector<8x128xf32>
      %sub3A_1698 = arith.subf %get3A_1663, %get3A_1651 : vector<8x128xf32>
      %mul3A_1699 = arith.mulf %sub3A_1697, %sub3A_1698 : vector<8x128xf32>
      %broadcast_in_dim3A_1700 = vector.shape_cast %mul3A_1699 : vector<8x128xf32> to vector<1x8x128xf32>
      %add3A_1701 = vector.broadcast %broadcast_in_dim3A_1700 : vector<1x8x128xf32> to vector<104x8x128xf32>
      %add3A_1702 = arith.addf %add3A_1701, %mul3A : vector<104x8x128xf32>
      %sub3A_1703 = arith.subf %add3A_1702, %mul3A_1696 : vector<104x8x128xf32>
      %gt3A_1704 = arith.constant 0.000000e+00 : f32
      %gt3A_1705 = vector.broadcast %gt3A_1704 : f32 to vector<104x8x128xf32>
      %gt3A_1706 = arith.cmpf ogt, %sub3A_1703, %gt3A_1705 : vector<104x8x128xf32>
      %max3A_1707 = arith.constant 9.99999993E-9 : f32
      %max3A_1708 = vector.broadcast %max3A_1707 : f32 to vector<104x8x128xf32>
      %max3A_1709 = arith.maximumf %sub3A_1703, %max3A_1708 : vector<104x8x128xf32>
      %div3A_1710 = arith.divf %mul3A_1696, %max3A_1709 : vector<104x8x128xf32>
      %jit3A_1711 = arith.constant 0.000000e+00 : f32
      %broadcast_in_dim3A_1712 = vector.broadcast %jit3A_1711 : f32 to vector<104x8x128xf32>
      %select_n3A_1713 = arith.select %gt3A_1706, %div3A_1710, %broadcast_in_dim3A_1712 : vector<104x8x128xi1>, vector<104x8x128xf32>
      %max3A_1714 = arith.maximumf %get3A_1645, %get3A_1651 : vector<8x128xf32>
      %max3A_1715 = arith.maximumf %get3A_1657, %get3A_1663 : vector<8x128xf32>
      %max3A_1716 = arith.maximumf %max3A_1714, %max3A_1715 : vector<8x128xf32>
      %lt3A_1717 = arith.constant 0.000000e+00 : f32
      %lt3A_1718 = vector.broadcast %lt3A_1717 : f32 to vector<8x128xf32>
      %lt3A_1719 = arith.cmpf olt, %max3A_1716, %lt3A_1718 : vector<8x128xf32>
      %convert_element_type3A_1720 = arith.extui %lt3A_1719 : vector<8x128xi1> to vector<8x128xi32>
      %convert_element_type3A_1721 = arith.sitofp %convert_element_type3A_1720 : vector<8x128xi32> to vector<8x128xf32>
      %broadcast_in_dim3A_1722 = vector.shape_cast %convert_element_type3A_1721 : vector<8x128xf32> to vector<1x8x128xf32>
      %add3A_1723 = vector.broadcast %broadcast_in_dim3A_1722 : vector<1x8x128xf32> to vector<104x8x128xf32>
      %add3A_1724 = arith.addf %add3A_1723, %convert_element_type3A_48 : vector<104x8x128xf32>
      %gt3A_1725 = arith.constant 0.000000e+00 : f32
      %gt3A_1726 = vector.broadcast %gt3A_1725 : f32 to vector<104x8x128xf32>
      %gt3A_1727 = arith.cmpf ogt, %add3A_1724, %gt3A_1726 : vector<104x8x128xf32>
      %jit3A_1728 = arith.constant -1.000000e+00 : f32
      %broadcast_in_dim3A_1729 = vector.broadcast %jit3A_1728 : f32 to vector<104x8x128xf32>
      %select_n3A_1730 = arith.select %gt3A_1727, %broadcast_in_dim3A_1729, %select_n3A_1713 : vector<104x8x128xi1>, vector<104x8x128xf32>
      %reduce_max3A_1731 = arith.constant dense<0xFF800000> : vector<8x128xf32>
      %reduce_max3A_1732 = vector.multi_reduction <maximumf>, %select_n3A_1730, %reduce_max3A_1731 [0] : vector<104x8x128xf32> to vector<8x128xf32>
      %broadcast_in_dim3A_1733 = vector.shape_cast %reduce_max3A_1732 : vector<8x128xf32> to vector<1x8x128xf32>
      %eq3A_1734 = vector.broadcast %broadcast_in_dim3A_1733 : vector<1x8x128xf32> to vector<104x8x128xf32>
      %eq3A_1735 = arith.cmpf oeq, %select_n3A_1730, %eq3A_1734 : vector<104x8x128xf32>
      %jit3A_1736 = arith.constant 1073741824 : i32
      %broadcast_in_dim3A_1737 = vector.broadcast %jit3A_1736 : i32 to vector<104x8x128xi32>
      %select_n3A_1738 = arith.select %eq3A_1735, %broadcast_in_dim3A_50, %broadcast_in_dim3A_1737 : vector<104x8x128xi1>, vector<104x8x128xi32>
      %reduce_min3A_1739 = arith.constant dense<2147483647> : vector<8x128xi32>
      %reduce_min3A_1740 = vector.multi_reduction <minsi>, %select_n3A_1738, %reduce_min3A_1739 [0] : vector<104x8x128xi32> to vector<8x128xi32>
      %broadcast_in_dim3A_1741 = vector.shape_cast %reduce_min3A_1740 : vector<8x128xi32> to vector<1x8x128xi32>
      %eq3A_1742 = vector.broadcast %broadcast_in_dim3A_1741 : vector<1x8x128xi32> to vector<104x8x128xi32>
      %eq3A_1743 = arith.cmpi eq, %broadcast_in_dim3A_50, %eq3A_1742 : vector<104x8x128xi32>
      %jit3A_1744 = arith.constant 0.000000e+00 : f32
      %broadcast_in_dim3A_1745 = vector.broadcast %jit3A_1744 : f32 to vector<104x8x128xf32>
      %select_n3A_1746 = arith.select %eq3A_1743, %broadcast_in_dim3A_6, %broadcast_in_dim3A_1745 : vector<104x8x128xi1>, vector<104x8x128xf32>
      %reduce_sum3A_1747 = arith.constant dense<0.000000e+00> : vector<8x128xf32>
      %reduce_sum3A_1748 = vector.multi_reduction <add>, %select_n3A_1746, %reduce_sum3A_1747 [0] : vector<104x8x128xf32> to vector<8x128xf32>
      %jit3A_1749 = arith.constant 0.000000e+00 : f32
      %broadcast_in_dim3A_1750 = vector.broadcast %jit3A_1749 : f32 to vector<104x8x128xf32>
      %select_n3A_1751 = arith.select %eq3A_1743, %broadcast_in_dim3A_15, %broadcast_in_dim3A_1750 : vector<104x8x128xi1>, vector<104x8x128xf32>
      %reduce_sum3A_1752 = arith.constant dense<0.000000e+00> : vector<8x128xf32>
      %reduce_sum3A_1753 = vector.multi_reduction <add>, %select_n3A_1751, %reduce_sum3A_1752 [0] : vector<104x8x128xf32> to vector<8x128xf32>
      %jit3A_1754 = arith.constant 0.000000e+00 : f32
      %broadcast_in_dim3A_1755 = vector.broadcast %jit3A_1754 : f32 to vector<104x8x128xf32>
      %select_n3A_1756 = arith.select %eq3A_1743, %broadcast_in_dim3A_24, %broadcast_in_dim3A_1755 : vector<104x8x128xi1>, vector<104x8x128xf32>
      %reduce_sum3A_1757 = arith.constant dense<0.000000e+00> : vector<8x128xf32>
      %reduce_sum3A_1758 = vector.multi_reduction <add>, %select_n3A_1756, %reduce_sum3A_1757 [0] : vector<104x8x128xf32> to vector<8x128xf32>
      %jit3A_1759 = arith.constant 0.000000e+00 : f32
      %broadcast_in_dim3A_1760 = vector.broadcast %jit3A_1759 : f32 to vector<104x8x128xf32>
      %select_n3A_1761 = arith.select %eq3A_1743, %broadcast_in_dim3A_33, %broadcast_in_dim3A_1760 : vector<104x8x128xi1>, vector<104x8x128xf32>
      %reduce_sum3A_1762 = arith.constant dense<0.000000e+00> : vector<8x128xf32>
      %reduce_sum3A_1763 = vector.multi_reduction <add>, %select_n3A_1761, %reduce_sum3A_1762 [0] : vector<104x8x128xf32> to vector<8x128xf32>
      %jit3A_1764 = arith.constant 0.000000e+00 : f32
      %broadcast_in_dim3A_1765 = vector.broadcast %jit3A_1764 : f32 to vector<104x8x128xf32>
      %select_n3A_1766 = arith.select %eq3A_1743, %broadcast_in_dim3A_42, %broadcast_in_dim3A_1765 : vector<104x8x128xi1>, vector<104x8x128xf32>
      %reduce_sum3A_1767 = arith.constant dense<0.000000e+00> : vector<8x128xf32>
      %reduce_sum3A_1768 = vector.multi_reduction <add>, %select_n3A_1766, %reduce_sum3A_1767 [0] : vector<104x8x128xf32> to vector<8x128xf32>
      %ge3A_1769 = arith.constant 5.000000e-01 : f32
      %ge3A_1770 = vector.broadcast %ge3A_1769 : f32 to vector<8x128xf32>
      %ge3A_1771 = arith.cmpf oge, %reduce_max3A_1732, %ge3A_1770 : vector<8x128xf32>
      %ge3A_1772 = arith.constant 0.000000e+00 : f32
      %ge3A_1773 = vector.broadcast %ge3A_1772 : f32 to vector<8x128xf32>
      %ge3A_1774 = arith.cmpf oge, %reduce_max3A_1732, %ge3A_1773 : vector<8x128xf32>
      %lt3A_1775 = arith.constant 5.000000e-01 : f32
      %lt3A_1776 = vector.broadcast %lt3A_1775 : f32 to vector<8x128xf32>
      %lt3A_1777 = arith.cmpf olt, %reduce_max3A_1732, %lt3A_1776 : vector<8x128xf32>
      %and3A_1778 = arith.andi %ge3A_1774, %lt3A_1777 : vector<8x128xi1>
      %sub3A_1779 = arith.subf %get3A_1657, %get3A_1645 : vector<8x128xf32>
      %sub3A_1780 = arith.subf %get3A_1663, %get3A_1651 : vector<8x128xf32>
      %mul3A_1781 = arith.constant 5.000000e-01 : f32
      %mul3A_1782 = vector.broadcast %mul3A_1781 : f32 to vector<8x128xf32>
      %mul3A_1783 = arith.mulf %mul3A_1782, %sub3A_1779 : vector<8x128xf32>
      %add3A_1784 = arith.addf %get3A_1645, %mul3A_1783 : vector<8x128xf32>
      %mul3A_1785 = arith.constant 5.000000e-01 : f32
      %mul3A_1786 = vector.broadcast %mul3A_1785 : f32 to vector<8x128xf32>
      %mul3A_1787 = arith.mulf %mul3A_1786, %sub3A_1780 : vector<8x128xf32>
      %add3A_1788 = arith.addf %get3A_1651, %mul3A_1787 : vector<8x128xf32>
      %sub3A_1789 = arith.subf %reduce_sum3A_1758, %reduce_sum3A_1748 : vector<8x128xf32>
      %sub3A_1790 = arith.subf %reduce_sum3A_1763, %reduce_sum3A_1753 : vector<8x128xf32>
      %mul3A_1791 = arith.constant 5.000000e-01 : f32
      %mul3A_1792 = vector.broadcast %mul3A_1791 : f32 to vector<8x128xf32>
      %mul3A_1793 = arith.mulf %mul3A_1792, %sub3A_1789 : vector<8x128xf32>
      %add3A_1794 = arith.addf %reduce_sum3A_1748, %mul3A_1793 : vector<8x128xf32>
      %mul3A_1795 = arith.constant 5.000000e-01 : f32
      %mul3A_1796 = vector.broadcast %mul3A_1795 : f32 to vector<8x128xf32>
      %mul3A_1797 = arith.mulf %mul3A_1796, %sub3A_1790 : vector<8x128xf32>
      %add3A_1798 = arith.addf %reduce_sum3A_1753, %mul3A_1797 : vector<8x128xf32>
      %sub3A_1799 = arith.subf %add3A_1794, %add3A_1784 : vector<8x128xf32>
      %max3A_1800 = arith.constant 9.99999993E-9 : f32
      %max3A_1801 = vector.broadcast %max3A_1800 : f32 to vector<8x128xf32>
      %max3A_1802 = arith.maximumf %sub3A_1779, %max3A_1801 : vector<8x128xf32>
      %div3A_1803 = arith.divf %sub3A_1799, %max3A_1802 : vector<8x128xf32>
      %div3A_1804 = arith.constant 1.000000e-01 : f32
      %div3A_1805 = vector.broadcast %div3A_1804 : f32 to vector<8x128xf32>
      %div3A_1806 = arith.divf %div3A_1803, %div3A_1805 : vector<8x128xf32>
      %sub3A_1807 = arith.subf %add3A_1798, %add3A_1788 : vector<8x128xf32>
      %max3A_1808 = arith.constant 9.99999993E-9 : f32
      %max3A_1809 = vector.broadcast %max3A_1808 : f32 to vector<8x128xf32>
      %max3A_1810 = arith.maximumf %sub3A_1780, %max3A_1809 : vector<8x128xf32>
      %div3A_1811 = arith.divf %sub3A_1807, %max3A_1810 : vector<8x128xf32>
      %div3A_1812 = arith.constant 1.000000e-01 : f32
      %div3A_1813 = vector.broadcast %div3A_1812 : f32 to vector<8x128xf32>
      %div3A_1814 = arith.divf %div3A_1811, %div3A_1813 : vector<8x128xf32>
      %max3A_1815 = arith.constant 9.99999993E-9 : f32
      %max3A_1816 = vector.broadcast %max3A_1815 : f32 to vector<8x128xf32>
      %max3A_1817 = arith.maximumf %sub3A_1789, %max3A_1816 : vector<8x128xf32>
      %max3A_1818 = arith.constant 9.99999993E-9 : f32
      %max3A_1819 = vector.broadcast %max3A_1818 : f32 to vector<8x128xf32>
      %max3A_1820 = arith.maximumf %sub3A_1779, %max3A_1819 : vector<8x128xf32>
      %div3A_1821 = arith.divf %max3A_1817, %max3A_1820 : vector<8x128xf32>
      %log3A_1822 = math.log %div3A_1821 : vector<8x128xf32>
      %div3A_1823 = arith.constant 2.000000e-01 : f32
      %div3A_1824 = vector.broadcast %div3A_1823 : f32 to vector<8x128xf32>
      %div3A_1825 = arith.divf %log3A_1822, %div3A_1824 : vector<8x128xf32>
      %max3A_1826 = arith.constant 9.99999993E-9 : f32
      %max3A_1827 = vector.broadcast %max3A_1826 : f32 to vector<8x128xf32>
      %max3A_1828 = arith.maximumf %sub3A_1790, %max3A_1827 : vector<8x128xf32>
      %max3A_1829 = arith.constant 9.99999993E-9 : f32
      %max3A_1830 = vector.broadcast %max3A_1829 : f32 to vector<8x128xf32>
      %max3A_1831 = arith.maximumf %sub3A_1780, %max3A_1830 : vector<8x128xf32>
      %div3A_1832 = arith.divf %max3A_1828, %max3A_1831 : vector<8x128xf32>
      %log3A_1833 = math.log %div3A_1832 : vector<8x128xf32>
      %div3A_1834 = arith.constant 2.000000e-01 : f32
      %div3A_1835 = vector.broadcast %div3A_1834 : f32 to vector<8x128xf32>
      %div3A_1836 = arith.divf %log3A_1833, %div3A_1835 : vector<8x128xf32>
      %broadcast_in_dim3A_1837 = arith.constant 0.000000e+00 : f32
      %broadcast_in_dim3A_1838 = vector.broadcast %broadcast_in_dim3A_1837 : f32 to vector<8x128xf32>
      %swap3A_1839 = arith.constant 0 : index
      %swap3A_1840 = arith.constant 0 : index
      %swap3A_1841 = arith.index_cast %multiple_of3A_1639 : i32 to index
      %swap3A_1842 = arith.constant 0 : index
      %swap3A_1843 = vector.load %arg4[%swap3A_1839, %swap3A_1840, %swap3A_1841, %swap3A_1842] : memref<1x11x160x128xf32, #tpu.memory_space<vmem>>, vector<1x1x8x128xf32>
      %swap3A_1844 = vector.shape_cast %swap3A_1843 : vector<1x1x8x128xf32> to vector<8x128xf32>
      %swap3A_1845 = vector.shape_cast %get3A_1645 : vector<8x128xf32> to vector<1x1x8x128xf32>
      tpu.vector_store %arg4[%swap3A_1839, %swap3A_1840, %swap3A_1841, %swap3A_1842], %swap3A_1845 {strides = array<i32>} : memref<1x11x160x128xf32, #tpu.memory_space<vmem>>, vector<1x1x8x128xf32>,
      %swap3A_1846 = arith.constant 0 : index
      %swap3A_1847 = arith.constant 1 : index
      %swap3A_1848 = arith.index_cast %multiple_of3A_1639 : i32 to index
      %swap3A_1849 = arith.constant 0 : index
      %swap3A_1850 = vector.load %arg4[%swap3A_1846, %swap3A_1847, %swap3A_1848, %swap3A_1849] : memref<1x11x160x128xf32, #tpu.memory_space<vmem>>, vector<1x1x8x128xf32>
      %swap3A_1851 = vector.shape_cast %swap3A_1850 : vector<1x1x8x128xf32> to vector<8x128xf32>
      %swap3A_1852 = vector.shape_cast %get3A_1651 : vector<8x128xf32> to vector<1x1x8x128xf32>
      tpu.vector_store %arg4[%swap3A_1846, %swap3A_1847, %swap3A_1848, %swap3A_1849], %swap3A_1852 {strides = array<i32>} : memref<1x11x160x128xf32, #tpu.memory_space<vmem>>, vector<1x1x8x128xf32>,
      %swap3A_1853 = arith.constant 0 : index
      %swap3A_1854 = arith.constant 2 : index
      %swap3A_1855 = arith.index_cast %multiple_of3A_1639 : i32 to index
      %swap3A_1856 = arith.constant 0 : index
      %swap3A_1857 = vector.load %arg4[%swap3A_1853, %swap3A_1854, %swap3A_1855, %swap3A_1856] : memref<1x11x160x128xf32, #tpu.memory_space<vmem>>, vector<1x1x8x128xf32>
      %swap3A_1858 = vector.shape_cast %swap3A_1857 : vector<1x1x8x128xf32> to vector<8x128xf32>
      %swap3A_1859 = vector.shape_cast %get3A_1657 : vector<8x128xf32> to vector<1x1x8x128xf32>
      tpu.vector_store %arg4[%swap3A_1853, %swap3A_1854, %swap3A_1855, %swap3A_1856], %swap3A_1859 {strides = array<i32>} : memref<1x11x160x128xf32, #tpu.memory_space<vmem>>, vector<1x1x8x128xf32>,
      %swap3A_1860 = arith.constant 0 : index
      %swap3A_1861 = arith.constant 3 : index
      %swap3A_1862 = arith.index_cast %multiple_of3A_1639 : i32 to index
      %swap3A_1863 = arith.constant 0 : index
      %swap3A_1864 = vector.load %arg4[%swap3A_1860, %swap3A_1861, %swap3A_1862, %swap3A_1863] : memref<1x11x160x128xf32, #tpu.memory_space<vmem>>, vector<1x1x8x128xf32>
      %swap3A_1865 = vector.shape_cast %swap3A_1864 : vector<1x1x8x128xf32> to vector<8x128xf32>
      %swap3A_1866 = vector.shape_cast %get3A_1663 : vector<8x128xf32> to vector<1x1x8x128xf32>
      tpu.vector_store %arg4[%swap3A_1860, %swap3A_1861, %swap3A_1862, %swap3A_1863], %swap3A_1866 {strides = array<i32>} : memref<1x11x160x128xf32, #tpu.memory_space<vmem>>, vector<1x1x8x128xf32>,
      %select_n3A_1867 = arith.select %ge3A_1771, %div3A_1806, %broadcast_in_dim3A_1838 : vector<8x128xi1>, vector<8x128xf32>
      %swap3A_1868 = arith.constant 0 : index
      %swap3A_1869 = arith.constant 4 : index
      %swap3A_1870 = arith.index_cast %multiple_of3A_1639 : i32 to index
      %swap3A_1871 = arith.constant 0 : index
      %swap3A_1872 = vector.load %arg4[%swap3A_1868, %swap3A_1869, %swap3A_1870, %swap3A_1871] : memref<1x11x160x128xf32, #tpu.memory_space<vmem>>, vector<1x1x8x128xf32>
      %swap3A_1873 = vector.shape_cast %swap3A_1872 : vector<1x1x8x128xf32> to vector<8x128xf32>
      %swap3A_1874 = vector.shape_cast %select_n3A_1867 : vector<8x128xf32> to vector<1x1x8x128xf32>
      tpu.vector_store %arg4[%swap3A_1868, %swap3A_1869, %swap3A_1870, %swap3A_1871], %swap3A_1874 {strides = array<i32>} : memref<1x11x160x128xf32, #tpu.memory_space<vmem>>, vector<1x1x8x128xf32>,
      %select_n3A_1875 = arith.select %ge3A_1771, %div3A_1814, %broadcast_in_dim3A_1838 : vector<8x128xi1>, vector<8x128xf32>
      %swap3A_1876 = arith.constant 0 : index
      %swap3A_1877 = arith.constant 5 : index
      %swap3A_1878 = arith.index_cast %multiple_of3A_1639 : i32 to index
      %swap3A_1879 = arith.constant 0 : index
      %swap3A_1880 = vector.load %arg4[%swap3A_1876, %swap3A_1877, %swap3A_1878, %swap3A_1879] : memref<1x11x160x128xf32, #tpu.memory_space<vmem>>, vector<1x1x8x128xf32>
      %swap3A_1881 = vector.shape_cast %swap3A_1880 : vector<1x1x8x128xf32> to vector<8x128xf32>
      %swap3A_1882 = vector.shape_cast %select_n3A_1875 : vector<8x128xf32> to vector<1x1x8x128xf32>
      tpu.vector_store %arg4[%swap3A_1876, %swap3A_1877, %swap3A_1878, %swap3A_1879], %swap3A_1882 {strides = array<i32>} : memref<1x11x160x128xf32, #tpu.memory_space<vmem>>, vector<1x1x8x128xf32>,
      %select_n3A_1883 = arith.select %ge3A_1771, %div3A_1825, %broadcast_in_dim3A_1838 : vector<8x128xi1>, vector<8x128xf32>
      %swap3A_1884 = arith.constant 0 : index
      %swap3A_1885 = arith.constant 6 : index
      %swap3A_1886 = arith.index_cast %multiple_of3A_1639 : i32 to index
      %swap3A_1887 = arith.constant 0 : index
      %swap3A_1888 = vector.load %arg4[%swap3A_1884, %swap3A_1885, %swap3A_1886, %swap3A_1887] : memref<1x11x160x128xf32, #tpu.memory_space<vmem>>, vector<1x1x8x128xf32>
      %swap3A_1889 = vector.shape_cast %swap3A_1888 : vector<1x1x8x128xf32> to vector<8x128xf32>
      %swap3A_1890 = vector.shape_cast %select_n3A_1883 : vector<8x128xf32> to vector<1x1x8x128xf32>
      tpu.vector_store %arg4[%swap3A_1884, %swap3A_1885, %swap3A_1886, %swap3A_1887], %swap3A_1890 {strides = array<i32>} : memref<1x11x160x128xf32, #tpu.memory_space<vmem>>, vector<1x1x8x128xf32>,
      %select_n3A_1891 = arith.select %ge3A_1771, %div3A_1836, %broadcast_in_dim3A_1838 : vector<8x128xi1>, vector<8x128xf32>
      %swap3A_1892 = arith.constant 0 : index
      %swap3A_1893 = arith.constant 7 : index
      %swap3A_1894 = arith.index_cast %multiple_of3A_1639 : i32 to index
      %swap3A_1895 = arith.constant 0 : index
      %swap3A_1896 = vector.load %arg4[%swap3A_1892, %swap3A_1893, %swap3A_1894, %swap3A_1895] : memref<1x11x160x128xf32, #tpu.memory_space<vmem>>, vector<1x1x8x128xf32>
      %swap3A_1897 = vector.shape_cast %swap3A_1896 : vector<1x1x8x128xf32> to vector<8x128xf32>
      %swap3A_1898 = vector.shape_cast %select_n3A_1891 : vector<8x128xf32> to vector<1x1x8x128xf32>
      tpu.vector_store %arg4[%swap3A_1892, %swap3A_1893, %swap3A_1894, %swap3A_1895], %swap3A_1898 {strides = array<i32>} : memref<1x11x160x128xf32, #tpu.memory_space<vmem>>, vector<1x1x8x128xf32>,
      %select_n3A_1899 = arith.select %ge3A_1771, %reduce_sum3A_1768, %broadcast_in_dim3A_1838 : vector<8x128xi1>, vector<8x128xf32>
      %swap3A_1900 = arith.constant 0 : index
      %swap3A_1901 = arith.constant 8 : index
      %swap3A_1902 = arith.index_cast %multiple_of3A_1639 : i32 to index
      %swap3A_1903 = arith.constant 0 : index
      %swap3A_1904 = vector.load %arg4[%swap3A_1900, %swap3A_1901, %swap3A_1902, %swap3A_1903] : memref<1x11x160x128xf32, #tpu.memory_space<vmem>>, vector<1x1x8x128xf32>
      %swap3A_1905 = vector.shape_cast %swap3A_1904 : vector<1x1x8x128xf32> to vector<8x128xf32>
      %swap3A_1906 = vector.shape_cast %select_n3A_1899 : vector<8x128xf32> to vector<1x1x8x128xf32>
      tpu.vector_store %arg4[%swap3A_1900, %swap3A_1901, %swap3A_1902, %swap3A_1903], %swap3A_1906 {strides = array<i32>} : memref<1x11x160x128xf32, #tpu.memory_space<vmem>>, vector<1x1x8x128xf32>,
      %convert_element_type3A_1907 = arith.extui %ge3A_1771 : vector<8x128xi1> to vector<8x128xi32>
      %convert_element_type3A_1908 = arith.sitofp %convert_element_type3A_1907 : vector<8x128xi32> to vector<8x128xf32>
      %swap3A_1909 = arith.constant 0 : index
      %swap3A_1910 = arith.constant 9 : index
      %swap3A_1911 = arith.index_cast %multiple_of3A_1639 : i32 to index
      %swap3A_1912 = arith.constant 0 : index
      %swap3A_1913 = vector.load %arg4[%swap3A_1909, %swap3A_1910, %swap3A_1911, %swap3A_1912] : memref<1x11x160x128xf32, #tpu.memory_space<vmem>>, vector<1x1x8x128xf32>
      %swap3A_1914 = vector.shape_cast %swap3A_1913 : vector<1x1x8x128xf32> to vector<8x128xf32>
      %swap3A_1915 = vector.shape_cast %convert_element_type3A_1908 : vector<8x128xf32> to vector<1x1x8x128xf32>
      tpu.vector_store %arg4[%swap3A_1909, %swap3A_1910, %swap3A_1911, %swap3A_1912], %swap3A_1915 {strides = array<i32>} : memref<1x11x160x128xf32, #tpu.memory_space<vmem>>, vector<1x1x8x128xf32>,
      %jit3A_1916 = arith.constant -1.000000e+00 : f32
      %broadcast_in_dim3A_1917 = vector.broadcast %jit3A_1916 : f32 to vector<8x128xf32>
      %select_n3A_1918 = arith.select %ge3A_1771, %get3A_1669, %broadcast_in_dim3A_1917 : vector<8x128xi1>, vector<8x128xf32>
      %swap3A_1919 = arith.index_cast %multiple_of3A_1639 : i32 to index
      %swap3A_1920 = arith.constant 0 : index
      %swap3A_1921 = vector.load %arg6[%swap3A_1919, %swap3A_1920] : memref<160x128xf32, #tpu.memory_space<vmem>>, vector<8x128xf32>
      tpu.vector_store %arg6[%swap3A_1919, %swap3A_1920], %select_n3A_1918 {strides = array<i32>} : memref<160x128xf32, #tpu.memory_space<vmem>>, vector<8x128xf32>,
      %jit3A_1922 = arith.constant -1.000000e+00 : f32
      %broadcast_in_dim3A_1923 = vector.broadcast %jit3A_1922 : f32 to vector<8x128xf32>
      %select_n3A_1924 = arith.select %and3A_1778, %get3A_1675, %broadcast_in_dim3A_1923 : vector<8x128xi1>, vector<8x128xf32>
      %swap3A_1925 = arith.index_cast %multiple_of3A_1639 : i32 to index
      %swap3A_1926 = arith.constant 0 : index
      %swap3A_1927 = vector.load %arg7[%swap3A_1925, %swap3A_1926] : memref<160x128xf32, #tpu.memory_space<vmem>>, vector<8x128xf32>
      tpu.vector_store %arg7[%swap3A_1925, %swap3A_1926], %select_n3A_1924 {strides = array<i32>} : memref<160x128xf32, #tpu.memory_space<vmem>>, vector<8x128xf32>,
    }
    %scan3A_54 = arith.constant 20 : i32
    %get3A_55 = arith.constant 0 : index
    %get3A_56 = arith.constant 0 : index
    %get3A_57 = vector.load %arg6[%get3A_55, %get3A_56] : memref<160x128xf32, #tpu.memory_space<vmem>>, vector<160x128xf32>
    %get3A_58 = arith.constant 0 : index
    %get3A_59 = arith.constant 0 : index
    %get3A_60 = vector.load %arg7[%get3A_58, %get3A_59] : memref<160x128xf32, #tpu.memory_space<vmem>>, vector<160x128xf32>
    %iota3A_61 = tpu.iota {dimensions = array<i32: 0>} : vector<160x128xi32>
    %mul3A_62 = arith.constant 128 : i32
    %mul3A_63 = vector.broadcast %mul3A_62 : i32 to vector<160x128xi32>
    %mul3A_64 = arith.muli %iota3A_61, %mul3A_63 : vector<160x128xi32>
    %iota3A_65 = tpu.iota {dimensions = array<i32: 1>} : vector<160x128xi32>
    %add3A = arith.addi %mul3A_64, %iota3A_65 : vector<160x128xi32>
    %bitcast_convert_type3A = tpu.bitcast %get3A_57 : vector<160x128xf32> -> vector<160x128xi32>
    %bitcast_convert_type3A_66 = tpu.bitcast %get3A_60 : vector<160x128xf32> -> vector<160x128xi32>
    %or3A = arith.constant 0 : i32
    %or3A_67 = arith.constant 1073741824 : i32
    %or3A_68 = arith.ori %or3A, %or3A_67 : i32
    %ge3A = vector.broadcast %or3A_68 : i32 to vector<160x128xi32>
    %ge3A_69 = arith.cmpi sge, %bitcast_convert_type3A, %ge3A : vector<160x128xi32>
    %convert_element_type3A_70 = arith.extui %ge3A_69 : vector<160x128xi1> to vector<160x128xi32>
    %reduce_sum3A = vector.shape_cast %convert_element_type3A_70 : vector<160x128xi32> to vector<1x160x128xi32>
    %reduce_sum3A_71 = arith.constant dense<0> : vector<1xi32>
    %reduce_sum3A_72 = vector.multi_reduction <add>, %reduce_sum3A, %reduce_sum3A_71 [1, 2] : vector<1x160x128xi32> to vector<1xi32>
    %reduce_sum3A_73 = vector.shape_cast %reduce_sum3A_72 : vector<1xi32> to vector<1x1x1xi32>
    %reduce_sum3A_74 = vector.extract %reduce_sum3A_73[0, 0, 0] : i32 from vector<1x1x1xi32>
    %ge3A_75 = arith.constant 64 : i32
    %ge3A_76 = arith.cmpi sge, %reduce_sum3A_74, %ge3A_75 : i32
    %jit3A = arith.constant 0 : i32
    %select_n3A = arith.select %ge3A_76, %or3A_68, %jit3A : i32
    %or3A_77 = arith.constant 536870912 : i32
    %or3A_78 = arith.ori %select_n3A, %or3A_77 : i32
    %ge3A_79 = vector.broadcast %or3A_78 : i32 to vector<160x128xi32>
    %ge3A_80 = arith.cmpi sge, %bitcast_convert_type3A, %ge3A_79 : vector<160x128xi32>
    %convert_element_type3A_81 = arith.extui %ge3A_80 : vector<160x128xi1> to vector<160x128xi32>
    %reduce_sum3A_82 = vector.shape_cast %convert_element_type3A_81 : vector<160x128xi32> to vector<1x160x128xi32>
    %reduce_sum3A_83 = arith.constant dense<0> : vector<1xi32>
    %reduce_sum3A_84 = vector.multi_reduction <add>, %reduce_sum3A_82, %reduce_sum3A_83 [1, 2] : vector<1x160x128xi32> to vector<1xi32>
    %reduce_sum3A_85 = vector.shape_cast %reduce_sum3A_84 : vector<1xi32> to vector<1x1x1xi32>
    %reduce_sum3A_86 = vector.extract %reduce_sum3A_85[0, 0, 0] : i32 from vector<1x1x1xi32>
    %ge3A_87 = arith.constant 64 : i32
    %ge3A_88 = arith.cmpi sge, %reduce_sum3A_86, %ge3A_87 : i32
    %select_n3A_89 = arith.select %ge3A_88, %or3A_78, %select_n3A : i32
    %or3A_90 = arith.constant 268435456 : i32
    %or3A_91 = arith.ori %select_n3A_89, %or3A_90 : i32
    %ge3A_92 = vector.broadcast %or3A_91 : i32 to vector<160x128xi32>
    %ge3A_93 = arith.cmpi sge, %bitcast_convert_type3A, %ge3A_92 : vector<160x128xi32>
    %convert_element_type3A_94 = arith.extui %ge3A_93 : vector<160x128xi1> to vector<160x128xi32>
    %reduce_sum3A_95 = vector.shape_cast %convert_element_type3A_94 : vector<160x128xi32> to vector<1x160x128xi32>
    %reduce_sum3A_96 = arith.constant dense<0> : vector<1xi32>
    %reduce_sum3A_97 = vector.multi_reduction <add>, %reduce_sum3A_95, %reduce_sum3A_96 [1, 2] : vector<1x160x128xi32> to vector<1xi32>
    %reduce_sum3A_98 = vector.shape_cast %reduce_sum3A_97 : vector<1xi32> to vector<1x1x1xi32>
    %reduce_sum3A_99 = vector.extract %reduce_sum3A_98[0, 0, 0] : i32 from vector<1x1x1xi32>
    %ge3A_100 = arith.constant 64 : i32
    %ge3A_101 = arith.cmpi sge, %reduce_sum3A_99, %ge3A_100 : i32
    %select_n3A_102 = arith.select %ge3A_101, %or3A_91, %select_n3A_89 : i32
    %or3A_103 = arith.constant 134217728 : i32
    %or3A_104 = arith.ori %select_n3A_102, %or3A_103 : i32
    %ge3A_105 = vector.broadcast %or3A_104 : i32 to vector<160x128xi32>
    %ge3A_106 = arith.cmpi sge, %bitcast_convert_type3A, %ge3A_105 : vector<160x128xi32>
    %convert_element_type3A_107 = arith.extui %ge3A_106 : vector<160x128xi1> to vector<160x128xi32>
    %reduce_sum3A_108 = vector.shape_cast %convert_element_type3A_107 : vector<160x128xi32> to vector<1x160x128xi32>
    %reduce_sum3A_109 = arith.constant dense<0> : vector<1xi32>
    %reduce_sum3A_110 = vector.multi_reduction <add>, %reduce_sum3A_108, %reduce_sum3A_109 [1, 2] : vector<1x160x128xi32> to vector<1xi32>
    %reduce_sum3A_111 = vector.shape_cast %reduce_sum3A_110 : vector<1xi32> to vector<1x1x1xi32>
    %reduce_sum3A_112 = vector.extract %reduce_sum3A_111[0, 0, 0] : i32 from vector<1x1x1xi32>
    %ge3A_113 = arith.constant 64 : i32
    %ge3A_114 = arith.cmpi sge, %reduce_sum3A_112, %ge3A_113 : i32
    %select_n3A_115 = arith.select %ge3A_114, %or3A_104, %select_n3A_102 : i32
    %or3A_116 = arith.constant 67108864 : i32
    %or3A_117 = arith.ori %select_n3A_115, %or3A_116 : i32
    %ge3A_118 = vector.broadcast %or3A_117 : i32 to vector<160x128xi32>
    %ge3A_119 = arith.cmpi sge, %bitcast_convert_type3A, %ge3A_118 : vector<160x128xi32>
    %convert_element_type3A_120 = arith.extui %ge3A_119 : vector<160x128xi1> to vector<160x128xi32>
    %reduce_sum3A_121 = vector.shape_cast %convert_element_type3A_120 : vector<160x128xi32> to vector<1x160x128xi32>
    %reduce_sum3A_122 = arith.constant dense<0> : vector<1xi32>
    %reduce_sum3A_123 = vector.multi_reduction <add>, %reduce_sum3A_121, %reduce_sum3A_122 [1, 2] : vector<1x160x128xi32> to vector<1xi32>
    %reduce_sum3A_124 = vector.shape_cast %reduce_sum3A_123 : vector<1xi32> to vector<1x1x1xi32>
    %reduce_sum3A_125 = vector.extract %reduce_sum3A_124[0, 0, 0] : i32 from vector<1x1x1xi32>
    %ge3A_126 = arith.constant 64 : i32
    %ge3A_127 = arith.cmpi sge, %reduce_sum3A_125, %ge3A_126 : i32
    %select_n3A_128 = arith.select %ge3A_127, %or3A_117, %select_n3A_115 : i32
    %or3A_129 = arith.constant 33554432 : i32
    %or3A_130 = arith.ori %select_n3A_128, %or3A_129 : i32
    %ge3A_131 = vector.broadcast %or3A_130 : i32 to vector<160x128xi32>
    %ge3A_132 = arith.cmpi sge, %bitcast_convert_type3A, %ge3A_131 : vector<160x128xi32>
    %convert_element_type3A_133 = arith.extui %ge3A_132 : vector<160x128xi1> to vector<160x128xi32>
    %reduce_sum3A_134 = vector.shape_cast %convert_element_type3A_133 : vector<160x128xi32> to vector<1x160x128xi32>
    %reduce_sum3A_135 = arith.constant dense<0> : vector<1xi32>
    %reduce_sum3A_136 = vector.multi_reduction <add>, %reduce_sum3A_134, %reduce_sum3A_135 [1, 2] : vector<1x160x128xi32> to vector<1xi32>
    %reduce_sum3A_137 = vector.shape_cast %reduce_sum3A_136 : vector<1xi32> to vector<1x1x1xi32>
    %reduce_sum3A_138 = vector.extract %reduce_sum3A_137[0, 0, 0] : i32 from vector<1x1x1xi32>
    %ge3A_139 = arith.constant 64 : i32
    %ge3A_140 = arith.cmpi sge, %reduce_sum3A_138, %ge3A_139 : i32
    %select_n3A_141 = arith.select %ge3A_140, %or3A_130, %select_n3A_128 : i32
    %or3A_142 = arith.constant 16777216 : i32
    %or3A_143 = arith.ori %select_n3A_141, %or3A_142 : i32
    %ge3A_144 = vector.broadcast %or3A_143 : i32 to vector<160x128xi32>
    %ge3A_145 = arith.cmpi sge, %bitcast_convert_type3A, %ge3A_144 : vector<160x128xi32>
    %convert_element_type3A_146 = arith.extui %ge3A_145 : vector<160x128xi1> to vector<160x128xi32>
    %reduce_sum3A_147 = vector.shape_cast %convert_element_type3A_146 : vector<160x128xi32> to vector<1x160x128xi32>
    %reduce_sum3A_148 = arith.constant dense<0> : vector<1xi32>
    %reduce_sum3A_149 = vector.multi_reduction <add>, %reduce_sum3A_147, %reduce_sum3A_148 [1, 2] : vector<1x160x128xi32> to vector<1xi32>
    %reduce_sum3A_150 = vector.shape_cast %reduce_sum3A_149 : vector<1xi32> to vector<1x1x1xi32>
    %reduce_sum3A_151 = vector.extract %reduce_sum3A_150[0, 0, 0] : i32 from vector<1x1x1xi32>
    %ge3A_152 = arith.constant 64 : i32
    %ge3A_153 = arith.cmpi sge, %reduce_sum3A_151, %ge3A_152 : i32
    %select_n3A_154 = arith.select %ge3A_153, %or3A_143, %select_n3A_141 : i32
    %or3A_155 = arith.constant 8388608 : i32
    %or3A_156 = arith.ori %select_n3A_154, %or3A_155 : i32
    %ge3A_157 = vector.broadcast %or3A_156 : i32 to vector<160x128xi32>
    %ge3A_158 = arith.cmpi sge, %bitcast_convert_type3A, %ge3A_157 : vector<160x128xi32>
    %convert_element_type3A_159 = arith.extui %ge3A_158 : vector<160x128xi1> to vector<160x128xi32>
    %reduce_sum3A_160 = vector.shape_cast %convert_element_type3A_159 : vector<160x128xi32> to vector<1x160x128xi32>
    %reduce_sum3A_161 = arith.constant dense<0> : vector<1xi32>
    %reduce_sum3A_162 = vector.multi_reduction <add>, %reduce_sum3A_160, %reduce_sum3A_161 [1, 2] : vector<1x160x128xi32> to vector<1xi32>
    %reduce_sum3A_163 = vector.shape_cast %reduce_sum3A_162 : vector<1xi32> to vector<1x1x1xi32>
    %reduce_sum3A_164 = vector.extract %reduce_sum3A_163[0, 0, 0] : i32 from vector<1x1x1xi32>
    %ge3A_165 = arith.constant 64 : i32
    %ge3A_166 = arith.cmpi sge, %reduce_sum3A_164, %ge3A_165 : i32
    %select_n3A_167 = arith.select %ge3A_166, %or3A_156, %select_n3A_154 : i32
    %or3A_168 = arith.constant 4194304 : i32
    %or3A_169 = arith.ori %select_n3A_167, %or3A_168 : i32
    %ge3A_170 = vector.broadcast %or3A_169 : i32 to vector<160x128xi32>
    %ge3A_171 = arith.cmpi sge, %bitcast_convert_type3A, %ge3A_170 : vector<160x128xi32>
    %convert_element_type3A_172 = arith.extui %ge3A_171 : vector<160x128xi1> to vector<160x128xi32>
    %reduce_sum3A_173 = vector.shape_cast %convert_element_type3A_172 : vector<160x128xi32> to vector<1x160x128xi32>
    %reduce_sum3A_174 = arith.constant dense<0> : vector<1xi32>
    %reduce_sum3A_175 = vector.multi_reduction <add>, %reduce_sum3A_173, %reduce_sum3A_174 [1, 2] : vector<1x160x128xi32> to vector<1xi32>
    %reduce_sum3A_176 = vector.shape_cast %reduce_sum3A_175 : vector<1xi32> to vector<1x1x1xi32>
    %reduce_sum3A_177 = vector.extract %reduce_sum3A_176[0, 0, 0] : i32 from vector<1x1x1xi32>
    %ge3A_178 = arith.constant 64 : i32
    %ge3A_179 = arith.cmpi sge, %reduce_sum3A_177, %ge3A_178 : i32
    %select_n3A_180 = arith.select %ge3A_179, %or3A_169, %select_n3A_167 : i32
    %or3A_181 = arith.constant 2097152 : i32
    %or3A_182 = arith.ori %select_n3A_180, %or3A_181 : i32
    %ge3A_183 = vector.broadcast %or3A_182 : i32 to vector<160x128xi32>
    %ge3A_184 = arith.cmpi sge, %bitcast_convert_type3A, %ge3A_183 : vector<160x128xi32>
    %convert_element_type3A_185 = arith.extui %ge3A_184 : vector<160x128xi1> to vector<160x128xi32>
    %reduce_sum3A_186 = vector.shape_cast %convert_element_type3A_185 : vector<160x128xi32> to vector<1x160x128xi32>
    %reduce_sum3A_187 = arith.constant dense<0> : vector<1xi32>
    %reduce_sum3A_188 = vector.multi_reduction <add>, %reduce_sum3A_186, %reduce_sum3A_187 [1, 2] : vector<1x160x128xi32> to vector<1xi32>
    %reduce_sum3A_189 = vector.shape_cast %reduce_sum3A_188 : vector<1xi32> to vector<1x1x1xi32>
    %reduce_sum3A_190 = vector.extract %reduce_sum3A_189[0, 0, 0] : i32 from vector<1x1x1xi32>
    %ge3A_191 = arith.constant 64 : i32
    %ge3A_192 = arith.cmpi sge, %reduce_sum3A_190, %ge3A_191 : i32
    %select_n3A_193 = arith.select %ge3A_192, %or3A_182, %select_n3A_180 : i32
    %or3A_194 = arith.constant 1048576 : i32
    %or3A_195 = arith.ori %select_n3A_193, %or3A_194 : i32
    %ge3A_196 = vector.broadcast %or3A_195 : i32 to vector<160x128xi32>
    %ge3A_197 = arith.cmpi sge, %bitcast_convert_type3A, %ge3A_196 : vector<160x128xi32>
    %convert_element_type3A_198 = arith.extui %ge3A_197 : vector<160x128xi1> to vector<160x128xi32>
    %reduce_sum3A_199 = vector.shape_cast %convert_element_type3A_198 : vector<160x128xi32> to vector<1x160x128xi32>
    %reduce_sum3A_200 = arith.constant dense<0> : vector<1xi32>
    %reduce_sum3A_201 = vector.multi_reduction <add>, %reduce_sum3A_199, %reduce_sum3A_200 [1, 2] : vector<1x160x128xi32> to vector<1xi32>
    %reduce_sum3A_202 = vector.shape_cast %reduce_sum3A_201 : vector<1xi32> to vector<1x1x1xi32>
    %reduce_sum3A_203 = vector.extract %reduce_sum3A_202[0, 0, 0] : i32 from vector<1x1x1xi32>
    %ge3A_204 = arith.constant 64 : i32
    %ge3A_205 = arith.cmpi sge, %reduce_sum3A_203, %ge3A_204 : i32
    %select_n3A_206 = arith.select %ge3A_205, %or3A_195, %select_n3A_193 : i32
    %or3A_207 = arith.constant 524288 : i32
    %or3A_208 = arith.ori %select_n3A_206, %or3A_207 : i32
    %ge3A_209 = vector.broadcast %or3A_208 : i32 to vector<160x128xi32>
    %ge3A_210 = arith.cmpi sge, %bitcast_convert_type3A, %ge3A_209 : vector<160x128xi32>
    %convert_element_type3A_211 = arith.extui %ge3A_210 : vector<160x128xi1> to vector<160x128xi32>
    %reduce_sum3A_212 = vector.shape_cast %convert_element_type3A_211 : vector<160x128xi32> to vector<1x160x128xi32>
    %reduce_sum3A_213 = arith.constant dense<0> : vector<1xi32>
    %reduce_sum3A_214 = vector.multi_reduction <add>, %reduce_sum3A_212, %reduce_sum3A_213 [1, 2] : vector<1x160x128xi32> to vector<1xi32>
    %reduce_sum3A_215 = vector.shape_cast %reduce_sum3A_214 : vector<1xi32> to vector<1x1x1xi32>
    %reduce_sum3A_216 = vector.extract %reduce_sum3A_215[0, 0, 0] : i32 from vector<1x1x1xi32>
    %ge3A_217 = arith.constant 64 : i32
    %ge3A_218 = arith.cmpi sge, %reduce_sum3A_216, %ge3A_217 : i32
    %select_n3A_219 = arith.select %ge3A_218, %or3A_208, %select_n3A_206 : i32
    %or3A_220 = arith.constant 262144 : i32
    %or3A_221 = arith.ori %select_n3A_219, %or3A_220 : i32
    %ge3A_222 = vector.broadcast %or3A_221 : i32 to vector<160x128xi32>
    %ge3A_223 = arith.cmpi sge, %bitcast_convert_type3A, %ge3A_222 : vector<160x128xi32>
    %convert_element_type3A_224 = arith.extui %ge3A_223 : vector<160x128xi1> to vector<160x128xi32>
    %reduce_sum3A_225 = vector.shape_cast %convert_element_type3A_224 : vector<160x128xi32> to vector<1x160x128xi32>
    %reduce_sum3A_226 = arith.constant dense<0> : vector<1xi32>
    %reduce_sum3A_227 = vector.multi_reduction <add>, %reduce_sum3A_225, %reduce_sum3A_226 [1, 2] : vector<1x160x128xi32> to vector<1xi32>
    %reduce_sum3A_228 = vector.shape_cast %reduce_sum3A_227 : vector<1xi32> to vector<1x1x1xi32>
    %reduce_sum3A_229 = vector.extract %reduce_sum3A_228[0, 0, 0] : i32 from vector<1x1x1xi32>
    %ge3A_230 = arith.constant 64 : i32
    %ge3A_231 = arith.cmpi sge, %reduce_sum3A_229, %ge3A_230 : i32
    %select_n3A_232 = arith.select %ge3A_231, %or3A_221, %select_n3A_219 : i32
    %or3A_233 = arith.constant 131072 : i32
    %or3A_234 = arith.ori %select_n3A_232, %or3A_233 : i32
    %ge3A_235 = vector.broadcast %or3A_234 : i32 to vector<160x128xi32>
    %ge3A_236 = arith.cmpi sge, %bitcast_convert_type3A, %ge3A_235 : vector<160x128xi32>
    %convert_element_type3A_237 = arith.extui %ge3A_236 : vector<160x128xi1> to vector<160x128xi32>
    %reduce_sum3A_238 = vector.shape_cast %convert_element_type3A_237 : vector<160x128xi32> to vector<1x160x128xi32>
    %reduce_sum3A_239 = arith.constant dense<0> : vector<1xi32>
    %reduce_sum3A_240 = vector.multi_reduction <add>, %reduce_sum3A_238, %reduce_sum3A_239 [1, 2] : vector<1x160x128xi32> to vector<1xi32>
    %reduce_sum3A_241 = vector.shape_cast %reduce_sum3A_240 : vector<1xi32> to vector<1x1x1xi32>
    %reduce_sum3A_242 = vector.extract %reduce_sum3A_241[0, 0, 0] : i32 from vector<1x1x1xi32>
    %ge3A_243 = arith.constant 64 : i32
    %ge3A_244 = arith.cmpi sge, %reduce_sum3A_242, %ge3A_243 : i32
    %select_n3A_245 = arith.select %ge3A_244, %or3A_234, %select_n3A_232 : i32
    %or3A_246 = arith.constant 65536 : i32
    %or3A_247 = arith.ori %select_n3A_245, %or3A_246 : i32
    %ge3A_248 = vector.broadcast %or3A_247 : i32 to vector<160x128xi32>
    %ge3A_249 = arith.cmpi sge, %bitcast_convert_type3A, %ge3A_248 : vector<160x128xi32>
    %convert_element_type3A_250 = arith.extui %ge3A_249 : vector<160x128xi1> to vector<160x128xi32>
    %reduce_sum3A_251 = vector.shape_cast %convert_element_type3A_250 : vector<160x128xi32> to vector<1x160x128xi32>
    %reduce_sum3A_252 = arith.constant dense<0> : vector<1xi32>
    %reduce_sum3A_253 = vector.multi_reduction <add>, %reduce_sum3A_251, %reduce_sum3A_252 [1, 2] : vector<1x160x128xi32> to vector<1xi32>
    %reduce_sum3A_254 = vector.shape_cast %reduce_sum3A_253 : vector<1xi32> to vector<1x1x1xi32>
    %reduce_sum3A_255 = vector.extract %reduce_sum3A_254[0, 0, 0] : i32 from vector<1x1x1xi32>
    %ge3A_256 = arith.constant 64 : i32
    %ge3A_257 = arith.cmpi sge, %reduce_sum3A_255, %ge3A_256 : i32
    %select_n3A_258 = arith.select %ge3A_257, %or3A_247, %select_n3A_245 : i32
    %or3A_259 = arith.constant 32768 : i32
    %or3A_260 = arith.ori %select_n3A_258, %or3A_259 : i32
    %ge3A_261 = vector.broadcast %or3A_260 : i32 to vector<160x128xi32>
    %ge3A_262 = arith.cmpi sge, %bitcast_convert_type3A, %ge3A_261 : vector<160x128xi32>
    %convert_element_type3A_263 = arith.extui %ge3A_262 : vector<160x128xi1> to vector<160x128xi32>
    %reduce_sum3A_264 = vector.shape_cast %convert_element_type3A_263 : vector<160x128xi32> to vector<1x160x128xi32>
    %reduce_sum3A_265 = arith.constant dense<0> : vector<1xi32>
    %reduce_sum3A_266 = vector.multi_reduction <add>, %reduce_sum3A_264, %reduce_sum3A_265 [1, 2] : vector<1x160x128xi32> to vector<1xi32>
    %reduce_sum3A_267 = vector.shape_cast %reduce_sum3A_266 : vector<1xi32> to vector<1x1x1xi32>
    %reduce_sum3A_268 = vector.extract %reduce_sum3A_267[0, 0, 0] : i32 from vector<1x1x1xi32>
    %ge3A_269 = arith.constant 64 : i32
    %ge3A_270 = arith.cmpi sge, %reduce_sum3A_268, %ge3A_269 : i32
    %select_n3A_271 = arith.select %ge3A_270, %or3A_260, %select_n3A_258 : i32
    %or3A_272 = arith.constant 16384 : i32
    %or3A_273 = arith.ori %select_n3A_271, %or3A_272 : i32
    %ge3A_274 = vector.broadcast %or3A_273 : i32 to vector<160x128xi32>
    %ge3A_275 = arith.cmpi sge, %bitcast_convert_type3A, %ge3A_274 : vector<160x128xi32>
    %convert_element_type3A_276 = arith.extui %ge3A_275 : vector<160x128xi1> to vector<160x128xi32>
    %reduce_sum3A_277 = vector.shape_cast %convert_element_type3A_276 : vector<160x128xi32> to vector<1x160x128xi32>
    %reduce_sum3A_278 = arith.constant dense<0> : vector<1xi32>
    %reduce_sum3A_279 = vector.multi_reduction <add>, %reduce_sum3A_277, %reduce_sum3A_278 [1, 2] : vector<1x160x128xi32> to vector<1xi32>
    %reduce_sum3A_280 = vector.shape_cast %reduce_sum3A_279 : vector<1xi32> to vector<1x1x1xi32>
    %reduce_sum3A_281 = vector.extract %reduce_sum3A_280[0, 0, 0] : i32 from vector<1x1x1xi32>
    %ge3A_282 = arith.constant 64 : i32
    %ge3A_283 = arith.cmpi sge, %reduce_sum3A_281, %ge3A_282 : i32
    %select_n3A_284 = arith.select %ge3A_283, %or3A_273, %select_n3A_271 : i32
    %or3A_285 = arith.constant 8192 : i32
    %or3A_286 = arith.ori %select_n3A_284, %or3A_285 : i32
    %ge3A_287 = vector.broadcast %or3A_286 : i32 to vector<160x128xi32>
    %ge3A_288 = arith.cmpi sge, %bitcast_convert_type3A, %ge3A_287 : vector<160x128xi32>
    %convert_element_type3A_289 = arith.extui %ge3A_288 : vector<160x128xi1> to vector<160x128xi32>
    %reduce_sum3A_290 = vector.shape_cast %convert_element_type3A_289 : vector<160x128xi32> to vector<1x160x128xi32>
    %reduce_sum3A_291 = arith.constant dense<0> : vector<1xi32>
    %reduce_sum3A_292 = vector.multi_reduction <add>, %reduce_sum3A_290, %reduce_sum3A_291 [1, 2] : vector<1x160x128xi32> to vector<1xi32>
    %reduce_sum3A_293 = vector.shape_cast %reduce_sum3A_292 : vector<1xi32> to vector<1x1x1xi32>
    %reduce_sum3A_294 = vector.extract %reduce_sum3A_293[0, 0, 0] : i32 from vector<1x1x1xi32>
    %ge3A_295 = arith.constant 64 : i32
    %ge3A_296 = arith.cmpi sge, %reduce_sum3A_294, %ge3A_295 : i32
    %select_n3A_297 = arith.select %ge3A_296, %or3A_286, %select_n3A_284 : i32
    %or3A_298 = arith.constant 4096 : i32
    %or3A_299 = arith.ori %select_n3A_297, %or3A_298 : i32
    %ge3A_300 = vector.broadcast %or3A_299 : i32 to vector<160x128xi32>
    %ge3A_301 = arith.cmpi sge, %bitcast_convert_type3A, %ge3A_300 : vector<160x128xi32>
    %convert_element_type3A_302 = arith.extui %ge3A_301 : vector<160x128xi1> to vector<160x128xi32>
    %reduce_sum3A_303 = vector.shape_cast %convert_element_type3A_302 : vector<160x128xi32> to vector<1x160x128xi32>
    %reduce_sum3A_304 = arith.constant dense<0> : vector<1xi32>
    %reduce_sum3A_305 = vector.multi_reduction <add>, %reduce_sum3A_303, %reduce_sum3A_304 [1, 2] : vector<1x160x128xi32> to vector<1xi32>
    %reduce_sum3A_306 = vector.shape_cast %reduce_sum3A_305 : vector<1xi32> to vector<1x1x1xi32>
    %reduce_sum3A_307 = vector.extract %reduce_sum3A_306[0, 0, 0] : i32 from vector<1x1x1xi32>
    %ge3A_308 = arith.constant 64 : i32
    %ge3A_309 = arith.cmpi sge, %reduce_sum3A_307, %ge3A_308 : i32
    %select_n3A_310 = arith.select %ge3A_309, %or3A_299, %select_n3A_297 : i32
    %or3A_311 = arith.constant 2048 : i32
    %or3A_312 = arith.ori %select_n3A_310, %or3A_311 : i32
    %ge3A_313 = vector.broadcast %or3A_312 : i32 to vector<160x128xi32>
    %ge3A_314 = arith.cmpi sge, %bitcast_convert_type3A, %ge3A_313 : vector<160x128xi32>
    %convert_element_type3A_315 = arith.extui %ge3A_314 : vector<160x128xi1> to vector<160x128xi32>
    %reduce_sum3A_316 = vector.shape_cast %convert_element_type3A_315 : vector<160x128xi32> to vector<1x160x128xi32>
    %reduce_sum3A_317 = arith.constant dense<0> : vector<1xi32>
    %reduce_sum3A_318 = vector.multi_reduction <add>, %reduce_sum3A_316, %reduce_sum3A_317 [1, 2] : vector<1x160x128xi32> to vector<1xi32>
    %reduce_sum3A_319 = vector.shape_cast %reduce_sum3A_318 : vector<1xi32> to vector<1x1x1xi32>
    %reduce_sum3A_320 = vector.extract %reduce_sum3A_319[0, 0, 0] : i32 from vector<1x1x1xi32>
    %ge3A_321 = arith.constant 64 : i32
    %ge3A_322 = arith.cmpi sge, %reduce_sum3A_320, %ge3A_321 : i32
    %select_n3A_323 = arith.select %ge3A_322, %or3A_312, %select_n3A_310 : i32
    %or3A_324 = arith.constant 1024 : i32
    %or3A_325 = arith.ori %select_n3A_323, %or3A_324 : i32
    %ge3A_326 = vector.broadcast %or3A_325 : i32 to vector<160x128xi32>
    %ge3A_327 = arith.cmpi sge, %bitcast_convert_type3A, %ge3A_326 : vector<160x128xi32>
    %convert_element_type3A_328 = arith.extui %ge3A_327 : vector<160x128xi1> to vector<160x128xi32>
    %reduce_sum3A_329 = vector.shape_cast %convert_element_type3A_328 : vector<160x128xi32> to vector<1x160x128xi32>
    %reduce_sum3A_330 = arith.constant dense<0> : vector<1xi32>
    %reduce_sum3A_331 = vector.multi_reduction <add>, %reduce_sum3A_329, %reduce_sum3A_330 [1, 2] : vector<1x160x128xi32> to vector<1xi32>
    %reduce_sum3A_332 = vector.shape_cast %reduce_sum3A_331 : vector<1xi32> to vector<1x1x1xi32>
    %reduce_sum3A_333 = vector.extract %reduce_sum3A_332[0, 0, 0] : i32 from vector<1x1x1xi32>
    %ge3A_334 = arith.constant 64 : i32
    %ge3A_335 = arith.cmpi sge, %reduce_sum3A_333, %ge3A_334 : i32
    %select_n3A_336 = arith.select %ge3A_335, %or3A_325, %select_n3A_323 : i32
    %or3A_337 = arith.constant 512 : i32
    %or3A_338 = arith.ori %select_n3A_336, %or3A_337 : i32
    %ge3A_339 = vector.broadcast %or3A_338 : i32 to vector<160x128xi32>
    %ge3A_340 = arith.cmpi sge, %bitcast_convert_type3A, %ge3A_339 : vector<160x128xi32>
    %convert_element_type3A_341 = arith.extui %ge3A_340 : vector<160x128xi1> to vector<160x128xi32>
    %reduce_sum3A_342 = vector.shape_cast %convert_element_type3A_341 : vector<160x128xi32> to vector<1x160x128xi32>
    %reduce_sum3A_343 = arith.constant dense<0> : vector<1xi32>
    %reduce_sum3A_344 = vector.multi_reduction <add>, %reduce_sum3A_342, %reduce_sum3A_343 [1, 2] : vector<1x160x128xi32> to vector<1xi32>
    %reduce_sum3A_345 = vector.shape_cast %reduce_sum3A_344 : vector<1xi32> to vector<1x1x1xi32>
    %reduce_sum3A_346 = vector.extract %reduce_sum3A_345[0, 0, 0] : i32 from vector<1x1x1xi32>
    %ge3A_347 = arith.constant 64 : i32
    %ge3A_348 = arith.cmpi sge, %reduce_sum3A_346, %ge3A_347 : i32
    %select_n3A_349 = arith.select %ge3A_348, %or3A_338, %select_n3A_336 : i32
    %or3A_350 = arith.constant 256 : i32
    %or3A_351 = arith.ori %select_n3A_349, %or3A_350 : i32
    %ge3A_352 = vector.broadcast %or3A_351 : i32 to vector<160x128xi32>
    %ge3A_353 = arith.cmpi sge, %bitcast_convert_type3A, %ge3A_352 : vector<160x128xi32>
    %convert_element_type3A_354 = arith.extui %ge3A_353 : vector<160x128xi1> to vector<160x128xi32>
    %reduce_sum3A_355 = vector.shape_cast %convert_element_type3A_354 : vector<160x128xi32> to vector<1x160x128xi32>
    %reduce_sum3A_356 = arith.constant dense<0> : vector<1xi32>
    %reduce_sum3A_357 = vector.multi_reduction <add>, %reduce_sum3A_355, %reduce_sum3A_356 [1, 2] : vector<1x160x128xi32> to vector<1xi32>
    %reduce_sum3A_358 = vector.shape_cast %reduce_sum3A_357 : vector<1xi32> to vector<1x1x1xi32>
    %reduce_sum3A_359 = vector.extract %reduce_sum3A_358[0, 0, 0] : i32 from vector<1x1x1xi32>
    %ge3A_360 = arith.constant 64 : i32
    %ge3A_361 = arith.cmpi sge, %reduce_sum3A_359, %ge3A_360 : i32
    %select_n3A_362 = arith.select %ge3A_361, %or3A_351, %select_n3A_349 : i32
    %or3A_363 = arith.constant 128 : i32
    %or3A_364 = arith.ori %select_n3A_362, %or3A_363 : i32
    %ge3A_365 = vector.broadcast %or3A_364 : i32 to vector<160x128xi32>
    %ge3A_366 = arith.cmpi sge, %bitcast_convert_type3A, %ge3A_365 : vector<160x128xi32>
    %convert_element_type3A_367 = arith.extui %ge3A_366 : vector<160x128xi1> to vector<160x128xi32>
    %reduce_sum3A_368 = vector.shape_cast %convert_element_type3A_367 : vector<160x128xi32> to vector<1x160x128xi32>
    %reduce_sum3A_369 = arith.constant dense<0> : vector<1xi32>
    %reduce_sum3A_370 = vector.multi_reduction <add>, %reduce_sum3A_368, %reduce_sum3A_369 [1, 2] : vector<1x160x128xi32> to vector<1xi32>
    %reduce_sum3A_371 = vector.shape_cast %reduce_sum3A_370 : vector<1xi32> to vector<1x1x1xi32>
    %reduce_sum3A_372 = vector.extract %reduce_sum3A_371[0, 0, 0] : i32 from vector<1x1x1xi32>
    %ge3A_373 = arith.constant 64 : i32
    %ge3A_374 = arith.cmpi sge, %reduce_sum3A_372, %ge3A_373 : i32
    %select_n3A_375 = arith.select %ge3A_374, %or3A_364, %select_n3A_362 : i32
    %or3A_376 = arith.constant 64 : i32
    %or3A_377 = arith.ori %select_n3A_375, %or3A_376 : i32
    %ge3A_378 = vector.broadcast %or3A_377 : i32 to vector<160x128xi32>
    %ge3A_379 = arith.cmpi sge, %bitcast_convert_type3A, %ge3A_378 : vector<160x128xi32>
    %convert_element_type3A_380 = arith.extui %ge3A_379 : vector<160x128xi1> to vector<160x128xi32>
    %reduce_sum3A_381 = vector.shape_cast %convert_element_type3A_380 : vector<160x128xi32> to vector<1x160x128xi32>
    %reduce_sum3A_382 = arith.constant dense<0> : vector<1xi32>
    %reduce_sum3A_383 = vector.multi_reduction <add>, %reduce_sum3A_381, %reduce_sum3A_382 [1, 2] : vector<1x160x128xi32> to vector<1xi32>
    %reduce_sum3A_384 = vector.shape_cast %reduce_sum3A_383 : vector<1xi32> to vector<1x1x1xi32>
    %reduce_sum3A_385 = vector.extract %reduce_sum3A_384[0, 0, 0] : i32 from vector<1x1x1xi32>
    %ge3A_386 = arith.constant 64 : i32
    %ge3A_387 = arith.cmpi sge, %reduce_sum3A_385, %ge3A_386 : i32
    %select_n3A_388 = arith.select %ge3A_387, %or3A_377, %select_n3A_375 : i32
    %or3A_389 = arith.constant 32 : i32
    %or3A_390 = arith.ori %select_n3A_388, %or3A_389 : i32
    %ge3A_391 = vector.broadcast %or3A_390 : i32 to vector<160x128xi32>
    %ge3A_392 = arith.cmpi sge, %bitcast_convert_type3A, %ge3A_391 : vector<160x128xi32>
    %convert_element_type3A_393 = arith.extui %ge3A_392 : vector<160x128xi1> to vector<160x128xi32>
    %reduce_sum3A_394 = vector.shape_cast %convert_element_type3A_393 : vector<160x128xi32> to vector<1x160x128xi32>
    %reduce_sum3A_395 = arith.constant dense<0> : vector<1xi32>
    %reduce_sum3A_396 = vector.multi_reduction <add>, %reduce_sum3A_394, %reduce_sum3A_395 [1, 2] : vector<1x160x128xi32> to vector<1xi32>
    %reduce_sum3A_397 = vector.shape_cast %reduce_sum3A_396 : vector<1xi32> to vector<1x1x1xi32>
    %reduce_sum3A_398 = vector.extract %reduce_sum3A_397[0, 0, 0] : i32 from vector<1x1x1xi32>
    %ge3A_399 = arith.constant 64 : i32
    %ge3A_400 = arith.cmpi sge, %reduce_sum3A_398, %ge3A_399 : i32
    %select_n3A_401 = arith.select %ge3A_400, %or3A_390, %select_n3A_388 : i32
    %or3A_402 = arith.constant 16 : i32
    %or3A_403 = arith.ori %select_n3A_401, %or3A_402 : i32
    %ge3A_404 = vector.broadcast %or3A_403 : i32 to vector<160x128xi32>
    %ge3A_405 = arith.cmpi sge, %bitcast_convert_type3A, %ge3A_404 : vector<160x128xi32>
    %convert_element_type3A_406 = arith.extui %ge3A_405 : vector<160x128xi1> to vector<160x128xi32>
    %reduce_sum3A_407 = vector.shape_cast %convert_element_type3A_406 : vector<160x128xi32> to vector<1x160x128xi32>
    %reduce_sum3A_408 = arith.constant dense<0> : vector<1xi32>
    %reduce_sum3A_409 = vector.multi_reduction <add>, %reduce_sum3A_407, %reduce_sum3A_408 [1, 2] : vector<1x160x128xi32> to vector<1xi32>
    %reduce_sum3A_410 = vector.shape_cast %reduce_sum3A_409 : vector<1xi32> to vector<1x1x1xi32>
    %reduce_sum3A_411 = vector.extract %reduce_sum3A_410[0, 0, 0] : i32 from vector<1x1x1xi32>
    %ge3A_412 = arith.constant 64 : i32
    %ge3A_413 = arith.cmpi sge, %reduce_sum3A_411, %ge3A_412 : i32
    %select_n3A_414 = arith.select %ge3A_413, %or3A_403, %select_n3A_401 : i32
    %or3A_415 = arith.constant 8 : i32
    %or3A_416 = arith.ori %select_n3A_414, %or3A_415 : i32
    %ge3A_417 = vector.broadcast %or3A_416 : i32 to vector<160x128xi32>
    %ge3A_418 = arith.cmpi sge, %bitcast_convert_type3A, %ge3A_417 : vector<160x128xi32>
    %convert_element_type3A_419 = arith.extui %ge3A_418 : vector<160x128xi1> to vector<160x128xi32>
    %reduce_sum3A_420 = vector.shape_cast %convert_element_type3A_419 : vector<160x128xi32> to vector<1x160x128xi32>
    %reduce_sum3A_421 = arith.constant dense<0> : vector<1xi32>
    %reduce_sum3A_422 = vector.multi_reduction <add>, %reduce_sum3A_420, %reduce_sum3A_421 [1, 2] : vector<1x160x128xi32> to vector<1xi32>
    %reduce_sum3A_423 = vector.shape_cast %reduce_sum3A_422 : vector<1xi32> to vector<1x1x1xi32>
    %reduce_sum3A_424 = vector.extract %reduce_sum3A_423[0, 0, 0] : i32 from vector<1x1x1xi32>
    %ge3A_425 = arith.constant 64 : i32
    %ge3A_426 = arith.cmpi sge, %reduce_sum3A_424, %ge3A_425 : i32
    %select_n3A_427 = arith.select %ge3A_426, %or3A_416, %select_n3A_414 : i32
    %or3A_428 = arith.constant 4 : i32
    %or3A_429 = arith.ori %select_n3A_427, %or3A_428 : i32
    %ge3A_430 = vector.broadcast %or3A_429 : i32 to vector<160x128xi32>
    %ge3A_431 = arith.cmpi sge, %bitcast_convert_type3A, %ge3A_430 : vector<160x128xi32>
    %convert_element_type3A_432 = arith.extui %ge3A_431 : vector<160x128xi1> to vector<160x128xi32>
    %reduce_sum3A_433 = vector.shape_cast %convert_element_type3A_432 : vector<160x128xi32> to vector<1x160x128xi32>
    %reduce_sum3A_434 = arith.constant dense<0> : vector<1xi32>
    %reduce_sum3A_435 = vector.multi_reduction <add>, %reduce_sum3A_433, %reduce_sum3A_434 [1, 2] : vector<1x160x128xi32> to vector<1xi32>
    %reduce_sum3A_436 = vector.shape_cast %reduce_sum3A_435 : vector<1xi32> to vector<1x1x1xi32>
    %reduce_sum3A_437 = vector.extract %reduce_sum3A_436[0, 0, 0] : i32 from vector<1x1x1xi32>
    %ge3A_438 = arith.constant 64 : i32
    %ge3A_439 = arith.cmpi sge, %reduce_sum3A_437, %ge3A_438 : i32
    %select_n3A_440 = arith.select %ge3A_439, %or3A_429, %select_n3A_427 : i32
    %or3A_441 = arith.constant 2 : i32
    %or3A_442 = arith.ori %select_n3A_440, %or3A_441 : i32
    %ge3A_443 = vector.broadcast %or3A_442 : i32 to vector<160x128xi32>
    %ge3A_444 = arith.cmpi sge, %bitcast_convert_type3A, %ge3A_443 : vector<160x128xi32>
    %convert_element_type3A_445 = arith.extui %ge3A_444 : vector<160x128xi1> to vector<160x128xi32>
    %reduce_sum3A_446 = vector.shape_cast %convert_element_type3A_445 : vector<160x128xi32> to vector<1x160x128xi32>
    %reduce_sum3A_447 = arith.constant dense<0> : vector<1xi32>
    %reduce_sum3A_448 = vector.multi_reduction <add>, %reduce_sum3A_446, %reduce_sum3A_447 [1, 2] : vector<1x160x128xi32> to vector<1xi32>
    %reduce_sum3A_449 = vector.shape_cast %reduce_sum3A_448 : vector<1xi32> to vector<1x1x1xi32>
    %reduce_sum3A_450 = vector.extract %reduce_sum3A_449[0, 0, 0] : i32 from vector<1x1x1xi32>
    %ge3A_451 = arith.constant 64 : i32
    %ge3A_452 = arith.cmpi sge, %reduce_sum3A_450, %ge3A_451 : i32
    %select_n3A_453 = arith.select %ge3A_452, %or3A_442, %select_n3A_440 : i32
    %or3A_454 = arith.constant 1 : i32
    %or3A_455 = arith.ori %select_n3A_453, %or3A_454 : i32
    %ge3A_456 = vector.broadcast %or3A_455 : i32 to vector<160x128xi32>
    %ge3A_457 = arith.cmpi sge, %bitcast_convert_type3A, %ge3A_456 : vector<160x128xi32>
    %convert_element_type3A_458 = arith.extui %ge3A_457 : vector<160x128xi1> to vector<160x128xi32>
    %reduce_sum3A_459 = vector.shape_cast %convert_element_type3A_458 : vector<160x128xi32> to vector<1x160x128xi32>
    %reduce_sum3A_460 = arith.constant dense<0> : vector<1xi32>
    %reduce_sum3A_461 = vector.multi_reduction <add>, %reduce_sum3A_459, %reduce_sum3A_460 [1, 2] : vector<1x160x128xi32> to vector<1xi32>
    %reduce_sum3A_462 = vector.shape_cast %reduce_sum3A_461 : vector<1xi32> to vector<1x1x1xi32>
    %reduce_sum3A_463 = vector.extract %reduce_sum3A_462[0, 0, 0] : i32 from vector<1x1x1xi32>
    %ge3A_464 = arith.constant 64 : i32
    %ge3A_465 = arith.cmpi sge, %reduce_sum3A_463, %ge3A_464 : i32
    %select_n3A_466 = arith.select %ge3A_465, %or3A_455, %select_n3A_453 : i32
    %gt3A = vector.broadcast %select_n3A_466 : i32 to vector<160x128xi32>
    %gt3A_467 = arith.cmpi sgt, %bitcast_convert_type3A, %gt3A : vector<160x128xi32>
    %convert_element_type3A_468 = arith.extui %gt3A_467 : vector<160x128xi1> to vector<160x128xi32>
    %reduce_sum3A_469 = vector.shape_cast %convert_element_type3A_468 : vector<160x128xi32> to vector<1x160x128xi32>
    %reduce_sum3A_470 = arith.constant dense<0> : vector<1xi32>
    %reduce_sum3A_471 = vector.multi_reduction <add>, %reduce_sum3A_469, %reduce_sum3A_470 [1, 2] : vector<1x160x128xi32> to vector<1xi32>
    %reduce_sum3A_472 = vector.shape_cast %reduce_sum3A_471 : vector<1xi32> to vector<1x1x1xi32>
    %reduce_sum3A_473 = vector.extract %reduce_sum3A_472[0, 0, 0] : i32 from vector<1x1x1xi32>
    %sub3A_474 = arith.constant 64 : i32
    %sub3A_475 = arith.subi %sub3A_474, %reduce_sum3A_473 : i32
    %eq3A = vector.broadcast %select_n3A_466 : i32 to vector<160x128xi32>
    %eq3A_476 = arith.cmpi eq, %bitcast_convert_type3A, %eq3A : vector<160x128xi32>
    %or3A_477 = arith.constant 0 : i32
    %or3A_478 = arith.constant 16384 : i32
    %or3A_479 = arith.ori %or3A_477, %or3A_478 : i32
    %lt3A_480 = vector.broadcast %or3A_479 : i32 to vector<160x128xi32>
    %lt3A_481 = arith.cmpi slt, %add3A, %lt3A_480 : vector<160x128xi32>
    %and3A = arith.andi %eq3A_476, %lt3A_481 : vector<160x128xi1>
    %convert_element_type3A_482 = arith.extui %and3A : vector<160x128xi1> to vector<160x128xi32>
    %reduce_sum3A_483 = vector.shape_cast %convert_element_type3A_482 : vector<160x128xi32> to vector<1x160x128xi32>
    %reduce_sum3A_484 = arith.constant dense<0> : vector<1xi32>
    %reduce_sum3A_485 = vector.multi_reduction <add>, %reduce_sum3A_483, %reduce_sum3A_484 [1, 2] : vector<1x160x128xi32> to vector<1xi32>
    %reduce_sum3A_486 = vector.shape_cast %reduce_sum3A_485 : vector<1xi32> to vector<1x1x1xi32>
    %reduce_sum3A_487 = vector.extract %reduce_sum3A_486[0, 0, 0] : i32 from vector<1x1x1xi32>
    %lt3A_488 = arith.cmpi slt, %reduce_sum3A_487, %sub3A_475 : i32
    %jit3A_489 = arith.constant 0 : i32
    %select_n3A_490 = arith.select %lt3A_488, %or3A_479, %jit3A_489 : i32
    %or3A_491 = arith.constant 8192 : i32
    %or3A_492 = arith.ori %select_n3A_490, %or3A_491 : i32
    %lt3A_493 = vector.broadcast %or3A_492 : i32 to vector<160x128xi32>
    %lt3A_494 = arith.cmpi slt, %add3A, %lt3A_493 : vector<160x128xi32>
    %and3A_495 = arith.andi %eq3A_476, %lt3A_494 : vector<160x128xi1>
    %convert_element_type3A_496 = arith.extui %and3A_495 : vector<160x128xi1> to vector<160x128xi32>
    %reduce_sum3A_497 = vector.shape_cast %convert_element_type3A_496 : vector<160x128xi32> to vector<1x160x128xi32>
    %reduce_sum3A_498 = arith.constant dense<0> : vector<1xi32>
    %reduce_sum3A_499 = vector.multi_reduction <add>, %reduce_sum3A_497, %reduce_sum3A_498 [1, 2] : vector<1x160x128xi32> to vector<1xi32>
    %reduce_sum3A_500 = vector.shape_cast %reduce_sum3A_499 : vector<1xi32> to vector<1x1x1xi32>
    %reduce_sum3A_501 = vector.extract %reduce_sum3A_500[0, 0, 0] : i32 from vector<1x1x1xi32>
    %lt3A_502 = arith.cmpi slt, %reduce_sum3A_501, %sub3A_475 : i32
    %select_n3A_503 = arith.select %lt3A_502, %or3A_492, %select_n3A_490 : i32
    %or3A_504 = arith.constant 4096 : i32
    %or3A_505 = arith.ori %select_n3A_503, %or3A_504 : i32
    %lt3A_506 = vector.broadcast %or3A_505 : i32 to vector<160x128xi32>
    %lt3A_507 = arith.cmpi slt, %add3A, %lt3A_506 : vector<160x128xi32>
    %and3A_508 = arith.andi %eq3A_476, %lt3A_507 : vector<160x128xi1>
    %convert_element_type3A_509 = arith.extui %and3A_508 : vector<160x128xi1> to vector<160x128xi32>
    %reduce_sum3A_510 = vector.shape_cast %convert_element_type3A_509 : vector<160x128xi32> to vector<1x160x128xi32>
    %reduce_sum3A_511 = arith.constant dense<0> : vector<1xi32>
    %reduce_sum3A_512 = vector.multi_reduction <add>, %reduce_sum3A_510, %reduce_sum3A_511 [1, 2] : vector<1x160x128xi32> to vector<1xi32>
    %reduce_sum3A_513 = vector.shape_cast %reduce_sum3A_512 : vector<1xi32> to vector<1x1x1xi32>
    %reduce_sum3A_514 = vector.extract %reduce_sum3A_513[0, 0, 0] : i32 from vector<1x1x1xi32>
    %lt3A_515 = arith.cmpi slt, %reduce_sum3A_514, %sub3A_475 : i32
    %select_n3A_516 = arith.select %lt3A_515, %or3A_505, %select_n3A_503 : i32
    %or3A_517 = arith.constant 2048 : i32
    %or3A_518 = arith.ori %select_n3A_516, %or3A_517 : i32
    %lt3A_519 = vector.broadcast %or3A_518 : i32 to vector<160x128xi32>
    %lt3A_520 = arith.cmpi slt, %add3A, %lt3A_519 : vector<160x128xi32>
    %and3A_521 = arith.andi %eq3A_476, %lt3A_520 : vector<160x128xi1>
    %convert_element_type3A_522 = arith.extui %and3A_521 : vector<160x128xi1> to vector<160x128xi32>
    %reduce_sum3A_523 = vector.shape_cast %convert_element_type3A_522 : vector<160x128xi32> to vector<1x160x128xi32>
    %reduce_sum3A_524 = arith.constant dense<0> : vector<1xi32>
    %reduce_sum3A_525 = vector.multi_reduction <add>, %reduce_sum3A_523, %reduce_sum3A_524 [1, 2] : vector<1x160x128xi32> to vector<1xi32>
    %reduce_sum3A_526 = vector.shape_cast %reduce_sum3A_525 : vector<1xi32> to vector<1x1x1xi32>
    %reduce_sum3A_527 = vector.extract %reduce_sum3A_526[0, 0, 0] : i32 from vector<1x1x1xi32>
    %lt3A_528 = arith.cmpi slt, %reduce_sum3A_527, %sub3A_475 : i32
    %select_n3A_529 = arith.select %lt3A_528, %or3A_518, %select_n3A_516 : i32
    %or3A_530 = arith.constant 1024 : i32
    %or3A_531 = arith.ori %select_n3A_529, %or3A_530 : i32
    %lt3A_532 = vector.broadcast %or3A_531 : i32 to vector<160x128xi32>
    %lt3A_533 = arith.cmpi slt, %add3A, %lt3A_532 : vector<160x128xi32>
    %and3A_534 = arith.andi %eq3A_476, %lt3A_533 : vector<160x128xi1>
    %convert_element_type3A_535 = arith.extui %and3A_534 : vector<160x128xi1> to vector<160x128xi32>
    %reduce_sum3A_536 = vector.shape_cast %convert_element_type3A_535 : vector<160x128xi32> to vector<1x160x128xi32>
    %reduce_sum3A_537 = arith.constant dense<0> : vector<1xi32>
    %reduce_sum3A_538 = vector.multi_reduction <add>, %reduce_sum3A_536, %reduce_sum3A_537 [1, 2] : vector<1x160x128xi32> to vector<1xi32>
    %reduce_sum3A_539 = vector.shape_cast %reduce_sum3A_538 : vector<1xi32> to vector<1x1x1xi32>
    %reduce_sum3A_540 = vector.extract %reduce_sum3A_539[0, 0, 0] : i32 from vector<1x1x1xi32>
    %lt3A_541 = arith.cmpi slt, %reduce_sum3A_540, %sub3A_475 : i32
    %select_n3A_542 = arith.select %lt3A_541, %or3A_531, %select_n3A_529 : i32
    %or3A_543 = arith.constant 512 : i32
    %or3A_544 = arith.ori %select_n3A_542, %or3A_543 : i32
    %lt3A_545 = vector.broadcast %or3A_544 : i32 to vector<160x128xi32>
    %lt3A_546 = arith.cmpi slt, %add3A, %lt3A_545 : vector<160x128xi32>
    %and3A_547 = arith.andi %eq3A_476, %lt3A_546 : vector<160x128xi1>
    %convert_element_type3A_548 = arith.extui %and3A_547 : vector<160x128xi1> to vector<160x128xi32>
    %reduce_sum3A_549 = vector.shape_cast %convert_element_type3A_548 : vector<160x128xi32> to vector<1x160x128xi32>
    %reduce_sum3A_550 = arith.constant dense<0> : vector<1xi32>
    %reduce_sum3A_551 = vector.multi_reduction <add>, %reduce_sum3A_549, %reduce_sum3A_550 [1, 2] : vector<1x160x128xi32> to vector<1xi32>
    %reduce_sum3A_552 = vector.shape_cast %reduce_sum3A_551 : vector<1xi32> to vector<1x1x1xi32>
    %reduce_sum3A_553 = vector.extract %reduce_sum3A_552[0, 0, 0] : i32 from vector<1x1x1xi32>
    %lt3A_554 = arith.cmpi slt, %reduce_sum3A_553, %sub3A_475 : i32
    %select_n3A_555 = arith.select %lt3A_554, %or3A_544, %select_n3A_542 : i32
    %or3A_556 = arith.constant 256 : i32
    %or3A_557 = arith.ori %select_n3A_555, %or3A_556 : i32
    %lt3A_558 = vector.broadcast %or3A_557 : i32 to vector<160x128xi32>
    %lt3A_559 = arith.cmpi slt, %add3A, %lt3A_558 : vector<160x128xi32>
    %and3A_560 = arith.andi %eq3A_476, %lt3A_559 : vector<160x128xi1>
    %convert_element_type3A_561 = arith.extui %and3A_560 : vector<160x128xi1> to vector<160x128xi32>
    %reduce_sum3A_562 = vector.shape_cast %convert_element_type3A_561 : vector<160x128xi32> to vector<1x160x128xi32>
    %reduce_sum3A_563 = arith.constant dense<0> : vector<1xi32>
    %reduce_sum3A_564 = vector.multi_reduction <add>, %reduce_sum3A_562, %reduce_sum3A_563 [1, 2] : vector<1x160x128xi32> to vector<1xi32>
    %reduce_sum3A_565 = vector.shape_cast %reduce_sum3A_564 : vector<1xi32> to vector<1x1x1xi32>
    %reduce_sum3A_566 = vector.extract %reduce_sum3A_565[0, 0, 0] : i32 from vector<1x1x1xi32>
    %lt3A_567 = arith.cmpi slt, %reduce_sum3A_566, %sub3A_475 : i32
    %select_n3A_568 = arith.select %lt3A_567, %or3A_557, %select_n3A_555 : i32
    %or3A_569 = arith.constant 128 : i32
    %or3A_570 = arith.ori %select_n3A_568, %or3A_569 : i32
    %lt3A_571 = vector.broadcast %or3A_570 : i32 to vector<160x128xi32>
    %lt3A_572 = arith.cmpi slt, %add3A, %lt3A_571 : vector<160x128xi32>
    %and3A_573 = arith.andi %eq3A_476, %lt3A_572 : vector<160x128xi1>
    %convert_element_type3A_574 = arith.extui %and3A_573 : vector<160x128xi1> to vector<160x128xi32>
    %reduce_sum3A_575 = vector.shape_cast %convert_element_type3A_574 : vector<160x128xi32> to vector<1x160x128xi32>
    %reduce_sum3A_576 = arith.constant dense<0> : vector<1xi32>
    %reduce_sum3A_577 = vector.multi_reduction <add>, %reduce_sum3A_575, %reduce_sum3A_576 [1, 2] : vector<1x160x128xi32> to vector<1xi32>
    %reduce_sum3A_578 = vector.shape_cast %reduce_sum3A_577 : vector<1xi32> to vector<1x1x1xi32>
    %reduce_sum3A_579 = vector.extract %reduce_sum3A_578[0, 0, 0] : i32 from vector<1x1x1xi32>
    %lt3A_580 = arith.cmpi slt, %reduce_sum3A_579, %sub3A_475 : i32
    %select_n3A_581 = arith.select %lt3A_580, %or3A_570, %select_n3A_568 : i32
    %or3A_582 = arith.constant 64 : i32
    %or3A_583 = arith.ori %select_n3A_581, %or3A_582 : i32
    %lt3A_584 = vector.broadcast %or3A_583 : i32 to vector<160x128xi32>
    %lt3A_585 = arith.cmpi slt, %add3A, %lt3A_584 : vector<160x128xi32>
    %and3A_586 = arith.andi %eq3A_476, %lt3A_585 : vector<160x128xi1>
    %convert_element_type3A_587 = arith.extui %and3A_586 : vector<160x128xi1> to vector<160x128xi32>
    %reduce_sum3A_588 = vector.shape_cast %convert_element_type3A_587 : vector<160x128xi32> to vector<1x160x128xi32>
    %reduce_sum3A_589 = arith.constant dense<0> : vector<1xi32>
    %reduce_sum3A_590 = vector.multi_reduction <add>, %reduce_sum3A_588, %reduce_sum3A_589 [1, 2] : vector<1x160x128xi32> to vector<1xi32>
    %reduce_sum3A_591 = vector.shape_cast %reduce_sum3A_590 : vector<1xi32> to vector<1x1x1xi32>
    %reduce_sum3A_592 = vector.extract %reduce_sum3A_591[0, 0, 0] : i32 from vector<1x1x1xi32>
    %lt3A_593 = arith.cmpi slt, %reduce_sum3A_592, %sub3A_475 : i32
    %select_n3A_594 = arith.select %lt3A_593, %or3A_583, %select_n3A_581 : i32
    %or3A_595 = arith.constant 32 : i32
    %or3A_596 = arith.ori %select_n3A_594, %or3A_595 : i32
    %lt3A_597 = vector.broadcast %or3A_596 : i32 to vector<160x128xi32>
    %lt3A_598 = arith.cmpi slt, %add3A, %lt3A_597 : vector<160x128xi32>
    %and3A_599 = arith.andi %eq3A_476, %lt3A_598 : vector<160x128xi1>
    %convert_element_type3A_600 = arith.extui %and3A_599 : vector<160x128xi1> to vector<160x128xi32>
    %reduce_sum3A_601 = vector.shape_cast %convert_element_type3A_600 : vector<160x128xi32> to vector<1x160x128xi32>
    %reduce_sum3A_602 = arith.constant dense<0> : vector<1xi32>
    %reduce_sum3A_603 = vector.multi_reduction <add>, %reduce_sum3A_601, %reduce_sum3A_602 [1, 2] : vector<1x160x128xi32> to vector<1xi32>
    %reduce_sum3A_604 = vector.shape_cast %reduce_sum3A_603 : vector<1xi32> to vector<1x1x1xi32>
    %reduce_sum3A_605 = vector.extract %reduce_sum3A_604[0, 0, 0] : i32 from vector<1x1x1xi32>
    %lt3A_606 = arith.cmpi slt, %reduce_sum3A_605, %sub3A_475 : i32
    %select_n3A_607 = arith.select %lt3A_606, %or3A_596, %select_n3A_594 : i32
    %or3A_608 = arith.constant 16 : i32
    %or3A_609 = arith.ori %select_n3A_607, %or3A_608 : i32
    %lt3A_610 = vector.broadcast %or3A_609 : i32 to vector<160x128xi32>
    %lt3A_611 = arith.cmpi slt, %add3A, %lt3A_610 : vector<160x128xi32>
    %and3A_612 = arith.andi %eq3A_476, %lt3A_611 : vector<160x128xi1>
    %convert_element_type3A_613 = arith.extui %and3A_612 : vector<160x128xi1> to vector<160x128xi32>
    %reduce_sum3A_614 = vector.shape_cast %convert_element_type3A_613 : vector<160x128xi32> to vector<1x160x128xi32>
    %reduce_sum3A_615 = arith.constant dense<0> : vector<1xi32>
    %reduce_sum3A_616 = vector.multi_reduction <add>, %reduce_sum3A_614, %reduce_sum3A_615 [1, 2] : vector<1x160x128xi32> to vector<1xi32>
    %reduce_sum3A_617 = vector.shape_cast %reduce_sum3A_616 : vector<1xi32> to vector<1x1x1xi32>
    %reduce_sum3A_618 = vector.extract %reduce_sum3A_617[0, 0, 0] : i32 from vector<1x1x1xi32>
    %lt3A_619 = arith.cmpi slt, %reduce_sum3A_618, %sub3A_475 : i32
    %select_n3A_620 = arith.select %lt3A_619, %or3A_609, %select_n3A_607 : i32
    %or3A_621 = arith.constant 8 : i32
    %or3A_622 = arith.ori %select_n3A_620, %or3A_621 : i32
    %lt3A_623 = vector.broadcast %or3A_622 : i32 to vector<160x128xi32>
    %lt3A_624 = arith.cmpi slt, %add3A, %lt3A_623 : vector<160x128xi32>
    %and3A_625 = arith.andi %eq3A_476, %lt3A_624 : vector<160x128xi1>
    %convert_element_type3A_626 = arith.extui %and3A_625 : vector<160x128xi1> to vector<160x128xi32>
    %reduce_sum3A_627 = vector.shape_cast %convert_element_type3A_626 : vector<160x128xi32> to vector<1x160x128xi32>
    %reduce_sum3A_628 = arith.constant dense<0> : vector<1xi32>
    %reduce_sum3A_629 = vector.multi_reduction <add>, %reduce_sum3A_627, %reduce_sum3A_628 [1, 2] : vector<1x160x128xi32> to vector<1xi32>
    %reduce_sum3A_630 = vector.shape_cast %reduce_sum3A_629 : vector<1xi32> to vector<1x1x1xi32>
    %reduce_sum3A_631 = vector.extract %reduce_sum3A_630[0, 0, 0] : i32 from vector<1x1x1xi32>
    %lt3A_632 = arith.cmpi slt, %reduce_sum3A_631, %sub3A_475 : i32
    %select_n3A_633 = arith.select %lt3A_632, %or3A_622, %select_n3A_620 : i32
    %or3A_634 = arith.constant 4 : i32
    %or3A_635 = arith.ori %select_n3A_633, %or3A_634 : i32
    %lt3A_636 = vector.broadcast %or3A_635 : i32 to vector<160x128xi32>
    %lt3A_637 = arith.cmpi slt, %add3A, %lt3A_636 : vector<160x128xi32>
    %and3A_638 = arith.andi %eq3A_476, %lt3A_637 : vector<160x128xi1>
    %convert_element_type3A_639 = arith.extui %and3A_638 : vector<160x128xi1> to vector<160x128xi32>
    %reduce_sum3A_640 = vector.shape_cast %convert_element_type3A_639 : vector<160x128xi32> to vector<1x160x128xi32>
    %reduce_sum3A_641 = arith.constant dense<0> : vector<1xi32>
    %reduce_sum3A_642 = vector.multi_reduction <add>, %reduce_sum3A_640, %reduce_sum3A_641 [1, 2] : vector<1x160x128xi32> to vector<1xi32>
    %reduce_sum3A_643 = vector.shape_cast %reduce_sum3A_642 : vector<1xi32> to vector<1x1x1xi32>
    %reduce_sum3A_644 = vector.extract %reduce_sum3A_643[0, 0, 0] : i32 from vector<1x1x1xi32>
    %lt3A_645 = arith.cmpi slt, %reduce_sum3A_644, %sub3A_475 : i32
    %select_n3A_646 = arith.select %lt3A_645, %or3A_635, %select_n3A_633 : i32
    %or3A_647 = arith.constant 2 : i32
    %or3A_648 = arith.ori %select_n3A_646, %or3A_647 : i32
    %lt3A_649 = vector.broadcast %or3A_648 : i32 to vector<160x128xi32>
    %lt3A_650 = arith.cmpi slt, %add3A, %lt3A_649 : vector<160x128xi32>
    %and3A_651 = arith.andi %eq3A_476, %lt3A_650 : vector<160x128xi1>
    %convert_element_type3A_652 = arith.extui %and3A_651 : vector<160x128xi1> to vector<160x128xi32>
    %reduce_sum3A_653 = vector.shape_cast %convert_element_type3A_652 : vector<160x128xi32> to vector<1x160x128xi32>
    %reduce_sum3A_654 = arith.constant dense<0> : vector<1xi32>
    %reduce_sum3A_655 = vector.multi_reduction <add>, %reduce_sum3A_653, %reduce_sum3A_654 [1, 2] : vector<1x160x128xi32> to vector<1xi32>
    %reduce_sum3A_656 = vector.shape_cast %reduce_sum3A_655 : vector<1xi32> to vector<1x1x1xi32>
    %reduce_sum3A_657 = vector.extract %reduce_sum3A_656[0, 0, 0] : i32 from vector<1x1x1xi32>
    %lt3A_658 = arith.cmpi slt, %reduce_sum3A_657, %sub3A_475 : i32
    %select_n3A_659 = arith.select %lt3A_658, %or3A_648, %select_n3A_646 : i32
    %or3A_660 = arith.constant 1 : i32
    %or3A_661 = arith.ori %select_n3A_659, %or3A_660 : i32
    %lt3A_662 = vector.broadcast %or3A_661 : i32 to vector<160x128xi32>
    %lt3A_663 = arith.cmpi slt, %add3A, %lt3A_662 : vector<160x128xi32>
    %and3A_664 = arith.andi %eq3A_476, %lt3A_663 : vector<160x128xi1>
    %convert_element_type3A_665 = arith.extui %and3A_664 : vector<160x128xi1> to vector<160x128xi32>
    %reduce_sum3A_666 = vector.shape_cast %convert_element_type3A_665 : vector<160x128xi32> to vector<1x160x128xi32>
    %reduce_sum3A_667 = arith.constant dense<0> : vector<1xi32>
    %reduce_sum3A_668 = vector.multi_reduction <add>, %reduce_sum3A_666, %reduce_sum3A_667 [1, 2] : vector<1x160x128xi32> to vector<1xi32>
    %reduce_sum3A_669 = vector.shape_cast %reduce_sum3A_668 : vector<1xi32> to vector<1x1x1xi32>
    %reduce_sum3A_670 = vector.extract %reduce_sum3A_669[0, 0, 0] : i32 from vector<1x1x1xi32>
    %lt3A_671 = arith.cmpi slt, %reduce_sum3A_670, %sub3A_475 : i32
    %select_n3A_672 = arith.select %lt3A_671, %or3A_661, %select_n3A_659 : i32
    %le3A = vector.broadcast %select_n3A_672 : i32 to vector<160x128xi32>
    %le3A_673 = arith.cmpi sle, %add3A, %le3A : vector<160x128xi32>
    %and3A_674 = arith.andi %eq3A_476, %le3A_673 : vector<160x128xi1>
    %gt3A_675 = arith.constant 0 : i32
    %gt3A_676 = arith.cmpi sgt, %sub3A_475, %gt3A_675 : i32
    %and3A_677 = vector.broadcast %gt3A_676 : i1 to vector<160x128xi1>
    %and3A_678 = arith.andi %and3A_674, %and3A_677 : vector<160x128xi1>
    %gt3A_679 = vector.broadcast %select_n3A_466 : i32 to vector<160x128xi32>
    %gt3A_680 = arith.cmpi sgt, %bitcast_convert_type3A, %gt3A_679 : vector<160x128xi32>
    %or3A_681 = arith.ori %gt3A_680, %and3A_678 : vector<160x128xi1>
    %or3A_682 = arith.constant 0 : i32
    %or3A_683 = arith.constant 1073741824 : i32
    %or3A_684 = arith.ori %or3A_682, %or3A_683 : i32
    %ge3A_685 = vector.broadcast %or3A_684 : i32 to vector<160x128xi32>
    %ge3A_686 = arith.cmpi sge, %bitcast_convert_type3A_66, %ge3A_685 : vector<160x128xi32>
    %convert_element_type3A_687 = arith.extui %ge3A_686 : vector<160x128xi1> to vector<160x128xi32>
    %reduce_sum3A_688 = vector.shape_cast %convert_element_type3A_687 : vector<160x128xi32> to vector<1x160x128xi32>
    %reduce_sum3A_689 = arith.constant dense<0> : vector<1xi32>
    %reduce_sum3A_690 = vector.multi_reduction <add>, %reduce_sum3A_688, %reduce_sum3A_689 [1, 2] : vector<1x160x128xi32> to vector<1xi32>
    %reduce_sum3A_691 = vector.shape_cast %reduce_sum3A_690 : vector<1xi32> to vector<1x1x1xi32>
    %reduce_sum3A_692 = vector.extract %reduce_sum3A_691[0, 0, 0] : i32 from vector<1x1x1xi32>
    %ge3A_693 = arith.constant 192 : i32
    %ge3A_694 = arith.cmpi sge, %reduce_sum3A_692, %ge3A_693 : i32
    %jit3A_695 = arith.constant 0 : i32
    %select_n3A_696 = arith.select %ge3A_694, %or3A_684, %jit3A_695 : i32
    %or3A_697 = arith.constant 536870912 : i32
    %or3A_698 = arith.ori %select_n3A_696, %or3A_697 : i32
    %ge3A_699 = vector.broadcast %or3A_698 : i32 to vector<160x128xi32>
    %ge3A_700 = arith.cmpi sge, %bitcast_convert_type3A_66, %ge3A_699 : vector<160x128xi32>
    %convert_element_type3A_701 = arith.extui %ge3A_700 : vector<160x128xi1> to vector<160x128xi32>
    %reduce_sum3A_702 = vector.shape_cast %convert_element_type3A_701 : vector<160x128xi32> to vector<1x160x128xi32>
    %reduce_sum3A_703 = arith.constant dense<0> : vector<1xi32>
    %reduce_sum3A_704 = vector.multi_reduction <add>, %reduce_sum3A_702, %reduce_sum3A_703 [1, 2] : vector<1x160x128xi32> to vector<1xi32>
    %reduce_sum3A_705 = vector.shape_cast %reduce_sum3A_704 : vector<1xi32> to vector<1x1x1xi32>
    %reduce_sum3A_706 = vector.extract %reduce_sum3A_705[0, 0, 0] : i32 from vector<1x1x1xi32>
    %ge3A_707 = arith.constant 192 : i32
    %ge3A_708 = arith.cmpi sge, %reduce_sum3A_706, %ge3A_707 : i32
    %select_n3A_709 = arith.select %ge3A_708, %or3A_698, %select_n3A_696 : i32
    %or3A_710 = arith.constant 268435456 : i32
    %or3A_711 = arith.ori %select_n3A_709, %or3A_710 : i32
    %ge3A_712 = vector.broadcast %or3A_711 : i32 to vector<160x128xi32>
    %ge3A_713 = arith.cmpi sge, %bitcast_convert_type3A_66, %ge3A_712 : vector<160x128xi32>
    %convert_element_type3A_714 = arith.extui %ge3A_713 : vector<160x128xi1> to vector<160x128xi32>
    %reduce_sum3A_715 = vector.shape_cast %convert_element_type3A_714 : vector<160x128xi32> to vector<1x160x128xi32>
    %reduce_sum3A_716 = arith.constant dense<0> : vector<1xi32>
    %reduce_sum3A_717 = vector.multi_reduction <add>, %reduce_sum3A_715, %reduce_sum3A_716 [1, 2] : vector<1x160x128xi32> to vector<1xi32>
    %reduce_sum3A_718 = vector.shape_cast %reduce_sum3A_717 : vector<1xi32> to vector<1x1x1xi32>
    %reduce_sum3A_719 = vector.extract %reduce_sum3A_718[0, 0, 0] : i32 from vector<1x1x1xi32>
    %ge3A_720 = arith.constant 192 : i32
    %ge3A_721 = arith.cmpi sge, %reduce_sum3A_719, %ge3A_720 : i32
    %select_n3A_722 = arith.select %ge3A_721, %or3A_711, %select_n3A_709 : i32
    %or3A_723 = arith.constant 134217728 : i32
    %or3A_724 = arith.ori %select_n3A_722, %or3A_723 : i32
    %ge3A_725 = vector.broadcast %or3A_724 : i32 to vector<160x128xi32>
    %ge3A_726 = arith.cmpi sge, %bitcast_convert_type3A_66, %ge3A_725 : vector<160x128xi32>
    %convert_element_type3A_727 = arith.extui %ge3A_726 : vector<160x128xi1> to vector<160x128xi32>
    %reduce_sum3A_728 = vector.shape_cast %convert_element_type3A_727 : vector<160x128xi32> to vector<1x160x128xi32>
    %reduce_sum3A_729 = arith.constant dense<0> : vector<1xi32>
    %reduce_sum3A_730 = vector.multi_reduction <add>, %reduce_sum3A_728, %reduce_sum3A_729 [1, 2] : vector<1x160x128xi32> to vector<1xi32>
    %reduce_sum3A_731 = vector.shape_cast %reduce_sum3A_730 : vector<1xi32> to vector<1x1x1xi32>
    %reduce_sum3A_732 = vector.extract %reduce_sum3A_731[0, 0, 0] : i32 from vector<1x1x1xi32>
    %ge3A_733 = arith.constant 192 : i32
    %ge3A_734 = arith.cmpi sge, %reduce_sum3A_732, %ge3A_733 : i32
    %select_n3A_735 = arith.select %ge3A_734, %or3A_724, %select_n3A_722 : i32
    %or3A_736 = arith.constant 67108864 : i32
    %or3A_737 = arith.ori %select_n3A_735, %or3A_736 : i32
    %ge3A_738 = vector.broadcast %or3A_737 : i32 to vector<160x128xi32>
    %ge3A_739 = arith.cmpi sge, %bitcast_convert_type3A_66, %ge3A_738 : vector<160x128xi32>
    %convert_element_type3A_740 = arith.extui %ge3A_739 : vector<160x128xi1> to vector<160x128xi32>
    %reduce_sum3A_741 = vector.shape_cast %convert_element_type3A_740 : vector<160x128xi32> to vector<1x160x128xi32>
    %reduce_sum3A_742 = arith.constant dense<0> : vector<1xi32>
    %reduce_sum3A_743 = vector.multi_reduction <add>, %reduce_sum3A_741, %reduce_sum3A_742 [1, 2] : vector<1x160x128xi32> to vector<1xi32>
    %reduce_sum3A_744 = vector.shape_cast %reduce_sum3A_743 : vector<1xi32> to vector<1x1x1xi32>
    %reduce_sum3A_745 = vector.extract %reduce_sum3A_744[0, 0, 0] : i32 from vector<1x1x1xi32>
    %ge3A_746 = arith.constant 192 : i32
    %ge3A_747 = arith.cmpi sge, %reduce_sum3A_745, %ge3A_746 : i32
    %select_n3A_748 = arith.select %ge3A_747, %or3A_737, %select_n3A_735 : i32
    %or3A_749 = arith.constant 33554432 : i32
    %or3A_750 = arith.ori %select_n3A_748, %or3A_749 : i32
    %ge3A_751 = vector.broadcast %or3A_750 : i32 to vector<160x128xi32>
    %ge3A_752 = arith.cmpi sge, %bitcast_convert_type3A_66, %ge3A_751 : vector<160x128xi32>
    %convert_element_type3A_753 = arith.extui %ge3A_752 : vector<160x128xi1> to vector<160x128xi32>
    %reduce_sum3A_754 = vector.shape_cast %convert_element_type3A_753 : vector<160x128xi32> to vector<1x160x128xi32>
    %reduce_sum3A_755 = arith.constant dense<0> : vector<1xi32>
    %reduce_sum3A_756 = vector.multi_reduction <add>, %reduce_sum3A_754, %reduce_sum3A_755 [1, 2] : vector<1x160x128xi32> to vector<1xi32>
    %reduce_sum3A_757 = vector.shape_cast %reduce_sum3A_756 : vector<1xi32> to vector<1x1x1xi32>
    %reduce_sum3A_758 = vector.extract %reduce_sum3A_757[0, 0, 0] : i32 from vector<1x1x1xi32>
    %ge3A_759 = arith.constant 192 : i32
    %ge3A_760 = arith.cmpi sge, %reduce_sum3A_758, %ge3A_759 : i32
    %select_n3A_761 = arith.select %ge3A_760, %or3A_750, %select_n3A_748 : i32
    %or3A_762 = arith.constant 16777216 : i32
    %or3A_763 = arith.ori %select_n3A_761, %or3A_762 : i32
    %ge3A_764 = vector.broadcast %or3A_763 : i32 to vector<160x128xi32>
    %ge3A_765 = arith.cmpi sge, %bitcast_convert_type3A_66, %ge3A_764 : vector<160x128xi32>
    %convert_element_type3A_766 = arith.extui %ge3A_765 : vector<160x128xi1> to vector<160x128xi32>
    %reduce_sum3A_767 = vector.shape_cast %convert_element_type3A_766 : vector<160x128xi32> to vector<1x160x128xi32>
    %reduce_sum3A_768 = arith.constant dense<0> : vector<1xi32>
    %reduce_sum3A_769 = vector.multi_reduction <add>, %reduce_sum3A_767, %reduce_sum3A_768 [1, 2] : vector<1x160x128xi32> to vector<1xi32>
    %reduce_sum3A_770 = vector.shape_cast %reduce_sum3A_769 : vector<1xi32> to vector<1x1x1xi32>
    %reduce_sum3A_771 = vector.extract %reduce_sum3A_770[0, 0, 0] : i32 from vector<1x1x1xi32>
    %ge3A_772 = arith.constant 192 : i32
    %ge3A_773 = arith.cmpi sge, %reduce_sum3A_771, %ge3A_772 : i32
    %select_n3A_774 = arith.select %ge3A_773, %or3A_763, %select_n3A_761 : i32
    %or3A_775 = arith.constant 8388608 : i32
    %or3A_776 = arith.ori %select_n3A_774, %or3A_775 : i32
    %ge3A_777 = vector.broadcast %or3A_776 : i32 to vector<160x128xi32>
    %ge3A_778 = arith.cmpi sge, %bitcast_convert_type3A_66, %ge3A_777 : vector<160x128xi32>
    %convert_element_type3A_779 = arith.extui %ge3A_778 : vector<160x128xi1> to vector<160x128xi32>
    %reduce_sum3A_780 = vector.shape_cast %convert_element_type3A_779 : vector<160x128xi32> to vector<1x160x128xi32>
    %reduce_sum3A_781 = arith.constant dense<0> : vector<1xi32>
    %reduce_sum3A_782 = vector.multi_reduction <add>, %reduce_sum3A_780, %reduce_sum3A_781 [1, 2] : vector<1x160x128xi32> to vector<1xi32>
    %reduce_sum3A_783 = vector.shape_cast %reduce_sum3A_782 : vector<1xi32> to vector<1x1x1xi32>
    %reduce_sum3A_784 = vector.extract %reduce_sum3A_783[0, 0, 0] : i32 from vector<1x1x1xi32>
    %ge3A_785 = arith.constant 192 : i32
    %ge3A_786 = arith.cmpi sge, %reduce_sum3A_784, %ge3A_785 : i32
    %select_n3A_787 = arith.select %ge3A_786, %or3A_776, %select_n3A_774 : i32
    %or3A_788 = arith.constant 4194304 : i32
    %or3A_789 = arith.ori %select_n3A_787, %or3A_788 : i32
    %ge3A_790 = vector.broadcast %or3A_789 : i32 to vector<160x128xi32>
    %ge3A_791 = arith.cmpi sge, %bitcast_convert_type3A_66, %ge3A_790 : vector<160x128xi32>
    %convert_element_type3A_792 = arith.extui %ge3A_791 : vector<160x128xi1> to vector<160x128xi32>
    %reduce_sum3A_793 = vector.shape_cast %convert_element_type3A_792 : vector<160x128xi32> to vector<1x160x128xi32>
    %reduce_sum3A_794 = arith.constant dense<0> : vector<1xi32>
    %reduce_sum3A_795 = vector.multi_reduction <add>, %reduce_sum3A_793, %reduce_sum3A_794 [1, 2] : vector<1x160x128xi32> to vector<1xi32>
    %reduce_sum3A_796 = vector.shape_cast %reduce_sum3A_795 : vector<1xi32> to vector<1x1x1xi32>
    %reduce_sum3A_797 = vector.extract %reduce_sum3A_796[0, 0, 0] : i32 from vector<1x1x1xi32>
    %ge3A_798 = arith.constant 192 : i32
    %ge3A_799 = arith.cmpi sge, %reduce_sum3A_797, %ge3A_798 : i32
    %select_n3A_800 = arith.select %ge3A_799, %or3A_789, %select_n3A_787 : i32
    %or3A_801 = arith.constant 2097152 : i32
    %or3A_802 = arith.ori %select_n3A_800, %or3A_801 : i32
    %ge3A_803 = vector.broadcast %or3A_802 : i32 to vector<160x128xi32>
    %ge3A_804 = arith.cmpi sge, %bitcast_convert_type3A_66, %ge3A_803 : vector<160x128xi32>
    %convert_element_type3A_805 = arith.extui %ge3A_804 : vector<160x128xi1> to vector<160x128xi32>
    %reduce_sum3A_806 = vector.shape_cast %convert_element_type3A_805 : vector<160x128xi32> to vector<1x160x128xi32>
    %reduce_sum3A_807 = arith.constant dense<0> : vector<1xi32>
    %reduce_sum3A_808 = vector.multi_reduction <add>, %reduce_sum3A_806, %reduce_sum3A_807 [1, 2] : vector<1x160x128xi32> to vector<1xi32>
    %reduce_sum3A_809 = vector.shape_cast %reduce_sum3A_808 : vector<1xi32> to vector<1x1x1xi32>
    %reduce_sum3A_810 = vector.extract %reduce_sum3A_809[0, 0, 0] : i32 from vector<1x1x1xi32>
    %ge3A_811 = arith.constant 192 : i32
    %ge3A_812 = arith.cmpi sge, %reduce_sum3A_810, %ge3A_811 : i32
    %select_n3A_813 = arith.select %ge3A_812, %or3A_802, %select_n3A_800 : i32
    %or3A_814 = arith.constant 1048576 : i32
    %or3A_815 = arith.ori %select_n3A_813, %or3A_814 : i32
    %ge3A_816 = vector.broadcast %or3A_815 : i32 to vector<160x128xi32>
    %ge3A_817 = arith.cmpi sge, %bitcast_convert_type3A_66, %ge3A_816 : vector<160x128xi32>
    %convert_element_type3A_818 = arith.extui %ge3A_817 : vector<160x128xi1> to vector<160x128xi32>
    %reduce_sum3A_819 = vector.shape_cast %convert_element_type3A_818 : vector<160x128xi32> to vector<1x160x128xi32>
    %reduce_sum3A_820 = arith.constant dense<0> : vector<1xi32>
    %reduce_sum3A_821 = vector.multi_reduction <add>, %reduce_sum3A_819, %reduce_sum3A_820 [1, 2] : vector<1x160x128xi32> to vector<1xi32>
    %reduce_sum3A_822 = vector.shape_cast %reduce_sum3A_821 : vector<1xi32> to vector<1x1x1xi32>
    %reduce_sum3A_823 = vector.extract %reduce_sum3A_822[0, 0, 0] : i32 from vector<1x1x1xi32>
    %ge3A_824 = arith.constant 192 : i32
    %ge3A_825 = arith.cmpi sge, %reduce_sum3A_823, %ge3A_824 : i32
    %select_n3A_826 = arith.select %ge3A_825, %or3A_815, %select_n3A_813 : i32
    %or3A_827 = arith.constant 524288 : i32
    %or3A_828 = arith.ori %select_n3A_826, %or3A_827 : i32
    %ge3A_829 = vector.broadcast %or3A_828 : i32 to vector<160x128xi32>
    %ge3A_830 = arith.cmpi sge, %bitcast_convert_type3A_66, %ge3A_829 : vector<160x128xi32>
    %convert_element_type3A_831 = arith.extui %ge3A_830 : vector<160x128xi1> to vector<160x128xi32>
    %reduce_sum3A_832 = vector.shape_cast %convert_element_type3A_831 : vector<160x128xi32> to vector<1x160x128xi32>
    %reduce_sum3A_833 = arith.constant dense<0> : vector<1xi32>
    %reduce_sum3A_834 = vector.multi_reduction <add>, %reduce_sum3A_832, %reduce_sum3A_833 [1, 2] : vector<1x160x128xi32> to vector<1xi32>
    %reduce_sum3A_835 = vector.shape_cast %reduce_sum3A_834 : vector<1xi32> to vector<1x1x1xi32>
    %reduce_sum3A_836 = vector.extract %reduce_sum3A_835[0, 0, 0] : i32 from vector<1x1x1xi32>
    %ge3A_837 = arith.constant 192 : i32
    %ge3A_838 = arith.cmpi sge, %reduce_sum3A_836, %ge3A_837 : i32
    %select_n3A_839 = arith.select %ge3A_838, %or3A_828, %select_n3A_826 : i32
    %or3A_840 = arith.constant 262144 : i32
    %or3A_841 = arith.ori %select_n3A_839, %or3A_840 : i32
    %ge3A_842 = vector.broadcast %or3A_841 : i32 to vector<160x128xi32>
    %ge3A_843 = arith.cmpi sge, %bitcast_convert_type3A_66, %ge3A_842 : vector<160x128xi32>
    %convert_element_type3A_844 = arith.extui %ge3A_843 : vector<160x128xi1> to vector<160x128xi32>
    %reduce_sum3A_845 = vector.shape_cast %convert_element_type3A_844 : vector<160x128xi32> to vector<1x160x128xi32>
    %reduce_sum3A_846 = arith.constant dense<0> : vector<1xi32>
    %reduce_sum3A_847 = vector.multi_reduction <add>, %reduce_sum3A_845, %reduce_sum3A_846 [1, 2] : vector<1x160x128xi32> to vector<1xi32>
    %reduce_sum3A_848 = vector.shape_cast %reduce_sum3A_847 : vector<1xi32> to vector<1x1x1xi32>
    %reduce_sum3A_849 = vector.extract %reduce_sum3A_848[0, 0, 0] : i32 from vector<1x1x1xi32>
    %ge3A_850 = arith.constant 192 : i32
    %ge3A_851 = arith.cmpi sge, %reduce_sum3A_849, %ge3A_850 : i32
    %select_n3A_852 = arith.select %ge3A_851, %or3A_841, %select_n3A_839 : i32
    %or3A_853 = arith.constant 131072 : i32
    %or3A_854 = arith.ori %select_n3A_852, %or3A_853 : i32
    %ge3A_855 = vector.broadcast %or3A_854 : i32 to vector<160x128xi32>
    %ge3A_856 = arith.cmpi sge, %bitcast_convert_type3A_66, %ge3A_855 : vector<160x128xi32>
    %convert_element_type3A_857 = arith.extui %ge3A_856 : vector<160x128xi1> to vector<160x128xi32>
    %reduce_sum3A_858 = vector.shape_cast %convert_element_type3A_857 : vector<160x128xi32> to vector<1x160x128xi32>
    %reduce_sum3A_859 = arith.constant dense<0> : vector<1xi32>
    %reduce_sum3A_860 = vector.multi_reduction <add>, %reduce_sum3A_858, %reduce_sum3A_859 [1, 2] : vector<1x160x128xi32> to vector<1xi32>
    %reduce_sum3A_861 = vector.shape_cast %reduce_sum3A_860 : vector<1xi32> to vector<1x1x1xi32>
    %reduce_sum3A_862 = vector.extract %reduce_sum3A_861[0, 0, 0] : i32 from vector<1x1x1xi32>
    %ge3A_863 = arith.constant 192 : i32
    %ge3A_864 = arith.cmpi sge, %reduce_sum3A_862, %ge3A_863 : i32
    %select_n3A_865 = arith.select %ge3A_864, %or3A_854, %select_n3A_852 : i32
    %or3A_866 = arith.constant 65536 : i32
    %or3A_867 = arith.ori %select_n3A_865, %or3A_866 : i32
    %ge3A_868 = vector.broadcast %or3A_867 : i32 to vector<160x128xi32>
    %ge3A_869 = arith.cmpi sge, %bitcast_convert_type3A_66, %ge3A_868 : vector<160x128xi32>
    %convert_element_type3A_870 = arith.extui %ge3A_869 : vector<160x128xi1> to vector<160x128xi32>
    %reduce_sum3A_871 = vector.shape_cast %convert_element_type3A_870 : vector<160x128xi32> to vector<1x160x128xi32>
    %reduce_sum3A_872 = arith.constant dense<0> : vector<1xi32>
    %reduce_sum3A_873 = vector.multi_reduction <add>, %reduce_sum3A_871, %reduce_sum3A_872 [1, 2] : vector<1x160x128xi32> to vector<1xi32>
    %reduce_sum3A_874 = vector.shape_cast %reduce_sum3A_873 : vector<1xi32> to vector<1x1x1xi32>
    %reduce_sum3A_875 = vector.extract %reduce_sum3A_874[0, 0, 0] : i32 from vector<1x1x1xi32>
    %ge3A_876 = arith.constant 192 : i32
    %ge3A_877 = arith.cmpi sge, %reduce_sum3A_875, %ge3A_876 : i32
    %select_n3A_878 = arith.select %ge3A_877, %or3A_867, %select_n3A_865 : i32
    %or3A_879 = arith.constant 32768 : i32
    %or3A_880 = arith.ori %select_n3A_878, %or3A_879 : i32
    %ge3A_881 = vector.broadcast %or3A_880 : i32 to vector<160x128xi32>
    %ge3A_882 = arith.cmpi sge, %bitcast_convert_type3A_66, %ge3A_881 : vector<160x128xi32>
    %convert_element_type3A_883 = arith.extui %ge3A_882 : vector<160x128xi1> to vector<160x128xi32>
    %reduce_sum3A_884 = vector.shape_cast %convert_element_type3A_883 : vector<160x128xi32> to vector<1x160x128xi32>
    %reduce_sum3A_885 = arith.constant dense<0> : vector<1xi32>
    %reduce_sum3A_886 = vector.multi_reduction <add>, %reduce_sum3A_884, %reduce_sum3A_885 [1, 2] : vector<1x160x128xi32> to vector<1xi32>
    %reduce_sum3A_887 = vector.shape_cast %reduce_sum3A_886 : vector<1xi32> to vector<1x1x1xi32>
    %reduce_sum3A_888 = vector.extract %reduce_sum3A_887[0, 0, 0] : i32 from vector<1x1x1xi32>
    %ge3A_889 = arith.constant 192 : i32
    %ge3A_890 = arith.cmpi sge, %reduce_sum3A_888, %ge3A_889 : i32
    %select_n3A_891 = arith.select %ge3A_890, %or3A_880, %select_n3A_878 : i32
    %or3A_892 = arith.constant 16384 : i32
    %or3A_893 = arith.ori %select_n3A_891, %or3A_892 : i32
    %ge3A_894 = vector.broadcast %or3A_893 : i32 to vector<160x128xi32>
    %ge3A_895 = arith.cmpi sge, %bitcast_convert_type3A_66, %ge3A_894 : vector<160x128xi32>
    %convert_element_type3A_896 = arith.extui %ge3A_895 : vector<160x128xi1> to vector<160x128xi32>
    %reduce_sum3A_897 = vector.shape_cast %convert_element_type3A_896 : vector<160x128xi32> to vector<1x160x128xi32>
    %reduce_sum3A_898 = arith.constant dense<0> : vector<1xi32>
    %reduce_sum3A_899 = vector.multi_reduction <add>, %reduce_sum3A_897, %reduce_sum3A_898 [1, 2] : vector<1x160x128xi32> to vector<1xi32>
    %reduce_sum3A_900 = vector.shape_cast %reduce_sum3A_899 : vector<1xi32> to vector<1x1x1xi32>
    %reduce_sum3A_901 = vector.extract %reduce_sum3A_900[0, 0, 0] : i32 from vector<1x1x1xi32>
    %ge3A_902 = arith.constant 192 : i32
    %ge3A_903 = arith.cmpi sge, %reduce_sum3A_901, %ge3A_902 : i32
    %select_n3A_904 = arith.select %ge3A_903, %or3A_893, %select_n3A_891 : i32
    %or3A_905 = arith.constant 8192 : i32
    %or3A_906 = arith.ori %select_n3A_904, %or3A_905 : i32
    %ge3A_907 = vector.broadcast %or3A_906 : i32 to vector<160x128xi32>
    %ge3A_908 = arith.cmpi sge, %bitcast_convert_type3A_66, %ge3A_907 : vector<160x128xi32>
    %convert_element_type3A_909 = arith.extui %ge3A_908 : vector<160x128xi1> to vector<160x128xi32>
    %reduce_sum3A_910 = vector.shape_cast %convert_element_type3A_909 : vector<160x128xi32> to vector<1x160x128xi32>
    %reduce_sum3A_911 = arith.constant dense<0> : vector<1xi32>
    %reduce_sum3A_912 = vector.multi_reduction <add>, %reduce_sum3A_910, %reduce_sum3A_911 [1, 2] : vector<1x160x128xi32> to vector<1xi32>
    %reduce_sum3A_913 = vector.shape_cast %reduce_sum3A_912 : vector<1xi32> to vector<1x1x1xi32>
    %reduce_sum3A_914 = vector.extract %reduce_sum3A_913[0, 0, 0] : i32 from vector<1x1x1xi32>
    %ge3A_915 = arith.constant 192 : i32
    %ge3A_916 = arith.cmpi sge, %reduce_sum3A_914, %ge3A_915 : i32
    %select_n3A_917 = arith.select %ge3A_916, %or3A_906, %select_n3A_904 : i32
    %or3A_918 = arith.constant 4096 : i32
    %or3A_919 = arith.ori %select_n3A_917, %or3A_918 : i32
    %ge3A_920 = vector.broadcast %or3A_919 : i32 to vector<160x128xi32>
    %ge3A_921 = arith.cmpi sge, %bitcast_convert_type3A_66, %ge3A_920 : vector<160x128xi32>
    %convert_element_type3A_922 = arith.extui %ge3A_921 : vector<160x128xi1> to vector<160x128xi32>
    %reduce_sum3A_923 = vector.shape_cast %convert_element_type3A_922 : vector<160x128xi32> to vector<1x160x128xi32>
    %reduce_sum3A_924 = arith.constant dense<0> : vector<1xi32>
    %reduce_sum3A_925 = vector.multi_reduction <add>, %reduce_sum3A_923, %reduce_sum3A_924 [1, 2] : vector<1x160x128xi32> to vector<1xi32>
    %reduce_sum3A_926 = vector.shape_cast %reduce_sum3A_925 : vector<1xi32> to vector<1x1x1xi32>
    %reduce_sum3A_927 = vector.extract %reduce_sum3A_926[0, 0, 0] : i32 from vector<1x1x1xi32>
    %ge3A_928 = arith.constant 192 : i32
    %ge3A_929 = arith.cmpi sge, %reduce_sum3A_927, %ge3A_928 : i32
    %select_n3A_930 = arith.select %ge3A_929, %or3A_919, %select_n3A_917 : i32
    %or3A_931 = arith.constant 2048 : i32
    %or3A_932 = arith.ori %select_n3A_930, %or3A_931 : i32
    %ge3A_933 = vector.broadcast %or3A_932 : i32 to vector<160x128xi32>
    %ge3A_934 = arith.cmpi sge, %bitcast_convert_type3A_66, %ge3A_933 : vector<160x128xi32>
    %convert_element_type3A_935 = arith.extui %ge3A_934 : vector<160x128xi1> to vector<160x128xi32>
    %reduce_sum3A_936 = vector.shape_cast %convert_element_type3A_935 : vector<160x128xi32> to vector<1x160x128xi32>
    %reduce_sum3A_937 = arith.constant dense<0> : vector<1xi32>
    %reduce_sum3A_938 = vector.multi_reduction <add>, %reduce_sum3A_936, %reduce_sum3A_937 [1, 2] : vector<1x160x128xi32> to vector<1xi32>
    %reduce_sum3A_939 = vector.shape_cast %reduce_sum3A_938 : vector<1xi32> to vector<1x1x1xi32>
    %reduce_sum3A_940 = vector.extract %reduce_sum3A_939[0, 0, 0] : i32 from vector<1x1x1xi32>
    %ge3A_941 = arith.constant 192 : i32
    %ge3A_942 = arith.cmpi sge, %reduce_sum3A_940, %ge3A_941 : i32
    %select_n3A_943 = arith.select %ge3A_942, %or3A_932, %select_n3A_930 : i32
    %or3A_944 = arith.constant 1024 : i32
    %or3A_945 = arith.ori %select_n3A_943, %or3A_944 : i32
    %ge3A_946 = vector.broadcast %or3A_945 : i32 to vector<160x128xi32>
    %ge3A_947 = arith.cmpi sge, %bitcast_convert_type3A_66, %ge3A_946 : vector<160x128xi32>
    %convert_element_type3A_948 = arith.extui %ge3A_947 : vector<160x128xi1> to vector<160x128xi32>
    %reduce_sum3A_949 = vector.shape_cast %convert_element_type3A_948 : vector<160x128xi32> to vector<1x160x128xi32>
    %reduce_sum3A_950 = arith.constant dense<0> : vector<1xi32>
    %reduce_sum3A_951 = vector.multi_reduction <add>, %reduce_sum3A_949, %reduce_sum3A_950 [1, 2] : vector<1x160x128xi32> to vector<1xi32>
    %reduce_sum3A_952 = vector.shape_cast %reduce_sum3A_951 : vector<1xi32> to vector<1x1x1xi32>
    %reduce_sum3A_953 = vector.extract %reduce_sum3A_952[0, 0, 0] : i32 from vector<1x1x1xi32>
    %ge3A_954 = arith.constant 192 : i32
    %ge3A_955 = arith.cmpi sge, %reduce_sum3A_953, %ge3A_954 : i32
    %select_n3A_956 = arith.select %ge3A_955, %or3A_945, %select_n3A_943 : i32
    %or3A_957 = arith.constant 512 : i32
    %or3A_958 = arith.ori %select_n3A_956, %or3A_957 : i32
    %ge3A_959 = vector.broadcast %or3A_958 : i32 to vector<160x128xi32>
    %ge3A_960 = arith.cmpi sge, %bitcast_convert_type3A_66, %ge3A_959 : vector<160x128xi32>
    %convert_element_type3A_961 = arith.extui %ge3A_960 : vector<160x128xi1> to vector<160x128xi32>
    %reduce_sum3A_962 = vector.shape_cast %convert_element_type3A_961 : vector<160x128xi32> to vector<1x160x128xi32>
    %reduce_sum3A_963 = arith.constant dense<0> : vector<1xi32>
    %reduce_sum3A_964 = vector.multi_reduction <add>, %reduce_sum3A_962, %reduce_sum3A_963 [1, 2] : vector<1x160x128xi32> to vector<1xi32>
    %reduce_sum3A_965 = vector.shape_cast %reduce_sum3A_964 : vector<1xi32> to vector<1x1x1xi32>
    %reduce_sum3A_966 = vector.extract %reduce_sum3A_965[0, 0, 0] : i32 from vector<1x1x1xi32>
    %ge3A_967 = arith.constant 192 : i32
    %ge3A_968 = arith.cmpi sge, %reduce_sum3A_966, %ge3A_967 : i32
    %select_n3A_969 = arith.select %ge3A_968, %or3A_958, %select_n3A_956 : i32
    %or3A_970 = arith.constant 256 : i32
    %or3A_971 = arith.ori %select_n3A_969, %or3A_970 : i32
    %ge3A_972 = vector.broadcast %or3A_971 : i32 to vector<160x128xi32>
    %ge3A_973 = arith.cmpi sge, %bitcast_convert_type3A_66, %ge3A_972 : vector<160x128xi32>
    %convert_element_type3A_974 = arith.extui %ge3A_973 : vector<160x128xi1> to vector<160x128xi32>
    %reduce_sum3A_975 = vector.shape_cast %convert_element_type3A_974 : vector<160x128xi32> to vector<1x160x128xi32>
    %reduce_sum3A_976 = arith.constant dense<0> : vector<1xi32>
    %reduce_sum3A_977 = vector.multi_reduction <add>, %reduce_sum3A_975, %reduce_sum3A_976 [1, 2] : vector<1x160x128xi32> to vector<1xi32>
    %reduce_sum3A_978 = vector.shape_cast %reduce_sum3A_977 : vector<1xi32> to vector<1x1x1xi32>
    %reduce_sum3A_979 = vector.extract %reduce_sum3A_978[0, 0, 0] : i32 from vector<1x1x1xi32>
    %ge3A_980 = arith.constant 192 : i32
    %ge3A_981 = arith.cmpi sge, %reduce_sum3A_979, %ge3A_980 : i32
    %select_n3A_982 = arith.select %ge3A_981, %or3A_971, %select_n3A_969 : i32
    %or3A_983 = arith.constant 128 : i32
    %or3A_984 = arith.ori %select_n3A_982, %or3A_983 : i32
    %ge3A_985 = vector.broadcast %or3A_984 : i32 to vector<160x128xi32>
    %ge3A_986 = arith.cmpi sge, %bitcast_convert_type3A_66, %ge3A_985 : vector<160x128xi32>
    %convert_element_type3A_987 = arith.extui %ge3A_986 : vector<160x128xi1> to vector<160x128xi32>
    %reduce_sum3A_988 = vector.shape_cast %convert_element_type3A_987 : vector<160x128xi32> to vector<1x160x128xi32>
    %reduce_sum3A_989 = arith.constant dense<0> : vector<1xi32>
    %reduce_sum3A_990 = vector.multi_reduction <add>, %reduce_sum3A_988, %reduce_sum3A_989 [1, 2] : vector<1x160x128xi32> to vector<1xi32>
    %reduce_sum3A_991 = vector.shape_cast %reduce_sum3A_990 : vector<1xi32> to vector<1x1x1xi32>
    %reduce_sum3A_992 = vector.extract %reduce_sum3A_991[0, 0, 0] : i32 from vector<1x1x1xi32>
    %ge3A_993 = arith.constant 192 : i32
    %ge3A_994 = arith.cmpi sge, %reduce_sum3A_992, %ge3A_993 : i32
    %select_n3A_995 = arith.select %ge3A_994, %or3A_984, %select_n3A_982 : i32
    %or3A_996 = arith.constant 64 : i32
    %or3A_997 = arith.ori %select_n3A_995, %or3A_996 : i32
    %ge3A_998 = vector.broadcast %or3A_997 : i32 to vector<160x128xi32>
    %ge3A_999 = arith.cmpi sge, %bitcast_convert_type3A_66, %ge3A_998 : vector<160x128xi32>
    %convert_element_type3A_1000 = arith.extui %ge3A_999 : vector<160x128xi1> to vector<160x128xi32>
    %reduce_sum3A_1001 = vector.shape_cast %convert_element_type3A_1000 : vector<160x128xi32> to vector<1x160x128xi32>
    %reduce_sum3A_1002 = arith.constant dense<0> : vector<1xi32>
    %reduce_sum3A_1003 = vector.multi_reduction <add>, %reduce_sum3A_1001, %reduce_sum3A_1002 [1, 2] : vector<1x160x128xi32> to vector<1xi32>
    %reduce_sum3A_1004 = vector.shape_cast %reduce_sum3A_1003 : vector<1xi32> to vector<1x1x1xi32>
    %reduce_sum3A_1005 = vector.extract %reduce_sum3A_1004[0, 0, 0] : i32 from vector<1x1x1xi32>
    %ge3A_1006 = arith.constant 192 : i32
    %ge3A_1007 = arith.cmpi sge, %reduce_sum3A_1005, %ge3A_1006 : i32
    %select_n3A_1008 = arith.select %ge3A_1007, %or3A_997, %select_n3A_995 : i32
    %or3A_1009 = arith.constant 32 : i32
    %or3A_1010 = arith.ori %select_n3A_1008, %or3A_1009 : i32
    %ge3A_1011 = vector.broadcast %or3A_1010 : i32 to vector<160x128xi32>
    %ge3A_1012 = arith.cmpi sge, %bitcast_convert_type3A_66, %ge3A_1011 : vector<160x128xi32>
    %convert_element_type3A_1013 = arith.extui %ge3A_1012 : vector<160x128xi1> to vector<160x128xi32>
    %reduce_sum3A_1014 = vector.shape_cast %convert_element_type3A_1013 : vector<160x128xi32> to vector<1x160x128xi32>
    %reduce_sum3A_1015 = arith.constant dense<0> : vector<1xi32>
    %reduce_sum3A_1016 = vector.multi_reduction <add>, %reduce_sum3A_1014, %reduce_sum3A_1015 [1, 2] : vector<1x160x128xi32> to vector<1xi32>
    %reduce_sum3A_1017 = vector.shape_cast %reduce_sum3A_1016 : vector<1xi32> to vector<1x1x1xi32>
    %reduce_sum3A_1018 = vector.extract %reduce_sum3A_1017[0, 0, 0] : i32 from vector<1x1x1xi32>
    %ge3A_1019 = arith.constant 192 : i32
    %ge3A_1020 = arith.cmpi sge, %reduce_sum3A_1018, %ge3A_1019 : i32
    %select_n3A_1021 = arith.select %ge3A_1020, %or3A_1010, %select_n3A_1008 : i32
    %or3A_1022 = arith.constant 16 : i32
    %or3A_1023 = arith.ori %select_n3A_1021, %or3A_1022 : i32
    %ge3A_1024 = vector.broadcast %or3A_1023 : i32 to vector<160x128xi32>
    %ge3A_1025 = arith.cmpi sge, %bitcast_convert_type3A_66, %ge3A_1024 : vector<160x128xi32>
    %convert_element_type3A_1026 = arith.extui %ge3A_1025 : vector<160x128xi1> to vector<160x128xi32>
    %reduce_sum3A_1027 = vector.shape_cast %convert_element_type3A_1026 : vector<160x128xi32> to vector<1x160x128xi32>
    %reduce_sum3A_1028 = arith.constant dense<0> : vector<1xi32>
    %reduce_sum3A_1029 = vector.multi_reduction <add>, %reduce_sum3A_1027, %reduce_sum3A_1028 [1, 2] : vector<1x160x128xi32> to vector<1xi32>
    %reduce_sum3A_1030 = vector.shape_cast %reduce_sum3A_1029 : vector<1xi32> to vector<1x1x1xi32>
    %reduce_sum3A_1031 = vector.extract %reduce_sum3A_1030[0, 0, 0] : i32 from vector<1x1x1xi32>
    %ge3A_1032 = arith.constant 192 : i32
    %ge3A_1033 = arith.cmpi sge, %reduce_sum3A_1031, %ge3A_1032 : i32
    %select_n3A_1034 = arith.select %ge3A_1033, %or3A_1023, %select_n3A_1021 : i32
    %or3A_1035 = arith.constant 8 : i32
    %or3A_1036 = arith.ori %select_n3A_1034, %or3A_1035 : i32
    %ge3A_1037 = vector.broadcast %or3A_1036 : i32 to vector<160x128xi32>
    %ge3A_1038 = arith.cmpi sge, %bitcast_convert_type3A_66, %ge3A_1037 : vector<160x128xi32>
    %convert_element_type3A_1039 = arith.extui %ge3A_1038 : vector<160x128xi1> to vector<160x128xi32>
    %reduce_sum3A_1040 = vector.shape_cast %convert_element_type3A_1039 : vector<160x128xi32> to vector<1x160x128xi32>
    %reduce_sum3A_1041 = arith.constant dense<0> : vector<1xi32>
    %reduce_sum3A_1042 = vector.multi_reduction <add>, %reduce_sum3A_1040, %reduce_sum3A_1041 [1, 2] : vector<1x160x128xi32> to vector<1xi32>
    %reduce_sum3A_1043 = vector.shape_cast %reduce_sum3A_1042 : vector<1xi32> to vector<1x1x1xi32>
    %reduce_sum3A_1044 = vector.extract %reduce_sum3A_1043[0, 0, 0] : i32 from vector<1x1x1xi32>
    %ge3A_1045 = arith.constant 192 : i32
    %ge3A_1046 = arith.cmpi sge, %reduce_sum3A_1044, %ge3A_1045 : i32
    %select_n3A_1047 = arith.select %ge3A_1046, %or3A_1036, %select_n3A_1034 : i32
    %or3A_1048 = arith.constant 4 : i32
    %or3A_1049 = arith.ori %select_n3A_1047, %or3A_1048 : i32
    %ge3A_1050 = vector.broadcast %or3A_1049 : i32 to vector<160x128xi32>
    %ge3A_1051 = arith.cmpi sge, %bitcast_convert_type3A_66, %ge3A_1050 : vector<160x128xi32>
    %convert_element_type3A_1052 = arith.extui %ge3A_1051 : vector<160x128xi1> to vector<160x128xi32>
    %reduce_sum3A_1053 = vector.shape_cast %convert_element_type3A_1052 : vector<160x128xi32> to vector<1x160x128xi32>
    %reduce_sum3A_1054 = arith.constant dense<0> : vector<1xi32>
    %reduce_sum3A_1055 = vector.multi_reduction <add>, %reduce_sum3A_1053, %reduce_sum3A_1054 [1, 2] : vector<1x160x128xi32> to vector<1xi32>
    %reduce_sum3A_1056 = vector.shape_cast %reduce_sum3A_1055 : vector<1xi32> to vector<1x1x1xi32>
    %reduce_sum3A_1057 = vector.extract %reduce_sum3A_1056[0, 0, 0] : i32 from vector<1x1x1xi32>
    %ge3A_1058 = arith.constant 192 : i32
    %ge3A_1059 = arith.cmpi sge, %reduce_sum3A_1057, %ge3A_1058 : i32
    %select_n3A_1060 = arith.select %ge3A_1059, %or3A_1049, %select_n3A_1047 : i32
    %or3A_1061 = arith.constant 2 : i32
    %or3A_1062 = arith.ori %select_n3A_1060, %or3A_1061 : i32
    %ge3A_1063 = vector.broadcast %or3A_1062 : i32 to vector<160x128xi32>
    %ge3A_1064 = arith.cmpi sge, %bitcast_convert_type3A_66, %ge3A_1063 : vector<160x128xi32>
    %convert_element_type3A_1065 = arith.extui %ge3A_1064 : vector<160x128xi1> to vector<160x128xi32>
    %reduce_sum3A_1066 = vector.shape_cast %convert_element_type3A_1065 : vector<160x128xi32> to vector<1x160x128xi32>
    %reduce_sum3A_1067 = arith.constant dense<0> : vector<1xi32>
    %reduce_sum3A_1068 = vector.multi_reduction <add>, %reduce_sum3A_1066, %reduce_sum3A_1067 [1, 2] : vector<1x160x128xi32> to vector<1xi32>
    %reduce_sum3A_1069 = vector.shape_cast %reduce_sum3A_1068 : vector<1xi32> to vector<1x1x1xi32>
    %reduce_sum3A_1070 = vector.extract %reduce_sum3A_1069[0, 0, 0] : i32 from vector<1x1x1xi32>
    %ge3A_1071 = arith.constant 192 : i32
    %ge3A_1072 = arith.cmpi sge, %reduce_sum3A_1070, %ge3A_1071 : i32
    %select_n3A_1073 = arith.select %ge3A_1072, %or3A_1062, %select_n3A_1060 : i32
    %or3A_1074 = arith.constant 1 : i32
    %or3A_1075 = arith.ori %select_n3A_1073, %or3A_1074 : i32
    %ge3A_1076 = vector.broadcast %or3A_1075 : i32 to vector<160x128xi32>
    %ge3A_1077 = arith.cmpi sge, %bitcast_convert_type3A_66, %ge3A_1076 : vector<160x128xi32>
    %convert_element_type3A_1078 = arith.extui %ge3A_1077 : vector<160x128xi1> to vector<160x128xi32>
    %reduce_sum3A_1079 = vector.shape_cast %convert_element_type3A_1078 : vector<160x128xi32> to vector<1x160x128xi32>
    %reduce_sum3A_1080 = arith.constant dense<0> : vector<1xi32>
    %reduce_sum3A_1081 = vector.multi_reduction <add>, %reduce_sum3A_1079, %reduce_sum3A_1080 [1, 2] : vector<1x160x128xi32> to vector<1xi32>
    %reduce_sum3A_1082 = vector.shape_cast %reduce_sum3A_1081 : vector<1xi32> to vector<1x1x1xi32>
    %reduce_sum3A_1083 = vector.extract %reduce_sum3A_1082[0, 0, 0] : i32 from vector<1x1x1xi32>
    %ge3A_1084 = arith.constant 192 : i32
    %ge3A_1085 = arith.cmpi sge, %reduce_sum3A_1083, %ge3A_1084 : i32
    %select_n3A_1086 = arith.select %ge3A_1085, %or3A_1075, %select_n3A_1073 : i32
    %gt3A_1087 = vector.broadcast %select_n3A_1086 : i32 to vector<160x128xi32>
    %gt3A_1088 = arith.cmpi sgt, %bitcast_convert_type3A_66, %gt3A_1087 : vector<160x128xi32>
    %convert_element_type3A_1089 = arith.extui %gt3A_1088 : vector<160x128xi1> to vector<160x128xi32>
    %reduce_sum3A_1090 = vector.shape_cast %convert_element_type3A_1089 : vector<160x128xi32> to vector<1x160x128xi32>
    %reduce_sum3A_1091 = arith.constant dense<0> : vector<1xi32>
    %reduce_sum3A_1092 = vector.multi_reduction <add>, %reduce_sum3A_1090, %reduce_sum3A_1091 [1, 2] : vector<1x160x128xi32> to vector<1xi32>
    %reduce_sum3A_1093 = vector.shape_cast %reduce_sum3A_1092 : vector<1xi32> to vector<1x1x1xi32>
    %reduce_sum3A_1094 = vector.extract %reduce_sum3A_1093[0, 0, 0] : i32 from vector<1x1x1xi32>
    %sub3A_1095 = arith.constant 192 : i32
    %sub3A_1096 = arith.subi %sub3A_1095, %reduce_sum3A_1094 : i32
    %eq3A_1097 = vector.broadcast %select_n3A_1086 : i32 to vector<160x128xi32>
    %eq3A_1098 = arith.cmpi eq, %bitcast_convert_type3A_66, %eq3A_1097 : vector<160x128xi32>
    %or3A_1099 = arith.constant 0 : i32
    %or3A_1100 = arith.constant 16384 : i32
    %or3A_1101 = arith.ori %or3A_1099, %or3A_1100 : i32
    %lt3A_1102 = vector.broadcast %or3A_1101 : i32 to vector<160x128xi32>
    %lt3A_1103 = arith.cmpi slt, %add3A, %lt3A_1102 : vector<160x128xi32>
    %and3A_1104 = arith.andi %eq3A_1098, %lt3A_1103 : vector<160x128xi1>
    %convert_element_type3A_1105 = arith.extui %and3A_1104 : vector<160x128xi1> to vector<160x128xi32>
    %reduce_sum3A_1106 = vector.shape_cast %convert_element_type3A_1105 : vector<160x128xi32> to vector<1x160x128xi32>
    %reduce_sum3A_1107 = arith.constant dense<0> : vector<1xi32>
    %reduce_sum3A_1108 = vector.multi_reduction <add>, %reduce_sum3A_1106, %reduce_sum3A_1107 [1, 2] : vector<1x160x128xi32> to vector<1xi32>
    %reduce_sum3A_1109 = vector.shape_cast %reduce_sum3A_1108 : vector<1xi32> to vector<1x1x1xi32>
    %reduce_sum3A_1110 = vector.extract %reduce_sum3A_1109[0, 0, 0] : i32 from vector<1x1x1xi32>
    %lt3A_1111 = arith.cmpi slt, %reduce_sum3A_1110, %sub3A_1096 : i32
    %jit3A_1112 = arith.constant 0 : i32
    %select_n3A_1113 = arith.select %lt3A_1111, %or3A_1101, %jit3A_1112 : i32
    %or3A_1114 = arith.constant 8192 : i32
    %or3A_1115 = arith.ori %select_n3A_1113, %or3A_1114 : i32
    %lt3A_1116 = vector.broadcast %or3A_1115 : i32 to vector<160x128xi32>
    %lt3A_1117 = arith.cmpi slt, %add3A, %lt3A_1116 : vector<160x128xi32>
    %and3A_1118 = arith.andi %eq3A_1098, %lt3A_1117 : vector<160x128xi1>
    %convert_element_type3A_1119 = arith.extui %and3A_1118 : vector<160x128xi1> to vector<160x128xi32>
    %reduce_sum3A_1120 = vector.shape_cast %convert_element_type3A_1119 : vector<160x128xi32> to vector<1x160x128xi32>
    %reduce_sum3A_1121 = arith.constant dense<0> : vector<1xi32>
    %reduce_sum3A_1122 = vector.multi_reduction <add>, %reduce_sum3A_1120, %reduce_sum3A_1121 [1, 2] : vector<1x160x128xi32> to vector<1xi32>
    %reduce_sum3A_1123 = vector.shape_cast %reduce_sum3A_1122 : vector<1xi32> to vector<1x1x1xi32>
    %reduce_sum3A_1124 = vector.extract %reduce_sum3A_1123[0, 0, 0] : i32 from vector<1x1x1xi32>
    %lt3A_1125 = arith.cmpi slt, %reduce_sum3A_1124, %sub3A_1096 : i32
    %select_n3A_1126 = arith.select %lt3A_1125, %or3A_1115, %select_n3A_1113 : i32
    %or3A_1127 = arith.constant 4096 : i32
    %or3A_1128 = arith.ori %select_n3A_1126, %or3A_1127 : i32
    %lt3A_1129 = vector.broadcast %or3A_1128 : i32 to vector<160x128xi32>
    %lt3A_1130 = arith.cmpi slt, %add3A, %lt3A_1129 : vector<160x128xi32>
    %and3A_1131 = arith.andi %eq3A_1098, %lt3A_1130 : vector<160x128xi1>
    %convert_element_type3A_1132 = arith.extui %and3A_1131 : vector<160x128xi1> to vector<160x128xi32>
    %reduce_sum3A_1133 = vector.shape_cast %convert_element_type3A_1132 : vector<160x128xi32> to vector<1x160x128xi32>
    %reduce_sum3A_1134 = arith.constant dense<0> : vector<1xi32>
    %reduce_sum3A_1135 = vector.multi_reduction <add>, %reduce_sum3A_1133, %reduce_sum3A_1134 [1, 2] : vector<1x160x128xi32> to vector<1xi32>
    %reduce_sum3A_1136 = vector.shape_cast %reduce_sum3A_1135 : vector<1xi32> to vector<1x1x1xi32>
    %reduce_sum3A_1137 = vector.extract %reduce_sum3A_1136[0, 0, 0] : i32 from vector<1x1x1xi32>
    %lt3A_1138 = arith.cmpi slt, %reduce_sum3A_1137, %sub3A_1096 : i32
    %select_n3A_1139 = arith.select %lt3A_1138, %or3A_1128, %select_n3A_1126 : i32
    %or3A_1140 = arith.constant 2048 : i32
    %or3A_1141 = arith.ori %select_n3A_1139, %or3A_1140 : i32
    %lt3A_1142 = vector.broadcast %or3A_1141 : i32 to vector<160x128xi32>
    %lt3A_1143 = arith.cmpi slt, %add3A, %lt3A_1142 : vector<160x128xi32>
    %and3A_1144 = arith.andi %eq3A_1098, %lt3A_1143 : vector<160x128xi1>
    %convert_element_type3A_1145 = arith.extui %and3A_1144 : vector<160x128xi1> to vector<160x128xi32>
    %reduce_sum3A_1146 = vector.shape_cast %convert_element_type3A_1145 : vector<160x128xi32> to vector<1x160x128xi32>
    %reduce_sum3A_1147 = arith.constant dense<0> : vector<1xi32>
    %reduce_sum3A_1148 = vector.multi_reduction <add>, %reduce_sum3A_1146, %reduce_sum3A_1147 [1, 2] : vector<1x160x128xi32> to vector<1xi32>
    %reduce_sum3A_1149 = vector.shape_cast %reduce_sum3A_1148 : vector<1xi32> to vector<1x1x1xi32>
    %reduce_sum3A_1150 = vector.extract %reduce_sum3A_1149[0, 0, 0] : i32 from vector<1x1x1xi32>
    %lt3A_1151 = arith.cmpi slt, %reduce_sum3A_1150, %sub3A_1096 : i32
    %select_n3A_1152 = arith.select %lt3A_1151, %or3A_1141, %select_n3A_1139 : i32
    %or3A_1153 = arith.constant 1024 : i32
    %or3A_1154 = arith.ori %select_n3A_1152, %or3A_1153 : i32
    %lt3A_1155 = vector.broadcast %or3A_1154 : i32 to vector<160x128xi32>
    %lt3A_1156 = arith.cmpi slt, %add3A, %lt3A_1155 : vector<160x128xi32>
    %and3A_1157 = arith.andi %eq3A_1098, %lt3A_1156 : vector<160x128xi1>
    %convert_element_type3A_1158 = arith.extui %and3A_1157 : vector<160x128xi1> to vector<160x128xi32>
    %reduce_sum3A_1159 = vector.shape_cast %convert_element_type3A_1158 : vector<160x128xi32> to vector<1x160x128xi32>
    %reduce_sum3A_1160 = arith.constant dense<0> : vector<1xi32>
    %reduce_sum3A_1161 = vector.multi_reduction <add>, %reduce_sum3A_1159, %reduce_sum3A_1160 [1, 2] : vector<1x160x128xi32> to vector<1xi32>
    %reduce_sum3A_1162 = vector.shape_cast %reduce_sum3A_1161 : vector<1xi32> to vector<1x1x1xi32>
    %reduce_sum3A_1163 = vector.extract %reduce_sum3A_1162[0, 0, 0] : i32 from vector<1x1x1xi32>
    %lt3A_1164 = arith.cmpi slt, %reduce_sum3A_1163, %sub3A_1096 : i32
    %select_n3A_1165 = arith.select %lt3A_1164, %or3A_1154, %select_n3A_1152 : i32
    %or3A_1166 = arith.constant 512 : i32
    %or3A_1167 = arith.ori %select_n3A_1165, %or3A_1166 : i32
    %lt3A_1168 = vector.broadcast %or3A_1167 : i32 to vector<160x128xi32>
    %lt3A_1169 = arith.cmpi slt, %add3A, %lt3A_1168 : vector<160x128xi32>
    %and3A_1170 = arith.andi %eq3A_1098, %lt3A_1169 : vector<160x128xi1>
    %convert_element_type3A_1171 = arith.extui %and3A_1170 : vector<160x128xi1> to vector<160x128xi32>
    %reduce_sum3A_1172 = vector.shape_cast %convert_element_type3A_1171 : vector<160x128xi32> to vector<1x160x128xi32>
    %reduce_sum3A_1173 = arith.constant dense<0> : vector<1xi32>
    %reduce_sum3A_1174 = vector.multi_reduction <add>, %reduce_sum3A_1172, %reduce_sum3A_1173 [1, 2] : vector<1x160x128xi32> to vector<1xi32>
    %reduce_sum3A_1175 = vector.shape_cast %reduce_sum3A_1174 : vector<1xi32> to vector<1x1x1xi32>
    %reduce_sum3A_1176 = vector.extract %reduce_sum3A_1175[0, 0, 0] : i32 from vector<1x1x1xi32>
    %lt3A_1177 = arith.cmpi slt, %reduce_sum3A_1176, %sub3A_1096 : i32
    %select_n3A_1178 = arith.select %lt3A_1177, %or3A_1167, %select_n3A_1165 : i32
    %or3A_1179 = arith.constant 256 : i32
    %or3A_1180 = arith.ori %select_n3A_1178, %or3A_1179 : i32
    %lt3A_1181 = vector.broadcast %or3A_1180 : i32 to vector<160x128xi32>
    %lt3A_1182 = arith.cmpi slt, %add3A, %lt3A_1181 : vector<160x128xi32>
    %and3A_1183 = arith.andi %eq3A_1098, %lt3A_1182 : vector<160x128xi1>
    %convert_element_type3A_1184 = arith.extui %and3A_1183 : vector<160x128xi1> to vector<160x128xi32>
    %reduce_sum3A_1185 = vector.shape_cast %convert_element_type3A_1184 : vector<160x128xi32> to vector<1x160x128xi32>
    %reduce_sum3A_1186 = arith.constant dense<0> : vector<1xi32>
    %reduce_sum3A_1187 = vector.multi_reduction <add>, %reduce_sum3A_1185, %reduce_sum3A_1186 [1, 2] : vector<1x160x128xi32> to vector<1xi32>
    %reduce_sum3A_1188 = vector.shape_cast %reduce_sum3A_1187 : vector<1xi32> to vector<1x1x1xi32>
    %reduce_sum3A_1189 = vector.extract %reduce_sum3A_1188[0, 0, 0] : i32 from vector<1x1x1xi32>
    %lt3A_1190 = arith.cmpi slt, %reduce_sum3A_1189, %sub3A_1096 : i32
    %select_n3A_1191 = arith.select %lt3A_1190, %or3A_1180, %select_n3A_1178 : i32
    %or3A_1192 = arith.constant 128 : i32
    %or3A_1193 = arith.ori %select_n3A_1191, %or3A_1192 : i32
    %lt3A_1194 = vector.broadcast %or3A_1193 : i32 to vector<160x128xi32>
    %lt3A_1195 = arith.cmpi slt, %add3A, %lt3A_1194 : vector<160x128xi32>
    %and3A_1196 = arith.andi %eq3A_1098, %lt3A_1195 : vector<160x128xi1>
    %convert_element_type3A_1197 = arith.extui %and3A_1196 : vector<160x128xi1> to vector<160x128xi32>
    %reduce_sum3A_1198 = vector.shape_cast %convert_element_type3A_1197 : vector<160x128xi32> to vector<1x160x128xi32>
    %reduce_sum3A_1199 = arith.constant dense<0> : vector<1xi32>
    %reduce_sum3A_1200 = vector.multi_reduction <add>, %reduce_sum3A_1198, %reduce_sum3A_1199 [1, 2] : vector<1x160x128xi32> to vector<1xi32>
    %reduce_sum3A_1201 = vector.shape_cast %reduce_sum3A_1200 : vector<1xi32> to vector<1x1x1xi32>
    %reduce_sum3A_1202 = vector.extract %reduce_sum3A_1201[0, 0, 0] : i32 from vector<1x1x1xi32>
    %lt3A_1203 = arith.cmpi slt, %reduce_sum3A_1202, %sub3A_1096 : i32
    %select_n3A_1204 = arith.select %lt3A_1203, %or3A_1193, %select_n3A_1191 : i32
    %or3A_1205 = arith.constant 64 : i32
    %or3A_1206 = arith.ori %select_n3A_1204, %or3A_1205 : i32
    %lt3A_1207 = vector.broadcast %or3A_1206 : i32 to vector<160x128xi32>
    %lt3A_1208 = arith.cmpi slt, %add3A, %lt3A_1207 : vector<160x128xi32>
    %and3A_1209 = arith.andi %eq3A_1098, %lt3A_1208 : vector<160x128xi1>
    %convert_element_type3A_1210 = arith.extui %and3A_1209 : vector<160x128xi1> to vector<160x128xi32>
    %reduce_sum3A_1211 = vector.shape_cast %convert_element_type3A_1210 : vector<160x128xi32> to vector<1x160x128xi32>
    %reduce_sum3A_1212 = arith.constant dense<0> : vector<1xi32>
    %reduce_sum3A_1213 = vector.multi_reduction <add>, %reduce_sum3A_1211, %reduce_sum3A_1212 [1, 2] : vector<1x160x128xi32> to vector<1xi32>
    %reduce_sum3A_1214 = vector.shape_cast %reduce_sum3A_1213 : vector<1xi32> to vector<1x1x1xi32>
    %reduce_sum3A_1215 = vector.extract %reduce_sum3A_1214[0, 0, 0] : i32 from vector<1x1x1xi32>
    %lt3A_1216 = arith.cmpi slt, %reduce_sum3A_1215, %sub3A_1096 : i32
    %select_n3A_1217 = arith.select %lt3A_1216, %or3A_1206, %select_n3A_1204 : i32
    %or3A_1218 = arith.constant 32 : i32
    %or3A_1219 = arith.ori %select_n3A_1217, %or3A_1218 : i32
    %lt3A_1220 = vector.broadcast %or3A_1219 : i32 to vector<160x128xi32>
    %lt3A_1221 = arith.cmpi slt, %add3A, %lt3A_1220 : vector<160x128xi32>
    %and3A_1222 = arith.andi %eq3A_1098, %lt3A_1221 : vector<160x128xi1>
    %convert_element_type3A_1223 = arith.extui %and3A_1222 : vector<160x128xi1> to vector<160x128xi32>
    %reduce_sum3A_1224 = vector.shape_cast %convert_element_type3A_1223 : vector<160x128xi32> to vector<1x160x128xi32>
    %reduce_sum3A_1225 = arith.constant dense<0> : vector<1xi32>
    %reduce_sum3A_1226 = vector.multi_reduction <add>, %reduce_sum3A_1224, %reduce_sum3A_1225 [1, 2] : vector<1x160x128xi32> to vector<1xi32>
    %reduce_sum3A_1227 = vector.shape_cast %reduce_sum3A_1226 : vector<1xi32> to vector<1x1x1xi32>
    %reduce_sum3A_1228 = vector.extract %reduce_sum3A_1227[0, 0, 0] : i32 from vector<1x1x1xi32>
    %lt3A_1229 = arith.cmpi slt, %reduce_sum3A_1228, %sub3A_1096 : i32
    %select_n3A_1230 = arith.select %lt3A_1229, %or3A_1219, %select_n3A_1217 : i32
    %or3A_1231 = arith.constant 16 : i32
    %or3A_1232 = arith.ori %select_n3A_1230, %or3A_1231 : i32
    %lt3A_1233 = vector.broadcast %or3A_1232 : i32 to vector<160x128xi32>
    %lt3A_1234 = arith.cmpi slt, %add3A, %lt3A_1233 : vector<160x128xi32>
    %and3A_1235 = arith.andi %eq3A_1098, %lt3A_1234 : vector<160x128xi1>
    %convert_element_type3A_1236 = arith.extui %and3A_1235 : vector<160x128xi1> to vector<160x128xi32>
    %reduce_sum3A_1237 = vector.shape_cast %convert_element_type3A_1236 : vector<160x128xi32> to vector<1x160x128xi32>
    %reduce_sum3A_1238 = arith.constant dense<0> : vector<1xi32>
    %reduce_sum3A_1239 = vector.multi_reduction <add>, %reduce_sum3A_1237, %reduce_sum3A_1238 [1, 2] : vector<1x160x128xi32> to vector<1xi32>
    %reduce_sum3A_1240 = vector.shape_cast %reduce_sum3A_1239 : vector<1xi32> to vector<1x1x1xi32>
    %reduce_sum3A_1241 = vector.extract %reduce_sum3A_1240[0, 0, 0] : i32 from vector<1x1x1xi32>
    %lt3A_1242 = arith.cmpi slt, %reduce_sum3A_1241, %sub3A_1096 : i32
    %select_n3A_1243 = arith.select %lt3A_1242, %or3A_1232, %select_n3A_1230 : i32
    %or3A_1244 = arith.constant 8 : i32
    %or3A_1245 = arith.ori %select_n3A_1243, %or3A_1244 : i32
    %lt3A_1246 = vector.broadcast %or3A_1245 : i32 to vector<160x128xi32>
    %lt3A_1247 = arith.cmpi slt, %add3A, %lt3A_1246 : vector<160x128xi32>
    %and3A_1248 = arith.andi %eq3A_1098, %lt3A_1247 : vector<160x128xi1>
    %convert_element_type3A_1249 = arith.extui %and3A_1248 : vector<160x128xi1> to vector<160x128xi32>
    %reduce_sum3A_1250 = vector.shape_cast %convert_element_type3A_1249 : vector<160x128xi32> to vector<1x160x128xi32>
    %reduce_sum3A_1251 = arith.constant dense<0> : vector<1xi32>
    %reduce_sum3A_1252 = vector.multi_reduction <add>, %reduce_sum3A_1250, %reduce_sum3A_1251 [1, 2] : vector<1x160x128xi32> to vector<1xi32>
    %reduce_sum3A_1253 = vector.shape_cast %reduce_sum3A_1252 : vector<1xi32> to vector<1x1x1xi32>
    %reduce_sum3A_1254 = vector.extract %reduce_sum3A_1253[0, 0, 0] : i32 from vector<1x1x1xi32>
    %lt3A_1255 = arith.cmpi slt, %reduce_sum3A_1254, %sub3A_1096 : i32
    %select_n3A_1256 = arith.select %lt3A_1255, %or3A_1245, %select_n3A_1243 : i32
    %or3A_1257 = arith.constant 4 : i32
    %or3A_1258 = arith.ori %select_n3A_1256, %or3A_1257 : i32
    %lt3A_1259 = vector.broadcast %or3A_1258 : i32 to vector<160x128xi32>
    %lt3A_1260 = arith.cmpi slt, %add3A, %lt3A_1259 : vector<160x128xi32>
    %and3A_1261 = arith.andi %eq3A_1098, %lt3A_1260 : vector<160x128xi1>
    %convert_element_type3A_1262 = arith.extui %and3A_1261 : vector<160x128xi1> to vector<160x128xi32>
    %reduce_sum3A_1263 = vector.shape_cast %convert_element_type3A_1262 : vector<160x128xi32> to vector<1x160x128xi32>
    %reduce_sum3A_1264 = arith.constant dense<0> : vector<1xi32>
    %reduce_sum3A_1265 = vector.multi_reduction <add>, %reduce_sum3A_1263, %reduce_sum3A_1264 [1, 2] : vector<1x160x128xi32> to vector<1xi32>
    %reduce_sum3A_1266 = vector.shape_cast %reduce_sum3A_1265 : vector<1xi32> to vector<1x1x1xi32>
    %reduce_sum3A_1267 = vector.extract %reduce_sum3A_1266[0, 0, 0] : i32 from vector<1x1x1xi32>
    %lt3A_1268 = arith.cmpi slt, %reduce_sum3A_1267, %sub3A_1096 : i32
    %select_n3A_1269 = arith.select %lt3A_1268, %or3A_1258, %select_n3A_1256 : i32
    %or3A_1270 = arith.constant 2 : i32
    %or3A_1271 = arith.ori %select_n3A_1269, %or3A_1270 : i32
    %lt3A_1272 = vector.broadcast %or3A_1271 : i32 to vector<160x128xi32>
    %lt3A_1273 = arith.cmpi slt, %add3A, %lt3A_1272 : vector<160x128xi32>
    %and3A_1274 = arith.andi %eq3A_1098, %lt3A_1273 : vector<160x128xi1>
    %convert_element_type3A_1275 = arith.extui %and3A_1274 : vector<160x128xi1> to vector<160x128xi32>
    %reduce_sum3A_1276 = vector.shape_cast %convert_element_type3A_1275 : vector<160x128xi32> to vector<1x160x128xi32>
    %reduce_sum3A_1277 = arith.constant dense<0> : vector<1xi32>
    %reduce_sum3A_1278 = vector.multi_reduction <add>, %reduce_sum3A_1276, %reduce_sum3A_1277 [1, 2] : vector<1x160x128xi32> to vector<1xi32>
    %reduce_sum3A_1279 = vector.shape_cast %reduce_sum3A_1278 : vector<1xi32> to vector<1x1x1xi32>
    %reduce_sum3A_1280 = vector.extract %reduce_sum3A_1279[0, 0, 0] : i32 from vector<1x1x1xi32>
    %lt3A_1281 = arith.cmpi slt, %reduce_sum3A_1280, %sub3A_1096 : i32
    %select_n3A_1282 = arith.select %lt3A_1281, %or3A_1271, %select_n3A_1269 : i32
    %or3A_1283 = arith.constant 1 : i32
    %or3A_1284 = arith.ori %select_n3A_1282, %or3A_1283 : i32
    %lt3A_1285 = vector.broadcast %or3A_1284 : i32 to vector<160x128xi32>
    %lt3A_1286 = arith.cmpi slt, %add3A, %lt3A_1285 : vector<160x128xi32>
    %and3A_1287 = arith.andi %eq3A_1098, %lt3A_1286 : vector<160x128xi1>
    %convert_element_type3A_1288 = arith.extui %and3A_1287 : vector<160x128xi1> to vector<160x128xi32>
    %reduce_sum3A_1289 = vector.shape_cast %convert_element_type3A_1288 : vector<160x128xi32> to vector<1x160x128xi32>
    %reduce_sum3A_1290 = arith.constant dense<0> : vector<1xi32>
    %reduce_sum3A_1291 = vector.multi_reduction <add>, %reduce_sum3A_1289, %reduce_sum3A_1290 [1, 2] : vector<1x160x128xi32> to vector<1xi32>
    %reduce_sum3A_1292 = vector.shape_cast %reduce_sum3A_1291 : vector<1xi32> to vector<1x1x1xi32>
    %reduce_sum3A_1293 = vector.extract %reduce_sum3A_1292[0, 0, 0] : i32 from vector<1x1x1xi32>
    %lt3A_1294 = arith.cmpi slt, %reduce_sum3A_1293, %sub3A_1096 : i32
    %select_n3A_1295 = arith.select %lt3A_1294, %or3A_1284, %select_n3A_1282 : i32
    %le3A_1296 = vector.broadcast %select_n3A_1295 : i32 to vector<160x128xi32>
    %le3A_1297 = arith.cmpi sle, %add3A, %le3A_1296 : vector<160x128xi32>
    %and3A_1298 = arith.andi %eq3A_1098, %le3A_1297 : vector<160x128xi1>
    %gt3A_1299 = arith.constant 0 : i32
    %gt3A_1300 = arith.cmpi sgt, %sub3A_1096, %gt3A_1299 : i32
    %and3A_1301 = vector.broadcast %gt3A_1300 : i1 to vector<160x128xi1>
    %and3A_1302 = arith.andi %and3A_1298, %and3A_1301 : vector<160x128xi1>
    %gt3A_1303 = vector.broadcast %select_n3A_1086 : i32 to vector<160x128xi32>
    %gt3A_1304 = arith.cmpi sgt, %bitcast_convert_type3A_66, %gt3A_1303 : vector<160x128xi32>
    %or3A_1305 = arith.ori %gt3A_1304, %and3A_1302 : vector<160x128xi1>
    %or3A_1306 = arith.ori %or3A_681, %or3A_1305 : vector<160x128xi1>
    %convert_element_type3A_1307 = arith.extui %or3A_1306 : vector<160x128xi1> to vector<160x128xi32>
    %convert_element_type3A_1308 = arith.sitofp %convert_element_type3A_1307 : vector<160x128xi32> to vector<160x128xf32>
    %iota3A_1309 = tpu.iota {dimensions = array<i32: 0>} : vector<128x128xi32>
    %iota3A_1310 = tpu.iota {dimensions = array<i32: 1>} : vector<128x128xi32>
    %le3A_1311 = arith.cmpi sle, %iota3A_1309, %iota3A_1310 : vector<128x128xi32>
    %convert_element_type3A_1312 = arith.extui %le3A_1311 : vector<128x128xi1> to vector<128x128xi32>
    %convert_element_type3A_1313 = arith.sitofp %convert_element_type3A_1312 : vector<128x128xi32> to vector<128x128xf32>
    %dot_general3A = arith.constant dense<0.000000e+00> : vector<160x128xf32>
    %dot_general3A_1314 = tpu.matmul %convert_element_type3A_1308, %convert_element_type3A_1313, %dot_general3A {dimension_numbers = #tpu.dot_dimension_numbers<[1], [0], [0], [1], [0, 0, 1, 1], [], []>, transpose_lhs_hint = false} : vector<160x128xf32>, vector<128x128xf32>, vector<160x128xf32> -> vector<160x128xf32>
    %slice3A = vector.extract_strided_slice %dot_general3A_1314 {offsets = [0, 127], sizes = [160, 1], strides = [1, 1]} : vector<160x128xf32> to vector<160x1xf32>
    %iota3A_1315 = tpu.iota {dimensions = array<i32: 0>} : vector<160x160xi32>
    %iota3A_1316 = tpu.iota {dimensions = array<i32: 1>} : vector<160x160xi32>
    %gt3A_1317 = arith.cmpi sgt, %iota3A_1315, %iota3A_1316 : vector<160x160xi32>
    %convert_element_type3A_1318 = arith.extui %gt3A_1317 : vector<160x160xi1> to vector<160x160xi32>
    %convert_element_type3A_1319 = arith.sitofp %convert_element_type3A_1318 : vector<160x160xi32> to vector<160x160xf32>
    %dot_general3A_1320 = arith.constant dense<0.000000e+00> : vector<160x1xf32>
    %dot_general3A_1321 = tpu.matmul %convert_element_type3A_1319, %slice3A, %dot_general3A_1320 {dimension_numbers = #tpu.dot_dimension_numbers<[1], [0], [0], [1], [0, 0, 1, 1], [], []>, transpose_lhs_hint = false} : vector<160x160xf32>, vector<160x1xf32>, vector<160x1xf32> -> vector<160x1xf32>
    %add3A_1322 = vector.broadcast %dot_general3A_1321 : vector<160x1xf32> to vector<160x128xf32>
    %add3A_1323 = arith.addf %add3A_1322, %dot_general3A_1314 : vector<160x128xf32>
    %sub3A_1324 = arith.subf %add3A_1323, %convert_element_type3A_1308 : vector<160x128xf32>
    %reduce_sum3A_1325 = vector.shape_cast %convert_element_type3A_1308 : vector<160x128xf32> to vector<1x160x128xf32>
    %reduce_sum3A_1326 = arith.constant dense<0.000000e+00> : vector<1xf32>
    %reduce_sum3A_1327 = vector.multi_reduction <add>, %reduce_sum3A_1325, %reduce_sum3A_1326 [1, 2] : vector<1x160x128xf32> to vector<1xf32>
    %reduce_sum3A_1328 = vector.shape_cast %reduce_sum3A_1327 : vector<1xf32> to vector<1x1x1xf32>
    %reduce_sum3A_1329 = vector.extract %reduce_sum3A_1328[0, 0, 0] : f32 from vector<1x1x1xf32>
    %convert_element_type3A_1330 = arith.sitofp %add3A : vector<160x128xi32> to vector<160x128xf32>
    %add3A_1331 = vector.broadcast %reduce_sum3A_1329 : f32 to vector<160x128xf32>
    %add3A_1332 = arith.addf %add3A_1331, %convert_element_type3A_1330 : vector<160x128xf32>
    %sub3A_1333 = arith.subf %add3A_1332, %sub3A_1324 : vector<160x128xf32>
    %select_n3A_1334 = arith.select %or3A_1306, %sub3A_1324, %sub3A_1333 : vector<160x128xi1>, vector<160x128xf32>
    %swap3A = arith.constant 0 : index
    %swap3A_1335 = arith.constant 10 : index
    %swap3A_1336 = arith.constant 0 : index
    %swap3A_1337 = arith.constant 0 : index
    %swap3A_1338 = vector.load %arg4[%swap3A, %swap3A_1335, %swap3A_1336, %swap3A_1337] : memref<1x11x160x128xf32, #tpu.memory_space<vmem>>, vector<1x1x160x128xf32>
    %swap3A_1339 = vector.shape_cast %swap3A_1338 : vector<1x1x160x128xf32> to vector<160x128xf32>
    %swap3A_1340 = vector.shape_cast %convert_element_type3A_1308 : vector<160x128xf32> to vector<1x1x160x128xf32>
    tpu.vector_store %arg4[%swap3A, %swap3A_1335, %swap3A_1336, %swap3A_1337], %swap3A_1340 {strides = array<i32>} : memref<1x11x160x128xf32, #tpu.memory_space<vmem>>, vector<1x1x160x128xf32>,
    %convert_element_type3A_1341 = arith.fptosi %select_n3A_1334 : vector<160x128xf32> to vector<160x128xi32>
    %swap3A_1342 = arith.constant 0 : index
    %swap3A_1343 = arith.constant 0 : index
    %swap3A_1344 = arith.constant 0 : index
    %swap3A_1345 = arith.constant 0 : index
    %swap3A_1346 = vector.load %arg5[%swap3A_1342, %swap3A_1343, %swap3A_1344, %swap3A_1345] : memref<1x1x160x128xi32, #tpu.memory_space<vmem>>, vector<1x1x160x128xi32>
    %swap3A_1347 = vector.shape_cast %swap3A_1346 : vector<1x1x160x128xi32> to vector<160x128xi32>
    %swap3A_1348 = vector.shape_cast %convert_element_type3A_1341 : vector<160x128xi32> to vector<1x1x160x128xi32>
    tpu.vector_store %arg5[%swap3A_1342, %swap3A_1343, %swap3A_1344, %swap3A_1345], %swap3A_1348 {strides = array<i32>} : memref<1x1x160x128xi32, #tpu.memory_space<vmem>>, vector<1x1x160x128xi32>,
    return
  }
  func.func @transform_0(%arg0: i32) -> (i32, i32, i32, i32) {
    %c0_i32 = arith.constant 0 : i32
    %c0_i32_0 = arith.constant 0 : i32
    %c0_i32_1 = arith.constant 0 : i32
    %c0_i32_2 = arith.constant 0 : i32
    return %arg0, %c0_i32, %c0_i32_0, %c0_i32_1 : i32, i32, i32, i32
  }
  func.func @transform_1(%arg0: i32) -> (i32, i32, i32, i32) {
    %c0_i32 = arith.constant 0 : i32
    %c0_i32_0 = arith.constant 0 : i32
    %c0_i32_1 = arith.constant 0 : i32
    %c0_i32_2 = arith.constant 0 : i32
    return %arg0, %c0_i32, %c0_i32_0, %c0_i32_1 : i32, i32, i32, i32
  }
  func.func @transform_2(%arg0: i32) -> (i32, i32, i32, i32) {
    %c0_i32 = arith.constant 0 : i32
    %c0_i32_0 = arith.constant 0 : i32
    %c0_i32_1 = arith.constant 0 : i32
    %c0_i32_2 = arith.constant 0 : i32
    return %arg0, %c0_i32, %c0_i32_0, %c0_i32_1 : i32, i32, i32, i32
  }
  func.func @transform_3(%arg0: i32) -> (i32, i32, i32, i32) {
    %c0_i32 = arith.constant 0 : i32
    %c0_i32_0 = arith.constant 0 : i32
    %c0_i32_1 = arith.constant 0 : i32
    %c0_i32_2 = arith.constant 0 : i32
    return %arg0, %c0_i32, %c0_i32_0, %c0_i32_1 : i32, i32, i32, i32
  }
  func.func @transform_4(%arg0: i32) -> (i32, i32, i32, i32) {
    %c0_i32 = arith.constant 0 : i32
    %c0_i32_0 = arith.constant 0 : i32
    %c0_i32_1 = arith.constant 0 : i32
    %c0_i32_2 = arith.constant 0 : i32
    return %arg0, %c0_i32, %c0_i32_0, %c0_i32_1 : i32, i32, i32, i32
  }
}

</mosaic_0001>

<sc_bundles>
// kernel: kernel.6.cloned.1.call-start
scs
__scs_entry_jumppad:
0x0: {  	(pc) =	sbr.rel $0x88, $3  }
0x1: {  	(tag) =	ssettag $0x0;
	lr =	simm.s32 $0x1  }
0x2: {  	[smem:$0x3F9E] =	sst lr;
	_ =	strace $0xD0000000  }
0x3: {  	_ = 	snop  }
0x4: {  	_ = 	snop  }
0x5: {  	_ = 	snop  }
0x6: {  	_ = 	snop  }
0x7: {  	_ = 	snop  }
__scs_overlays_trampoline_lowered:
0x8: {  	[smem:$0x3FAD] =	sst s0  }
0x9: {  	[smem:$0x3FAE] =	sst s1  }
0xa: {  	[smem:$0x3FAF] =	sst s2  }
0xb: {  	[smem:$0x3FB0] =	sst s3  }
0xc: {  	[smem:$0x3FB1] =	sst s4  }
0xd: {  	[smem:$0x3FB2] =	sst s5  }
0xe: {  	[smem:$0x3FB3] =	sst s6  }
0xf: {  	[smem:$0x3FB4] =	sst s7  }
0x10: {  	[smem:$0x3FB5] =	sst s8  }
0x11: {  	[smem:$0x3FB6] =	sst s9;
	s0 =	simm.s32 @!p0 $0x0  }
0x12: {  	s1 =	sld [smem:$0x3F9C];
	s0 =	simm.s32 @p0 $0x1  }
0x13: {  	[smem:$0x3FB7] =	sst s0;
	s0 =	simm.s32 @!p1 $0x0  }
0x14: {  	s2 =	sld [smem:$0x3F9B];
	s0 =	simm.s32 @p1 $0x1  }
0x15: {  	[smem:$0x3FB8] =	sst s0;
	s0 =	simm.s32 @!p2 $0x0  }
0x16: {  	s3 =	sld [smem:$0x3FDB];
	s0 =	simm.s32 @p2 $0x1  }
0x17: {  	s4 =	simm.s32 $0x1BF5;
	[smem:$0x3FBA] =	sst s0  }
0x18: {  	s0 =	sld [smem:$0x3F9D];
	_ =	swait.ge [sflag:s4], $0x0  }
0x19: {  	s7 =	sld [smem:$0x3F9E]  }
0x1a: {  	s8 =	sadd.s32 $0xFFFFE003, lr  }
0x1b: {  	s9 =	sadd.s32 $0xFFFFFEF7, lr;
	s5 =	simm.s32 $0xFFFFFFFF;
	p2 =	slt.u32 s8, $0xFFFFF086  }
0x1c: {  	p1 =	slt.u32 s9, $0xF7A;
	s5 =	simm.s32 @!p2 $0x0  }
0x1d: {  	s5 =	simm.s32 @p1 $0x1;
	p0 =	seq.s32 s7, s2  }
0x1e: {  	s7 =	smul.u32 @!p0 $0xF7A, s2;
	p2 =	seq.s32 @!p0 s5, $0x0  }
0x1f: {  	s9 =	smul.u32 $0xF7A, s1;
	s8 =	simm.s32 @!p0 $0x1BF5;
	p2 =	por !p2, p0  }
0x20: {  	[sflag:s8] =	ssyncset.s32 @!p0 $0xFFFFF086;
	s6 =	sadd.s32 @!p0 s3, s7;
	s7 =	simm.s32 @!p0 $0x108  }
0x21: {  	s3 =	sadd.s32 s3, s9;
	s6 =	sadd.s32 @!p0 $0x88, s6;
	s7 =	simm.s32 @p2 $0x1082  }
0x22: {  	[simem:s7], [sflag:s8] =	dma.local @!p0 [hbm:s6], $0xF7A  }
0x23: {  	s9 =	sor.u32 $0xD0000000, s2;
	s6 =	simm.s32 $0x108;
	_ =	swait.ge @!p0 [sflag:s8], $0x0  }
0x24: {  	s3 =	sadd.s32 $0x88, s3;
	s6 =	simm.s32 @!p1 $0x1082;
	[sflag:s4] =	ssyncset.s32 $0xFFFFF086  }
0x25: {  	[simem:s6], [sflag:s4] =	dma.local [hbm:s3], $0xF7A  }
0x26: {  	[smem:$0x3F9E] =	sst s1;
	(tag) =	ssettag s2;
	_ =	strace s9  }
0x27: {  	s1 =	sld [smem:$0x3FAE]  }
0x28: {  	s2 =	sld [smem:$0x3FAF]  }
0x29: {  	s4 =	sld [smem:$0x3FB1]  }
0x2a: {  	p0 =	seq.s32 s5, $0x0;
	s5 =	sld [smem:$0x3FB2]  }
0x2b: {  	s6 =	sld [smem:$0x3FB3]  }
0x2c: {  	s7 =	sld [smem:$0x3FB4]  }
0x2d: {  	s3 =	simm.s32 $0x108;
	s8 =	sld [smem:$0x3FB5]  }
0x2e: {  	s3 =	simm.s32 @!p0 $0x1082;
	s9 =	sld [smem:$0x3FB6]  }
0x2f: {  	lr =	sadd.s32 s0, s3;
	s0 =	sld [smem:$0x3FAD]  }
0x30: {  	s3 =	sld [smem:$0x3FB0]  }
0x31: {  	[smem:$0x3FB9] =	sst s10  }
0x32: {  	s10 =	sld [smem:$0x3FB7];
	_ =	sdelay $0x3  }
0x33: {  	p0 =	seq.s32 s10, $0x1;
	s10 =	sld [smem:$0x3FB9];
	_ =	sdelay $0x3  }
0x34: {  	[smem:$0x3FB9] =	sst s10  }
0x35: {  	s10 =	sld [smem:$0x3FB8];
	_ =	sdelay $0x3  }
0x36: {  	p1 =	seq.s32 s10, $0x1;
	s10 =	sld [smem:$0x3FB9];
	_ =	sdelay $0x3  }
0x37: {  	[smem:$0x3FB9] =	sst s10  }
0x38: {  	s10 =	sld [smem:$0x3FBA]  }
0x39: {  	_ = 	snop;
	(pc) =	sbr.ind lr, $3  }
0x3a: {  	_ = 	snop  }
0x3b: {  	_ = 	snop  }
0x3c: {  	p2 =	seq.s32 s10, $0x1;
	s10 =	sld [smem:$0x3FB9]  }
0x3d: {  	_ =	shalt  }
0x3e: {  	_ =	shalt  }
0x3f: {  	_ =	shalt  }
0x40: {  	_ =	shalt  }
0x41: {  	_ =	shalt  }
0x42: {  	_ =	shalt  }
0x43: {  	_ =	shalt  }
0x44: {  	_ =	shalt  }
0x45: {  	_ =	shalt  }
0x46: {  	_ =	shalt  }
0x47: {  	_ =	shalt  }
0x48: {  	_ =	shalt  }
0x49: {  	_ =	shalt  }
0x4a: {  	_ =	shalt  }
0x4b: {  	_ =	shalt  }
0x4c: {  	_ =	shalt  }
0x4d: {  	_ =	shalt  }
0x4e: {  	_ =	shalt  }
0x4f: {  	_ =	shalt  }
0x50: {  	_ =	shalt  }
0x51: {  	_ =	shalt  }
0x52: {  	_ =	shalt  }
0x53: {  	_ =	shalt  }
0x54: {  	_ =	shalt  }
0x55: {  	_ =	shalt  }
0x56: {  	_ =	shalt  }
0x57: {  	_ =	shalt  }
0x58: {  	_ =	shalt  }
0x59: {  	_ =	shalt  }
0x5a: {  	_ =	shalt  }
0x5b: {  	_ =	shalt  }
0x5c: {  	_ =	shalt  }
0x5d: {  	_ =	shalt  }
0x5e: {  	_ =	shalt  }
0x5f: {  	_ =	shalt  }
0x60: {  	_ =	shalt  }
0x61: {  	_ =	shalt  }
0x62: {  	_ =	shalt  }
0x63: {  	_ =	shalt  }
0x64: {  	_ =	shalt  }
0x65: {  	_ =	shalt  }
0x66: {  	_ =	shalt  }
0x67: {  	_ =	shalt  }
0x68: {  	_ =	shalt  }
0x69: {  	_ =	shalt  }
0x6a: {  	_ =	shalt  }
0x6b: {  	_ =	shalt  }
0x6c: {  	_ =	shalt  }
0x6d: {  	_ =	shalt  }
0x6e: {  	_ =	shalt  }
0x6f: {  	_ =	shalt  }
0x70: {  	_ =	shalt  }
0x71: {  	_ =	shalt  }
0x72: {  	_ =	shalt  }
0x73: {  	_ =	shalt  }
0x74: {  	_ =	shalt  }
0x75: {  	_ =	shalt  }
0x76: {  	_ =	shalt  }
0x77: {  	_ =	shalt  }
0x78: {  	_ =	shalt  }
0x79: {  	_ =	shalt  }
0x7a: {  	_ =	shalt  }
0x7b: {  	_ =	shalt  }
0x7c: {  	_ =	shalt  }
0x7d: {  	_ =	shalt  }
0x7e: {  	_ =	shalt  }
0x7f: {  	_ =	shalt  }
0x80: {  	_ =	shalt  }
0x81: {  	_ =	shalt  }
0x82: {  	_ =	shalt  }
0x83: {  	_ =	shalt  }
0x84: {  	_ =	shalt  }
0x85: {  	_ =	shalt  }
0x86: {  	_ =	shalt  }
0x87: {  	_ =	shalt  }
.Lfunc_end0:
.L_simem_size_0:
called_computation_lowered:
.L_overlay_start_0:
0x88: {  	s2 =	sld [smem:$0x3FD9]  }
0x89: {  	s3 =	sld [smem:$0x3FFE];
	_ =	sdelay $0x1  }
0x8a: {  	s1 =	srdreg.scid  }
0x8b: {  	s0 =	sand.u32 $0x1, s1  }
0x8c: {  	s16 =	sshll.u32 s0, $0xA;
	s2 =	sadd.s32 s3, s2  }
0x8d: {  	s2 =	sadd.s32 s2, s16  }
0x8e: {  	[smem:$0x3FC5] =	sst s2  }
0x8f: {  	_ = 	snop  }
0x90: {  	(tm) =	ssettm $0x1  }
0x91: {  	s17 =	sld [smem:$0x3FFB];
	_ =	sdelay $0x3  }
0x92: {  	_ =	strace s17  }
0x93: {  	s2 =	sld [smem:$0x3FFC];
	_ =	sdelay $0x3  }
0x94: {  	_ =	strace s2  }
0x95: {  	s2 =	sld [smem:$0x3FFD];
	_ =	sdelay $0x3  }
0x96: {  	_ =	strace s2  }
0x97: {  	_ =	strace $0x8FFFFFFF  }
0x98: {  	s18 =	sld [smem:$0x3FDB];
	_ =	sdelay $0x1  }
0x99: {  	s19 =	simm.s32 $_scs_section_size  }
0x9a: {  	s4 =	simm.s32 $_size__tile_overlayer_lowered;
	s5 =	simm.s32 $_tile_overlayer_lowered  }
0x9b: {  	s22 =	simm.s32 $0x1BFF;
	s21 =	sshll.u32 s5, $0x1;
	s2 =	sadd.s32 s19, s18  }
0x9c: {  	s6 =	simm.s32 $0x0;
	s20 =	sshll.u32 s4, $0x1;
	s4 =	sadd.s32 s21, s2  }
0x9d: {  	[timem:s6], [sflag:s22] =	dma.local [hbm:s4], s20  }
0x9e: {  	_ =	swait.ge [sflag:s22], s20  }
0x9f: {  	s3 =	ssub.s32 $0x0, s20;
	[sflag:s22] =	ssyncset.done $0x0  }
0xa0: {  	[sflag:s22] =	ssyncadd.s32 s3;
	_ =	sdelay $0x1  }
0xa1: {  	s23 =	simm.s32 $0x1B8B  }
0xa2: {  	_ =	swait.ge [sflag:s23], $0x1  }
0xa3: {  	[sflag:s23] =	ssyncset.done $0x0  }
0xa4: {  	s25 =	simm.s32 $0x1B8E;
	s24 =	sld [smem:$0x3FFE];
	[sflag:s23] =	ssyncadd.s32 $0xFFFFFFFF  }
0xa5: {  	s26 =	simm.s32 $execute0_lowered;
	[smem:$0x3FD2] =	sst s25  }
0xa6: {  	s4 =	sshll.u32 s26, $0x1;
	_ =	strace $0x80000046;
	[dreg:$0x1] =	wrdreg $0xFFFFFFFF  }
0xa7: {  	s28 =	simm.s32 $_size_execute0_lowered;
	s2 =	sadd.s32 s2, s4;
	[dreg:$0x0] =	wrdreg $0x0  }
0xa8: {  	s4 =	sshll.u32 s28, $0x1;
	[dreg:$0x2] =	wrdreg s2  }
0xa9: {  	[dreg:$0x3] =	wrdreg s4  }
0xaa: {  	[dreg:$0x4] =	wrdreg $0xC0  }
0xab: {  	_ =	task [dreg:s6], $0x5FFFF  }
0xac: {  	[dreg:$0x1] =	wrdreg $0xFFFFFFFF  }
0xad: {  	[dreg:$0x0] =	wrdreg $0x60  }
0xae: {  	[dreg:$0x2] =	wrdreg s24  }
0xaf: {  	[dreg:$0x3] =	wrdreg $0x6C000  }
0xb0: {  	[dreg:$0x4] =	wrdreg $0x70000  }
0xb1: {  	[dreg:$0x5] =	wrdreg $0x9  }
0xb2: {  	_ =	task.clear_ibuf [dreg:s6], $0x6FFFF;
	_ =	strace $0x90000046  }
0xb3: {  	s29 =	simm.s32 $0x9;
	_ =	strace $0x80000048  }
0xb4: {  	_ =	swait.ge [sflag:s29], $0x1  }
0xb5: {  	[sflag:s29] =	ssyncadd.s32 $0xFFFFFFFF  }
0xb6: {  	_ =	strace $0x90000048  }
0xb7: {  	_ =	sfence  }
0xb8: {  	s30 =	sld [smem:$0x0];
	_ =	sdelay $0x2  }
0xb9: {  	s31 =	sshll.u32 s1, $0xD;
	s1 =	sshrl.u32 s1, $0x2  }
0xba: {  	s3 =	sand.u32 $0x4000, s31;
	s1 =	sadd.s32 s1, s30  }
0xbb: {  	s0 =	sor.u32 s3, s0;
	s1 =	sshll.u32 s1, $0x11  }
0xbc: {  	s0 =	sor.u32 s1, s0  }
0xbd: {  	s0 =	sadd.s32 $0x8F2B, s0  }
0xbe: {  	[sflag:s0] =	ssyncadd.remote.s32 $0x1  }
0xbf: {  	_ =	sfence.sel $0xFFFF  }
0xc0: {  	[dreg:$0x0] =	wrdreg $0xFFFFFFFF;
	(pc) =	sbr.abs _section_cstart, $3  }
0xc1: {  	[dreg:$0x1] =	wrdreg $0xFFFFFFFF  }
0xc2: {  	_ =	task.clear_ibuf [dreg:s6], $0x2FFFF;
	_ =	strace $0x9FFFFFFF  }
0xc3: {  	(tm) =	ssettm $0x7FFFFFFF  }
tec
execute0_lowered:
.L_overlay_start_1:
0x0: {  	(tag) =	ssettag $0x1  }
0x1: {  	s3 =	rddreg [dreg:$0x0]  }
0x2: {  	s10 =	rddreg [dreg:$0x1];
	s0 =	srdreg.scid  }
0x3: {  	s30 =	stileid.u32;
	s1 =	rddreg [dreg:$0x2];
	s2 =	simm.s32 $0x0  }
0x4: {  	s12 =	simm.s32 $0x2;
	s9 =	sand.u32 $0x1, s0;
	s22 =	smul.u32 $0x2800, s30  }
0x5: {  	[smem:$0x7FF] =	sst s2;
	s8 =	sadd.s32 $0x6C00, s3;
	s11 =	sshll.u32 s30, $0xA  }
0x6: {  	p0 =	sgt.u32 s30, $0xA;
	s13 =	sshll.u32 s30, $0x7;
	s15 =	sor.u32 $0x10, s30  }
0x7: {  	s17 =	sshll.u32 s30, $0xB;
	s18 =	sadd.s32 $0xFFFFFFF5, s30;
	p1 =	sgt.u32 s30, $0xB  }
0x8: {  	s4 =	sshll.u32 s9, $0x7;
	_ =	strace $0x80000047;
	s23 =	ssub.s32 $0x2, s9  }
0x9: {  	s11 =	sand.u32 $0x2000, s11;
	s12 =	simm.s32 @!p0 $0x0;
	s14 =	sand.u32 $0x380, s13  }
0xa: {  	s16 =	sand.u32 $0xFF, s15;
	s25 =	sand.u32 $0x3FFFF800, s17;
	s26 =	smin.u32 s30, s18  }
0xb: {  	s13 =	sadd.s32 s13, s1;
	s0 =	sor.u32 s4, s22;
	s5 =	sshrl.u32 s23, $0x1  }
0xc: {  	s12 =	sor.u32 s9, s12;
	s11 =	sadd.s32 s11, s10;
	s16 =	smul.u32 $0x75, s16  }
0xd: {  	s31 =	sadd.s32 s25, s10;
	[dreg:$0x7] =	wrdreg s13;
	s0 =	sshrl.u32 s0, $0x3  }
0xe: {  	s7 =	ssub.s32 s23, s5;
	s12 =	smul.u32 $0xB, s12;
	s11 =	sadd.s32 s14, s11  }
0xf: {  	[dreg:$0x6] =	wrdreg s31;
	s0 =	sadd.s32 s0, s3;
	s3 =	sadd.s32 $0x3DC00, s3  }
0x10: {  	[dreg:$0x5] =	wrdreg s11;
	s17 =	sshrl.u32 s16, $0x8;
	s16 =	sor.u32 $0x20, s30  }
0x11: {  	s24 =	sadd.s32 $0x1C00, s0;
	s4 =	sadd.s32 $0x1C20, s0;
	s5 =	sadd.s32 $0x1C40, s0  }
0x12: {  	s6 =	sadd.s32 $0x1C60, s0;
	s11 =	sadd.s32 s26, s12;
	s19 =	ssub.s32 s15, s17  }
0x13: {  	s21 =	sand.u32 $0xFF, s16;
	s28 =	sadd.s32 $0x2000, s0;
	s29 =	sadd.s32 $0x2080, s0  }
0x14: {  	[dreg:$0x4] =	wrdreg s24;
	s12 =	sshrl.u32 s11, $0x3;
	s18 =	smul.u32 $0x75, s21  }
0x15: {  	s14 =	sand.u32 $0xFE, s19;
	s10 =	sshll.u32 s11, $0x7;
	s20 =	smul.u32 $0x28000, s12  }
0x16: {  	s14 =	sshrl.u32 s14, $0x1;
	s10 =	sand.u32 $0x380, s10;
	s21 =	sshll.u32 s12, $0xB  }
0x17: {  	s11 =	sadd.s32 s17, s14;
	s23 =	sshrl.u32 s18, $0x8;
	s17 =	simm.s32 $0x80  }
0x18: {  	s22 =	sor.u32 s10, s20;
	s14 =	sshrl.u32 s11, $0x3;
	s19 =	ssub.s32 s16, s23  }
0x19: {  	s17 =	simm.s32 @!p0 $0x0;
	p0 =	sgt.u32 s30, $0x3;
	s30 =	smul.u32 $0x500, s30  }
0x1a: {  	s10 =	sor.u32 s10, s21;
	s24 =	smul.u32 $0xB, s14;
	s25 =	sshll.u32 s14, $0x1  }
0x1b: {  	s13 =	sshrl.u32 s22, $0x3;
	s19 =	sand.u32 $0xFE, s19;
	s10 =	sshrl.u32 s10, $0x3  }
0x1c: {  	s14 =	sshll.u32 s14, $0x7;
	s18 =	sor.u32 s9, s25;
	s19 =	sshrl.u32 s19, $0x1  }
0x1d: {  	s13 =	sadd.s32 s8, s13;
	s10 =	sadd.s32 s3, s10;
	s14 =	sadd.s32 s14, s1  }
0x1e: {  	s15 =	ssub.s32 s15, s24;
	s26 =	smul.u32 $0xB, s18;
	s18 =	sadd.s32 s23, s19  }
0x1f: {  	[dreg:$0x8] =	wrdreg s13;
	s20 =	sand.u32 $0xFF, s15;
	s23 =	sshrl.u32 s18, $0x3  }
0x20: {  	[dreg:$0xa] =	wrdreg s10;
	s22 =	sadd.s32 s20, s26;
	s25 =	sshll.u32 s23, $0x1  }
0x21: {  	s13 =	smul.u32 $0xB, s23;
	s20 =	sadd.s32 s17, s1;
	s24 =	sshrl.u32 s22, $0x3  }
0x22: {  	s9 =	sor.u32 s9, s25;
	s12 =	sshll.u32 s22, $0x7;
	[dreg:$0x9] =	wrdreg s20  }
0x23: {  	s20 =	sadd.s32 $0x1C80, s0;
	s26 =	smul.u32 $0x28000, s24;
	s21 =	sand.u32 $0x380, s12  }
0x24: {  	s13 =	ssub.s32 s16, s13;
	s9 =	smul.u32 $0xB, s9;
	s23 =	sshll.u32 s24, $0xB  }
0x25: {  	s12 =	sadd.s32 $0x80, s31;
	s16 =	sand.u32 $0xFF, s13;
	s10 =	sor.u32 s21, s23  }
0x26: {  	s23 =	sadd.s32 $0x1E00, s0;
	[dreg:$0xe] =	wrdreg s12;
	s12 =	sadd.s32 $0x2200, s31  }
0x27: {  	s19 =	sor.u32 s21, s26;
	s9 =	sadd.s32 s16, s9;
	s10 =	sshrl.u32 s10, $0x3  }
0x28: {  	s26 =	sshll.u32 s18, $0x4;
	s21 =	sadd.s32 $0x1D00, s0;
	s18 =	sadd.s32 $0x200, s31  }
0x29: {  	[dreg:$0x19] =	wrdreg s12;
	s22 =	sshrl.u32 s19, $0x3;
	s16 =	sshrl.u32 s9, $0x3  }
0x2a: {  	s9 =	sshll.u32 s9, $0x7;
	s15 =	sadd.s32 s3, s10;
	s17 =	sand.u32 $0x180, s26  }
0x2b: {  	s19 =	smax.u32 s7, $0x1;
	s26 =	sadd.s32 $0x1F80, s0;
	[dreg:$0x11] =	wrdreg s18  }
0x2c: {  	s7 =	sadd.s32 $0x380, s31;
	s18 =	sadd.s32 $0x2380, s31;
	s13 =	sadd.s32 s8, s22  }
0x2d: {  	s24 =	smul.u32 $0x28000, s16;
	s9 =	sand.u32 $0x380, s9;
	[dreg:$0x14] =	wrdreg s7  }
0x2e: {  	s16 =	sshll.u32 s16, $0xB;
	s1 =	sadd.s32 s17, s1;
	[dreg:$0x1c] =	wrdreg s18  }
0x2f: {  	s22 =	sadd.s32 $0x1D80, s0;
	s17 =	sadd.s32 $0x180, s31;
	[dreg:$0xc] =	wrdreg s1  }
0x30: {  	s18 =	simm.s32 $0x1900;
	[dreg:$0x10] =	wrdreg s17;
	s17 =	sadd.s32 $0x2300, s31  }
0x31: {  	s25 =	sor.u32 s9, s24;
	s9 =	sor.u32 s9, s16;
	s24 =	sadd.s32 $0x1E80, s0  }
0x32: {  	s16 =	sadd.s32 $0x100, s31;
	[dreg:$0x1b] =	wrdreg s17;
	s17 =	simm.s32 $0x1400  }
0x33: {  	s11 =	sshrl.u32 s9, $0x3;
	[dreg:$0xf] =	wrdreg s16;
	s9 =	sadd.s32 $0x2080, s31  }
0x34: {  	s10 =	sshrl.u32 s25, $0x3;
	s16 =	sadd.s32 $0x2280, s31;
	[dreg:$0x16] =	wrdreg s9  }
0x35: {  	s25 =	sadd.s32 $0x1F00, s0;
	s8 =	sadd.s32 s8, s10;
	[dreg:$0x1a] =	wrdreg s16  }
0x36: {  	s0 =	simm.s32 $0x200;
	s1 =	sadd.s32 s3, s11;
	[dreg:$0xb] =	wrdreg s8  }
0x37: {  	s3 =	sadd.s32 $0x300, s31;
	s10 =	sadd.s32 $0x2100, s31;
	[dreg:$0xd] =	wrdreg s1  }
.Ltmp0:
0x38: {  	s11 =	sadd.s32 $0x2180, s31;
	[dreg:$0x13] =	wrdreg s3;
	(pc) =	sbr.rel .LBB2_1-.Ltmp0, $4  }
0x39: {  	s9 =	simm.s32 $0x400;
	s16 =	simm.s32 $0x1;
	[dreg:$0x17] =	wrdreg s10  }
0x3a: {  	s1 =	sadd.s32 $0x280, s31;
	s8 =	sadd.s32 $0x2000, s31;
	[dreg:$0x18] =	wrdreg s11  }
0x3b: {  	s31 =	simm.s32 $0x1B00;
	s3 =	simm.s32 $0x6B00;
	[dreg:$0x12] =	wrdreg s1  }
0x3c: {  	v0 =	vimm.s32 $0x0;
	v1 =	vlaneseq.u32;
	[dreg:$0x15] =	wrdreg s8;
	s1 =	simm.s32 $0x80;
	s8 =	simm.s32 $0x1A00  }
.LBB2_9:
0x3d: {  	s2 =	sadd.s32 $0x1, s2  }
0x3e: {  	p2 =	sne.s32 s2, s19  }
.Ltmp1:
0x3f: {  	_ = 	snop;
	(pc) =	sbr.rel @!p2 .LBB2_10-.Ltmp1, $1  }
0x40: {  	_ =	sdelay $0x3  }
.LBB2_1:
0x41: {  	s7 =	simm.s32 $0x40;
	s10 =	simm.s32 $0x0  }
.LBB2_2:
0x42: {  	p2 =	sne.s32 s7, $0xFC0;
	[tilespmem:s10+$0x1400] =	vst v0;
	s10 =	smov.u32 s7;
	s7 =	sadd.s32 $0x40, s7  }
.Ltmp2:
0x43: {  	(pc) =	sbr.rel @p2 .LBB2_2-.Ltmp2, $2  }
0x44: {  	_ =	sdelay $0x2  }
0x45: {  	s10 =	sshra.s32 s10, $0x2  }
0x46: {  	[tilespmem:s10+$0x1400] =	vst v0;
	s7 =	simm.s32 $0x0;
	s12 =	rddreg [dreg:$0x4]  }
0x47: {  	[tilespmem:s7], [sflag:$0x1] =	stream.linear.gather [hbm4b:s12+s7], $0x80, $0x38;
	[tilespmem:$0x7040] =	vst v63  }
0x48: {  	_ = 	snop  }
0x49: {  	[tilespmem:s0], [sflag:$0x1] =	stream.linear.gather [hbm4b:s20+s7], $0x80, $0x38;
	[tilespmem:$0x7040] =	vst v63  }
0x4a: {  	_ = 	snop  }
0x4b: {  	[tilespmem:s9], [sflag:$0x1] =	stream.linear.gather [hbm4b:s21+s7], $0x80, $0x38;
	[tilespmem:$0x7040] =	vst v63  }
0x4c: {  	s11 =	simm.s32 $0x600  }
0x4d: {  	[tilespmem:s11], [sflag:$0x1] =	stream.linear.gather [hbm4b:s22+s7], $0x80, $0x38;
	[tilespmem:$0x7040] =	vst v63  }
0x4e: {  	s12 =	simm.s32 $0x800  }
0x4f: {  	[tilespmem:s12], [sflag:$0x1] =	stream.linear.gather [hbm4b:s23+s7], $0x80, $0x38;
	[tilespmem:$0x7040] =	vst v63  }
0x50: {  	s11 =	simm.s32 $0xA00  }
0x51: {  	[tilespmem:s11], [sflag:$0x1] =	stream.linear.gather [hbm4b:s24+s7], $0x80, $0x38;
	[tilespmem:$0x7040] =	vst v63  }
0x52: {  	s12 =	simm.s32 $0xC00  }
0x53: {  	[tilespmem:s12], [sflag:$0x1] =	stream.linear.gather [hbm4b:s25+s7], $0x80, $0x38;
	[tilespmem:$0x7040] =	vst v63  }
0x54: {  	s11 =	simm.s32 $0xE00  }
0x55: {  	[tilespmem:s11], [sflag:$0x1] =	stream.linear.gather [hbm4b:s26+s7], $0x80, $0x38;
	[tilespmem:$0x7040] =	vst v63  }
0x56: {  	s12 =	simm.s32 $0x1000  }
0x57: {  	[tilespmem:s12], [sflag:$0x1] =	stream.linear.gather [hbm4b:s28+s7], $0x80, $0x38;
	[tilespmem:$0x7040] =	vst v63  }
0x58: {  	s11 =	simm.s32 $0x1200  }
0x59: {  	[tilespmem:s11], [sflag:$0x1] =	stream.linear.gather [hbm4b:s29+s7], $0x80, $0x38;
	[tilespmem:$0x7040] =	vst v63  }
0x5a: {  	_ =	swait.ge [sflag:s16], $0x500  }
0x5b: {  	[sflag:s16] =	ssyncset.done $0x0  }
0x5c: {  	[sflag:s16] =	ssyncadd.s32 $0xFFFFFB00  }
0x5d: {  	[tilespmem:s1], [sflag:$0x1] =	stream.linear.gather [hbm4b:s4+s7], $0x80, $0x38;
	[tilespmem:$0x7040] =	vst v63  }
0x5e: {  	s12 =	sadd.s32 $0x80, s4;
	s11 =	simm.s32 $0x280  }
0x5f: {  	[tilespmem:s11], [sflag:$0x1] =	stream.linear.gather [hbm4b:s12+s7], $0x80, $0x38;
	[tilespmem:$0x7040] =	vst v63  }
0x60: {  	s11 =	sadd.s32 $0x100, s4;
	s12 =	simm.s32 $0x480  }
0x61: {  	[tilespmem:s12], [sflag:$0x1] =	stream.linear.gather [hbm4b:s11+s7], $0x80, $0x38;
	[tilespmem:$0x7040] =	vst v63  }
0x62: {  	s11 =	sadd.s32 $0x180, s4;
	s12 =	simm.s32 $0x680  }
0x63: {  	[tilespmem:s12], [sflag:$0x1] =	stream.linear.gather [hbm4b:s11+s7], $0x80, $0x38;
	[tilespmem:$0x7040] =	vst v63  }
0x64: {  	s11 =	sadd.s32 $0x200, s4;
	s12 =	simm.s32 $0x880  }
0x65: {  	[tilespmem:s12], [sflag:$0x1] =	stream.linear.gather [hbm4b:s11+s7], $0x80, $0x38;
	[tilespmem:$0x7040] =	vst v63  }
0x66: {  	s11 =	sadd.s32 $0x280, s4;
	s12 =	simm.s32 $0xA80  }
0x67: {  	[tilespmem:s12], [sflag:$0x1] =	stream.linear.gather [hbm4b:s11+s7], $0x80, $0x38;
	[tilespmem:$0x7040] =	vst v63  }
0x68: {  	s11 =	sadd.s32 $0x300, s4;
	s12 =	simm.s32 $0xC80  }
0x69: {  	[tilespmem:s12], [sflag:$0x1] =	stream.linear.gather [hbm4b:s11+s7], $0x80, $0x38;
	[tilespmem:$0x7040] =	vst v63  }
0x6a: {  	s11 =	sadd.s32 $0x380, s4;
	s12 =	simm.s32 $0xE80  }
0x6b: {  	[tilespmem:s12], [sflag:$0x1] =	stream.linear.gather [hbm4b:s11+s7], $0x80, $0x38;
	[tilespmem:$0x7040] =	vst v63  }
0x6c: {  	s11 =	sadd.s32 $0x400, s4;
	s12 =	simm.s32 $0x1080  }
0x6d: {  	[tilespmem:s12], [sflag:$0x1] =	stream.linear.gather [hbm4b:s11+s7], $0x80, $0x38;
	[tilespmem:$0x7040] =	vst v63  }
0x6e: {  	s11 =	sadd.s32 $0x480, s4;
	s12 =	simm.s32 $0x1280  }
0x6f: {  	[tilespmem:s12], [sflag:$0x1] =	stream.linear.gather [hbm4b:s11+s7], $0x80, $0x38;
	[tilespmem:$0x7040] =	vst v63  }
0x70: {  	_ =	swait.ge [sflag:s16], $0x500  }
0x71: {  	[sflag:s16] =	ssyncset.done $0x0  }
0x72: {  	s12 =	simm.s32 $0x100;
	[sflag:s16] =	ssyncadd.s32 $0xFFFFFB00  }
0x73: {  	[tilespmem:s12], [sflag:$0x1] =	stream.linear.gather [hbm4b:s5+s7], $0x80, $0x38;
	[tilespmem:$0x7040] =	vst v63  }
0x74: {  	s11 =	sadd.s32 $0x80, s5;
	s12 =	simm.s32 $0x300  }
0x75: {  	[tilespmem:s12], [sflag:$0x1] =	stream.linear.gather [hbm4b:s11+s7], $0x80, $0x38;
	[tilespmem:$0x7040] =	vst v63  }
0x76: {  	s11 =	sadd.s32 $0x100, s5;
	s12 =	simm.s32 $0x500  }
0x77: {  	[tilespmem:s12], [sflag:$0x1] =	stream.linear.gather [hbm4b:s11+s7], $0x80, $0x38;
	[tilespmem:$0x7040] =	vst v63  }
0x78: {  	s11 =	sadd.s32 $0x180, s5;
	s12 =	simm.s32 $0x700  }
0x79: {  	[tilespmem:s12], [sflag:$0x1] =	stream.linear.gather [hbm4b:s11+s7], $0x80, $0x38;
	[tilespmem:$0x7040] =	vst v63  }
0x7a: {  	s11 =	sadd.s32 $0x200, s5;
	s12 =	simm.s32 $0x900  }
0x7b: {  	[tilespmem:s12], [sflag:$0x1] =	stream.linear.gather [hbm4b:s11+s7], $0x80, $0x38;
	[tilespmem:$0x7040] =	vst v63  }
0x7c: {  	s11 =	sadd.s32 $0x280, s5;
	s12 =	simm.s32 $0xB00  }
0x7d: {  	[tilespmem:s12], [sflag:$0x1] =	stream.linear.gather [hbm4b:s11+s7], $0x80, $0x38;
	[tilespmem:$0x7040] =	vst v63  }
0x7e: {  	s11 =	sadd.s32 $0x300, s5;
	s12 =	simm.s32 $0xD00  }
0x7f: {  	[tilespmem:s12], [sflag:$0x1] =	stream.linear.gather [hbm4b:s11+s7], $0x80, $0x38;
	[tilespmem:$0x7040] =	vst v63  }
0x80: {  	s11 =	sadd.s32 $0x380, s5;
	s12 =	simm.s32 $0xF00  }
0x81: {  	[tilespmem:s12], [sflag:$0x1] =	stream.linear.gather [hbm4b:s11+s7], $0x80, $0x38;
	[tilespmem:$0x7040] =	vst v63  }
0x82: {  	s11 =	sadd.s32 $0x400, s5;
	s12 =	simm.s32 $0x1100  }
0x83: {  	[tilespmem:s12], [sflag:$0x1] =	stream.linear.gather [hbm4b:s11+s7], $0x80, $0x38;
	[tilespmem:$0x7040] =	vst v63  }
0x84: {  	s11 =	sadd.s32 $0x480, s5;
	s12 =	simm.s32 $0x1300  }
0x85: {  	[tilespmem:s12], [sflag:$0x1] =	stream.linear.gather [hbm4b:s11+s7], $0x80, $0x38;
	[tilespmem:$0x7040] =	vst v63  }
0x86: {  	_ =	swait.ge [sflag:s16], $0x500  }
0x87: {  	[sflag:s16] =	ssyncset.done $0x0  }
0x88: {  	s12 =	simm.s32 $0x180;
	[sflag:s16] =	ssyncadd.s32 $0xFFFFFB00  }
0x89: {  	[tilespmem:s12], [sflag:$0x1] =	stream.linear.gather [hbm4b:s6+s7], $0x80, $0x38;
	[tilespmem:$0x7040] =	vst v63  }
0x8a: {  	s11 =	sadd.s32 $0x80, s6;
	s12 =	simm.s32 $0x380  }
0x8b: {  	[tilespmem:s12], [sflag:$0x1] =	stream.linear.gather [hbm4b:s11+s7], $0x80, $0x38;
	[tilespmem:$0x7040] =	vst v63  }
0x8c: {  	s11 =	sadd.s32 $0x100, s6;
	s12 =	simm.s32 $0x580  }
0x8d: {  	[tilespmem:s12], [sflag:$0x1] =	stream.linear.gather [hbm4b:s11+s7], $0x80, $0x38;
	[tilespmem:$0x7040] =	vst v63  }
0x8e: {  	s11 =	sadd.s32 $0x180, s6;
	s12 =	simm.s32 $0x780  }
0x8f: {  	[tilespmem:s12], [sflag:$0x1] =	stream.linear.gather [hbm4b:s11+s7], $0x80, $0x38;
	[tilespmem:$0x7040] =	vst v63  }
0x90: {  	s11 =	sadd.s32 $0x200, s6;
	s12 =	simm.s32 $0x980  }
0x91: {  	[tilespmem:s12], [sflag:$0x1] =	stream.linear.gather [hbm4b:s11+s7], $0x80, $0x38;
	[tilespmem:$0x7040] =	vst v63  }
0x92: {  	s11 =	sadd.s32 $0x280, s6;
	s12 =	simm.s32 $0xB80  }
0x93: {  	[tilespmem:s12], [sflag:$0x1] =	stream.linear.gather [hbm4b:s11+s7], $0x80, $0x38;
	[tilespmem:$0x7040] =	vst v63  }
0x94: {  	s11 =	sadd.s32 $0x300, s6;
	s12 =	simm.s32 $0xD80  }
0x95: {  	[tilespmem:s12], [sflag:$0x1] =	stream.linear.gather [hbm4b:s11+s7], $0x80, $0x38;
	[tilespmem:$0x7040] =	vst v63  }
0x96: {  	s11 =	sadd.s32 $0x380, s6;
	s12 =	simm.s32 $0xF80  }
0x97: {  	[tilespmem:s12], [sflag:$0x1] =	stream.linear.gather [hbm4b:s11+s7], $0x80, $0x38;
	[tilespmem:$0x7040] =	vst v63  }
0x98: {  	s11 =	sadd.s32 $0x400, s6;
	s12 =	simm.s32 $0x1180  }
0x99: {  	[tilespmem:s12], [sflag:$0x1] =	stream.linear.gather [hbm4b:s11+s7], $0x80, $0x38;
	[tilespmem:$0x7040] =	vst v63  }
0x9a: {  	s11 =	sadd.s32 $0x480, s6;
	s12 =	simm.s32 $0x1380  }
0x9b: {  	[tilespmem:s12], [sflag:$0x1] =	stream.linear.gather [hbm4b:s11+s7], $0x80, $0x38;
	[tilespmem:$0x7040] =	vst v63  }
0x9c: {  	_ =	swait.ge [sflag:s16], $0x500  }
0x9d: {  	[sflag:s16] =	ssyncset.done $0x0  }
0x9e: {  	s10 =	simm.s32 $0x0;
	[sflag:s16] =	ssyncadd.s32 $0xFFFFFB00  }
.LBB2_4:
0x9f: {  	s11 =	sand.u32 $0x70, s10;
	s12 =	sand.u32 $0x1E00, s7  }
0xa0: {  	s11 =	sor.u32 s11, s12  }
0xa1: {  	v2 =	vld [tilespmem:s11+$0x0];
	_ =	sdelay $0x4  }
0xa2: {  	vm0 =	vlt.s32 v2, $0x100;
	_ =	sdelay $0x3  }
0xa3: {  	s12 =	sadd.s32 s10, s30  }
0xa4: {  	v3 =	vor.u32 s12, v1  }
0xa5: {  	[tilespmem:v2+s17+$0x0] =	vst.idx.msk vm0, v3  }
0xa6: {  	v2 =	vld [tilespmem:s11+$0x80];
	_ =	sdelay $0x4  }
0xa7: {  	vm13 =	vlt.s32 v2, $0x100  }
0xa8: {  	v2 =	vadd.s32 $0x100, v2;
	_ =	sdelay $0x4  }
0xa9: {  	[tilespmem:v2+s17+$0x0] =	vst.idx.msk vm13, v3  }
0xaa: {  	v2 =	vld [tilespmem:s11+$0x100];
	_ =	sdelay $0x4  }
0xab: {  	vm14 =	vlt.s32 v2, $0x100  }
0xac: {  	v2 =	vadd.s32 $0x200, v2;
	_ =	sdelay $0x4  }
0xad: {  	[tilespmem:v2+s17+$0x0] =	vst.idx.msk vm14, v3  }
0xae: {  	v2 =	vld [tilespmem:s11+$0x180];
	_ =	sdelay $0x4  }
0xaf: {  	vm15 =	vlt.s32 v2, $0x100  }
0xb0: {  	p2 =	sne.s32 s10, $0x4F0;
	v2 =	vadd.s32 $0x300, v2  }
.Ltmp3:
0xb1: {  	_ = 	snop;
	(pc) =	sbr.rel @p2 .LBB2_4-.Ltmp3, $2  }
0xb2: {  	_ =	sdelay $0x2  }
0xb3: {  	s7 =	sadd.s32 $0x40, s7;
	s10 =	sadd.s32 $0x10, s10;
	[tilespmem:v2+s17+$0x0] =	vst.idx.msk vm15, v3  }
0xb4: {  	s7 =	rddreg [dreg:$0x5]  }
0xb5: {  	[spmem:s7] =	stream.strided.scatter [tilespmem:s17], [sflag:$0x1], $0x400, s9, s1, $0x38;
	[tilespmem:$0x7040] =	vst v63  }
.Ltmp4:
0xb6: {  	_ =	swait.ge [sflag:s16], $0x400;
	(pc) =	sbr.rel @p0 .LBB2_7-.Ltmp4, $3  }
0xb7: {  	[sflag:s16] =	ssyncset.done $0x0  }
0xb8: {  	[sflag:s16] =	ssyncadd.s32 $0xFFFFFC00  }
0xb9: {  	[bflag:$0x0] =	sbarrier.arrive $0xFFFF;
	_ =	sdelay $0x1  }
0xba: {  	[tilespmem:$0x1800] =	vst v0  }
0xbb: {  	[tilespmem:$0x1810] =	vst v0  }
0xbc: {  	[tilespmem:$0x1820] =	vst v0  }
0xbd: {  	[tilespmem:$0x1830] =	vst v0  }
0xbe: {  	[tilespmem:$0x1840] =	vst v0  }
0xbf: {  	[tilespmem:$0x1850] =	vst v0  }
0xc0: {  	[tilespmem:$0x1860] =	vst v0  }
0xc1: {  	[tilespmem:$0x1870] =	vst v0  }
0xc2: {  	[tilespmem:$0x1880] =	vst v0  }
0xc3: {  	[tilespmem:$0x1890] =	vst v0  }
0xc4: {  	[tilespmem:$0x18A0] =	vst v0  }
0xc5: {  	[tilespmem:$0x18B0] =	vst v0  }
0xc6: {  	[tilespmem:$0x18C0] =	vst v0  }
0xc7: {  	[tilespmem:$0x18D0] =	vst v0  }
0xc8: {  	[tilespmem:$0x18E0] =	vst v0  }
0xc9: {  	[tilespmem:$0x18F0] =	vst v0;
	s7 =	rddreg [dreg:$0x6]  }
0xca: {  	[tilespmem:s18], [sflag:$0x1] =	stream.strided.gather [spmem:s7], $0x100, s9, s1, $0x38;
	[tilespmem:$0x7040] =	vst v63  }
0xcb: {  	_ =	swait.ge [sflag:s16], $0x100  }
0xcc: {  	[sflag:s16] =	ssyncset.done $0x0  }
0xcd: {  	[sflag:s16] =	ssyncadd.s32 $0xFFFFFF00  }
0xce: {  	v2 =	vld [tilespmem:$0x1800]  }
0xcf: {  	v3 =	vld [tilespmem:$0x1900]  }
0xd0: {  	v4 =	vld [tilespmem:$0x1810]  }
0xd1: {  	v5 =	vld [tilespmem:$0x1910]  }
0xd2: {  	v6 =	vld [tilespmem:$0x1820]  }
0xd3: {  	v7 =	vld [tilespmem:$0x1920]  }
0xd4: {  	v8 =	vld [tilespmem:$0x1830]  }
0xd5: {  	v9 =	vld [tilespmem:$0x1930]  }
0xd6: {  	v10 =	vld [tilespmem:$0x1840]  }
0xd7: {  	v11 =	vld [tilespmem:$0x1940]  }
0xd8: {  	v12 =	vld [tilespmem:$0x1850]  }
0xd9: {  	v13 =	vld [tilespmem:$0x1950]  }
0xda: {  	v14 =	vld [tilespmem:$0x1860]  }
0xdb: {  	v15 =	vld [tilespmem:$0x1960]  }
0xdc: {  	v16 =	vld [tilespmem:$0x1870]  }
0xdd: {  	v17 =	vld [tilespmem:$0x1970]  }
0xde: {  	v18 =	vld [tilespmem:$0x1880]  }
0xdf: {  	v19 =	vld [tilespmem:$0x1980]  }
0xe0: {  	v20 =	vld [tilespmem:$0x1890]  }
0xe1: {  	v21 =	vld [tilespmem:$0x1990]  }
0xe2: {  	v22 =	vld [tilespmem:$0x18A0]  }
0xe3: {  	v42 =	vld [tilespmem:$0x18B0];
	v2 =	vadd.s32 v2, v3  }
0xe4: {  	v43 =	vld [tilespmem:$0x19B0];
	[tilespmem:$0x1800] =	vst v2;
	v2 =	vadd.s32 v4, v5  }
0xe5: {  	v44 =	vld [tilespmem:$0x18C0];
	[tilespmem:$0x1810] =	vst v2;
	v2 =	vadd.s32 v6, v7  }
0xe6: {  	v45 =	vld [tilespmem:$0x19C0];
	[tilespmem:$0x1820] =	vst v2;
	v2 =	vadd.s32 v8, v9  }
0xe7: {  	v46 =	vld [tilespmem:$0x18D0];
	[tilespmem:$0x1830] =	vst v2;
	v2 =	vadd.s32 v10, v11  }
0xe8: {  	v3 =	vld [tilespmem:$0x19A0];
	[tilespmem:$0x1840] =	vst v2;
	v2 =	vadd.s32 v12, v13  }
0xe9: {  	v47 =	vld [tilespmem:$0x19D0];
	[tilespmem:$0x1850] =	vst v2;
	v2 =	vadd.s32 v14, v15  }
0xea: {  	v48 =	vld [tilespmem:$0x18E0];
	[tilespmem:$0x1860] =	vst v2;
	v2 =	vadd.s32 v16, v17  }
0xeb: {  	v49 =	vld [tilespmem:$0x19E0];
	[tilespmem:$0x1870] =	vst v2;
	v2 =	vadd.s32 v18, v19  }
0xec: {  	v50 =	vld [tilespmem:$0x18F0];
	[tilespmem:$0x1880] =	vst v2;
	v2 =	vadd.s32 v20, v21  }
0xed: {  	[tilespmem:$0x1890] =	vst v2;
	v2 =	vadd.s32 v22, v3;
	v3 =	vld [tilespmem:$0x19F0]  }
0xee: {  	[tilespmem:$0x18A0] =	vst v2;
	v2 =	vadd.s32 v42, v43  }
0xef: {  	[tilespmem:$0x18B0] =	vst v2;
	v2 =	vadd.s32 v44, v45  }
0xf0: {  	[tilespmem:$0x18C0] =	vst v2;
	v2 =	vadd.s32 v46, v47  }
0xf1: {  	[tilespmem:$0x18D0] =	vst v2;
	v2 =	vadd.s32 v48, v49  }
0xf2: {  	[tilespmem:$0x18E0] =	vst v2;
	v2 =	vadd.s32 v50, v3  }
0xf3: {  	s12 =	rddreg [dreg:$0xe];
	[tilespmem:$0x18F0] =	vst v2  }
0xf4: {  	[tilespmem:s18], [sflag:$0x1] =	stream.strided.gather [spmem:s12], $0x100, s9, s1, $0x38;
	[tilespmem:$0x7040] =	vst v63  }
0xf5: {  	_ =	swait.ge [sflag:s16], $0x100  }
0xf6: {  	[sflag:s16] =	ssyncset.done $0x0  }
0xf7: {  	[sflag:s16] =	ssyncadd.s32 $0xFFFFFF00  }
0xf8: {  	v2 =	vld [tilespmem:$0x1800]  }
0xf9: {  	v3 =	vld [tilespmem:$0x1900]  }
0xfa: {  	v51 =	vld [tilespmem:$0x1810]  }
0xfb: {  	v52 =	vld [tilespmem:$0x1910]  }
0xfc: {  	v53 =	vld [tilespmem:$0x1820]  }
0xfd: {  	v54 =	vld [tilespmem:$0x1920]  }
0xfe: {  	v55 =	vld [tilespmem:$0x1830]  }
0xff: {  	v56 =	vld [tilespmem:$0x1930]  }
0x100: {  	v57 =	vld [tilespmem:$0x1840]  }
0x101: {  	v58 =	vld [tilespmem:$0x1940]  }
0x102: {  	v59 =	vld [tilespmem:$0x1850]  }
0x103: {  	v60 =	vld [tilespmem:$0x1950]  }
0x104: {  	v61 =	vld [tilespmem:$0x1860]  }
0x105: {  	v62 =	vld [tilespmem:$0x1960]  }
0x106: {  	v63 =	vld [tilespmem:$0x1870]  }
0x107: {  	v24 =	vld [tilespmem:$0x1970]  }
0x108: {  	v25 =	vld [tilespmem:$0x1880]  }
0x109: {  	v26 =	vld [tilespmem:$0x1980]  }
0x10a: {  	v27 =	vld [tilespmem:$0x1890]  }
0x10b: {  	v28 =	vld [tilespmem:$0x1990]  }
0x10c: {  	v29 =	vld [tilespmem:$0x18A0]  }
0x10d: {  	v30 =	vld [tilespmem:$0x18B0];
	v2 =	vadd.s32 v2, v3  }
0x10e: {  	v31 =	vld [tilespmem:$0x19B0];
	[tilespmem:$0x1800] =	vst v2;
	v2 =	vadd.s32 v51, v52  }
0x10f: {  	v32 =	vld [tilespmem:$0x18C0];
	[tilespmem:$0x1810] =	vst v2;
	v2 =	vadd.s32 v53, v54  }
0x110: {  	v33 =	vld [tilespmem:$0x19C0];
	[tilespmem:$0x1820] =	vst v2;
	v2 =	vadd.s32 v55, v56  }
0x111: {  	v34 =	vld [tilespmem:$0x18D0];
	[tilespmem:$0x1830] =	vst v2;
	v2 =	vadd.s32 v57, v58  }
0x112: {  	v3 =	vld [tilespmem:$0x19A0];
	[tilespmem:$0x1840] =	vst v2;
	v2 =	vadd.s32 v59, v60  }
0x113: {  	v35 =	vld [tilespmem:$0x19D0];
	[tilespmem:$0x1850] =	vst v2;
	v2 =	vadd.s32 v61, v62  }
0x114: {  	v36 =	vld [tilespmem:$0x18E0];
	[tilespmem:$0x1860] =	vst v2;
	v2 =	vadd.s32 v63, v24  }
0x115: {  	v37 =	vld [tilespmem:$0x19E0];
	[tilespmem:$0x1870] =	vst v2;
	v2 =	vadd.s32 v25, v26  }
0x116: {  	v38 =	vld [tilespmem:$0x18F0];
	[tilespmem:$0x1880] =	vst v2;
	v2 =	vadd.s32 v27, v28  }
0x117: {  	[tilespmem:$0x1890] =	vst v2;
	v2 =	vadd.s32 v29, v3;
	v3 =	vld [tilespmem:$0x19F0]  }
0x118: {  	[tilespmem:$0x18A0] =	vst v2;
	v2 =	vadd.s32 v30, v31  }
0x119: {  	[tilespmem:$0x18B0] =	vst v2;
	v2 =	vadd.s32 v32, v33  }
0x11a: {  	[tilespmem:$0x18C0] =	vst v2;
	v2 =	vadd.s32 v34, v35  }
0x11b: {  	[tilespmem:$0x18D0] =	vst v2;
	v2 =	vadd.s32 v36, v37  }
0x11c: {  	[tilespmem:$0x18E0] =	vst v2;
	v2 =	vadd.s32 v38, v3  }
0x11d: {  	s10 =	rddreg [dreg:$0xf];
	[tilespmem:$0x18F0] =	vst v2  }
0x11e: {  	[tilespmem:s18], [sflag:$0x1] =	stream.strided.gather [spmem:s10], $0x100, s9, s1, $0x38;
	[tilespmem:$0x7040] =	vst v63  }
0x11f: {  	_ =	swait.ge [sflag:s16], $0x100  }
0x120: {  	[sflag:s16] =	ssyncset.done $0x0  }
0x121: {  	[sflag:s16] =	ssyncadd.s32 $0xFFFFFF00  }
0x122: {  	v2 =	vld [tilespmem:$0x1800]  }
0x123: {  	v3 =	vld [tilespmem:$0x1900]  }
0x124: {  	v39 =	vld [tilespmem:$0x1810]  }
0x125: {  	v40 =	vld [tilespmem:$0x1910]  }
0x126: {  	v41 =	vld [tilespmem:$0x1820]  }
0x127: {  	v42 =	vld [tilespmem:$0x1920]  }
0x128: {  	v43 =	vld [tilespmem:$0x1830]  }
0x129: {  	v44 =	vld [tilespmem:$0x1930]  }
0x12a: {  	v45 =	vld [tilespmem:$0x1840]  }
0x12b: {  	v46 =	vld [tilespmem:$0x1940]  }
0x12c: {  	v47 =	vld [tilespmem:$0x1850]  }
0x12d: {  	v48 =	vld [tilespmem:$0x1950]  }
0x12e: {  	v49 =	vld [tilespmem:$0x1860]  }
0x12f: {  	v50 =	vld [tilespmem:$0x1960]  }
0x130: {  	v51 =	vld [tilespmem:$0x1870]  }
0x131: {  	v52 =	vld [tilespmem:$0x1970]  }
0x132: {  	v53 =	vld [tilespmem:$0x1880]  }
0x133: {  	v54 =	vld [tilespmem:$0x1980]  }
0x134: {  	v55 =	vld [tilespmem:$0x1890]  }
0x135: {  	v56 =	vld [tilespmem:$0x1990]  }
0x136: {  	v57 =	vld [tilespmem:$0x18A0]  }
0x137: {  	v58 =	vld [tilespmem:$0x18B0];
	v2 =	vadd.s32 v2, v3  }
0x138: {  	v59 =	vld [tilespmem:$0x19B0];
	[tilespmem:$0x1800] =	vst v2;
	v2 =	vadd.s32 v39, v40  }
0x139: {  	v60 =	vld [tilespmem:$0x18C0];
	[tilespmem:$0x1810] =	vst v2;
	v2 =	vadd.s32 v41, v42  }
0x13a: {  	v61 =	vld [tilespmem:$0x19C0];
	[tilespmem:$0x1820] =	vst v2;
	v2 =	vadd.s32 v43, v44  }
0x13b: {  	v62 =	vld [tilespmem:$0x18D0];
	[tilespmem:$0x1830] =	vst v2;
	v2 =	vadd.s32 v45, v46  }
0x13c: {  	v3 =	vld [tilespmem:$0x19A0];
	[tilespmem:$0x1840] =	vst v2;
	v2 =	vadd.s32 v47, v48  }
0x13d: {  	v63 =	vld [tilespmem:$0x19D0];
	[tilespmem:$0x1850] =	vst v2;
	v2 =	vadd.s32 v49, v50  }
0x13e: {  	v17 =	vld [tilespmem:$0x18E0];
	[tilespmem:$0x1860] =	vst v2;
	v2 =	vadd.s32 v51, v52  }
0x13f: {  	v19 =	vld [tilespmem:$0x19E0];
	[tilespmem:$0x1870] =	vst v2;
	v2 =	vadd.s32 v53, v54  }
0x140: {  	v23 =	vld [tilespmem:$0x18F0];
	[tilespmem:$0x1880] =	vst v2;
	v2 =	vadd.s32 v55, v56  }
0x141: {  	[tilespmem:$0x1890] =	vst v2;
	v2 =	vadd.s32 v57, v3;
	v3 =	vld [tilespmem:$0x19F0]  }
0x142: {  	[tilespmem:$0x18A0] =	vst v2;
	v2 =	vadd.s32 v58, v59  }
0x143: {  	[tilespmem:$0x18B0] =	vst v2;
	v2 =	vadd.s32 v60, v61  }
0x144: {  	[tilespmem:$0x18C0] =	vst v2;
	v2 =	vadd.s32 v62, v63  }
0x145: {  	[tilespmem:$0x18D0] =	vst v2;
	v2 =	vadd.s32 v17, v19  }
0x146: {  	[tilespmem:$0x18E0] =	vst v2;
	v2 =	vadd.s32 v23, v3  }
0x147: {  	s11 =	rddreg [dreg:$0x10];
	[tilespmem:$0x18F0] =	vst v2  }
0x148: {  	[tilespmem:s18], [sflag:$0x1] =	stream.strided.gather [spmem:s11], $0x100, s9, s1, $0x38;
	[tilespmem:$0x7040] =	vst v63  }
0x149: {  	_ =	swait.ge [sflag:s16], $0x100  }
0x14a: {  	[sflag:s16] =	ssyncset.done $0x0  }
0x14b: {  	[sflag:s16] =	ssyncadd.s32 $0xFFFFFF00  }
0x14c: {  	v2 =	vld [tilespmem:$0x1800]  }
0x14d: {  	v3 =	vld [tilespmem:$0x1900]  }
0x14e: {  	v24 =	vld [tilespmem:$0x1810]  }
0x14f: {  	v25 =	vld [tilespmem:$0x1910]  }
0x150: {  	v26 =	vld [tilespmem:$0x1820]  }
0x151: {  	v27 =	vld [tilespmem:$0x1920]  }
0x152: {  	v28 =	vld [tilespmem:$0x1830]  }
0x153: {  	v29 =	vld [tilespmem:$0x1930]  }
0x154: {  	v30 =	vld [tilespmem:$0x1840]  }
0x155: {  	v31 =	vld [tilespmem:$0x1940]  }
0x156: {  	v32 =	vld [tilespmem:$0x1850]  }
0x157: {  	v33 =	vld [tilespmem:$0x1950]  }
0x158: {  	v34 =	vld [tilespmem:$0x1860]  }
0x159: {  	v35 =	vld [tilespmem:$0x1960]  }
0x15a: {  	v36 =	vld [tilespmem:$0x1870]  }
0x15b: {  	v37 =	vld [tilespmem:$0x1970]  }
0x15c: {  	v38 =	vld [tilespmem:$0x1880]  }
0x15d: {  	v39 =	vld [tilespmem:$0x1980]  }
0x15e: {  	v40 =	vld [tilespmem:$0x1890]  }
0x15f: {  	v41 =	vld [tilespmem:$0x1990]  }
0x160: {  	v42 =	vld [tilespmem:$0x18A0]  }
0x161: {  	v43 =	vld [tilespmem:$0x18B0];
	v2 =	vadd.s32 v2, v3  }
0x162: {  	v44 =	vld [tilespmem:$0x19B0];
	[tilespmem:$0x1800] =	vst v2;
	v2 =	vadd.s32 v24, v25  }
0x163: {  	v45 =	vld [tilespmem:$0x18C0];
	[tilespmem:$0x1810] =	vst v2;
	v2 =	vadd.s32 v26, v27  }
0x164: {  	v46 =	vld [tilespmem:$0x19C0];
	[tilespmem:$0x1820] =	vst v2;
	v2 =	vadd.s32 v28, v29  }
0x165: {  	v47 =	vld [tilespmem:$0x18D0];
	[tilespmem:$0x1830] =	vst v2;
	v2 =	vadd.s32 v30, v31  }
0x166: {  	v3 =	vld [tilespmem:$0x19A0];
	[tilespmem:$0x1840] =	vst v2;
	v2 =	vadd.s32 v32, v33  }
0x167: {  	v48 =	vld [tilespmem:$0x19D0];
	[tilespmem:$0x1850] =	vst v2;
	v2 =	vadd.s32 v34, v35  }
0x168: {  	v49 =	vld [tilespmem:$0x18E0];
	[tilespmem:$0x1860] =	vst v2;
	v2 =	vadd.s32 v36, v37  }
0x169: {  	v50 =	vld [tilespmem:$0x19E0];
	[tilespmem:$0x1870] =	vst v2;
	v2 =	vadd.s32 v38, v39  }
0x16a: {  	v51 =	vld [tilespmem:$0x18F0];
	[tilespmem:$0x1880] =	vst v2;
	v2 =	vadd.s32 v40, v41  }
0x16b: {  	[tilespmem:$0x1890] =	vst v2;
	v2 =	vadd.s32 v42, v3;
	v3 =	vld [tilespmem:$0x19F0]  }
0x16c: {  	[tilespmem:$0x18A0] =	vst v2;
	v2 =	vadd.s32 v43, v44  }
0x16d: {  	[tilespmem:$0x18B0] =	vst v2;
	v2 =	vadd.s32 v45, v46  }
0x16e: {  	[tilespmem:$0x18C0] =	vst v2;
	v2 =	vadd.s32 v47, v48  }
0x16f: {  	[tilespmem:$0x18D0] =	vst v2;
	v2 =	vadd.s32 v49, v50  }
0x170: {  	[tilespmem:$0x18E0] =	vst v2;
	v2 =	vadd.s32 v51, v3  }
0x171: {  	s12 =	rddreg [dreg:$0x11];
	[tilespmem:$0x18F0] =	vst v2  }
0x172: {  	[tilespmem:s18], [sflag:$0x1] =	stream.strided.gather [spmem:s12], $0x100, s9, s1, $0x38;
	[tilespmem:$0x7040] =	vst v63  }
0x173: {  	_ =	swait.ge [sflag:s16], $0x100  }
0x174: {  	[sflag:s16] =	ssyncset.done $0x0  }
0x175: {  	[sflag:s16] =	ssyncadd.s32 $0xFFFFFF00  }
0x176: {  	v2 =	vld [tilespmem:$0x1800]  }
0x177: {  	v3 =	vld [tilespmem:$0x1900]  }
0x178: {  	v52 =	vld [tilespmem:$0x1810]  }
0x179: {  	v53 =	vld [tilespmem:$0x1910]  }
0x17a: {  	v54 =	vld [tilespmem:$0x1820]  }
0x17b: {  	v55 =	vld [tilespmem:$0x1920]  }
0x17c: {  	v56 =	vld [tilespmem:$0x1830]  }
0x17d: {  	v57 =	vld [tilespmem:$0x1930]  }
0x17e: {  	v58 =	vld [tilespmem:$0x1840]  }
0x17f: {  	v59 =	vld [tilespmem:$0x1940]  }
0x180: {  	v60 =	vld [tilespmem:$0x1850]  }
0x181: {  	v61 =	vld [tilespmem:$0x1950]  }
0x182: {  	v62 =	vld [tilespmem:$0x1860]  }
0x183: {  	v63 =	vld [tilespmem:$0x1960]  }
0x184: {  	v24 =	vld [tilespmem:$0x1870]  }
0x185: {  	v25 =	vld [tilespmem:$0x1970]  }
0x186: {  	v26 =	vld [tilespmem:$0x1880]  }
0x187: {  	v27 =	vld [tilespmem:$0x1980]  }
0x188: {  	v28 =	vld [tilespmem:$0x1890]  }
0x189: {  	v29 =	vld [tilespmem:$0x1990]  }
0x18a: {  	v30 =	vld [tilespmem:$0x18A0]  }
0x18b: {  	v31 =	vld [tilespmem:$0x18B0];
	v2 =	vadd.s32 v2, v3  }
0x18c: {  	v32 =	vld [tilespmem:$0x19B0];
	[tilespmem:$0x1800] =	vst v2;
	v2 =	vadd.s32 v52, v53  }
0x18d: {  	v33 =	vld [tilespmem:$0x18C0];
	[tilespmem:$0x1810] =	vst v2;
	v2 =	vadd.s32 v54, v55  }
0x18e: {  	v34 =	vld [tilespmem:$0x19C0];
	[tilespmem:$0x1820] =	vst v2;
	v2 =	vadd.s32 v56, v57  }
0x18f: {  	v35 =	vld [tilespmem:$0x18D0];
	[tilespmem:$0x1830] =	vst v2;
	v2 =	vadd.s32 v58, v59  }
0x190: {  	v3 =	vld [tilespmem:$0x19A0];
	[tilespmem:$0x1840] =	vst v2;
	v2 =	vadd.s32 v60, v61  }
0x191: {  	v36 =	vld [tilespmem:$0x19D0];
	[tilespmem:$0x1850] =	vst v2;
	v2 =	vadd.s32 v62, v63  }
0x192: {  	v37 =	vld [tilespmem:$0x18E0];
	[tilespmem:$0x1860] =	vst v2;
	v2 =	vadd.s32 v24, v25  }
0x193: {  	v38 =	vld [tilespmem:$0x19E0];
	[tilespmem:$0x1870] =	vst v2;
	v2 =	vadd.s32 v26, v27  }
0x194: {  	v39 =	vld [tilespmem:$0x18F0];
	[tilespmem:$0x1880] =	vst v2;
	v2 =	vadd.s32 v28, v29  }
0x195: {  	[tilespmem:$0x1890] =	vst v2;
	v2 =	vadd.s32 v30, v3;
	v3 =	vld [tilespmem:$0x19F0]  }
0x196: {  	[tilespmem:$0x18A0] =	vst v2;
	v2 =	vadd.s32 v31, v32  }
0x197: {  	[tilespmem:$0x18B0] =	vst v2;
	v2 =	vadd.s32 v33, v34  }
0x198: {  	[tilespmem:$0x18C0] =	vst v2;
	v2 =	vadd.s32 v35, v36  }
0x199: {  	[tilespmem:$0x18D0] =	vst v2;
	v2 =	vadd.s32 v37, v38  }
0x19a: {  	[tilespmem:$0x18E0] =	vst v2;
	v2 =	vadd.s32 v39, v3  }
0x19b: {  	s10 =	rddreg [dreg:$0x12];
	[tilespmem:$0x18F0] =	vst v2  }
0x19c: {  	[tilespmem:s18], [sflag:$0x1] =	stream.strided.gather [spmem:s10], $0x100, s9, s1, $0x38;
	[tilespmem:$0x7040] =	vst v63  }
0x19d: {  	_ =	swait.ge [sflag:s16], $0x100  }
0x19e: {  	[sflag:s16] =	ssyncset.done $0x0  }
0x19f: {  	[sflag:s16] =	ssyncadd.s32 $0xFFFFFF00  }
0x1a0: {  	v2 =	vld [tilespmem:$0x1800]  }
0x1a1: {  	v3 =	vld [tilespmem:$0x1900]  }
0x1a2: {  	v40 =	vld [tilespmem:$0x1810]  }
0x1a3: {  	v41 =	vld [tilespmem:$0x1910]  }
0x1a4: {  	v42 =	vld [tilespmem:$0x1820]  }
0x1a5: {  	v43 =	vld [tilespmem:$0x1920]  }
0x1a6: {  	v44 =	vld [tilespmem:$0x1830]  }
0x1a7: {  	v45 =	vld [tilespmem:$0x1930]  }
0x1a8: {  	v46 =	vld [tilespmem:$0x1840]  }
0x1a9: {  	v47 =	vld [tilespmem:$0x1940]  }
0x1aa: {  	v48 =	vld [tilespmem:$0x1850]  }
0x1ab: {  	v49 =	vld [tilespmem:$0x1950]  }
0x1ac: {  	v50 =	vld [tilespmem:$0x1860]  }
0x1ad: {  	v51 =	vld [tilespmem:$0x1960]  }
0x1ae: {  	v52 =	vld [tilespmem:$0x1870]  }
0x1af: {  	v53 =	vld [tilespmem:$0x1970]  }
0x1b0: {  	v54 =	vld [tilespmem:$0x1880]  }
0x1b1: {  	v55 =	vld [tilespmem:$0x1980]  }
0x1b2: {  	v56 =	vld [tilespmem:$0x1890]  }
0x1b3: {  	v57 =	vld [tilespmem:$0x1990]  }
0x1b4: {  	v58 =	vld [tilespmem:$0x18A0]  }
0x1b5: {  	v59 =	vld [tilespmem:$0x18B0];
	v2 =	vadd.s32 v2, v3  }
0x1b6: {  	v60 =	vld [tilespmem:$0x19B0];
	[tilespmem:$0x1800] =	vst v2;
	v2 =	vadd.s32 v40, v41  }
0x1b7: {  	v61 =	vld [tilespmem:$0x18C0];
	[tilespmem:$0x1810] =	vst v2;
	v2 =	vadd.s32 v42, v43  }
0x1b8: {  	v62 =	vld [tilespmem:$0x19C0];
	[tilespmem:$0x1820] =	vst v2;
	v2 =	vadd.s32 v44, v45  }
0x1b9: {  	v63 =	vld [tilespmem:$0x18D0];
	[tilespmem:$0x1830] =	vst v2;
	v2 =	vadd.s32 v46, v47  }
0x1ba: {  	v3 =	vld [tilespmem:$0x19A0];
	[tilespmem:$0x1840] =	vst v2;
	v2 =	vadd.s32 v48, v49  }
0x1bb: {  	v23 =	vld [tilespmem:$0x19D0];
	[tilespmem:$0x1850] =	vst v2;
	v2 =	vadd.s32 v50, v51  }
0x1bc: {  	v24 =	vld [tilespmem:$0x18E0];
	[tilespmem:$0x1860] =	vst v2;
	v2 =	vadd.s32 v52, v53  }
0x1bd: {  	v25 =	vld [tilespmem:$0x19E0];
	[tilespmem:$0x1870] =	vst v2;
	v2 =	vadd.s32 v54, v55  }
0x1be: {  	v26 =	vld [tilespmem:$0x18F0];
	[tilespmem:$0x1880] =	vst v2;
	v2 =	vadd.s32 v56, v57  }
0x1bf: {  	[tilespmem:$0x1890] =	vst v2;
	v2 =	vadd.s32 v58, v3;
	v3 =	vld [tilespmem:$0x19F0]  }
0x1c0: {  	[tilespmem:$0x18A0] =	vst v2;
	v2 =	vadd.s32 v59, v60  }
0x1c1: {  	[tilespmem:$0x18B0] =	vst v2;
	v2 =	vadd.s32 v61, v62  }
0x1c2: {  	[tilespmem:$0x18C0] =	vst v2;
	v2 =	vadd.s32 v63, v23  }
0x1c3: {  	[tilespmem:$0x18D0] =	vst v2;
	v2 =	vadd.s32 v24, v25  }
0x1c4: {  	[tilespmem:$0x18E0] =	vst v2;
	v2 =	vadd.s32 v26, v3  }
0x1c5: {  	s11 =	rddreg [dreg:$0x13];
	[tilespmem:$0x18F0] =	vst v2  }
0x1c6: {  	[tilespmem:s18], [sflag:$0x1] =	stream.strided.gather [spmem:s11], $0x100, s9, s1, $0x38;
	[tilespmem:$0x7040] =	vst v63  }
0x1c7: {  	_ =	swait.ge [sflag:s16], $0x100  }
0x1c8: {  	[sflag:s16] =	ssyncset.done $0x0  }
0x1c9: {  	[sflag:s16] =	ssyncadd.s32 $0xFFFFFF00  }
0x1ca: {  	v2 =	vld [tilespmem:$0x1800]  }
0x1cb: {  	v3 =	vld [tilespmem:$0x1900]  }
0x1cc: {  	v27 =	vld [tilespmem:$0x1810]  }
0x1cd: {  	v28 =	vld [tilespmem:$0x1910]  }
0x1ce: {  	v29 =	vld [tilespmem:$0x1820]  }
0x1cf: {  	v30 =	vld [tilespmem:$0x1920]  }
0x1d0: {  	v31 =	vld [tilespmem:$0x1840]  }
0x1d1: {  	v32 =	vld [tilespmem:$0x1940]  }
0x1d2: {  	v33 =	vld [tilespmem:$0x1850]  }
0x1d3: {  	v34 =	vld [tilespmem:$0x1950]  }
0x1d4: {  	v35 =	vld [tilespmem:$0x1860]  }
0x1d5: {  	v36 =	vld [tilespmem:$0x1960]  }
0x1d6: {  	v37 =	vld [tilespmem:$0x1870]  }
0x1d7: {  	v38 =	vld [tilespmem:$0x1970];
	v2 =	vadd.s32 v2, v3  }
0x1d8: {  	v39 =	vld [tilespmem:$0x1880];
	[tilespmem:$0x1800] =	vst v2;
	v2 =	vadd.s32 v27, v28  }
0x1d9: {  	v3 =	vld [tilespmem:$0x1930];
	[tilespmem:$0x1810] =	vst v2;
	v2 =	vadd.s32 v29, v30  }
0x1da: {  	[tilespmem:$0x1820] =	vst v2;
	v2 =	vld [tilespmem:$0x1830]  }
0x1db: {  	v40 =	vld [tilespmem:$0x1980]  }
0x1dc: {  	v41 =	vld [tilespmem:$0x1890]  }
0x1dd: {  	v42 =	vld [tilespmem:$0x1990]  }
0x1de: {  	v43 =	vld [tilespmem:$0x18A0]  }
0x1df: {  	v44 =	vld [tilespmem:$0x19A0]  }
0x1e0: {  	v45 =	vld [tilespmem:$0x18B0]  }
0x1e1: {  	v46 =	vld [tilespmem:$0x19B0]  }
0x1e2: {  	v47 =	vld [tilespmem:$0x19C0];
	v2 =	vadd.s32 v2, v3  }
0x1e3: {  	v48 =	vld [tilespmem:$0x18D0];
	[tilespmem:$0x1830] =	vst v2;
	v2 =	vadd.s32 v31, v32  }
0x1e4: {  	v49 =	vld [tilespmem:$0x19D0];
	[tilespmem:$0x1840] =	vst v2;
	v2 =	vadd.s32 v33, v34  }
0x1e5: {  	v50 =	vld [tilespmem:$0x18E0];
	[tilespmem:$0x1850] =	vst v2;
	v2 =	vadd.s32 v35, v36  }
0x1e6: {  	v3 =	vld [tilespmem:$0x18C0];
	[tilespmem:$0x1860] =	vst v2;
	v2 =	vadd.s32 v37, v38  }
0x1e7: {  	v51 =	vld [tilespmem:$0x19E0];
	[tilespmem:$0x1870] =	vst v2;
	v2 =	vadd.s32 v39, v40  }
0x1e8: {  	v52 =	vld [tilespmem:$0x18F0];
	[tilespmem:$0x1880] =	vst v2;
	v2 =	vadd.s32 v41, v42  }
0x1e9: {  	v53 =	vld [tilespmem:$0x19F0];
	[tilespmem:$0x1890] =	vst v2;
	v2 =	vadd.s32 v43, v44  }
0x1ea: {  	[tilespmem:$0x18A0] =	vst v2;
	v2 =	vadd.s32 v45, v46  }
0x1eb: {  	[tilespmem:$0x18B0] =	vst v2;
	v2 =	vadd.s32 v3, v47  }
0x1ec: {  	[tilespmem:$0x18C0] =	vst v2;
	v2 =	vadd.s32 v48, v49  }
0x1ed: {  	[tilespmem:$0x18D0] =	vst v2;
	v2 =	vadd.s32 v50, v51  }
0x1ee: {  	[tilespmem:$0x18E0] =	vst v2;
	v2 =	vadd.s32 v52, v53  }
0x1ef: {  	s12 =	rddreg [dreg:$0x14];
	[tilespmem:$0x18F0] =	vst v2  }
0x1f0: {  	[tilespmem:s18], [sflag:$0x1] =	stream.strided.gather [spmem:s12], $0x100, s9, s1, $0x38;
	[tilespmem:$0x7040] =	vst v63  }
0x1f1: {  	_ =	swait.ge [sflag:s16], $0x100  }
0x1f2: {  	[sflag:s16] =	ssyncset.done $0x0  }
0x1f3: {  	[sflag:s16] =	ssyncadd.s32 $0xFFFFFF00  }
0x1f4: {  	v2 =	vld [tilespmem:$0x1800]  }
0x1f5: {  	v3 =	vld [tilespmem:$0x1900]  }
0x1f6: {  	v54 =	vld [tilespmem:$0x1810]  }
0x1f7: {  	v55 =	vld [tilespmem:$0x1910]  }
0x1f8: {  	v56 =	vld [tilespmem:$0x1820]  }
0x1f9: {  	v57 =	vld [tilespmem:$0x1920]  }
0x1fa: {  	v58 =	vld [tilespmem:$0x1830]  }
0x1fb: {  	v59 =	vld [tilespmem:$0x1930]  }
0x1fc: {  	v60 =	vld [tilespmem:$0x1840]  }
0x1fd: {  	v61 =	vld [tilespmem:$0x1940]  }
0x1fe: {  	v62 =	vld [tilespmem:$0x1850]  }
0x1ff: {  	v63 =	vld [tilespmem:$0x1950]  }
0x200: {  	v24 =	vld [tilespmem:$0x1860]  }
0x201: {  	v25 =	vld [tilespmem:$0x1960]  }
0x202: {  	v26 =	vld [tilespmem:$0x1870]  }
0x203: {  	v27 =	vld [tilespmem:$0x1970]  }
0x204: {  	v28 =	vld [tilespmem:$0x1880]  }
0x205: {  	v29 =	vld [tilespmem:$0x1980]  }
0x206: {  	v30 =	vld [tilespmem:$0x1890]  }
0x207: {  	v31 =	vld [tilespmem:$0x1990]  }
0x208: {  	v32 =	vld [tilespmem:$0x18A0]  }
0x209: {  	v33 =	vld [tilespmem:$0x18B0];
	v2 =	vadd.s32 v2, v3  }
0x20a: {  	v34 =	vld [tilespmem:$0x19B0];
	[tilespmem:$0x1800] =	vst v2;
	v2 =	vadd.s32 v54, v55  }
0x20b: {  	v35 =	vld [tilespmem:$0x18C0];
	[tilespmem:$0x1810] =	vst v2;
	v2 =	vadd.s32 v56, v57  }
0x20c: {  	v36 =	vld [tilespmem:$0x19C0];
	[tilespmem:$0x1820] =	vst v2;
	v2 =	vadd.s32 v58, v59  }
0x20d: {  	v37 =	vld [tilespmem:$0x18D0];
	[tilespmem:$0x1830] =	vst v2;
	v2 =	vadd.s32 v60, v61  }
0x20e: {  	v3 =	vld [tilespmem:$0x19A0];
	[tilespmem:$0x1840] =	vst v2;
	v2 =	vadd.s32 v62, v63  }
0x20f: {  	v38 =	vld [tilespmem:$0x19D0];
	[tilespmem:$0x1850] =	vst v2;
	v2 =	vadd.s32 v24, v25  }
0x210: {  	v39 =	vld [tilespmem:$0x18E0];
	[tilespmem:$0x1860] =	vst v2;
	v2 =	vadd.s32 v26, v27  }
0x211: {  	v40 =	vld [tilespmem:$0x19E0];
	[tilespmem:$0x1870] =	vst v2;
	v2 =	vadd.s32 v28, v29  }
0x212: {  	v41 =	vld [tilespmem:$0x18F0];
	[tilespmem:$0x1880] =	vst v2;
	v2 =	vadd.s32 v30, v31  }
0x213: {  	[tilespmem:$0x1890] =	vst v2;
	v2 =	vadd.s32 v32, v3;
	v3 =	vld [tilespmem:$0x19F0]  }
0x214: {  	[tilespmem:$0x18A0] =	vst v2;
	v2 =	vadd.s32 v33, v34  }
0x215: {  	[tilespmem:$0x18B0] =	vst v2;
	v2 =	vadd.s32 v35, v36  }
0x216: {  	[tilespmem:$0x18C0] =	vst v2;
	v2 =	vadd.s32 v37, v38  }
0x217: {  	[tilespmem:$0x18D0] =	vst v2;
	v2 =	vadd.s32 v39, v40  }
0x218: {  	[tilespmem:$0x18E0] =	vst v2;
	v2 =	vadd.s32 v41, v3  }
0x219: {  	s10 =	rddreg [dreg:$0x15];
	[tilespmem:$0x18F0] =	vst v2  }
0x21a: {  	[tilespmem:s18], [sflag:$0x1] =	stream.strided.gather [spmem:s10], $0x100, s9, s1, $0x38;
	[tilespmem:$0x7040] =	vst v63  }
0x21b: {  	_ =	swait.ge [sflag:s16], $0x100  }
0x21c: {  	[sflag:s16] =	ssyncset.done $0x0  }
0x21d: {  	[sflag:s16] =	ssyncadd.s32 $0xFFFFFF00  }
0x21e: {  	v2 =	vld [tilespmem:$0x1800]  }
0x21f: {  	v3 =	vld [tilespmem:$0x1900]  }
0x220: {  	v42 =	vld [tilespmem:$0x1810]  }
0x221: {  	v43 =	vld [tilespmem:$0x1910]  }
0x222: {  	v44 =	vld [tilespmem:$0x1820]  }
0x223: {  	v45 =	vld [tilespmem:$0x1920]  }
0x224: {  	v46 =	vld [tilespmem:$0x1830]  }
0x225: {  	v47 =	vld [tilespmem:$0x1930]  }
0x226: {  	v48 =	vld [tilespmem:$0x1840]  }
0x227: {  	v49 =	vld [tilespmem:$0x1940]  }
0x228: {  	v50 =	vld [tilespmem:$0x1850]  }
0x229: {  	v51 =	vld [tilespmem:$0x1950]  }
0x22a: {  	v52 =	vld [tilespmem:$0x1860]  }
0x22b: {  	v53 =	vld [tilespmem:$0x1960]  }
0x22c: {  	v54 =	vld [tilespmem:$0x1870]  }
0x22d: {  	v55 =	vld [tilespmem:$0x1970]  }
0x22e: {  	v56 =	vld [tilespmem:$0x1880]  }
0x22f: {  	v57 =	vld [tilespmem:$0x1980]  }
0x230: {  	v58 =	vld [tilespmem:$0x1890]  }
0x231: {  	v59 =	vld [tilespmem:$0x1990]  }
0x232: {  	v60 =	vld [tilespmem:$0x18A0]  }
0x233: {  	v61 =	vld [tilespmem:$0x18B0];
	v2 =	vadd.s32 v2, v3  }
0x234: {  	v62 =	vld [tilespmem:$0x19B0];
	[tilespmem:$0x1800] =	vst v2;
	v2 =	vadd.s32 v42, v43  }
0x235: {  	v63 =	vld [tilespmem:$0x18C0];
	[tilespmem:$0x1810] =	vst v2;
	v2 =	vadd.s32 v44, v45  }
0x236: {  	v23 =	vld [tilespmem:$0x19C0];
	[tilespmem:$0x1820] =	vst v2;
	v2 =	vadd.s32 v46, v47  }
0x237: {  	v24 =	vld [tilespmem:$0x18D0];
	[tilespmem:$0x1830] =	vst v2;
	v2 =	vadd.s32 v48, v49  }
0x238: {  	v3 =	vld [tilespmem:$0x19A0];
	[tilespmem:$0x1840] =	vst v2;
	v2 =	vadd.s32 v50, v51  }
0x239: {  	v25 =	vld [tilespmem:$0x19D0];
	[tilespmem:$0x1850] =	vst v2;
	v2 =	vadd.s32 v52, v53  }
0x23a: {  	v26 =	vld [tilespmem:$0x18E0];
	[tilespmem:$0x1860] =	vst v2;
	v2 =	vadd.s32 v54, v55  }
0x23b: {  	v27 =	vld [tilespmem:$0x19E0];
	[tilespmem:$0x1870] =	vst v2;
	v2 =	vadd.s32 v56, v57  }
0x23c: {  	v28 =	vld [tilespmem:$0x18F0];
	[tilespmem:$0x1880] =	vst v2;
	v2 =	vadd.s32 v58, v59  }
0x23d: {  	[tilespmem:$0x1890] =	vst v2;
	v2 =	vadd.s32 v60, v3;
	v3 =	vld [tilespmem:$0x19F0]  }
0x23e: {  	[tilespmem:$0x18A0] =	vst v2;
	v2 =	vadd.s32 v61, v62  }
0x23f: {  	[tilespmem:$0x18B0] =	vst v2;
	v2 =	vadd.s32 v63, v23  }
0x240: {  	[tilespmem:$0x18C0] =	vst v2;
	v2 =	vadd.s32 v24, v25  }
0x241: {  	[tilespmem:$0x18D0] =	vst v2;
	v2 =	vadd.s32 v26, v27  }
0x242: {  	[tilespmem:$0x18E0] =	vst v2;
	v2 =	vadd.s32 v28, v3  }
0x243: {  	s11 =	rddreg [dreg:$0x16];
	[tilespmem:$0x18F0] =	vst v2  }
0x244: {  	[tilespmem:s18], [sflag:$0x1] =	stream.strided.gather [spmem:s11], $0x100, s9, s1, $0x38;
	[tilespmem:$0x7040] =	vst v63  }
0x245: {  	_ =	swait.ge [sflag:s16], $0x100  }
0x246: {  	[sflag:s16] =	ssyncset.done $0x0  }
0x247: {  	[sflag:s16] =	ssyncadd.s32 $0xFFFFFF00  }
0x248: {  	v2 =	vld [tilespmem:$0x1800]  }
0x249: {  	v3 =	vld [tilespmem:$0x1900]  }
0x24a: {  	v29 =	vld [tilespmem:$0x1810]  }
0x24b: {  	v30 =	vld [tilespmem:$0x1910]  }
0x24c: {  	v31 =	vld [tilespmem:$0x1820]  }
0x24d: {  	v32 =	vld [tilespmem:$0x1920]  }
0x24e: {  	v33 =	vld [tilespmem:$0x1830]  }
0x24f: {  	v34 =	vld [tilespmem:$0x1930]  }
0x250: {  	v35 =	vld [tilespmem:$0x1840]  }
0x251: {  	v36 =	vld [tilespmem:$0x1940]  }
0x252: {  	v37 =	vld [tilespmem:$0x1850]  }
0x253: {  	v38 =	vld [tilespmem:$0x1950]  }
0x254: {  	v39 =	vld [tilespmem:$0x1860]  }
0x255: {  	v40 =	vld [tilespmem:$0x1960]  }
0x256: {  	v41 =	vld [tilespmem:$0x1870]  }
0x257: {  	v42 =	vld [tilespmem:$0x1970]  }
0x258: {  	v43 =	vld [tilespmem:$0x1880]  }
0x259: {  	v44 =	vld [tilespmem:$0x1980]  }
0x25a: {  	v45 =	vld [tilespmem:$0x1890]  }
0x25b: {  	v46 =	vld [tilespmem:$0x1990]  }
0x25c: {  	v47 =	vld [tilespmem:$0x18A0]  }
0x25d: {  	v48 =	vld [tilespmem:$0x18B0];
	v2 =	vadd.s32 v2, v3  }
0x25e: {  	v49 =	vld [tilespmem:$0x19B0];
	[tilespmem:$0x1800] =	vst v2;
	v2 =	vadd.s32 v29, v30  }
0x25f: {  	v50 =	vld [tilespmem:$0x18C0];
	[tilespmem:$0x1810] =	vst v2;
	v2 =	vadd.s32 v31, v32  }
0x260: {  	v51 =	vld [tilespmem:$0x19C0];
	[tilespmem:$0x1820] =	vst v2;
	v2 =	vadd.s32 v33, v34  }
0x261: {  	v52 =	vld [tilespmem:$0x18D0];
	[tilespmem:$0x1830] =	vst v2;
	v2 =	vadd.s32 v35, v36  }
0x262: {  	v3 =	vld [tilespmem:$0x19A0];
	[tilespmem:$0x1840] =	vst v2;
	v2 =	vadd.s32 v37, v38  }
0x263: {  	v53 =	vld [tilespmem:$0x19D0];
	[tilespmem:$0x1850] =	vst v2;
	v2 =	vadd.s32 v39, v40  }
0x264: {  	v54 =	vld [tilespmem:$0x18E0];
	[tilespmem:$0x1860] =	vst v2;
	v2 =	vadd.s32 v41, v42  }
0x265: {  	v55 =	vld [tilespmem:$0x19E0];
	[tilespmem:$0x1870] =	vst v2;
	v2 =	vadd.s32 v43, v44  }
0x266: {  	v56 =	vld [tilespmem:$0x18F0];
	[tilespmem:$0x1880] =	vst v2;
	v2 =	vadd.s32 v45, v46  }
0x267: {  	[tilespmem:$0x1890] =	vst v2;
	v2 =	vadd.s32 v47, v3;
	v3 =	vld [tilespmem:$0x19F0]  }
0x268: {  	[tilespmem:$0x18A0] =	vst v2;
	v2 =	vadd.s32 v48, v49  }
0x269: {  	[tilespmem:$0x18B0] =	vst v2;
	v2 =	vadd.s32 v50, v51  }
0x26a: {  	[tilespmem:$0x18C0] =	vst v2;
	v2 =	vadd.s32 v52, v53  }
0x26b: {  	[tilespmem:$0x18D0] =	vst v2;
	v2 =	vadd.s32 v54, v55  }
0x26c: {  	[tilespmem:$0x18E0] =	vst v2;
	v2 =	vadd.s32 v56, v3  }
0x26d: {  	s12 =	rddreg [dreg:$0x17];
	[tilespmem:$0x18F0] =	vst v2  }
0x26e: {  	[tilespmem:s18], [sflag:$0x1] =	stream.strided.gather [spmem:s12], $0x100, s9, s1, $0x38;
	[tilespmem:$0x7040] =	vst v63  }
0x26f: {  	_ =	swait.ge [sflag:s16], $0x100  }
0x270: {  	[sflag:s16] =	ssyncset.done $0x0  }
0x271: {  	[sflag:s16] =	ssyncadd.s32 $0xFFFFFF00  }
0x272: {  	v2 =	vld [tilespmem:$0x1800]  }
0x273: {  	v3 =	vld [tilespmem:$0x1900]  }
0x274: {  	v57 =	vld [tilespmem:$0x1810]  }
0x275: {  	v58 =	vld [tilespmem:$0x1910]  }
0x276: {  	v59 =	vld [tilespmem:$0x1820]  }
0x277: {  	v60 =	vld [tilespmem:$0x1920]  }
0x278: {  	v61 =	vld [tilespmem:$0x1830]  }
0x279: {  	v62 =	vld [tilespmem:$0x1930]  }
0x27a: {  	v63 =	vld [tilespmem:$0x1840]  }
0x27b: {  	v24 =	vld [tilespmem:$0x1940]  }
0x27c: {  	v25 =	vld [tilespmem:$0x1850]  }
0x27d: {  	v26 =	vld [tilespmem:$0x1950]  }
0x27e: {  	v27 =	vld [tilespmem:$0x1860]  }
0x27f: {  	v28 =	vld [tilespmem:$0x1960]  }
0x280: {  	v29 =	vld [tilespmem:$0x1870]  }
0x281: {  	v30 =	vld [tilespmem:$0x1970]  }
0x282: {  	v31 =	vld [tilespmem:$0x1880]  }
0x283: {  	v32 =	vld [tilespmem:$0x1980]  }
0x284: {  	v33 =	vld [tilespmem:$0x1890]  }
0x285: {  	v34 =	vld [tilespmem:$0x1990]  }
0x286: {  	v35 =	vld [tilespmem:$0x18A0]  }
0x287: {  	v36 =	vld [tilespmem:$0x18B0];
	v2 =	vadd.s32 v2, v3  }
0x288: {  	v37 =	vld [tilespmem:$0x19B0];
	[tilespmem:$0x1800] =	vst v2;
	v2 =	vadd.s32 v57, v58  }
0x289: {  	v38 =	vld [tilespmem:$0x18C0];
	[tilespmem:$0x1810] =	vst v2;
	v2 =	vadd.s32 v59, v60  }
0x28a: {  	v39 =	vld [tilespmem:$0x19C0];
	[tilespmem:$0x1820] =	vst v2;
	v2 =	vadd.s32 v61, v62  }
0x28b: {  	v40 =	vld [tilespmem:$0x18D0];
	[tilespmem:$0x1830] =	vst v2;
	v2 =	vadd.s32 v63, v24  }
0x28c: {  	v3 =	vld [tilespmem:$0x19A0];
	[tilespmem:$0x1840] =	vst v2;
	v2 =	vadd.s32 v25, v26  }
0x28d: {  	v41 =	vld [tilespmem:$0x19D0];
	[tilespmem:$0x1850] =	vst v2;
	v2 =	vadd.s32 v27, v28  }
0x28e: {  	v42 =	vld [tilespmem:$0x18E0];
	[tilespmem:$0x1860] =	vst v2;
	v2 =	vadd.s32 v29, v30  }
0x28f: {  	v43 =	vld [tilespmem:$0x19E0];
	[tilespmem:$0x1870] =	vst v2;
	v2 =	vadd.s32 v31, v32  }
0x290: {  	v44 =	vld [tilespmem:$0x18F0];
	[tilespmem:$0x1880] =	vst v2;
	v2 =	vadd.s32 v33, v34  }
0x291: {  	[tilespmem:$0x1890] =	vst v2;
	v2 =	vadd.s32 v35, v3;
	v3 =	vld [tilespmem:$0x19F0]  }
0x292: {  	[tilespmem:$0x18A0] =	vst v2;
	v2 =	vadd.s32 v36, v37  }
0x293: {  	[tilespmem:$0x18B0] =	vst v2;
	v2 =	vadd.s32 v38, v39  }
0x294: {  	[tilespmem:$0x18C0] =	vst v2;
	v2 =	vadd.s32 v40, v41  }
0x295: {  	[tilespmem:$0x18D0] =	vst v2;
	v2 =	vadd.s32 v42, v43  }
0x296: {  	[tilespmem:$0x18E0] =	vst v2;
	v2 =	vadd.s32 v44, v3  }
0x297: {  	s10 =	rddreg [dreg:$0x18];
	[tilespmem:$0x18F0] =	vst v2  }
0x298: {  	[tilespmem:s18], [sflag:$0x1] =	stream.strided.gather [spmem:s10], $0x100, s9, s1, $0x38;
	[tilespmem:$0x7040] =	vst v63  }
0x299: {  	_ =	swait.ge [sflag:s16], $0x100  }
0x29a: {  	[sflag:s16] =	ssyncset.done $0x0  }
0x29b: {  	[sflag:s16] =	ssyncadd.s32 $0xFFFFFF00  }
0x29c: {  	v2 =	vld [tilespmem:$0x1800]  }
0x29d: {  	v3 =	vld [tilespmem:$0x1900]  }
0x29e: {  	v45 =	vld [tilespmem:$0x1810]  }
0x29f: {  	v46 =	vld [tilespmem:$0x1910]  }
0x2a0: {  	v47 =	vld [tilespmem:$0x1820]  }
0x2a1: {  	v48 =	vld [tilespmem:$0x1920]  }
0x2a2: {  	v49 =	vld [tilespmem:$0x1830]  }
0x2a3: {  	v50 =	vld [tilespmem:$0x1930]  }
0x2a4: {  	v51 =	vld [tilespmem:$0x1840]  }
0x2a5: {  	v52 =	vld [tilespmem:$0x1940]  }
0x2a6: {  	v53 =	vld [tilespmem:$0x1850]  }
0x2a7: {  	v54 =	vld [tilespmem:$0x1950]  }
0x2a8: {  	v55 =	vld [tilespmem:$0x1860]  }
0x2a9: {  	v56 =	vld [tilespmem:$0x1960]  }
0x2aa: {  	v57 =	vld [tilespmem:$0x1870]  }
0x2ab: {  	v58 =	vld [tilespmem:$0x1970]  }
0x2ac: {  	v59 =	vld [tilespmem:$0x1880]  }
0x2ad: {  	v60 =	vld [tilespmem:$0x1980]  }
0x2ae: {  	v61 =	vld [tilespmem:$0x1890]  }
0x2af: {  	v62 =	vld [tilespmem:$0x1990]  }
0x2b0: {  	v63 =	vld [tilespmem:$0x18A0]  }
0x2b1: {  	v23 =	vld [tilespmem:$0x18B0];
	v2 =	vadd.s32 v2, v3  }
0x2b2: {  	v24 =	vld [tilespmem:$0x19B0];
	[tilespmem:$0x1800] =	vst v2;
	v2 =	vadd.s32 v45, v46  }
0x2b3: {  	v25 =	vld [tilespmem:$0x18C0];
	[tilespmem:$0x1810] =	vst v2;
	v2 =	vadd.s32 v47, v48  }
0x2b4: {  	v26 =	vld [tilespmem:$0x19C0];
	[tilespmem:$0x1820] =	vst v2;
	v2 =	vadd.s32 v49, v50  }
0x2b5: {  	v27 =	vld [tilespmem:$0x18D0];
	[tilespmem:$0x1830] =	vst v2;
	v2 =	vadd.s32 v51, v52  }
0x2b6: {  	v3 =	vld [tilespmem:$0x19A0];
	[tilespmem:$0x1840] =	vst v2;
	v2 =	vadd.s32 v53, v54  }
0x2b7: {  	v28 =	vld [tilespmem:$0x19D0];
	[tilespmem:$0x1850] =	vst v2;
	v2 =	vadd.s32 v55, v56  }
0x2b8: {  	v29 =	vld [tilespmem:$0x18E0];
	[tilespmem:$0x1860] =	vst v2;
	v2 =	vadd.s32 v57, v58  }
0x2b9: {  	v30 =	vld [tilespmem:$0x19E0];
	[tilespmem:$0x1870] =	vst v2;
	v2 =	vadd.s32 v59, v60  }
0x2ba: {  	v31 =	vld [tilespmem:$0x18F0];
	[tilespmem:$0x1880] =	vst v2;
	v2 =	vadd.s32 v61, v62  }
0x2bb: {  	[tilespmem:$0x1890] =	vst v2;
	v2 =	vadd.s32 v63, v3;
	v3 =	vld [tilespmem:$0x19F0]  }
0x2bc: {  	[tilespmem:$0x18A0] =	vst v2;
	v2 =	vadd.s32 v23, v24  }
0x2bd: {  	[tilespmem:$0x18B0] =	vst v2;
	v2 =	vadd.s32 v25, v26  }
0x2be: {  	[tilespmem:$0x18C0] =	vst v2;
	v2 =	vadd.s32 v27, v28  }
0x2bf: {  	[tilespmem:$0x18D0] =	vst v2;
	v2 =	vadd.s32 v29, v30  }
0x2c0: {  	[tilespmem:$0x18E0] =	vst v2;
	v2 =	vadd.s32 v31, v3  }
0x2c1: {  	s11 =	rddreg [dreg:$0x19];
	[tilespmem:$0x18F0] =	vst v2  }
0x2c2: {  	[tilespmem:s18], [sflag:$0x1] =	stream.strided.gather [spmem:s11], $0x100, s9, s1, $0x38;
	[tilespmem:$0x7040] =	vst v63  }
0x2c3: {  	_ =	swait.ge [sflag:s16], $0x100  }
0x2c4: {  	[sflag:s16] =	ssyncset.done $0x0  }
0x2c5: {  	[sflag:s16] =	ssyncadd.s32 $0xFFFFFF00  }
0x2c6: {  	v2 =	vld [tilespmem:$0x1800]  }
0x2c7: {  	v3 =	vld [tilespmem:$0x1900]  }
0x2c8: {  	v32 =	vld [tilespmem:$0x1810]  }
0x2c9: {  	v33 =	vld [tilespmem:$0x1910]  }
0x2ca: {  	v34 =	vld [tilespmem:$0x1820]  }
0x2cb: {  	v35 =	vld [tilespmem:$0x1920]  }
0x2cc: {  	v36 =	vld [tilespmem:$0x1830]  }
0x2cd: {  	v37 =	vld [tilespmem:$0x1930]  }
0x2ce: {  	v38 =	vld [tilespmem:$0x1840]  }
0x2cf: {  	v39 =	vld [tilespmem:$0x1940]  }
0x2d0: {  	v40 =	vld [tilespmem:$0x1850]  }
0x2d1: {  	v41 =	vld [tilespmem:$0x1950]  }
0x2d2: {  	v42 =	vld [tilespmem:$0x1860]  }
0x2d3: {  	v43 =	vld [tilespmem:$0x1960]  }
0x2d4: {  	v44 =	vld [tilespmem:$0x1870]  }
0x2d5: {  	v45 =	vld [tilespmem:$0x1970]  }
0x2d6: {  	v46 =	vld [tilespmem:$0x1880]  }
0x2d7: {  	v47 =	vld [tilespmem:$0x1980]  }
0x2d8: {  	v48 =	vld [tilespmem:$0x1890]  }
0x2d9: {  	v49 =	vld [tilespmem:$0x1990]  }
0x2da: {  	v50 =	vld [tilespmem:$0x18A0]  }
0x2db: {  	v51 =	vld [tilespmem:$0x18B0];
	v2 =	vadd.s32 v2, v3  }
0x2dc: {  	v52 =	vld [tilespmem:$0x19B0];
	[tilespmem:$0x1800] =	vst v2;
	v2 =	vadd.s32 v32, v33  }
0x2dd: {  	v53 =	vld [tilespmem:$0x18C0];
	[tilespmem:$0x1810] =	vst v2;
	v2 =	vadd.s32 v34, v35  }
0x2de: {  	v54 =	vld [tilespmem:$0x19C0];
	[tilespmem:$0x1820] =	vst v2;
	v2 =	vadd.s32 v36, v37  }
0x2df: {  	v55 =	vld [tilespmem:$0x18D0];
	[tilespmem:$0x1830] =	vst v2;
	v2 =	vadd.s32 v38, v39  }
0x2e0: {  	v3 =	vld [tilespmem:$0x19A0];
	[tilespmem:$0x1840] =	vst v2;
	v2 =	vadd.s32 v40, v41  }
0x2e1: {  	v56 =	vld [tilespmem:$0x19D0];
	[tilespmem:$0x1850] =	vst v2;
	v2 =	vadd.s32 v42, v43  }
0x2e2: {  	v57 =	vld [tilespmem:$0x18E0];
	[tilespmem:$0x1860] =	vst v2;
	v2 =	vadd.s32 v44, v45  }
0x2e3: {  	v58 =	vld [tilespmem:$0x19E0];
	[tilespmem:$0x1870] =	vst v2;
	v2 =	vadd.s32 v46, v47  }
0x2e4: {  	v59 =	vld [tilespmem:$0x18F0];
	[tilespmem:$0x1880] =	vst v2;
	v2 =	vadd.s32 v48, v49  }
0x2e5: {  	[tilespmem:$0x1890] =	vst v2;
	v2 =	vadd.s32 v50, v3;
	v3 =	vld [tilespmem:$0x19F0]  }
0x2e6: {  	[tilespmem:$0x18A0] =	vst v2;
	v2 =	vadd.s32 v51, v52  }
0x2e7: {  	[tilespmem:$0x18B0] =	vst v2;
	v2 =	vadd.s32 v53, v54  }
0x2e8: {  	[tilespmem:$0x18C0] =	vst v2;
	v2 =	vadd.s32 v55, v56  }
0x2e9: {  	[tilespmem:$0x18D0] =	vst v2;
	v2 =	vadd.s32 v57, v58  }
0x2ea: {  	[tilespmem:$0x18E0] =	vst v2;
	v2 =	vadd.s32 v59, v3  }
0x2eb: {  	s12 =	rddreg [dreg:$0x1a];
	[tilespmem:$0x18F0] =	vst v2  }
0x2ec: {  	[tilespmem:s18], [sflag:$0x1] =	stream.strided.gather [spmem:s12], $0x100, s9, s1, $0x38;
	[tilespmem:$0x7040] =	vst v63  }
0x2ed: {  	_ =	swait.ge [sflag:s16], $0x100  }
0x2ee: {  	[sflag:s16] =	ssyncset.done $0x0  }
0x2ef: {  	[sflag:s16] =	ssyncadd.s32 $0xFFFFFF00  }
0x2f0: {  	v2 =	vld [tilespmem:$0x1800]  }
0x2f1: {  	v3 =	vld [tilespmem:$0x1900]  }
0x2f2: {  	v60 =	vld [tilespmem:$0x1810]  }
0x2f3: {  	v61 =	vld [tilespmem:$0x1910]  }
0x2f4: {  	v62 =	vld [tilespmem:$0x1820]  }
0x2f5: {  	v63 =	vld [tilespmem:$0x1920]  }
0x2f6: {  	v24 =	vld [tilespmem:$0x1830]  }
0x2f7: {  	v25 =	vld [tilespmem:$0x1930]  }
0x2f8: {  	v26 =	vld [tilespmem:$0x1840]  }
0x2f9: {  	v27 =	vld [tilespmem:$0x1940]  }
0x2fa: {  	v28 =	vld [tilespmem:$0x1850]  }
0x2fb: {  	v29 =	vld [tilespmem:$0x1950]  }
0x2fc: {  	v30 =	vld [tilespmem:$0x1860]  }
0x2fd: {  	v31 =	vld [tilespmem:$0x1960]  }
0x2fe: {  	v32 =	vld [tilespmem:$0x1870]  }
0x2ff: {  	v33 =	vld [tilespmem:$0x1970]  }
0x300: {  	v34 =	vld [tilespmem:$0x1880]  }
0x301: {  	v35 =	vld [tilespmem:$0x1980]  }
0x302: {  	v36 =	vld [tilespmem:$0x1890]  }
0x303: {  	v37 =	vld [tilespmem:$0x1990]  }
0x304: {  	v38 =	vld [tilespmem:$0x18A0]  }
0x305: {  	v39 =	vld [tilespmem:$0x18B0];
	v2 =	vadd.s32 v2, v3  }
0x306: {  	v40 =	vld [tilespmem:$0x19B0];
	[tilespmem:$0x1800] =	vst v2;
	v2 =	vadd.s32 v60, v61  }
0x307: {  	v41 =	vld [tilespmem:$0x18C0];
	[tilespmem:$0x1810] =	vst v2;
	v2 =	vadd.s32 v62, v63  }
0x308: {  	v42 =	vld [tilespmem:$0x19C0];
	[tilespmem:$0x1820] =	vst v2;
	v2 =	vadd.s32 v24, v25  }
0x309: {  	v43 =	vld [tilespmem:$0x18D0];
	[tilespmem:$0x1830] =	vst v2;
	v2 =	vadd.s32 v26, v27  }
0x30a: {  	v3 =	vld [tilespmem:$0x19A0];
	[tilespmem:$0x1840] =	vst v2;
	v2 =	vadd.s32 v28, v29  }
0x30b: {  	v44 =	vld [tilespmem:$0x19D0];
	[tilespmem:$0x1850] =	vst v2;
	v2 =	vadd.s32 v30, v31  }
0x30c: {  	v45 =	vld [tilespmem:$0x18E0];
	[tilespmem:$0x1860] =	vst v2;
	v2 =	vadd.s32 v32, v33  }
0x30d: {  	v46 =	vld [tilespmem:$0x19E0];
	[tilespmem:$0x1870] =	vst v2;
	v2 =	vadd.s32 v34, v35  }
0x30e: {  	v47 =	vld [tilespmem:$0x18F0];
	[tilespmem:$0x1880] =	vst v2;
	v2 =	vadd.s32 v36, v37  }
0x30f: {  	[tilespmem:$0x1890] =	vst v2;
	v2 =	vadd.s32 v38, v3;
	v3 =	vld [tilespmem:$0x19F0]  }
0x310: {  	[tilespmem:$0x18A0] =	vst v2;
	v2 =	vadd.s32 v39, v40  }
0x311: {  	[tilespmem:$0x18B0] =	vst v2;
	v2 =	vadd.s32 v41, v42  }
0x312: {  	[tilespmem:$0x18C0] =	vst v2;
	v2 =	vadd.s32 v43, v44  }
0x313: {  	[tilespmem:$0x18D0] =	vst v2;
	v2 =	vadd.s32 v45, v46  }
0x314: {  	[tilespmem:$0x18E0] =	vst v2;
	v2 =	vadd.s32 v47, v3  }
0x315: {  	s10 =	rddreg [dreg:$0x1b];
	[tilespmem:$0x18F0] =	vst v2  }
0x316: {  	[tilespmem:s18], [sflag:$0x1] =	stream.strided.gather [spmem:s10], $0x100, s9, s1, $0x38;
	[tilespmem:$0x7040] =	vst v63  }
0x317: {  	_ =	swait.ge [sflag:s16], $0x100  }
0x318: {  	[sflag:s16] =	ssyncset.done $0x0  }
0x319: {  	[sflag:s16] =	ssyncadd.s32 $0xFFFFFF00  }
0x31a: {  	v2 =	vld [tilespmem:$0x1800]  }
0x31b: {  	v3 =	vld [tilespmem:$0x1900]  }
0x31c: {  	v48 =	vld [tilespmem:$0x1810]  }
0x31d: {  	v49 =	vld [tilespmem:$0x1910]  }
0x31e: {  	v50 =	vld [tilespmem:$0x1820]  }
0x31f: {  	v51 =	vld [tilespmem:$0x1920]  }
0x320: {  	v52 =	vld [tilespmem:$0x1830]  }
0x321: {  	v53 =	vld [tilespmem:$0x1930]  }
0x322: {  	v54 =	vld [tilespmem:$0x1840]  }
0x323: {  	v55 =	vld [tilespmem:$0x1940]  }
0x324: {  	v56 =	vld [tilespmem:$0x1850]  }
0x325: {  	v57 =	vld [tilespmem:$0x1950]  }
0x326: {  	v58 =	vld [tilespmem:$0x1860]  }
0x327: {  	v59 =	vld [tilespmem:$0x1960]  }
0x328: {  	v60 =	vld [tilespmem:$0x1870]  }
0x329: {  	v61 =	vld [tilespmem:$0x1970]  }
0x32a: {  	v62 =	vld [tilespmem:$0x1880]  }
0x32b: {  	v63 =	vld [tilespmem:$0x1980]  }
0x32c: {  	v24 =	vld [tilespmem:$0x1890]  }
0x32d: {  	v25 =	vld [tilespmem:$0x1990]  }
0x32e: {  	v26 =	vld [tilespmem:$0x18A0]  }
0x32f: {  	v27 =	vld [tilespmem:$0x18B0];
	v2 =	vadd.s32 v2, v3  }
0x330: {  	v28 =	vld [tilespmem:$0x19B0];
	[tilespmem:$0x1800] =	vst v2;
	v2 =	vadd.s32 v48, v49  }
0x331: {  	v29 =	vld [tilespmem:$0x18C0];
	[tilespmem:$0x1810] =	vst v2;
	v2 =	vadd.s32 v50, v51  }
0x332: {  	v30 =	vld [tilespmem:$0x19C0];
	[tilespmem:$0x1820] =	vst v2;
	v2 =	vadd.s32 v52, v53  }
0x333: {  	v31 =	vld [tilespmem:$0x18D0];
	[tilespmem:$0x1830] =	vst v2;
	v2 =	vadd.s32 v54, v55  }
0x334: {  	v3 =	vld [tilespmem:$0x19A0];
	[tilespmem:$0x1840] =	vst v2;
	v2 =	vadd.s32 v56, v57  }
0x335: {  	v32 =	vld [tilespmem:$0x19D0];
	[tilespmem:$0x1850] =	vst v2;
	v2 =	vadd.s32 v58, v59  }
0x336: {  	v33 =	vld [tilespmem:$0x18E0];
	[tilespmem:$0x1860] =	vst v2;
	v2 =	vadd.s32 v60, v61  }
0x337: {  	v34 =	vld [tilespmem:$0x19E0];
	[tilespmem:$0x1870] =	vst v2;
	v2 =	vadd.s32 v62, v63  }
0x338: {  	v35 =	vld [tilespmem:$0x18F0];
	[tilespmem:$0x1880] =	vst v2;
	v2 =	vadd.s32 v24, v25  }
0x339: {  	[tilespmem:$0x1890] =	vst v2;
	v2 =	vadd.s32 v26, v3;
	v3 =	vld [tilespmem:$0x19F0]  }
0x33a: {  	[tilespmem:$0x18A0] =	vst v2;
	v2 =	vadd.s32 v27, v28  }
0x33b: {  	[tilespmem:$0x18B0] =	vst v2;
	v2 =	vadd.s32 v29, v30  }
0x33c: {  	[tilespmem:$0x18C0] =	vst v2;
	v2 =	vadd.s32 v31, v32  }
0x33d: {  	[tilespmem:$0x18D0] =	vst v2;
	v2 =	vadd.s32 v33, v34  }
0x33e: {  	[tilespmem:$0x18E0] =	vst v2;
	v2 =	vadd.s32 v35, v3  }
0x33f: {  	s11 =	rddreg [dreg:$0x1c];
	[tilespmem:$0x18F0] =	vst v2  }
0x340: {  	[tilespmem:s18], [sflag:$0x1] =	stream.strided.gather [spmem:s11], $0x100, s9, s1, $0x38;
	[tilespmem:$0x7040] =	vst v63  }
0x341: {  	_ =	swait.ge [sflag:s16], $0x100  }
0x342: {  	[sflag:s16] =	ssyncset.done $0x0  }
0x343: {  	[sflag:s16] =	ssyncadd.s32 $0xFFFFFF00  }
0x344: {  	v2 =	vld [tilespmem:$0x1800]  }
0x345: {  	v3 =	vld [tilespmem:$0x1900]  }
0x346: {  	v36 =	vld [tilespmem:$0x1810]  }
0x347: {  	v37 =	vld [tilespmem:$0x1910]  }
0x348: {  	v38 =	vld [tilespmem:$0x1820]  }
0x349: {  	v39 =	vld [tilespmem:$0x1920]  }
0x34a: {  	v40 =	vld [tilespmem:$0x1830]  }
0x34b: {  	v41 =	vld [tilespmem:$0x1930]  }
0x34c: {  	v42 =	vld [tilespmem:$0x1840]  }
0x34d: {  	v43 =	vld [tilespmem:$0x1940]  }
0x34e: {  	v44 =	vld [tilespmem:$0x1850]  }
0x34f: {  	v45 =	vld [tilespmem:$0x1950]  }
0x350: {  	v46 =	vld [tilespmem:$0x1860]  }
0x351: {  	v47 =	vld [tilespmem:$0x1960]  }
0x352: {  	v48 =	vld [tilespmem:$0x1870]  }
0x353: {  	v49 =	vld [tilespmem:$0x1970]  }
0x354: {  	v50 =	vld [tilespmem:$0x1880]  }
0x355: {  	v51 =	vld [tilespmem:$0x1980]  }
0x356: {  	v52 =	vld [tilespmem:$0x1890]  }
0x357: {  	v53 =	vld [tilespmem:$0x1990]  }
0x358: {  	v54 =	vld [tilespmem:$0x18A0]  }
0x359: {  	v55 =	vld [tilespmem:$0x18B0];
	v2 =	vadd.s32 v2, v3  }
0x35a: {  	v56 =	vld [tilespmem:$0x19B0];
	[tilespmem:$0x1800] =	vst v2;
	v2 =	vadd.s32 v36, v37  }
0x35b: {  	v57 =	vld [tilespmem:$0x18C0];
	[tilespmem:$0x1810] =	vst v2;
	v2 =	vadd.s32 v38, v39  }
0x35c: {  	v58 =	vld [tilespmem:$0x19C0];
	[tilespmem:$0x1820] =	vst v2;
	v2 =	vadd.s32 v40, v41  }
0x35d: {  	v59 =	vld [tilespmem:$0x18D0];
	[tilespmem:$0x1830] =	vst v2;
	v2 =	vadd.s32 v42, v43  }
0x35e: {  	v3 =	vld [tilespmem:$0x19A0];
	[tilespmem:$0x1840] =	vst v2;
	v2 =	vadd.s32 v44, v45  }
0x35f: {  	v60 =	vld [tilespmem:$0x19D0];
	[tilespmem:$0x1850] =	vst v2;
	v2 =	vadd.s32 v46, v47  }
0x360: {  	v61 =	vld [tilespmem:$0x18E0];
	[tilespmem:$0x1860] =	vst v2;
	v2 =	vadd.s32 v48, v49  }
0x361: {  	v62 =	vld [tilespmem:$0x19E0];
	[tilespmem:$0x1870] =	vst v2;
	v2 =	vadd.s32 v50, v51  }
0x362: {  	v63 =	vld [tilespmem:$0x18F0];
	[tilespmem:$0x1880] =	vst v2;
	v2 =	vadd.s32 v52, v53  }
0x363: {  	[tilespmem:$0x1890] =	vst v2;
	v2 =	vadd.s32 v54, v3;
	v3 =	vld [tilespmem:$0x19F0]  }
0x364: {  	[tilespmem:$0x18A0] =	vst v2;
	v2 =	vadd.s32 v55, v56  }
0x365: {  	[tilespmem:$0x18B0] =	vst v2;
	v2 =	vadd.s32 v57, v58  }
0x366: {  	[tilespmem:$0x18C0] =	vst v2;
	v2 =	vadd.s32 v59, v60  }
0x367: {  	[tilespmem:$0x18D0] =	vst v2;
	v2 =	vadd.s32 v61, v62  }
0x368: {  	[tilespmem:$0x18E0] =	vst v2;
	v2 =	vadd.s32 v63, v3  }
0x369: {  	s10 =	simm.s32 $0x1800;
	s12 =	rddreg [dreg:$0x7];
	[tilespmem:$0x18F0] =	vst v2  }
0x36a: {  	[spmem:s12] =	stream.strided.scatter [tilespmem:s10], [sflag:$0x1], $0x100, s0, s1, $0x38;
	[tilespmem:$0x7040] =	vst v63  }
0x36b: {  	_ =	swait.ge [sflag:s16], $0x100  }
0x36c: {  	[sflag:s16] =	ssyncset.done $0x0  }
0x36d: {  	[sflag:s16] =	ssyncadd.s32 $0xFFFFFF00  }
.LBB2_7:
0x36e: {  	[bflag:$0x0] =	sbarrier.arrive $0xFFFF  }
0x36f: {  	s7 =	rddreg [dreg:$0x8]  }
0x370: {  	[tilespmem:s31], [sflag:$0x1] =	stream.strided.gather [hbm4b:s7+s1], $0x5000, s9, s1, $0x38;
	[tilespmem:$0x7040] =	vst v63  }
0x371: {  	_ =	swait.ge [sflag:s16], $0x5000  }
0x372: {  	[sflag:s16] =	ssyncset.done $0x0  }
0x373: {  	s11 =	rddreg [dreg:$0x9];
	[sflag:s16] =	ssyncadd.s32 $0xFFFFB000  }
0x374: {  	[tilespmem:s8], [sflag:$0x1] =	stream.strided.gather [spmem:s11], $0x100, s0, s1, $0x38;
	[tilespmem:$0x7040] =	vst v63  }
0x375: {  	_ =	swait.ge [sflag:s16], $0x100  }
0x376: {  	[sflag:s16] =	ssyncset.done $0x0  }
0x377: {  	[sflag:s16] =	ssyncadd.s32 $0xFFFFFF00  }
0x378: {  	v2 =	vld [tilespmem:$0x1A00];
	_ =	sdelay $0x5  }
0x379: {  	v3 =	vld [tilespmem:$0x1A10];
	_ =	sdelay $0x1  }
0x37a: {  	v2 =	vld.idx.msk [tilespmem:v2+s31+$0x0], $0xffff;
	_ =	sdelay $0x3  }
0x37b: {  	v4 =	vld [tilespmem:$0x1A20]  }
0x37c: {  	[tilespmem:$0x6B00] =	vst v2  }
0x37d: {  	v2 =	vld.idx.msk [tilespmem:v3+s31+$0x0], $0xffff;
	_ =	sdelay $0x3  }
0x37e: {  	v3 =	vld [tilespmem:$0x1A30]  }
0x37f: {  	[tilespmem:$0x6B10] =	vst v2  }
0x380: {  	v2 =	vld.idx.msk [tilespmem:v4+s31+$0x0], $0xffff;
	_ =	sdelay $0x3  }
0x381: {  	v51 =	vld [tilespmem:$0x1A40]  }
0x382: {  	[tilespmem:$0x6B20] =	vst v2  }
0x383: {  	v2 =	vld.idx.msk [tilespmem:v3+s31+$0x0], $0xffff;
	_ =	sdelay $0x3  }
0x384: {  	v3 =	vld [tilespmem:$0x1A50]  }
0x385: {  	[tilespmem:$0x6B30] =	vst v2  }
0x386: {  	v2 =	vld.idx.msk [tilespmem:v51+s31+$0x0], $0xffff;
	_ =	sdelay $0x3  }
0x387: {  	v52 =	vld [tilespmem:$0x1A60]  }
0x388: {  	[tilespmem:$0x6B40] =	vst v2  }
0x389: {  	v2 =	vld.idx.msk [tilespmem:v3+s31+$0x0], $0xffff;
	_ =	sdelay $0x3  }
0x38a: {  	v3 =	vld [tilespmem:$0x1A70]  }
0x38b: {  	[tilespmem:$0x6B50] =	vst v2  }
0x38c: {  	v2 =	vld.idx.msk [tilespmem:v52+s31+$0x0], $0xffff;
	_ =	sdelay $0x3  }
0x38d: {  	v53 =	vld [tilespmem:$0x1A80]  }
0x38e: {  	[tilespmem:$0x6B60] =	vst v2  }
0x38f: {  	v2 =	vld.idx.msk [tilespmem:v3+s31+$0x0], $0xffff;
	_ =	sdelay $0x3  }
0x390: {  	v3 =	vld [tilespmem:$0x1A90]  }
0x391: {  	[tilespmem:$0x6B70] =	vst v2  }
0x392: {  	v2 =	vld.idx.msk [tilespmem:v53+s31+$0x0], $0xffff;
	_ =	sdelay $0x3  }
0x393: {  	v54 =	vld [tilespmem:$0x1AA0]  }
0x394: {  	[tilespmem:$0x6B80] =	vst v2  }
0x395: {  	v2 =	vld.idx.msk [tilespmem:v3+s31+$0x0], $0xffff;
	_ =	sdelay $0x3  }
0x396: {  	v3 =	vld [tilespmem:$0x1AB0]  }
0x397: {  	[tilespmem:$0x6B90] =	vst v2  }
0x398: {  	v2 =	vld.idx.msk [tilespmem:v54+s31+$0x0], $0xffff;
	_ =	sdelay $0x3  }
0x399: {  	v55 =	vld [tilespmem:$0x1AC0]  }
0x39a: {  	[tilespmem:$0x6BA0] =	vst v2  }
0x39b: {  	v2 =	vld.idx.msk [tilespmem:v3+s31+$0x0], $0xffff;
	_ =	sdelay $0x3  }
0x39c: {  	v3 =	vld [tilespmem:$0x1AD0]  }
0x39d: {  	[tilespmem:$0x6BB0] =	vst v2  }
0x39e: {  	v2 =	vld.idx.msk [tilespmem:v55+s31+$0x0], $0xffff;
	_ =	sdelay $0x3  }
0x39f: {  	v56 =	vld [tilespmem:$0x1AE0]  }
0x3a0: {  	[tilespmem:$0x6BC0] =	vst v2  }
0x3a1: {  	v2 =	vld.idx.msk [tilespmem:v3+s31+$0x0], $0xffff;
	_ =	sdelay $0x3  }
0x3a2: {  	v3 =	vld [tilespmem:$0x1AF0]  }
0x3a3: {  	[tilespmem:$0x6BD0] =	vst v2  }
0x3a4: {  	v2 =	vld.idx.msk [tilespmem:v56+s31+$0x0], $0xffff;
	_ =	sdelay $0x4  }
0x3a5: {  	[tilespmem:$0x6BE0] =	vst v2  }
0x3a6: {  	v2 =	vld.idx.msk [tilespmem:v3+s31+$0x0], $0xffff;
	_ =	sdelay $0x4  }
0x3a7: {  	s12 =	rddreg [dreg:$0xa];
	[tilespmem:$0x6BF0] =	vst v2  }
0x3a8: {  	[hbm4b:s12+s1] =	stream.strided.scatter [tilespmem:s3], [sflag:$0x1], $0x100, s9, s1, $0x38;
	[tilespmem:$0x7040] =	vst v63  }
0x3a9: {  	_ =	swait.ge [sflag:s16], $0x100  }
0x3aa: {  	[sflag:s16] =	ssyncset.done $0x0  }
0x3ab: {  	[sflag:s16] =	ssyncadd.s32 $0xFFFFFF00  }
0x3ac: {  	[tilespmem:s31], [sflag:$0x1] =	stream.strided.gather [hbm4b:s13+s1], $0x5000, s9, s1, $0x38;
	[tilespmem:$0x7040] =	vst v63  }
0x3ad: {  	_ =	swait.ge [sflag:s16], $0x5000  }
0x3ae: {  	[sflag:s16] =	ssyncset.done $0x0  }
0x3af: {  	[sflag:s16] =	ssyncadd.s32 $0xFFFFB000  }
0x3b0: {  	[tilespmem:s8], [sflag:$0x1] =	stream.strided.gather [spmem:s14], $0x100, s0, s1, $0x38;
	[tilespmem:$0x7040] =	vst v63  }
0x3b1: {  	_ =	swait.ge [sflag:s16], $0x100  }
0x3b2: {  	[sflag:s16] =	ssyncset.done $0x0  }
0x3b3: {  	[sflag:s16] =	ssyncadd.s32 $0xFFFFFF00  }
0x3b4: {  	v2 =	vld [tilespmem:$0x1A00];
	_ =	sdelay $0x5  }
0x3b5: {  	v3 =	vld [tilespmem:$0x1A10];
	_ =	sdelay $0x1  }
0x3b6: {  	v2 =	vld.idx.msk [tilespmem:v2+s31+$0x0], $0xffff;
	_ =	sdelay $0x3  }
0x3b7: {  	v57 =	vld [tilespmem:$0x1A20]  }
0x3b8: {  	[tilespmem:$0x6B00] =	vst v2  }
0x3b9: {  	v2 =	vld.idx.msk [tilespmem:v3+s31+$0x0], $0xffff;
	_ =	sdelay $0x3  }
0x3ba: {  	v3 =	vld [tilespmem:$0x1A30]  }
0x3bb: {  	[tilespmem:$0x6B10] =	vst v2  }
0x3bc: {  	v2 =	vld.idx.msk [tilespmem:v57+s31+$0x0], $0xffff;
	_ =	sdelay $0x3  }
0x3bd: {  	v58 =	vld [tilespmem:$0x1A40]  }
0x3be: {  	[tilespmem:$0x6B20] =	vst v2  }
0x3bf: {  	v2 =	vld.idx.msk [tilespmem:v3+s31+$0x0], $0xffff;
	_ =	sdelay $0x3  }
0x3c0: {  	v3 =	vld [tilespmem:$0x1A50]  }
0x3c1: {  	[tilespmem:$0x6B30] =	vst v2  }
0x3c2: {  	v2 =	vld.idx.msk [tilespmem:v58+s31+$0x0], $0xffff;
	_ =	sdelay $0x3  }
0x3c3: {  	v59 =	vld [tilespmem:$0x1A60]  }
0x3c4: {  	[tilespmem:$0x6B40] =	vst v2  }
0x3c5: {  	v2 =	vld.idx.msk [tilespmem:v3+s31+$0x0], $0xffff;
	_ =	sdelay $0x3  }
0x3c6: {  	v3 =	vld [tilespmem:$0x1A70]  }
0x3c7: {  	[tilespmem:$0x6B50] =	vst v2  }
0x3c8: {  	v2 =	vld.idx.msk [tilespmem:v59+s31+$0x0], $0xffff;
	_ =	sdelay $0x3  }
0x3c9: {  	v60 =	vld [tilespmem:$0x1A80]  }
0x3ca: {  	[tilespmem:$0x6B60] =	vst v2  }
0x3cb: {  	v2 =	vld.idx.msk [tilespmem:v3+s31+$0x0], $0xffff;
	_ =	sdelay $0x3  }
0x3cc: {  	v3 =	vld [tilespmem:$0x1A90]  }
0x3cd: {  	[tilespmem:$0x6B70] =	vst v2  }
0x3ce: {  	v2 =	vld.idx.msk [tilespmem:v60+s31+$0x0], $0xffff;
	_ =	sdelay $0x3  }
0x3cf: {  	v61 =	vld [tilespmem:$0x1AA0]  }
0x3d0: {  	[tilespmem:$0x6B80] =	vst v2  }
0x3d1: {  	v2 =	vld.idx.msk [tilespmem:v3+s31+$0x0], $0xffff;
	_ =	sdelay $0x3  }
0x3d2: {  	v3 =	vld [tilespmem:$0x1AB0]  }
0x3d3: {  	[tilespmem:$0x6B90] =	vst v2  }
0x3d4: {  	v2 =	vld.idx.msk [tilespmem:v61+s31+$0x0], $0xffff;
	_ =	sdelay $0x3  }
0x3d5: {  	v62 =	vld [tilespmem:$0x1AC0]  }
0x3d6: {  	[tilespmem:$0x6BA0] =	vst v2  }
0x3d7: {  	v2 =	vld.idx.msk [tilespmem:v3+s31+$0x0], $0xffff;
	_ =	sdelay $0x3  }
0x3d8: {  	v3 =	vld [tilespmem:$0x1AD0]  }
0x3d9: {  	[tilespmem:$0x6BB0] =	vst v2  }
0x3da: {  	v2 =	vld.idx.msk [tilespmem:v62+s31+$0x0], $0xffff;
	_ =	sdelay $0x3  }
0x3db: {  	v63 =	vld [tilespmem:$0x1AE0]  }
0x3dc: {  	[tilespmem:$0x6BC0] =	vst v2  }
0x3dd: {  	v2 =	vld.idx.msk [tilespmem:v3+s31+$0x0], $0xffff;
	_ =	sdelay $0x3  }
0x3de: {  	v3 =	vld [tilespmem:$0x1AF0]  }
0x3df: {  	[tilespmem:$0x6BD0] =	vst v2  }
0x3e0: {  	v2 =	vld.idx.msk [tilespmem:v63+s31+$0x0], $0xffff;
	_ =	sdelay $0x4  }
0x3e1: {  	[tilespmem:$0x6BE0] =	vst v2  }
0x3e2: {  	v2 =	vld.idx.msk [tilespmem:v3+s31+$0x0], $0xffff;
	_ =	sdelay $0x4  }
.Ltmp5:
0x3e3: {  	[tilespmem:$0x6BF0] =	vst v2;
	(pc) =	sbr.rel @p1 .LBB2_9-.Ltmp5, $4  }
0x3e4: {  	[hbm4b:s15+s1] =	stream.strided.scatter [tilespmem:s3], [sflag:$0x1], $0x100, s9, s1, $0x38;
	[tilespmem:$0x7040] =	vst v63  }
0x3e5: {  	_ =	swait.ge [sflag:s16], $0x100  }
0x3e6: {  	[sflag:s16] =	ssyncset.done $0x0  }
0x3e7: {  	[sflag:s16] =	ssyncadd.s32 $0xFFFFFF00  }
0x3e8: {  	s7 =	rddreg [dreg:$0xb]  }
0x3e9: {  	[tilespmem:s31], [sflag:$0x1] =	stream.strided.gather [hbm4b:s7+s1], $0x5000, s9, s1, $0x38;
	[tilespmem:$0x7040] =	vst v63  }
0x3ea: {  	_ =	swait.ge [sflag:s16], $0x5000  }
0x3eb: {  	[sflag:s16] =	ssyncset.done $0x0  }
0x3ec: {  	s11 =	rddreg [dreg:$0xc];
	[sflag:s16] =	ssyncadd.s32 $0xFFFFB000  }
0x3ed: {  	[tilespmem:s8], [sflag:$0x1] =	stream.strided.gather [spmem:s11], $0x100, s0, s1, $0x38;
	[tilespmem:$0x7040] =	vst v63  }
0x3ee: {  	_ =	swait.ge [sflag:s16], $0x100  }
0x3ef: {  	[sflag:s16] =	ssyncset.done $0x0  }
0x3f0: {  	[sflag:s16] =	ssyncadd.s32 $0xFFFFFF00  }
0x3f1: {  	v2 =	vld [tilespmem:$0x1A00];
	_ =	sdelay $0x5  }
0x3f2: {  	v3 =	vld [tilespmem:$0x1A10];
	_ =	sdelay $0x1  }
0x3f3: {  	v2 =	vld.idx.msk [tilespmem:v2+s31+$0x0], $0xffff;
	_ =	sdelay $0x3  }
0x3f4: {  	v4 =	vld [tilespmem:$0x1A20]  }
0x3f5: {  	[tilespmem:$0x6B00] =	vst v2  }
0x3f6: {  	v2 =	vld.idx.msk [tilespmem:v3+s31+$0x0], $0xffff;
	_ =	sdelay $0x3  }
0x3f7: {  	v3 =	vld [tilespmem:$0x1A30]  }
0x3f8: {  	[tilespmem:$0x6B10] =	vst v2  }
0x3f9: {  	v2 =	vld.idx.msk [tilespmem:v4+s31+$0x0], $0xffff;
	_ =	sdelay $0x3  }
0x3fa: {  	v58 =	vld [tilespmem:$0x1A40]  }
0x3fb: {  	[tilespmem:$0x6B20] =	vst v2  }
0x3fc: {  	v2 =	vld.idx.msk [tilespmem:v3+s31+$0x0], $0xffff;
	_ =	sdelay $0x3  }
0x3fd: {  	v3 =	vld [tilespmem:$0x1A50]  }
0x3fe: {  	[tilespmem:$0x6B30] =	vst v2  }
0x3ff: {  	v2 =	vld.idx.msk [tilespmem:v58+s31+$0x0], $0xffff;
	_ =	sdelay $0x3  }
0x400: {  	v59 =	vld [tilespmem:$0x1A60]  }
0x401: {  	[tilespmem:$0x6B40] =	vst v2  }
0x402: {  	v2 =	vld.idx.msk [tilespmem:v3+s31+$0x0], $0xffff;
	_ =	sdelay $0x3  }
0x403: {  	v3 =	vld [tilespmem:$0x1A70]  }
0x404: {  	[tilespmem:$0x6B50] =	vst v2  }
0x405: {  	v2 =	vld.idx.msk [tilespmem:v59+s31+$0x0], $0xffff;
	_ =	sdelay $0x3  }
0x406: {  	v60 =	vld [tilespmem:$0x1A80]  }
0x407: {  	[tilespmem:$0x6B60] =	vst v2  }
0x408: {  	v2 =	vld.idx.msk [tilespmem:v3+s31+$0x0], $0xffff;
	_ =	sdelay $0x3  }
0x409: {  	v3 =	vld [tilespmem:$0x1A90]  }
0x40a: {  	[tilespmem:$0x6B70] =	vst v2  }
0x40b: {  	v2 =	vld.idx.msk [tilespmem:v60+s31+$0x0], $0xffff;
	_ =	sdelay $0x3  }
0x40c: {  	v61 =	vld [tilespmem:$0x1AA0]  }
0x40d: {  	[tilespmem:$0x6B80] =	vst v2  }
0x40e: {  	v2 =	vld.idx.msk [tilespmem:v3+s31+$0x0], $0xffff;
	_ =	sdelay $0x3  }
0x40f: {  	v3 =	vld [tilespmem:$0x1AB0]  }
0x410: {  	[tilespmem:$0x6B90] =	vst v2  }
0x411: {  	v2 =	vld.idx.msk [tilespmem:v61+s31+$0x0], $0xffff;
	_ =	sdelay $0x3  }
0x412: {  	v62 =	vld [tilespmem:$0x1AC0]  }
0x413: {  	[tilespmem:$0x6BA0] =	vst v2  }
0x414: {  	v2 =	vld.idx.msk [tilespmem:v3+s31+$0x0], $0xffff;
	_ =	sdelay $0x3  }
0x415: {  	v3 =	vld [tilespmem:$0x1AD0]  }
0x416: {  	[tilespmem:$0x6BB0] =	vst v2  }
0x417: {  	v2 =	vld.idx.msk [tilespmem:v62+s31+$0x0], $0xffff;
	_ =	sdelay $0x3  }
0x418: {  	v63 =	vld [tilespmem:$0x1AE0]  }
0x419: {  	[tilespmem:$0x6BC0] =	vst v2  }
0x41a: {  	v2 =	vld.idx.msk [tilespmem:v3+s31+$0x0], $0xffff;
	_ =	sdelay $0x3  }
0x41b: {  	v3 =	vld [tilespmem:$0x1AF0]  }
0x41c: {  	[tilespmem:$0x6BD0] =	vst v2  }
0x41d: {  	v2 =	vld.idx.msk [tilespmem:v63+s31+$0x0], $0xffff;
	_ =	sdelay $0x4  }
0x41e: {  	[tilespmem:$0x6BE0] =	vst v2  }
0x41f: {  	v2 =	vld.idx.msk [tilespmem:v3+s31+$0x0], $0xffff;
	_ =	sdelay $0x4  }
.Ltmp6:
0x420: {  	s12 =	rddreg [dreg:$0xd];
	[tilespmem:$0x6BF0] =	vst v2;
	(pc) =	sbr.rel .LBB2_9-.Ltmp6, $4  }
0x421: {  	[hbm4b:s12+s1] =	stream.strided.scatter [tilespmem:s3], [sflag:$0x1], $0x100, s9, s1, $0x38;
	[tilespmem:$0x7040] =	vst v63  }
0x422: {  	_ =	swait.ge [sflag:s16], $0x100  }
0x423: {  	[sflag:s16] =	ssyncset.done $0x0  }
0x424: {  	[sflag:s16] =	ssyncadd.s32 $0xFFFFFF00  }
.LBB2_10:
0x425: {  	_ =	sfence.sel $0x180000  }
0x426: {  	[bflag:$0x0] =	sbarrier.arrive $0xFFFF  }
0x427: {  	_ =	strace $0x90000047  }
0x428: {  	s0 =	stileid.u32;
	[bflag:$0x2] =	sbarrier.arrive $0xFFFF  }
0x429: {  	p0 =	sne.s32 s0, $0x0;
	s0 =	rddreg [dreg:$0x3]  }
0x42a: {  	s0 =	sadd.s32 @!p0 $0x100000, s0  }
0x42b: {  	[sflag:s0] =	ssyncadd.tile.s32 @!p0 $0x1;
	_ =	shalt  }
.Lfunc_end2:
_tile_overlayer_lowered:
.L_overlay_start_2:
0x42c: {  	(tag) =	ssettag $0x2  }
0x42d: {  	s0 =	rddreg [dreg:$0x0];
	s2 =	stileid.u32  }
0x42e: {  	s1 =	rddreg [dreg:$0x1];
	p0 =	sne.s32 s2, $0x0  }
0x42f: {  	s3 =	rddreg [dreg:$0x2];
	[bflag:$0x3] =	sbarrier.arrive $0xFFFF;
	s2 =	simm.s32 @!p0 $0x1C01  }
0x430: {  	[timem:s3], [sflag:s2] =	dma.local @!p0 [hbm:s0], s1  }
0x431: {  	s0 =	simm.s32 @!p0 $0x1  }
0x432: {  	_ =	swait.ge @!p0 [sflag:s0], s1  }
0x433: {  	s1 =	ssub.s32 @!p0 $0x0, s1;
	[sflag:s0] =	ssyncset.done @!p0 $0x0  }
0x434: {  	[sflag:s0] =	ssyncadd.s32 @!p0 s1  }
0x435: {  	[bflag:$0x3] =	sbarrier.arrive $0xFFFF  }
0x436: {  	_ =	shalt  }

</sc_bundles>
